<compile_context>
chip_gen: v7x
topology: tpu7x:2x2x1
jax: 0.10.2.dev20260603
libtpu: 0.0.44.dev20260713+nightly
codegen_flags: <defaults>
</compile_context>

<pallas_src>
import functools

import jax
import jax.numpy as jnp
from jax import lax
from jax.experimental import pallas as pl
from jax.experimental.pallas import tpu as pltpu
from jax.experimental.pallas import tpu_sc as plsc

N = 10000
N_PAD = 10240
E = 160000
E_PAD = 163840
ER = E_PAD // 128
F_IN = 256
HID = 512
DV = 256

NC = 2
NS = 16
LANES = 16
K = 128

ROWS_PER_TILE = N_PAD // NS

DROWS = ER // (NC * NS)
KA = 64
CH = E_PAD // (NS * 2 * KA)
NB = 4
LOOK = 3


def _mesh():
    return plsc.VectorSubcoreMesh(core_axis_name="c", subcore_axis_name="s")


@functools.cache
def _get_deg_counts():
    return functools.partial(
        pl.kernel,
        out_type=jax.ShapeDtypeStruct((NC, N_PAD, 128), jnp.float32),
        mesh=_mesh(),
        scratch_types=[
            pltpu.VMEM((DROWS, K), jnp.int32),
            pltpu.VMEM((K, 128), jnp.float32),
            pltpu.VMEM_SHARED((N_PAD, 128), jnp.float32),
            pltpu.SemaphoreType.DMA,
        ],
    )(_deg_body)


def _deg_body(dst_hbm, ones_hbm, zeros_hbm, out_hbm, dst_v, ones_v, acc, sem):
    c = lax.axis_index("c")
    s = lax.axis_index("s")
    r0 = s * ROWS_PER_TILE
    pltpu.sync_copy(zeros_hbm.at[pl.ds(r0, ROWS_PER_TILE)],
                    acc.at[pl.ds(r0, ROWS_PER_TILE)])
    pltpu.sync_copy(ones_hbm, ones_v)
    pltpu.sync_copy(dst_hbm.at[pl.ds((c * NS + s) * DROWS, DROWS)], dst_v)
    plsc.subcore_barrier()

    def fire(i, carry):
        pltpu.async_copy(ones_v, acc.at[dst_v.at[i]], sem, add=True)
        return carry

    lax.fori_loop(0, DROWS, fire, 0)

    def drain(i, carry):
        pltpu.make_async_copy(ones_v, acc.at[dst_v.at[i]], sem).wait()
        return carry

    lax.fori_loop(0, DROWS, drain, 0)
    plsc.subcore_barrier()
    pltpu.sync_copy(acc.at[pl.ds(r0, ROWS_PER_TILE)],
                    out_hbm.at[c, pl.ds(r0, ROWS_PER_TILE)])


def _edge_block(u_hbm, src_hbm, dst_hbm, acc,
                src_v, dst_v, ibuf, dbuf, rows, gsem, ssem, e0, qn):
    pltpu.sync_copy(src_hbm.at[pl.ds(e0, CH // 2)], src_v)
    pltpu.sync_copy(dst_hbm.at[pl.ds(e0, CH // 2)], dst_v)

    def prep(buf, ev, row, col, add):
        for t in range(KA // LANES):
            buf[pl.ds(t * LANES, LANES)] = (
                ev[row, pl.ds(col + t * LANES, LANES)] + add)

    for j in range(LOOK):
        prep(ibuf[j], src_v, j // 2, KA * (j % 2), qn)
        pltpu.async_copy(u_hbm.at[ibuf[j]], rows[j], gsem[j])

    def quad(g, carry):
        for j in range(NB):
            ci = NB * g + j
            row = 2 * g + j // 2
            col = KA * (j % 2)
            pltpu.make_async_copy(u_hbm.at[ibuf[j]], rows[j], gsem[j]).wait()
            prep(dbuf[j], dst_v, row, col, 0)
            pltpu.async_copy(rows[j], acc.at[dbuf[j]], ssem[j], add=True)
            jn = (j + LOOK) % NB
            rown = 2 * g + (j + LOOK) // 2
            coln = KA * ((j + LOOK) % 2)

            @pl.when(ci + LOOK < CH)
            def _(ci=ci, jn=jn, rown=rown, coln=coln):
                @pl.when(ci + LOOK >= NB)
                def _():
                    pltpu.make_async_copy(rows[jn], acc.at[dbuf[jn]],
                                          ssem[jn]).wait()
                prep(ibuf[jn], src_v, rown, coln, qn)
                pltpu.async_copy(u_hbm.at[ibuf[jn]], rows[jn], gsem[jn])
        return carry

    lax.fori_loop(0, CH // NB, quad, 0)
    for j in range(NB):
        pltpu.make_async_copy(rows[j], acc.at[dbuf[j]], ssem[j]).wait()


def _sc_scratch():
    return (
        [
            pltpu.VMEM((CH // 2, 128), jnp.int32),
            pltpu.VMEM((CH // 2, 128), jnp.int32),
        ]
        + [pltpu.VMEM((KA,), jnp.int32) for _ in range(NB)]
        + [pltpu.VMEM((KA,), jnp.int32) for _ in range(NB)]
        + [pltpu.VMEM((KA, 128), jnp.float32) for _ in range(NB)]
        + [pltpu.VMEM_SHARED((N_PAD, 128), jnp.float32)]
        + [pltpu.SemaphoreType.DMA for _ in range(2 * NB)]
    )


@functools.cache
def _make_scatter(Q):
    P = Q // NC

    @functools.partial(
        pl.kernel,
        out_type=jax.ShapeDtypeStruct((Q, N_PAD, 128), jnp.float32),
        mesh=_mesh(),
        scratch_types=_sc_scratch(),
    )
    def _scatter(u_hbm, src_hbm, dst_hbm, out_hbm,
                 src_v, dst_v, ib0, ib1, ib2, ib3, db0, db1, db2, db3,
                 r0_v, r1_v, r2_v, r3_v, acc,
                 g0, g1, g2, g3, s0, s1, s2, s3):
        ibuf = [ib0, ib1, ib2, ib3]
        dbuf = [db0, db1, db2, db3]
        rows = [r0_v, r1_v, r2_v, r3_v]
        gsem = [g0, g1, g2, g3]
        ssem = [s0, s1, s2, s3]
        c = lax.axis_index("c")
        s = lax.axis_index("s")
        r0 = s * ROWS_PER_TILE
        for p in range(P):
            q = p * NC + c
            qn = q * N_PAD
            pltpu.sync_copy(u_hbm.at[pl.ds(qn + r0, ROWS_PER_TILE)],
                            acc.at[pl.ds(r0, ROWS_PER_TILE)])
            plsc.subcore_barrier()
            for h in range(2):
                _edge_block(u_hbm, src_hbm, dst_hbm, acc, src_v, dst_v,
                            ibuf, dbuf, rows, gsem, ssem,
                            s * CH + h * (CH // 2), qn)
            plsc.subcore_barrier()
            pltpu.sync_copy(acc.at[pl.ds(r0, ROWS_PER_TILE)],
                            out_hbm.at[q, pl.ds(r0, ROWS_PER_TILE)])

    return _scatter


@functools.cache
def _get_scatter_l2():
    @functools.partial(
        pl.kernel,
        out_type=jax.ShapeDtypeStruct((4, N_PAD, 128), jnp.float32),
        mesh=_mesh(),
        scratch_types=_sc_scratch(),
    )
    def _scatter3(w_hbm, src_hbm, dst_hbm, zeros_hbm, out_hbm,
                  src_v, dst_v, ib0, ib1, ib2, ib3, db0, db1, db2, db3,
                  r0_v, r1_v, r2_v, r3_v, acc,
                  g0, g1, g2, g3, s0, s1, s2, s3):
        ibuf = [ib0, ib1, ib2, ib3]
        dbuf = [db0, db1, db2, db3]
        rows = [r0_v, r1_v, r2_v, r3_v]
        gsem = [g0, g1, g2, g3]
        ssem = [s0, s1, s2, s3]
        c = lax.axis_index("c")
        s = lax.axis_index("s")
        r0 = s * ROWS_PER_TILE
        qn = c * N_PAD
        pltpu.sync_copy(w_hbm.at[pl.ds(qn + r0, ROWS_PER_TILE)],
                        acc.at[pl.ds(r0, ROWS_PER_TILE)])
        plsc.subcore_barrier()
        for h in range(2):
            _edge_block(w_hbm, src_hbm, dst_hbm, acc, src_v, dst_v,
                        ibuf, dbuf, rows, gsem, ssem,
                        s * CH + h * (CH // 2), qn)
        plsc.subcore_barrier()
        pltpu.sync_copy(acc.at[pl.ds(r0, ROWS_PER_TILE)],
                        out_hbm.at[c, pl.ds(r0, ROWS_PER_TILE)])
        qn2 = (2 + c) * N_PAD

        @pl.when(c == 0)
        def _():
            pltpu.sync_copy(w_hbm.at[pl.ds(2 * N_PAD + r0, ROWS_PER_TILE)],
                            acc.at[pl.ds(r0, ROWS_PER_TILE)])

        @pl.when(c == 1)
        def _():
            pltpu.sync_copy(zeros_hbm.at[pl.ds(r0, ROWS_PER_TILE)],
                            acc.at[pl.ds(r0, ROWS_PER_TILE)])

        plsc.subcore_barrier()
        _edge_block(w_hbm, src_hbm, dst_hbm, acc, src_v, dst_v,
                    ibuf, dbuf, rows, gsem, ssem,
                    (c * NS + s) * (CH // 2), qn2)
        plsc.subcore_barrier()
        pltpu.sync_copy(acc.at[pl.ds(r0, ROWS_PER_TILE)],
                        out_hbm.at[2 + c, pl.ds(r0, ROWS_PER_TILE)])

    return _scatter3


BLK = 1024
GRID = N_PAD // BLK


def _prep_body(degp_ref, x_ref, u_ref, dinv_ref):
    deg = 1.0 + degp_ref[0, :, 0:1] + degp_ref[1, :, 0:1]
    dinv = lax.rsqrt(deg)
    dinv_ref[...] = dinv
    u = dinv * x_ref[...]
    u_ref[0] = u[:, :128]
    u_ref[1] = u[:, 128:]


def _wts_body(wp1_ref, ws1_ref, wa_ref, wc_ref, bp1_ref, bs1_ref,
              wpa_ref, wsa_ref, wpc_ref, wsc_ref,
              bpa_ref, bsa_ref, bpc_ref, bsc_ref):
    wpa_ref[...] = jnp.dot(wp1_ref[...], wa_ref[...])
    wsa_ref[...] = jnp.dot(ws1_ref[...], wa_ref[...])
    wpc_ref[...] = jnp.dot(wp1_ref[...], wc_ref[...])
    wsc_ref[...] = jnp.dot(ws1_ref[...], wc_ref[...])
    bpa_ref[...] = jnp.dot(bp1_ref[...], wa_ref[...])
    bsa_ref[...] = jnp.dot(bs1_ref[...], wa_ref[...])
    bpc_ref[...] = jnp.dot(bp1_ref[...], wc_ref[...])
    bsc_ref[...] = jnp.dot(bs1_ref[...], wc_ref[...])


def _mid_body(s_ref, dinv_ref, wp0_ref, bp0_ref, ws0_ref, bs0_ref,
              wpa_ref, wsa_ref, wpc_ref, wsc_ref, w_ref):
    dinv = dinv_ref[...]
    a0 = dinv * jnp.concatenate([s_ref[0], s_ref[1]], axis=1)
    hp = jnp.maximum(jnp.dot(a0, wp0_ref[...]) + bp0_ref[...], 0.0)
    hs = jnp.maximum(jnp.dot(a0, ws0_ref[...]) + bs0_ref[...], 0.0)
    w_ref[0] = dinv * jnp.dot(hp, wpa_ref[...])
    w_ref[1] = dinv * jnp.dot(hs, wsa_ref[...])
    wc2 = jnp.concatenate(
        [dinv * jnp.dot(hp, wpc_ref[...]),
         dinv * jnp.dot(hs, wsc_ref[...]),
         jnp.zeros((hp.shape[0], 96), jnp.float32)], axis=1)
    w_ref[2] = wc2
    w_ref[3] = wc2


def _fin_body(s_ref, dinv_ref, bpa_ref, bsa_ref, bpc_ref, bsc_ref,
              va_ref, bc_ref, out_ref):
    dinv = dinv_ref[...]
    muap = dinv * s_ref[0] + bpa_ref[...]
    muas = dinv * s_ref[1] + bsa_ref[...]
    sp = jnp.dot(jnp.tanh(muap), va_ref[...])
    ss = jnp.dot(jnp.tanh(muas), va_ref[...])
    mc = dinv * (s_ref[2] + s_ref[3])
    mcp = mc[:, 0:16] + bpc_ref[...]
    mcs = mc[:, 16:32] + bsc_ref[...]
    m = jnp.maximum(sp, ss)
    e0 = jnp.exp(sp - m)
    e1 = jnp.exp(ss - m)
    out_ref[...] = (e0 * mcp + e1 * mcs) / (e0 + e1) + bc_ref[...]


def _full(shape):
    nd = len(shape)
    return pl.BlockSpec(shape, lambda i, _nd=nd: (0,) * _nd)


def kernel(x, edge_index, Wp0, bp0, Wp1, bp1, Wp2, bp2,
           Ws0, bs0, Ws1, bs1, Ws2, bs2, Wa, va, Wc, bc):
    src = edge_index[0]
    dst = edge_index[1]
    src2 = jnp.concatenate(
        [src, jnp.zeros((E_PAD - E,), jnp.int32)]).reshape(ER, K)
    dst2 = jnp.concatenate(
        [dst, jnp.full((E_PAD - E,), N, jnp.int32)]).reshape(ER, K)

    degp = _get_deg_counts()(dst2,
                             jnp.ones((K, 128), jnp.float32),
                             jnp.zeros((N_PAD, 128), jnp.float32))
    x_pad = jnp.pad(x, ((0, N_PAD - N), (0, 0)))

    u3, dinv = pl.pallas_call(
        _prep_body,
        grid=(GRID,),
        in_specs=[
            pl.BlockSpec((NC, BLK, 128), lambda i: (0, i, 0)),
            pl.BlockSpec((BLK, F_IN), lambda i: (i, 0)),
        ],
        out_specs=[
            pl.BlockSpec((2, BLK, 128), lambda i: (0, i, 0)),
            pl.BlockSpec((BLK, 1), lambda i: (i, 0)),
        ],
        out_shape=[
            jax.ShapeDtypeStruct((2, N_PAD, 128), jnp.float32),
            jax.ShapeDtypeStruct((N_PAD, 1), jnp.float32),
        ],
    )(degp, x_pad)

    s2 = _make_scatter(2)(u3.reshape(2 * N_PAD, 128), src2, dst2)

    wpa, wsa, wpc, wsc, bpa, bsa, bpc, bsc = pl.pallas_call(
        _wts_body,
        out_shape=[
            jax.ShapeDtypeStruct((HID, 128), jnp.float32),
            jax.ShapeDtypeStruct((HID, 128), jnp.float32),
            jax.ShapeDtypeStruct((HID, 16), jnp.float32),
            jax.ShapeDtypeStruct((HID, 16), jnp.float32),
            jax.ShapeDtypeStruct((1, 128), jnp.float32),
            jax.ShapeDtypeStruct((1, 128), jnp.float32),
            jax.ShapeDtypeStruct((1, 16), jnp.float32),
            jax.ShapeDtypeStruct((1, 16), jnp.float32),
        ],
    )(Wp1, Ws1, Wa, Wc, bp1.reshape(1, DV), bs1.reshape(1, DV))

    w3 = pl.pallas_call(
        _mid_body,
        grid=(GRID,),
        in_specs=[
            pl.BlockSpec((2, BLK, 128), lambda i: (0, i, 0)),
            pl.BlockSpec((BLK, 1), lambda i: (i, 0)),
            _full((F_IN, HID)),
            _full((1, HID)),
            _full((F_IN, HID)),
            _full((1, HID)),
            _full((HID, 128)),
            _full((HID, 128)),
            _full((HID, 16)),
            _full((HID, 16)),
        ],
        out_specs=pl.BlockSpec((4, BLK, 128), lambda i: (0, i, 0)),
        out_shape=jax.ShapeDtypeStruct((4, N_PAD, 128), jnp.float32),
    )(s2, dinv, Wp0, bp0.reshape(1, HID), Ws0, bs0.reshape(1, HID),
      wpa, wsa, wpc, wsc)

    s4 = _get_scatter_l2()(w3.reshape(4 * N_PAD, 128), src2, dst2,
                           jnp.zeros((N_PAD, 128), jnp.float32))

    out = pl.pallas_call(
        _fin_body,
        grid=(GRID,),
        in_specs=[
            pl.BlockSpec((4, BLK, 128), lambda i: (0, i, 0)),
            pl.BlockSpec((BLK, 1), lambda i: (i, 0)),
            _full((1, 128)),
            _full((1, 128)),
            _full((1, 16)),
            _full((1, 16)),
            _full((128, 1)),
            _full((1, 16)),
        ],
        out_specs=pl.BlockSpec((BLK, 16), lambda i: (i, 0)),
        out_shape=jax.ShapeDtypeStruct((N_PAD, 16), jnp.float32),
    )(s4, dinv, bpa, bsa, bpc, bsc, va.reshape(128, 1), bc.reshape(1, 16))

    return out[:N]

# --- scband reference (transcript-rebuilt; emitter-appended) ---
"""Pipeline reference for scband-asnbase-58712202936397 (READ-ONLY COPY).

The authoritative reference and input builder live on the scoring server;
editing this copy changes nothing except your own understanding.
"""

import jax, jax.numpy as jnp
import numpy as np

N = 10000
E = 160000
IN_DIM = 256
HID = 512
HID_VAE = 256
NUM_CLASSES = 16
ATT_DIM = 128


def setup_inputs(seed: int = 0):
    key = jax.random.key(seed)
    ks = jax.random.split(key, 20)
    x = jax.random.normal(ks[0], (N, IN_DIM), dtype=jnp.float32)
    edge_index = jax.random.randint(ks[1], (2, E), 0, N, dtype=jnp.int32)

    def glorot(k, shape):
        return (jax.random.normal(k, shape, dtype=jnp.float32) / np.sqrt(shape[0])).astype(jnp.float32)

    inp = {
        'x': x,
        'edge_index': edge_index,
        # private encoder (source, local) GNNVAE params: 3 GCN convs
        'Wp0': glorot(ks[2], (IN_DIM, HID)), 'bp0': jnp.zeros((HID,), jnp.float32),
        'Wp1': glorot(ks[3], (HID, HID_VAE)), 'bp1': jnp.zeros((HID_VAE,), jnp.float32),
        'Wp2': glorot(ks[4], (HID, HID_VAE)), 'bp2': jnp.zeros((HID_VAE,), jnp.float32),
        # shared encoder (local) GNNVAE params
        'Ws0': glorot(ks[5], (IN_DIM, HID)), 'bs0': jnp.zeros((HID,), jnp.float32),
        'Ws1': glorot(ks[6], (HID, HID_VAE)), 'bs1': jnp.zeros((HID_VAE,), jnp.float32),
        'Ws2': glorot(ks[7], (HID, HID_VAE)), 'bs2': jnp.zeros((HID_VAE,), jnp.float32),
        # attention combining private/shared latents
        'Wa': glorot(ks[8], (HID_VAE, ATT_DIM)), 'va': glorot(ks[9], (ATT_DIM,)),
        # classifier head
        'Wc': glorot(ks[10], (HID_VAE, NUM_CLASSES)), 'bc': jnp.zeros((NUM_CLASSES,), jnp.float32),
    }
    return inp


def gcn_conv(h, src, dst, W, b):
    n = h.shape[0]
    loops = jnp.arange(n, dtype=src.dtype)
    s = jnp.concatenate([src, loops])
    d = jnp.concatenate([dst, loops])
    deg = jnp.zeros((n,), jnp.float32).at[d].add(1.0)
    dinv = jnp.where(deg > 0, jax.lax.rsqrt(jnp.maximum(deg, 1e-12)), 0.0)
    norm = dinv[s] * dinv[d]
    m = h @ W
    out = jax.ops.segment_sum(m[s] * norm[:, None], d, num_segments=n)
    return out + b


def gnnvae(x, src, dst, W0, b0, W1, b1, W2, b2):
    # num_layers=3: one hidden conv + relu (dropout is identity in eval), then mu/logvar heads
    h = jax.nn.relu(gcn_conv(x, src, dst, W0, b0))
    mu = gcn_conv(h, src, dst, W1, b1)
    logvar = gcn_conv(h, src, dst, W2, b2)
    z = mu  # eval-mode reparameterize returns mu
    return z, mu, logvar


def reference(x, edge_index, Wp0, bp0, Wp1, bp1, Wp2, bp2, Ws0, bs0, Ws1, bs1, Ws2, bs2, Wa, va, Wc, bc):
    src = edge_index[0]
    dst = edge_index[1]
    z_p, mu_p, lv_p = gnnvae(x, src, dst, Wp0, bp0, Wp1, bp1, Wp2, bp2)
    z_s, mu_s, lv_s = gnnvae(x, src, dst, Ws0, bs0, Ws1, bs1, Ws2, bs2)
    zs = jnp.stack([z_p, z_s], axis=1)  # [N, 2, D]
    scores = jnp.tanh(zs @ Wa) @ va     # [N, 2]
    alpha = jax.nn.softmax(scores, axis=1)
    z = jnp.sum(zs * alpha[..., None], axis=1)  # [N, D]
    cls_logits = z @ Wc + bc
    return cls_logits

if __name__ == "__main__":
    import jax
    _d = setup_inputs()
    print(jax.jit(kernel)(*tuple(_d.values())))

</pallas_src>

<mosaic_0001>
#map = affine_map<(d0, d1) -> (0, 0)>
#map1 = affine_map<(d0, d1) -> (0, 0, 0)>
module attributes {stable_mosaic.version = 14 : i64} {
  func.func @_deg_body(%arg0: i32, %arg1: i32, %arg2: memref<1280x128xi32, #tpu.memory_space<hbm>>, %arg3: memref<128x128xf32, #tpu.memory_space<hbm>>, %arg4: memref<10240x128xf32, #tpu.memory_space<hbm>>, %arg5: memref<2x10240x128xf32, #tpu.memory_space<hbm>>, %arg6: memref<40x128xi32, #tpu.memory_space<vmem>>, %arg7: memref<128x128xf32, #tpu.memory_space<vmem>>, %arg8: memref<10240x128xf32, #tpu.memory_space<vmem_shared>>, %arg9: memref<!tpu.dma_semaphore, #tpu.memory_space<semaphore_mem>>) attributes {dimension_semantics = [#tpu.dimension_semantics<core_parallel>, #tpu.dimension_semantics<subcore_parallel>], iteration_bounds = array<i64: 2, 16>, scalar_prefetch = 0 : i64, scratch_operands = 4 : i64, tpu.core_type = #tpu.core_type<sc_vector_subcore>, window_params = [{transform_indices = #map}, {transform_indices = #map}, {transform_indices = #map}, {transform_indices = #map1}]} {
    %mul3A = arith.constant 640 : i32
    %mul3A_0 = arith.muli %arg1, %mul3A : i32
    "tpu.region"() ({
      %run_scoped3A = tpu.sem_alloc : memref<!tpu.dma_semaphore, #tpu.memory_space<semaphore_mem>>
      %dma_start3A = arith.constant 0 : i32
      %dma_start3A_17 = tpu.memref_slice %arg8[%mul3A_0, %dma_start3A] : memref<10240x128xf32, #tpu.memory_space<vmem_shared>> -> memref<640x128xf32, #tpu.memory_space<vmem_shared>>
      %dma_start3A_18 = arith.constant 0 : i32
      %dma_start3A_19 = tpu.memref_slice %arg4[%mul3A_0, %dma_start3A_18] : memref<10240x128xf32, #tpu.memory_space<hbm>> -> memref<640x128xf32, #tpu.memory_space<hbm>>
      tpu.enqueue_dma source(%dma_start3A_19 : memref<640x128xf32, #tpu.memory_space<hbm>>) target(%dma_start3A_17 : memref<640x128xf32, #tpu.memory_space<vmem_shared>>) target_semaphore(%run_scoped3A : memref<!tpu.dma_semaphore, #tpu.memory_space<semaphore_mem>>)
      %dma_wait3A = arith.constant 0 : i32
      %dma_wait3A_20 = tpu.memref_slice %arg8[%mul3A_0, %dma_wait3A] : memref<10240x128xf32, #tpu.memory_space<vmem_shared>> -> memref<640x128xf32, #tpu.memory_space<vmem_shared>>
      %dma_wait3A_21 = arith.constant 0 : i32
      %dma_wait3A_22 = tpu.memref_slice %arg4[%mul3A_0, %dma_wait3A_21] : memref<10240x128xf32, #tpu.memory_space<hbm>> -> memref<640x128xf32, #tpu.memory_space<hbm>>
      tpu.wait_dma2 semaphore(%run_scoped3A : memref<!tpu.dma_semaphore, #tpu.memory_space<semaphore_mem>>) src(%dma_wait3A_22 : memref<640x128xf32, #tpu.memory_space<hbm>>) dst(%dma_wait3A_20 : memref<640x128xf32, #tpu.memory_space<vmem_shared>>)
      tpu.yield
    }) : () -> ()
    "tpu.region"() ({
      %run_scoped3A = tpu.sem_alloc : memref<!tpu.dma_semaphore, #tpu.memory_space<semaphore_mem>>
      tpu.enqueue_dma source(%arg3 : memref<128x128xf32, #tpu.memory_space<hbm>>) target(%arg7 : memref<128x128xf32, #tpu.memory_space<vmem>>) target_semaphore(%run_scoped3A : memref<!tpu.dma_semaphore, #tpu.memory_space<semaphore_mem>>)
      tpu.wait_dma2 semaphore(%run_scoped3A : memref<!tpu.dma_semaphore, #tpu.memory_space<semaphore_mem>>) src(%arg3 : memref<128x128xf32, #tpu.memory_space<hbm>>) dst(%arg7 : memref<128x128xf32, #tpu.memory_space<vmem>>)
      tpu.yield
    }) : () -> ()
    %mul3A_1 = arith.constant 16 : i32
    %mul3A_2 = arith.muli %arg0, %mul3A_1 : i32
    %add3A = arith.addi %mul3A_2, %arg1 : i32
    %mul3A_3 = arith.constant 40 : i32
    %mul3A_4 = arith.muli %add3A, %mul3A_3 : i32
    "tpu.region"() ({
      %run_scoped3A = tpu.sem_alloc : memref<!tpu.dma_semaphore, #tpu.memory_space<semaphore_mem>>
      %dma_start3A = arith.constant 0 : i32
      %dma_start3A_17 = tpu.memref_slice %arg2[%mul3A_4, %dma_start3A] : memref<1280x128xi32, #tpu.memory_space<hbm>> -> memref<40x128xi32, #tpu.memory_space<hbm>>
      %dma_start3A_18 = arith.constant 0 : i32
      %dma_start3A_19 = tpu.memref_slice %arg2[%mul3A_4, %dma_start3A_18] : memref<1280x128xi32, #tpu.memory_space<hbm>> -> memref<40x128xi32, #tpu.memory_space<hbm>>
      tpu.enqueue_dma source(%dma_start3A_19 : memref<40x128xi32, #tpu.memory_space<hbm>>) target(%arg6 : memref<40x128xi32, #tpu.memory_space<vmem>>) target_semaphore(%run_scoped3A : memref<!tpu.dma_semaphore, #tpu.memory_space<semaphore_mem>>)
      %dma_wait3A = arith.constant 0 : i32
      %dma_wait3A_20 = tpu.memref_slice %arg2[%mul3A_4, %dma_wait3A] : memref<1280x128xi32, #tpu.memory_space<hbm>> -> memref<40x128xi32, #tpu.memory_space<hbm>>
      %dma_wait3A_21 = arith.constant 0 : i32
      %dma_wait3A_22 = tpu.memref_slice %arg2[%mul3A_4, %dma_wait3A_21] : memref<1280x128xi32, #tpu.memory_space<hbm>> -> memref<40x128xi32, #tpu.memory_space<hbm>>
      tpu.wait_dma2 semaphore(%run_scoped3A : memref<!tpu.dma_semaphore, #tpu.memory_space<semaphore_mem>>) src(%dma_wait3A_22 : memref<40x128xi32, #tpu.memory_space<hbm>>) dst(%arg6 : memref<40x128xi32, #tpu.memory_space<vmem>>)
      tpu.yield
    }) : () -> ()
    %barrier3A = arith.constant 0 : index
    tpu.barrier barrier_id(%barrier3A)
    %scan3A = arith.constant 0 : i32
    %scan3A_5 = arith.constant 0 : i32
    %scan3A_6 = arith.constant 40 : i32
    %scan3A_7 = arith.addi %scan3A_5, %scan3A_6 : i32
    %scan3A_8 = arith.constant 1 : i32
    scf.for %scan3A_17 = %scan3A_5 to %scan3A_7 step %scan3A_8  : i32 {
      %dma_start3A = arith.constant 0 : i32
      %dma_start3A_18 = tpu.memref_slice %arg6[%scan3A_17, %dma_start3A] : memref<40x128xi32, #tpu.memory_space<vmem>> -> memref<1x128xi32, #tpu.memory_space<vmem>>
      %dma_start3A_19 = tpu.memref_squeeze %dma_start3A_18 : memref<1x128xi32, #tpu.memory_space<vmem>> -> memref<128xi32, #tpu.memory_space<vmem>>
      %dma_start3A_20 = arith.constant 0 : i32
      %dma_start3A_21 = arith.constant 0 : i32
      %dma_start3A_22 = tpu.memref_slice %arg8[%dma_start3A_20, %dma_start3A_21] : memref<10240x128xf32, #tpu.memory_space<vmem_shared>> -> memref<10240x128xf32, #tpu.memory_space<vmem_shared>>
      tpu.enqueue_indirect_dma source(%arg7 : memref<128x128xf32, #tpu.memory_space<vmem>>) target(%dma_start3A_22 : memref<10240x128xf32, #tpu.memory_space<vmem_shared>>) offsets(%dma_start3A_19 : memref<128xi32, #tpu.memory_space<vmem>>) semaphore(%arg9 : memref<!tpu.dma_semaphore, #tpu.memory_space<semaphore_mem>>) {add = true}
    }
    %scan3A_9 = arith.constant 40 : i32
    %scan3A_10 = arith.constant 0 : i32
    %scan3A_11 = arith.constant 0 : i32
    %scan3A_12 = arith.constant 40 : i32
    %scan3A_13 = arith.addi %scan3A_11, %scan3A_12 : i32
    %scan3A_14 = arith.constant 1 : i32
    scf.for %scan3A_17 = %scan3A_11 to %scan3A_13 step %scan3A_14  : i32 {
      %dma_wait3A = arith.constant 0 : i32
      %dma_wait3A_18 = tpu.memref_slice %arg6[%scan3A_17, %dma_wait3A] : memref<40x128xi32, #tpu.memory_space<vmem>> -> memref<1x128xi32, #tpu.memory_space<vmem>>
      %dma_wait3A_19 = tpu.memref_squeeze %dma_wait3A_18 : memref<1x128xi32, #tpu.memory_space<vmem>> -> memref<128xi32, #tpu.memory_space<vmem>>
      %dma_wait3A_20 = arith.constant 0 : i32
      %dma_wait3A_21 = arith.constant 0 : i32
      %dma_wait3A_22 = tpu.memref_slice %arg8[%dma_wait3A_20, %dma_wait3A_21] : memref<10240x128xf32, #tpu.memory_space<vmem_shared>> -> memref<10240x128xf32, #tpu.memory_space<vmem_shared>>
      tpu.wait_indirect_dma semaphore(%arg9 : memref<!tpu.dma_semaphore, #tpu.memory_space<semaphore_mem>>) src(%arg7 : memref<128x128xf32, #tpu.memory_space<vmem>>) dst(%dma_wait3A_22 : memref<10240x128xf32, #tpu.memory_space<vmem_shared>>)
    }
    %scan3A_15 = arith.constant 40 : i32
    %barrier3A_16 = arith.constant 0 : index
    tpu.barrier barrier_id(%barrier3A_16)
    "tpu.region"() ({
      %run_scoped3A = tpu.sem_alloc : memref<!tpu.dma_semaphore, #tpu.memory_space<semaphore_mem>>
      %dma_start3A = arith.constant 0 : i32
      %dma_start3A_17 = tpu.memref_slice %arg5[%arg0, %mul3A_0, %dma_start3A] : memref<2x10240x128xf32, #tpu.memory_space<hbm>> -> memref<1x640x128xf32, #tpu.memory_space<hbm>>
      %dma_start3A_18 = tpu.memref_squeeze %dma_start3A_17 : memref<1x640x128xf32, #tpu.memory_space<hbm>> -> memref<640x128xf32, #tpu.memory_space<hbm>>
      %dma_start3A_19 = arith.constant 0 : i32
      %dma_start3A_20 = tpu.memref_slice %arg8[%mul3A_0, %dma_start3A_19] : memref<10240x128xf32, #tpu.memory_space<vmem_shared>> -> memref<640x128xf32, #tpu.memory_space<vmem_shared>>
      tpu.enqueue_dma source(%dma_start3A_20 : memref<640x128xf32, #tpu.memory_space<vmem_shared>>) target(%dma_start3A_18 : memref<640x128xf32, #tpu.memory_space<hbm>>) target_semaphore(%run_scoped3A : memref<!tpu.dma_semaphore, #tpu.memory_space<semaphore_mem>>)
      %dma_wait3A = arith.constant 0 : i32
      %dma_wait3A_21 = tpu.memref_slice %arg5[%arg0, %mul3A_0, %dma_wait3A] : memref<2x10240x128xf32, #tpu.memory_space<hbm>> -> memref<1x640x128xf32, #tpu.memory_space<hbm>>
      %dma_wait3A_22 = tpu.memref_squeeze %dma_wait3A_21 : memref<1x640x128xf32, #tpu.memory_space<hbm>> -> memref<640x128xf32, #tpu.memory_space<hbm>>
      %dma_wait3A_23 = arith.constant 0 : i32
      %dma_wait3A_24 = tpu.memref_slice %arg8[%mul3A_0, %dma_wait3A_23] : memref<10240x128xf32, #tpu.memory_space<vmem_shared>> -> memref<640x128xf32, #tpu.memory_space<vmem_shared>>
      tpu.wait_dma2 semaphore(%run_scoped3A : memref<!tpu.dma_semaphore, #tpu.memory_space<semaphore_mem>>) src(%dma_wait3A_24 : memref<640x128xf32, #tpu.memory_space<vmem_shared>>) dst(%dma_wait3A_22 : memref<640x128xf32, #tpu.memory_space<hbm>>)
      tpu.yield
    }) : () -> ()
    return
  }
}

#map = affine_map<(d0, d1) -> (0, 0)>
#map1 = affine_map<(d0, d1) -> (0, 0, 0)>
module attributes {stable_mosaic.version = 14 : i64} {
  func.func @_scatter3(%arg0: i32, %arg1: i32, %arg2: memref<40960x128xf32, #tpu.memory_space<hbm>>, %arg3: memref<1280x128xi32, #tpu.memory_space<hbm>>, %arg4: memref<1280x128xi32, #tpu.memory_space<hbm>>, %arg5: memref<10240x128xf32, #tpu.memory_space<hbm>>, %arg6: memref<4x10240x128xf32, #tpu.memory_space<hbm>>, %arg7: memref<40x128xi32, #tpu.memory_space<vmem>>, %arg8: memref<40x128xi32, #tpu.memory_space<vmem>>, %arg9: memref<64xi32, #tpu.memory_space<vmem>>, %arg10: memref<64xi32, #tpu.memory_space<vmem>>, %arg11: memref<64xi32, #tpu.memory_space<vmem>>, %arg12: memref<64xi32, #tpu.memory_space<vmem>>, %arg13: memref<64xi32, #tpu.memory_space<vmem>>, %arg14: memref<64xi32, #tpu.memory_space<vmem>>, %arg15: memref<64xi32, #tpu.memory_space<vmem>>, %arg16: memref<64xi32, #tpu.memory_space<vmem>>, %arg17: memref<64x128xf32, #tpu.memory_space<vmem>>, %arg18: memref<64x128xf32, #tpu.memory_space<vmem>>, %arg19: memref<64x128xf32, #tpu.memory_space<vmem>>, %arg20: memref<64x128xf32, #tpu.memory_space<vmem>>, %arg21: memref<10240x128xf32, #tpu.memory_space<vmem_shared>>, %arg22: memref<!tpu.dma_semaphore, #tpu.memory_space<semaphore_mem>>, %arg23: memref<!tpu.dma_semaphore, #tpu.memory_space<semaphore_mem>>, %arg24: memref<!tpu.dma_semaphore, #tpu.memory_space<semaphore_mem>>, %arg25: memref<!tpu.dma_semaphore, #tpu.memory_space<semaphore_mem>>, %arg26: memref<!tpu.dma_semaphore, #tpu.memory_space<semaphore_mem>>, %arg27: memref<!tpu.dma_semaphore, #tpu.memory_space<semaphore_mem>>, %arg28: memref<!tpu.dma_semaphore, #tpu.memory_space<semaphore_mem>>, %arg29: memref<!tpu.dma_semaphore, #tpu.memory_space<semaphore_mem>>) attributes {dimension_semantics = [#tpu.dimension_semantics<core_parallel>, #tpu.dimension_semantics<subcore_parallel>], iteration_bounds = array<i64: 2, 16>, scalar_prefetch = 0 : i64, scratch_operands = 23 : i64, tpu.core_type = #tpu.core_type<sc_vector_subcore>, window_params = [{transform_indices = #map}, {transform_indices = #map}, {transform_indices = #map}, {transform_indices = #map}, {transform_indices = #map1}]} {
    %mul3A = arith.constant 640 : i32
    %mul3A_0 = arith.muli %arg1, %mul3A : i32
    %mul3A_1 = arith.constant 10240 : i32
    %mul3A_2 = arith.muli %arg0, %mul3A_1 : i32
    %add3A = arith.addi %mul3A_2, %mul3A_0 : i32
    "tpu.region"() ({
      %run_scoped3A = tpu.sem_alloc : memref<!tpu.dma_semaphore, #tpu.memory_space<semaphore_mem>>
      %dma_start3A_504 = arith.constant 0 : i32
      %dma_start3A_505 = tpu.memref_slice %arg21[%mul3A_0, %dma_start3A_504] : memref<10240x128xf32, #tpu.memory_space<vmem_shared>> -> memref<640x128xf32, #tpu.memory_space<vmem_shared>>
      %dma_start3A_506 = arith.constant 0 : i32
      %dma_start3A_507 = tpu.memref_slice %arg2[%add3A, %dma_start3A_506] : memref<40960x128xf32, #tpu.memory_space<hbm>> -> memref<640x128xf32, #tpu.memory_space<hbm>>
      tpu.enqueue_dma source(%dma_start3A_507 : memref<640x128xf32, #tpu.memory_space<hbm>>) target(%dma_start3A_505 : memref<640x128xf32, #tpu.memory_space<vmem_shared>>) target_semaphore(%run_scoped3A : memref<!tpu.dma_semaphore, #tpu.memory_space<semaphore_mem>>)
      %dma_wait3A_508 = arith.constant 0 : i32
      %dma_wait3A_509 = tpu.memref_slice %arg21[%mul3A_0, %dma_wait3A_508] : memref<10240x128xf32, #tpu.memory_space<vmem_shared>> -> memref<640x128xf32, #tpu.memory_space<vmem_shared>>
      %dma_wait3A_510 = arith.constant 0 : i32
      %dma_wait3A_511 = tpu.memref_slice %arg2[%add3A, %dma_wait3A_510] : memref<40960x128xf32, #tpu.memory_space<hbm>> -> memref<640x128xf32, #tpu.memory_space<hbm>>
      tpu.wait_dma2 semaphore(%run_scoped3A : memref<!tpu.dma_semaphore, #tpu.memory_space<semaphore_mem>>) src(%dma_wait3A_511 : memref<640x128xf32, #tpu.memory_space<hbm>>) dst(%dma_wait3A_509 : memref<640x128xf32, #tpu.memory_space<vmem_shared>>)
      tpu.yield
    }) : () -> ()
    %barrier3A = arith.constant 0 : index
    tpu.barrier barrier_id(%barrier3A)
    %mul3A_3 = arith.constant 80 : i32
    %mul3A_4 = arith.muli %arg1, %mul3A_3 : i32
    %add3A_5 = arith.constant 0 : i32
    %add3A_6 = arith.addi %mul3A_4, %add3A_5 : i32
    "tpu.region"() ({
      %run_scoped3A = tpu.sem_alloc : memref<!tpu.dma_semaphore, #tpu.memory_space<semaphore_mem>>
      %dma_start3A_504 = arith.constant 0 : i32
      %dma_start3A_505 = tpu.memref_slice %arg3[%add3A_6, %dma_start3A_504] : memref<1280x128xi32, #tpu.memory_space<hbm>> -> memref<40x128xi32, #tpu.memory_space<hbm>>
      %dma_start3A_506 = arith.constant 0 : i32
      %dma_start3A_507 = tpu.memref_slice %arg3[%add3A_6, %dma_start3A_506] : memref<1280x128xi32, #tpu.memory_space<hbm>> -> memref<40x128xi32, #tpu.memory_space<hbm>>
      tpu.enqueue_dma source(%dma_start3A_507 : memref<40x128xi32, #tpu.memory_space<hbm>>) target(%arg7 : memref<40x128xi32, #tpu.memory_space<vmem>>) target_semaphore(%run_scoped3A : memref<!tpu.dma_semaphore, #tpu.memory_space<semaphore_mem>>)
      %dma_wait3A_508 = arith.constant 0 : i32
      %dma_wait3A_509 = tpu.memref_slice %arg3[%add3A_6, %dma_wait3A_508] : memref<1280x128xi32, #tpu.memory_space<hbm>> -> memref<40x128xi32, #tpu.memory_space<hbm>>
      %dma_wait3A_510 = arith.constant 0 : i32
      %dma_wait3A_511 = tpu.memref_slice %arg3[%add3A_6, %dma_wait3A_510] : memref<1280x128xi32, #tpu.memory_space<hbm>> -> memref<40x128xi32, #tpu.memory_space<hbm>>
      tpu.wait_dma2 semaphore(%run_scoped3A : memref<!tpu.dma_semaphore, #tpu.memory_space<semaphore_mem>>) src(%dma_wait3A_511 : memref<40x128xi32, #tpu.memory_space<hbm>>) dst(%arg7 : memref<40x128xi32, #tpu.memory_space<vmem>>)
      tpu.yield
    }) : () -> ()
    "tpu.region"() ({
      %run_scoped3A = tpu.sem_alloc : memref<!tpu.dma_semaphore, #tpu.memory_space<semaphore_mem>>
      %dma_start3A_504 = arith.constant 0 : i32
      %dma_start3A_505 = tpu.memref_slice %arg4[%add3A_6, %dma_start3A_504] : memref<1280x128xi32, #tpu.memory_space<hbm>> -> memref<40x128xi32, #tpu.memory_space<hbm>>
      %dma_start3A_506 = arith.constant 0 : i32
      %dma_start3A_507 = tpu.memref_slice %arg4[%add3A_6, %dma_start3A_506] : memref<1280x128xi32, #tpu.memory_space<hbm>> -> memref<40x128xi32, #tpu.memory_space<hbm>>
      tpu.enqueue_dma source(%dma_start3A_507 : memref<40x128xi32, #tpu.memory_space<hbm>>) target(%arg8 : memref<40x128xi32, #tpu.memory_space<vmem>>) target_semaphore(%run_scoped3A : memref<!tpu.dma_semaphore, #tpu.memory_space<semaphore_mem>>)
      %dma_wait3A_508 = arith.constant 0 : i32
      %dma_wait3A_509 = tpu.memref_slice %arg4[%add3A_6, %dma_wait3A_508] : memref<1280x128xi32, #tpu.memory_space<hbm>> -> memref<40x128xi32, #tpu.memory_space<hbm>>
      %dma_wait3A_510 = arith.constant 0 : i32
      %dma_wait3A_511 = tpu.memref_slice %arg4[%add3A_6, %dma_wait3A_510] : memref<1280x128xi32, #tpu.memory_space<hbm>> -> memref<40x128xi32, #tpu.memory_space<hbm>>
      tpu.wait_dma2 semaphore(%run_scoped3A : memref<!tpu.dma_semaphore, #tpu.memory_space<semaphore_mem>>) src(%dma_wait3A_511 : memref<40x128xi32, #tpu.memory_space<hbm>>) dst(%arg8 : memref<40x128xi32, #tpu.memory_space<vmem>>)
      tpu.yield
    }) : () -> ()
    %get3A = arith.constant 0 : i32
    %get3A_7 = arith.index_cast %get3A : i32 to index
    %get3A_8 = arith.constant 0 : index
    %get3A_9 = tpu.vector_load %arg7[%get3A_7, %get3A_8] {strides = array<i32>} : memref<40x128xi32, #tpu.memory_space<vmem>>, vector<1x16xi32>,
    %get3A_10 = vector.shape_cast %get3A_9 : vector<1x16xi32> to vector<16xi32>
    %add3A_11 = vector.broadcast %mul3A_2 : i32 to vector<16xi32>
    %add3A_12 = arith.addi %get3A_10, %add3A_11 : vector<16xi32>
    %swap3A = arith.constant 0 : index
    %swap3A_13 = tpu.vector_load %arg9[%swap3A] {strides = array<i32>} : memref<64xi32, #tpu.memory_space<vmem>>, vector<16xi32>,
    %swap3A_14 = vector.shape_cast %swap3A_13 : vector<16xi32> to vector<16xi32>
    %swap3A_15 = vector.shape_cast %add3A_12 : vector<16xi32> to vector<16xi32>
    tpu.vector_store %arg9[%swap3A], %swap3A_15 {strides = array<i32>} : memref<64xi32, #tpu.memory_space<vmem>>, vector<16xi32>,
    %get3A_16 = arith.constant 0 : i32
    %get3A_17 = arith.index_cast %get3A_16 : i32 to index
    %get3A_18 = arith.constant 16 : index
    %get3A_19 = tpu.vector_load %arg7[%get3A_17, %get3A_18] {strides = array<i32>} : memref<40x128xi32, #tpu.memory_space<vmem>>, vector<1x16xi32>,
    %get3A_20 = vector.shape_cast %get3A_19 : vector<1x16xi32> to vector<16xi32>
    %add3A_21 = vector.broadcast %mul3A_2 : i32 to vector<16xi32>
    %add3A_22 = arith.addi %get3A_20, %add3A_21 : vector<16xi32>
    %swap3A_23 = arith.constant 16 : index
    %swap3A_24 = tpu.vector_load %arg9[%swap3A_23] {strides = array<i32>} : memref<64xi32, #tpu.memory_space<vmem>>, vector<16xi32>,
    %swap3A_25 = vector.shape_cast %swap3A_24 : vector<16xi32> to vector<16xi32>
    %swap3A_26 = vector.shape_cast %add3A_22 : vector<16xi32> to vector<16xi32>
    tpu.vector_store %arg9[%swap3A_23], %swap3A_26 {strides = array<i32>} : memref<64xi32, #tpu.memory_space<vmem>>, vector<16xi32>,
    %get3A_27 = arith.constant 0 : i32
    %get3A_28 = arith.index_cast %get3A_27 : i32 to index
    %get3A_29 = arith.constant 32 : index
    %get3A_30 = tpu.vector_load %arg7[%get3A_28, %get3A_29] {strides = array<i32>} : memref<40x128xi32, #tpu.memory_space<vmem>>, vector<1x16xi32>,
    %get3A_31 = vector.shape_cast %get3A_30 : vector<1x16xi32> to vector<16xi32>
    %add3A_32 = vector.broadcast %mul3A_2 : i32 to vector<16xi32>
    %add3A_33 = arith.addi %get3A_31, %add3A_32 : vector<16xi32>
    %swap3A_34 = arith.constant 32 : index
    %swap3A_35 = tpu.vector_load %arg9[%swap3A_34] {strides = array<i32>} : memref<64xi32, #tpu.memory_space<vmem>>, vector<16xi32>,
    %swap3A_36 = vector.shape_cast %swap3A_35 : vector<16xi32> to vector<16xi32>
    %swap3A_37 = vector.shape_cast %add3A_33 : vector<16xi32> to vector<16xi32>
    tpu.vector_store %arg9[%swap3A_34], %swap3A_37 {strides = array<i32>} : memref<64xi32, #tpu.memory_space<vmem>>, vector<16xi32>,
    %get3A_38 = arith.constant 0 : i32
    %get3A_39 = arith.index_cast %get3A_38 : i32 to index
    %get3A_40 = arith.constant 48 : index
    %get3A_41 = tpu.vector_load %arg7[%get3A_39, %get3A_40] {strides = array<i32>} : memref<40x128xi32, #tpu.memory_space<vmem>>, vector<1x16xi32>,
    %get3A_42 = vector.shape_cast %get3A_41 : vector<1x16xi32> to vector<16xi32>
    %add3A_43 = vector.broadcast %mul3A_2 : i32 to vector<16xi32>
    %add3A_44 = arith.addi %get3A_42, %add3A_43 : vector<16xi32>
    %swap3A_45 = arith.constant 48 : index
    %swap3A_46 = tpu.vector_load %arg9[%swap3A_45] {strides = array<i32>} : memref<64xi32, #tpu.memory_space<vmem>>, vector<16xi32>,
    %swap3A_47 = vector.shape_cast %swap3A_46 : vector<16xi32> to vector<16xi32>
    %swap3A_48 = vector.shape_cast %add3A_44 : vector<16xi32> to vector<16xi32>
    tpu.vector_store %arg9[%swap3A_45], %swap3A_48 {strides = array<i32>} : memref<64xi32, #tpu.memory_space<vmem>>, vector<16xi32>,
    %dma_start3A = arith.constant 0 : i32
    %dma_start3A_49 = arith.constant 0 : i32
    %dma_start3A_50 = tpu.memref_slice %arg2[%dma_start3A, %dma_start3A_49] : memref<40960x128xf32, #tpu.memory_space<hbm>> -> memref<40960x128xf32, #tpu.memory_space<hbm>>
    tpu.enqueue_indirect_dma source(%dma_start3A_50 : memref<40960x128xf32, #tpu.memory_space<hbm>>) target(%arg17 : memref<64x128xf32, #tpu.memory_space<vmem>>) offsets(%arg9 : memref<64xi32, #tpu.memory_space<vmem>>) semaphore(%arg22 : memref<!tpu.dma_semaphore, #tpu.memory_space<semaphore_mem>>)
    %get3A_51 = arith.constant 0 : i32
    %get3A_52 = arith.index_cast %get3A_51 : i32 to index
    %get3A_53 = arith.constant 64 : index
    %get3A_54 = tpu.vector_load %arg7[%get3A_52, %get3A_53] {strides = array<i32>} : memref<40x128xi32, #tpu.memory_space<vmem>>, vector<1x16xi32>,
    %get3A_55 = vector.shape_cast %get3A_54 : vector<1x16xi32> to vector<16xi32>
    %add3A_56 = vector.broadcast %mul3A_2 : i32 to vector<16xi32>
    %add3A_57 = arith.addi %get3A_55, %add3A_56 : vector<16xi32>
    %swap3A_58 = arith.constant 0 : index
    %swap3A_59 = tpu.vector_load %arg10[%swap3A_58] {strides = array<i32>} : memref<64xi32, #tpu.memory_space<vmem>>, vector<16xi32>,
    %swap3A_60 = vector.shape_cast %swap3A_59 : vector<16xi32> to vector<16xi32>
    %swap3A_61 = vector.shape_cast %add3A_57 : vector<16xi32> to vector<16xi32>
    tpu.vector_store %arg10[%swap3A_58], %swap3A_61 {strides = array<i32>} : memref<64xi32, #tpu.memory_space<vmem>>, vector<16xi32>,
    %get3A_62 = arith.constant 0 : i32
    %get3A_63 = arith.index_cast %get3A_62 : i32 to index
    %get3A_64 = arith.constant 80 : index
    %get3A_65 = tpu.vector_load %arg7[%get3A_63, %get3A_64] {strides = array<i32>} : memref<40x128xi32, #tpu.memory_space<vmem>>, vector<1x16xi32>,
    %get3A_66 = vector.shape_cast %get3A_65 : vector<1x16xi32> to vector<16xi32>
    %add3A_67 = vector.broadcast %mul3A_2 : i32 to vector<16xi32>
    %add3A_68 = arith.addi %get3A_66, %add3A_67 : vector<16xi32>
    %swap3A_69 = arith.constant 16 : index
    %swap3A_70 = tpu.vector_load %arg10[%swap3A_69] {strides = array<i32>} : memref<64xi32, #tpu.memory_space<vmem>>, vector<16xi32>,
    %swap3A_71 = vector.shape_cast %swap3A_70 : vector<16xi32> to vector<16xi32>
    %swap3A_72 = vector.shape_cast %add3A_68 : vector<16xi32> to vector<16xi32>
    tpu.vector_store %arg10[%swap3A_69], %swap3A_72 {strides = array<i32>} : memref<64xi32, #tpu.memory_space<vmem>>, vector<16xi32>,
    %get3A_73 = arith.constant 0 : i32
    %get3A_74 = arith.index_cast %get3A_73 : i32 to index
    %get3A_75 = arith.constant 96 : index
    %get3A_76 = tpu.vector_load %arg7[%get3A_74, %get3A_75] {strides = array<i32>} : memref<40x128xi32, #tpu.memory_space<vmem>>, vector<1x16xi32>,
    %get3A_77 = vector.shape_cast %get3A_76 : vector<1x16xi32> to vector<16xi32>
    %add3A_78 = vector.broadcast %mul3A_2 : i32 to vector<16xi32>
    %add3A_79 = arith.addi %get3A_77, %add3A_78 : vector<16xi32>
    %swap3A_80 = arith.constant 32 : index
    %swap3A_81 = tpu.vector_load %arg10[%swap3A_80] {strides = array<i32>} : memref<64xi32, #tpu.memory_space<vmem>>, vector<16xi32>,
    %swap3A_82 = vector.shape_cast %swap3A_81 : vector<16xi32> to vector<16xi32>
    %swap3A_83 = vector.shape_cast %add3A_79 : vector<16xi32> to vector<16xi32>
    tpu.vector_store %arg10[%swap3A_80], %swap3A_83 {strides = array<i32>} : memref<64xi32, #tpu.memory_space<vmem>>, vector<16xi32>,
    %get3A_84 = arith.constant 0 : i32
    %get3A_85 = arith.index_cast %get3A_84 : i32 to index
    %get3A_86 = arith.constant 112 : index
    %get3A_87 = tpu.vector_load %arg7[%get3A_85, %get3A_86] {strides = array<i32>} : memref<40x128xi32, #tpu.memory_space<vmem>>, vector<1x16xi32>,
    %get3A_88 = vector.shape_cast %get3A_87 : vector<1x16xi32> to vector<16xi32>
    %add3A_89 = vector.broadcast %mul3A_2 : i32 to vector<16xi32>
    %add3A_90 = arith.addi %get3A_88, %add3A_89 : vector<16xi32>
    %swap3A_91 = arith.constant 48 : index
    %swap3A_92 = tpu.vector_load %arg10[%swap3A_91] {strides = array<i32>} : memref<64xi32, #tpu.memory_space<vmem>>, vector<16xi32>,
    %swap3A_93 = vector.shape_cast %swap3A_92 : vector<16xi32> to vector<16xi32>
    %swap3A_94 = vector.shape_cast %add3A_90 : vector<16xi32> to vector<16xi32>
    tpu.vector_store %arg10[%swap3A_91], %swap3A_94 {strides = array<i32>} : memref<64xi32, #tpu.memory_space<vmem>>, vector<16xi32>,
    %dma_start3A_95 = arith.constant 0 : i32
    %dma_start3A_96 = arith.constant 0 : i32
    %dma_start3A_97 = tpu.memref_slice %arg2[%dma_start3A_95, %dma_start3A_96] : memref<40960x128xf32, #tpu.memory_space<hbm>> -> memref<40960x128xf32, #tpu.memory_space<hbm>>
    tpu.enqueue_indirect_dma source(%dma_start3A_97 : memref<40960x128xf32, #tpu.memory_space<hbm>>) target(%arg18 : memref<64x128xf32, #tpu.memory_space<vmem>>) offsets(%arg10 : memref<64xi32, #tpu.memory_space<vmem>>) semaphore(%arg23 : memref<!tpu.dma_semaphore, #tpu.memory_space<semaphore_mem>>)
    %get3A_98 = arith.constant 1 : i32
    %get3A_99 = arith.index_cast %get3A_98 : i32 to index
    %get3A_100 = arith.constant 0 : index
    %get3A_101 = tpu.vector_load %arg7[%get3A_99, %get3A_100] {strides = array<i32>} : memref<40x128xi32, #tpu.memory_space<vmem>>, vector<1x16xi32>,
    %get3A_102 = vector.shape_cast %get3A_101 : vector<1x16xi32> to vector<16xi32>
    %add3A_103 = vector.broadcast %mul3A_2 : i32 to vector<16xi32>
    %add3A_104 = arith.addi %get3A_102, %add3A_103 : vector<16xi32>
    %swap3A_105 = arith.constant 0 : index
    %swap3A_106 = tpu.vector_load %arg11[%swap3A_105] {strides = array<i32>} : memref<64xi32, #tpu.memory_space<vmem>>, vector<16xi32>,
    %swap3A_107 = vector.shape_cast %swap3A_106 : vector<16xi32> to vector<16xi32>
    %swap3A_108 = vector.shape_cast %add3A_104 : vector<16xi32> to vector<16xi32>
    tpu.vector_store %arg11[%swap3A_105], %swap3A_108 {strides = array<i32>} : memref<64xi32, #tpu.memory_space<vmem>>, vector<16xi32>,
    %get3A_109 = arith.constant 1 : i32
    %get3A_110 = arith.index_cast %get3A_109 : i32 to index
    %get3A_111 = arith.constant 16 : index
    %get3A_112 = tpu.vector_load %arg7[%get3A_110, %get3A_111] {strides = array<i32>} : memref<40x128xi32, #tpu.memory_space<vmem>>, vector<1x16xi32>,
    %get3A_113 = vector.shape_cast %get3A_112 : vector<1x16xi32> to vector<16xi32>
    %add3A_114 = vector.broadcast %mul3A_2 : i32 to vector<16xi32>
    %add3A_115 = arith.addi %get3A_113, %add3A_114 : vector<16xi32>
    %swap3A_116 = arith.constant 16 : index
    %swap3A_117 = tpu.vector_load %arg11[%swap3A_116] {strides = array<i32>} : memref<64xi32, #tpu.memory_space<vmem>>, vector<16xi32>,
    %swap3A_118 = vector.shape_cast %swap3A_117 : vector<16xi32> to vector<16xi32>
    %swap3A_119 = vector.shape_cast %add3A_115 : vector<16xi32> to vector<16xi32>
    tpu.vector_store %arg11[%swap3A_116], %swap3A_119 {strides = array<i32>} : memref<64xi32, #tpu.memory_space<vmem>>, vector<16xi32>,
    %get3A_120 = arith.constant 1 : i32
    %get3A_121 = arith.index_cast %get3A_120 : i32 to index
    %get3A_122 = arith.constant 32 : index
    %get3A_123 = tpu.vector_load %arg7[%get3A_121, %get3A_122] {strides = array<i32>} : memref<40x128xi32, #tpu.memory_space<vmem>>, vector<1x16xi32>,
    %get3A_124 = vector.shape_cast %get3A_123 : vector<1x16xi32> to vector<16xi32>
    %add3A_125 = vector.broadcast %mul3A_2 : i32 to vector<16xi32>
    %add3A_126 = arith.addi %get3A_124, %add3A_125 : vector<16xi32>
    %swap3A_127 = arith.constant 32 : index
    %swap3A_128 = tpu.vector_load %arg11[%swap3A_127] {strides = array<i32>} : memref<64xi32, #tpu.memory_space<vmem>>, vector<16xi32>,
    %swap3A_129 = vector.shape_cast %swap3A_128 : vector<16xi32> to vector<16xi32>
    %swap3A_130 = vector.shape_cast %add3A_126 : vector<16xi32> to vector<16xi32>
    tpu.vector_store %arg11[%swap3A_127], %swap3A_130 {strides = array<i32>} : memref<64xi32, #tpu.memory_space<vmem>>, vector<16xi32>,
    %get3A_131 = arith.constant 1 : i32
    %get3A_132 = arith.index_cast %get3A_131 : i32 to index
    %get3A_133 = arith.constant 48 : index
    %get3A_134 = tpu.vector_load %arg7[%get3A_132, %get3A_133] {strides = array<i32>} : memref<40x128xi32, #tpu.memory_space<vmem>>, vector<1x16xi32>,
    %get3A_135 = vector.shape_cast %get3A_134 : vector<1x16xi32> to vector<16xi32>
    %add3A_136 = vector.broadcast %mul3A_2 : i32 to vector<16xi32>
    %add3A_137 = arith.addi %get3A_135, %add3A_136 : vector<16xi32>
    %swap3A_138 = arith.constant 48 : index
    %swap3A_139 = tpu.vector_load %arg11[%swap3A_138] {strides = array<i32>} : memref<64xi32, #tpu.memory_space<vmem>>, vector<16xi32>,
    %swap3A_140 = vector.shape_cast %swap3A_139 : vector<16xi32> to vector<16xi32>
    %swap3A_141 = vector.shape_cast %add3A_137 : vector<16xi32> to vector<16xi32>
    tpu.vector_store %arg11[%swap3A_138], %swap3A_141 {strides = array<i32>} : memref<64xi32, #tpu.memory_space<vmem>>, vector<16xi32>,
    %dma_start3A_142 = arith.constant 0 : i32
    %dma_start3A_143 = arith.constant 0 : i32
    %dma_start3A_144 = tpu.memref_slice %arg2[%dma_start3A_142, %dma_start3A_143] : memref<40960x128xf32, #tpu.memory_space<hbm>> -> memref<40960x128xf32, #tpu.memory_space<hbm>>
    tpu.enqueue_indirect_dma source(%dma_start3A_144 : memref<40960x128xf32, #tpu.memory_space<hbm>>) target(%arg19 : memref<64x128xf32, #tpu.memory_space<vmem>>) offsets(%arg11 : memref<64xi32, #tpu.memory_space<vmem>>) semaphore(%arg24 : memref<!tpu.dma_semaphore, #tpu.memory_space<semaphore_mem>>)
    %scan3A = arith.constant 0 : i32
    %scan3A_145 = arith.constant 0 : i32
    %scan3A_146 = arith.constant 20 : i32
    %scan3A_147 = arith.addi %scan3A_145, %scan3A_146 : i32
    %scan3A_148 = arith.constant 1 : i32
    scf.for %scan3A_504 = %scan3A_145 to %scan3A_147 step %scan3A_148  : i32 {
      %mul3A_505 = arith.constant 4 : i32
      %mul3A_506 = arith.muli %mul3A_505, %scan3A_504 : i32
      %add3A_507 = arith.constant 0 : i32
      %add3A_508 = arith.addi %mul3A_506, %add3A_507 : i32
      %mul3A_509 = arith.constant 2 : i32
      %mul3A_510 = arith.muli %mul3A_509, %scan3A_504 : i32
      %add3A_511 = arith.constant 0 : i32
      %add3A_512 = arith.addi %mul3A_510, %add3A_511 : i32
      %dma_wait3A_513 = arith.constant 0 : i32
      %dma_wait3A_514 = arith.constant 0 : i32
      %dma_wait3A_515 = tpu.memref_slice %arg2[%dma_wait3A_513, %dma_wait3A_514] : memref<40960x128xf32, #tpu.memory_space<hbm>> -> memref<40960x128xf32, #tpu.memory_space<hbm>>
      tpu.wait_indirect_dma semaphore(%arg22 : memref<!tpu.dma_semaphore, #tpu.memory_space<semaphore_mem>>) src(%dma_wait3A_515 : memref<40960x128xf32, #tpu.memory_space<hbm>>) dst(%arg17 : memref<64x128xf32, #tpu.memory_space<vmem>>)
      %get3A_516 = arith.index_cast %add3A_512 : i32 to index
      %get3A_517 = arith.constant 0 : index
      %get3A_518 = tpu.vector_load %arg8[%get3A_516, %get3A_517] {strides = array<i32>} : memref<40x128xi32, #tpu.memory_space<vmem>>, vector<1x16xi32>,
      %get3A_519 = vector.shape_cast %get3A_518 : vector<1x16xi32> to vector<16xi32>
      %add3A_520 = arith.constant 0 : i32
      %add3A_521 = vector.broadcast %add3A_520 : i32 to vector<16xi32>
      %add3A_522 = arith.addi %get3A_519, %add3A_521 : vector<16xi32>
      %swap3A_523 = arith.constant 0 : index
      %swap3A_524 = tpu.vector_load %arg13[%swap3A_523] {strides = array<i32>} : memref<64xi32, #tpu.memory_space<vmem>>, vector<16xi32>,
      %swap3A_525 = vector.shape_cast %swap3A_524 : vector<16xi32> to vector<16xi32>
      %swap3A_526 = vector.shape_cast %add3A_522 : vector<16xi32> to vector<16xi32>
      tpu.vector_store %arg13[%swap3A_523], %swap3A_526 {strides = array<i32>} : memref<64xi32, #tpu.memory_space<vmem>>, vector<16xi32>,
      %get3A_527 = arith.index_cast %add3A_512 : i32 to index
      %get3A_528 = arith.constant 16 : index
      %get3A_529 = tpu.vector_load %arg8[%get3A_527, %get3A_528] {strides = array<i32>} : memref<40x128xi32, #tpu.memory_space<vmem>>, vector<1x16xi32>,
      %get3A_530 = vector.shape_cast %get3A_529 : vector<1x16xi32> to vector<16xi32>
      %add3A_531 = arith.constant 0 : i32
      %add3A_532 = vector.broadcast %add3A_531 : i32 to vector<16xi32>
      %add3A_533 = arith.addi %get3A_530, %add3A_532 : vector<16xi32>
      %swap3A_534 = arith.constant 16 : index
      %swap3A_535 = tpu.vector_load %arg13[%swap3A_534] {strides = array<i32>} : memref<64xi32, #tpu.memory_space<vmem>>, vector<16xi32>,
      %swap3A_536 = vector.shape_cast %swap3A_535 : vector<16xi32> to vector<16xi32>
      %swap3A_537 = vector.shape_cast %add3A_533 : vector<16xi32> to vector<16xi32>
      tpu.vector_store %arg13[%swap3A_534], %swap3A_537 {strides = array<i32>} : memref<64xi32, #tpu.memory_space<vmem>>, vector<16xi32>,
      %get3A_538 = arith.index_cast %add3A_512 : i32 to index
      %get3A_539 = arith.constant 32 : index
      %get3A_540 = tpu.vector_load %arg8[%get3A_538, %get3A_539] {strides = array<i32>} : memref<40x128xi32, #tpu.memory_space<vmem>>, vector<1x16xi32>,
      %get3A_541 = vector.shape_cast %get3A_540 : vector<1x16xi32> to vector<16xi32>
      %add3A_542 = arith.constant 0 : i32
      %add3A_543 = vector.broadcast %add3A_542 : i32 to vector<16xi32>
      %add3A_544 = arith.addi %get3A_541, %add3A_543 : vector<16xi32>
      %swap3A_545 = arith.constant 32 : index
      %swap3A_546 = tpu.vector_load %arg13[%swap3A_545] {strides = array<i32>} : memref<64xi32, #tpu.memory_space<vmem>>, vector<16xi32>,
      %swap3A_547 = vector.shape_cast %swap3A_546 : vector<16xi32> to vector<16xi32>
      %swap3A_548 = vector.shape_cast %add3A_544 : vector<16xi32> to vector<16xi32>
      tpu.vector_store %arg13[%swap3A_545], %swap3A_548 {strides = array<i32>} : memref<64xi32, #tpu.memory_space<vmem>>, vector<16xi32>,
      %get3A_549 = arith.index_cast %add3A_512 : i32 to index
      %get3A_550 = arith.constant 48 : index
      %get3A_551 = tpu.vector_load %arg8[%get3A_549, %get3A_550] {strides = array<i32>} : memref<40x128xi32, #tpu.memory_space<vmem>>, vector<1x16xi32>,
      %get3A_552 = vector.shape_cast %get3A_551 : vector<1x16xi32> to vector<16xi32>
      %add3A_553 = arith.constant 0 : i32
      %add3A_554 = vector.broadcast %add3A_553 : i32 to vector<16xi32>
      %add3A_555 = arith.addi %get3A_552, %add3A_554 : vector<16xi32>
      %swap3A_556 = arith.constant 48 : index
      %swap3A_557 = tpu.vector_load %arg13[%swap3A_556] {strides = array<i32>} : memref<64xi32, #tpu.memory_space<vmem>>, vector<16xi32>,
      %swap3A_558 = vector.shape_cast %swap3A_557 : vector<16xi32> to vector<16xi32>
      %swap3A_559 = vector.shape_cast %add3A_555 : vector<16xi32> to vector<16xi32>
      tpu.vector_store %arg13[%swap3A_556], %swap3A_559 {strides = array<i32>} : memref<64xi32, #tpu.memory_space<vmem>>, vector<16xi32>,
      %dma_start3A_560 = arith.constant 0 : i32
      %dma_start3A_561 = arith.constant 0 : i32
      %dma_start3A_562 = tpu.memref_slice %arg21[%dma_start3A_560, %dma_start3A_561] : memref<10240x128xf32, #tpu.memory_space<vmem_shared>> -> memref<10240x128xf32, #tpu.memory_space<vmem_shared>>
      tpu.enqueue_indirect_dma source(%arg17 : memref<64x128xf32, #tpu.memory_space<vmem>>) target(%dma_start3A_562 : memref<10240x128xf32, #tpu.memory_space<vmem_shared>>) offsets(%arg13 : memref<64xi32, #tpu.memory_space<vmem>>) semaphore(%arg26 : memref<!tpu.dma_semaphore, #tpu.memory_space<semaphore_mem>>) {add = true}
      %mul3A_563 = arith.constant 2 : i32
      %mul3A_564 = arith.muli %mul3A_563, %scan3A_504 : i32
      %add3A_565 = arith.constant 1 : i32
      %add3A_566 = arith.addi %mul3A_564, %add3A_565 : i32
      %add3A_567 = arith.constant 3 : i32
      %add3A_568 = arith.addi %add3A_508, %add3A_567 : i32
      %lt3A = arith.constant 80 : i32
      %lt3A_569 = arith.cmpi slt, %add3A_568, %lt3A : i32
      %convert_element_type3A_570 = arith.extui %lt3A_569 : i1 to i32
      %cond3A_571 = arith.constant 0 : i32
      %cond3A_572 = arith.cmpi ne, %convert_element_type3A_570, %cond3A_571 : i32
      scf.if %cond3A_572 {
        %add3A_780 = arith.constant 3 : i32
        %add3A_781 = arith.addi %add3A_508, %add3A_780 : i32
        %ge3A = arith.constant 4 : i32
        %ge3A_782 = arith.cmpi sge, %add3A_781, %ge3A : i32
        %convert_element_type3A_783 = arith.extui %ge3A_782 : i1 to i32
        %cond3A_784 = arith.constant 0 : i32
        %cond3A_785 = arith.cmpi ne, %convert_element_type3A_783, %cond3A_784 : i32
        scf.if %cond3A_785 {
          %dma_wait3A_829 = arith.constant 0 : i32
          %dma_wait3A_830 = arith.constant 0 : i32
          %dma_wait3A_831 = tpu.memref_slice %arg21[%dma_wait3A_829, %dma_wait3A_830] : memref<10240x128xf32, #tpu.memory_space<vmem_shared>> -> memref<10240x128xf32, #tpu.memory_space<vmem_shared>>
          tpu.wait_indirect_dma semaphore(%arg29 : memref<!tpu.dma_semaphore, #tpu.memory_space<semaphore_mem>>) src(%arg20 : memref<64x128xf32, #tpu.memory_space<vmem>>) dst(%dma_wait3A_831 : memref<10240x128xf32, #tpu.memory_space<vmem_shared>>)
        } else {
        }
        %get3A_786 = arith.index_cast %add3A_566 : i32 to index
        %get3A_787 = arith.constant 64 : index
        %get3A_788 = tpu.vector_load %arg7[%get3A_786, %get3A_787] {strides = array<i32>} : memref<40x128xi32, #tpu.memory_space<vmem>>, vector<1x16xi32>,
        %get3A_789 = vector.shape_cast %get3A_788 : vector<1x16xi32> to vector<16xi32>
        %add3A_790 = vector.broadcast %mul3A_2 : i32 to vector<16xi32>
        %add3A_791 = arith.addi %get3A_789, %add3A_790 : vector<16xi32>
        %swap3A_792 = arith.constant 0 : index
        %swap3A_793 = tpu.vector_load %arg12[%swap3A_792] {strides = array<i32>} : memref<64xi32, #tpu.memory_space<vmem>>, vector<16xi32>,
        %swap3A_794 = vector.shape_cast %swap3A_793 : vector<16xi32> to vector<16xi32>
        %swap3A_795 = vector.shape_cast %add3A_791 : vector<16xi32> to vector<16xi32>
        tpu.vector_store %arg12[%swap3A_792], %swap3A_795 {strides = array<i32>} : memref<64xi32, #tpu.memory_space<vmem>>, vector<16xi32>,
        %get3A_796 = arith.index_cast %add3A_566 : i32 to index
        %get3A_797 = arith.constant 80 : index
        %get3A_798 = tpu.vector_load %arg7[%get3A_796, %get3A_797] {strides = array<i32>} : memref<40x128xi32, #tpu.memory_space<vmem>>, vector<1x16xi32>,
        %get3A_799 = vector.shape_cast %get3A_798 : vector<1x16xi32> to vector<16xi32>
        %add3A_800 = vector.broadcast %mul3A_2 : i32 to vector<16xi32>
        %add3A_801 = arith.addi %get3A_799, %add3A_800 : vector<16xi32>
        %swap3A_802 = arith.constant 16 : index
        %swap3A_803 = tpu.vector_load %arg12[%swap3A_802] {strides = array<i32>} : memref<64xi32, #tpu.memory_space<vmem>>, vector<16xi32>,
        %swap3A_804 = vector.shape_cast %swap3A_803 : vector<16xi32> to vector<16xi32>
        %swap3A_805 = vector.shape_cast %add3A_801 : vector<16xi32> to vector<16xi32>
        tpu.vector_store %arg12[%swap3A_802], %swap3A_805 {strides = array<i32>} : memref<64xi32, #tpu.memory_space<vmem>>, vector<16xi32>,
        %get3A_806 = arith.index_cast %add3A_566 : i32 to index
        %get3A_807 = arith.constant 96 : index
        %get3A_808 = tpu.vector_load %arg7[%get3A_806, %get3A_807] {strides = array<i32>} : memref<40x128xi32, #tpu.memory_space<vmem>>, vector<1x16xi32>,
        %get3A_809 = vector.shape_cast %get3A_808 : vector<1x16xi32> to vector<16xi32>
        %add3A_810 = vector.broadcast %mul3A_2 : i32 to vector<16xi32>
        %add3A_811 = arith.addi %get3A_809, %add3A_810 : vector<16xi32>
        %swap3A_812 = arith.constant 32 : index
        %swap3A_813 = tpu.vector_load %arg12[%swap3A_812] {strides = array<i32>} : memref<64xi32, #tpu.memory_space<vmem>>, vector<16xi32>,
        %swap3A_814 = vector.shape_cast %swap3A_813 : vector<16xi32> to vector<16xi32>
        %swap3A_815 = vector.shape_cast %add3A_811 : vector<16xi32> to vector<16xi32>
        tpu.vector_store %arg12[%swap3A_812], %swap3A_815 {strides = array<i32>} : memref<64xi32, #tpu.memory_space<vmem>>, vector<16xi32>,
        %get3A_816 = arith.index_cast %add3A_566 : i32 to index
        %get3A_817 = arith.constant 112 : index
        %get3A_818 = tpu.vector_load %arg7[%get3A_816, %get3A_817] {strides = array<i32>} : memref<40x128xi32, #tpu.memory_space<vmem>>, vector<1x16xi32>,
        %get3A_819 = vector.shape_cast %get3A_818 : vector<1x16xi32> to vector<16xi32>
        %add3A_820 = vector.broadcast %mul3A_2 : i32 to vector<16xi32>
        %add3A_821 = arith.addi %get3A_819, %add3A_820 : vector<16xi32>
        %swap3A_822 = arith.constant 48 : index
        %swap3A_823 = tpu.vector_load %arg12[%swap3A_822] {strides = array<i32>} : memref<64xi32, #tpu.memory_space<vmem>>, vector<16xi32>,
        %swap3A_824 = vector.shape_cast %swap3A_823 : vector<16xi32> to vector<16xi32>
        %swap3A_825 = vector.shape_cast %add3A_821 : vector<16xi32> to vector<16xi32>
        tpu.vector_store %arg12[%swap3A_822], %swap3A_825 {strides = array<i32>} : memref<64xi32, #tpu.memory_space<vmem>>, vector<16xi32>,
        %dma_start3A_826 = arith.constant 0 : i32
        %dma_start3A_827 = arith.constant 0 : i32
        %dma_start3A_828 = tpu.memref_slice %arg2[%dma_start3A_826, %dma_start3A_827] : memref<40960x128xf32, #tpu.memory_space<hbm>> -> memref<40960x128xf32, #tpu.memory_space<hbm>>
        tpu.enqueue_indirect_dma source(%dma_start3A_828 : memref<40960x128xf32, #tpu.memory_space<hbm>>) target(%arg20 : memref<64x128xf32, #tpu.memory_space<vmem>>) offsets(%arg12 : memref<64xi32, #tpu.memory_space<vmem>>) semaphore(%arg25 : memref<!tpu.dma_semaphore, #tpu.memory_space<semaphore_mem>>)
      } else {
      }
      %mul3A_573 = arith.constant 4 : i32
      %mul3A_574 = arith.muli %mul3A_573, %scan3A_504 : i32
      %add3A_575 = arith.constant 1 : i32
      %add3A_576 = arith.addi %mul3A_574, %add3A_575 : i32
      %mul3A_577 = arith.constant 2 : i32
      %mul3A_578 = arith.muli %mul3A_577, %scan3A_504 : i32
      %add3A_579 = arith.constant 0 : i32
      %add3A_580 = arith.addi %mul3A_578, %add3A_579 : i32
      %dma_wait3A_581 = arith.constant 0 : i32
      %dma_wait3A_582 = arith.constant 0 : i32
      %dma_wait3A_583 = tpu.memref_slice %arg2[%dma_wait3A_581, %dma_wait3A_582] : memref<40960x128xf32, #tpu.memory_space<hbm>> -> memref<40960x128xf32, #tpu.memory_space<hbm>>
      tpu.wait_indirect_dma semaphore(%arg23 : memref<!tpu.dma_semaphore, #tpu.memory_space<semaphore_mem>>) src(%dma_wait3A_583 : memref<40960x128xf32, #tpu.memory_space<hbm>>) dst(%arg18 : memref<64x128xf32, #tpu.memory_space<vmem>>)
      %get3A_584 = arith.index_cast %add3A_580 : i32 to index
      %get3A_585 = arith.constant 64 : index
      %get3A_586 = tpu.vector_load %arg8[%get3A_584, %get3A_585] {strides = array<i32>} : memref<40x128xi32, #tpu.memory_space<vmem>>, vector<1x16xi32>,
      %get3A_587 = vector.shape_cast %get3A_586 : vector<1x16xi32> to vector<16xi32>
      %add3A_588 = arith.constant 0 : i32
      %add3A_589 = vector.broadcast %add3A_588 : i32 to vector<16xi32>
      %add3A_590 = arith.addi %get3A_587, %add3A_589 : vector<16xi32>
      %swap3A_591 = arith.constant 0 : index
      %swap3A_592 = tpu.vector_load %arg14[%swap3A_591] {strides = array<i32>} : memref<64xi32, #tpu.memory_space<vmem>>, vector<16xi32>,
      %swap3A_593 = vector.shape_cast %swap3A_592 : vector<16xi32> to vector<16xi32>
      %swap3A_594 = vector.shape_cast %add3A_590 : vector<16xi32> to vector<16xi32>
      tpu.vector_store %arg14[%swap3A_591], %swap3A_594 {strides = array<i32>} : memref<64xi32, #tpu.memory_space<vmem>>, vector<16xi32>,
      %get3A_595 = arith.index_cast %add3A_580 : i32 to index
      %get3A_596 = arith.constant 80 : index
      %get3A_597 = tpu.vector_load %arg8[%get3A_595, %get3A_596] {strides = array<i32>} : memref<40x128xi32, #tpu.memory_space<vmem>>, vector<1x16xi32>,
      %get3A_598 = vector.shape_cast %get3A_597 : vector<1x16xi32> to vector<16xi32>
      %add3A_599 = arith.constant 0 : i32
      %add3A_600 = vector.broadcast %add3A_599 : i32 to vector<16xi32>
      %add3A_601 = arith.addi %get3A_598, %add3A_600 : vector<16xi32>
      %swap3A_602 = arith.constant 16 : index
      %swap3A_603 = tpu.vector_load %arg14[%swap3A_602] {strides = array<i32>} : memref<64xi32, #tpu.memory_space<vmem>>, vector<16xi32>,
      %swap3A_604 = vector.shape_cast %swap3A_603 : vector<16xi32> to vector<16xi32>
      %swap3A_605 = vector.shape_cast %add3A_601 : vector<16xi32> to vector<16xi32>
      tpu.vector_store %arg14[%swap3A_602], %swap3A_605 {strides = array<i32>} : memref<64xi32, #tpu.memory_space<vmem>>, vector<16xi32>,
      %get3A_606 = arith.index_cast %add3A_580 : i32 to index
      %get3A_607 = arith.constant 96 : index
      %get3A_608 = tpu.vector_load %arg8[%get3A_606, %get3A_607] {strides = array<i32>} : memref<40x128xi32, #tpu.memory_space<vmem>>, vector<1x16xi32>,
      %get3A_609 = vector.shape_cast %get3A_608 : vector<1x16xi32> to vector<16xi32>
      %add3A_610 = arith.constant 0 : i32
      %add3A_611 = vector.broadcast %add3A_610 : i32 to vector<16xi32>
      %add3A_612 = arith.addi %get3A_609, %add3A_611 : vector<16xi32>
      %swap3A_613 = arith.constant 32 : index
      %swap3A_614 = tpu.vector_load %arg14[%swap3A_613] {strides = array<i32>} : memref<64xi32, #tpu.memory_space<vmem>>, vector<16xi32>,
      %swap3A_615 = vector.shape_cast %swap3A_614 : vector<16xi32> to vector<16xi32>
      %swap3A_616 = vector.shape_cast %add3A_612 : vector<16xi32> to vector<16xi32>
      tpu.vector_store %arg14[%swap3A_613], %swap3A_616 {strides = array<i32>} : memref<64xi32, #tpu.memory_space<vmem>>, vector<16xi32>,
      %get3A_617 = arith.index_cast %add3A_580 : i32 to index
      %get3A_618 = arith.constant 112 : index
      %get3A_619 = tpu.vector_load %arg8[%get3A_617, %get3A_618] {strides = array<i32>} : memref<40x128xi32, #tpu.memory_space<vmem>>, vector<1x16xi32>,
      %get3A_620 = vector.shape_cast %get3A_619 : vector<1x16xi32> to vector<16xi32>
      %add3A_621 = arith.constant 0 : i32
      %add3A_622 = vector.broadcast %add3A_621 : i32 to vector<16xi32>
      %add3A_623 = arith.addi %get3A_620, %add3A_622 : vector<16xi32>
      %swap3A_624 = arith.constant 48 : index
      %swap3A_625 = tpu.vector_load %arg14[%swap3A_624] {strides = array<i32>} : memref<64xi32, #tpu.memory_space<vmem>>, vector<16xi32>,
      %swap3A_626 = vector.shape_cast %swap3A_625 : vector<16xi32> to vector<16xi32>
      %swap3A_627 = vector.shape_cast %add3A_623 : vector<16xi32> to vector<16xi32>
      tpu.vector_store %arg14[%swap3A_624], %swap3A_627 {strides = array<i32>} : memref<64xi32, #tpu.memory_space<vmem>>, vector<16xi32>,
      %dma_start3A_628 = arith.constant 0 : i32
      %dma_start3A_629 = arith.constant 0 : i32
      %dma_start3A_630 = tpu.memref_slice %arg21[%dma_start3A_628, %dma_start3A_629] : memref<10240x128xf32, #tpu.memory_space<vmem_shared>> -> memref<10240x128xf32, #tpu.memory_space<vmem_shared>>
      tpu.enqueue_indirect_dma source(%arg18 : memref<64x128xf32, #tpu.memory_space<vmem>>) target(%dma_start3A_630 : memref<10240x128xf32, #tpu.memory_space<vmem_shared>>) offsets(%arg14 : memref<64xi32, #tpu.memory_space<vmem>>) semaphore(%arg27 : memref<!tpu.dma_semaphore, #tpu.memory_space<semaphore_mem>>) {add = true}
      %mul3A_631 = arith.constant 2 : i32
      %mul3A_632 = arith.muli %mul3A_631, %scan3A_504 : i32
      %add3A_633 = arith.constant 2 : i32
      %add3A_634 = arith.addi %mul3A_632, %add3A_633 : i32
      %add3A_635 = arith.constant 3 : i32
      %add3A_636 = arith.addi %add3A_576, %add3A_635 : i32
      %lt3A_637 = arith.constant 80 : i32
      %lt3A_638 = arith.cmpi slt, %add3A_636, %lt3A_637 : i32
      %convert_element_type3A_639 = arith.extui %lt3A_638 : i1 to i32
      %cond3A_640 = arith.constant 0 : i32
      %cond3A_641 = arith.cmpi ne, %convert_element_type3A_639, %cond3A_640 : i32
      scf.if %cond3A_641 {
        %add3A_780 = arith.constant 3 : i32
        %add3A_781 = arith.addi %add3A_576, %add3A_780 : i32
        %ge3A = arith.constant 4 : i32
        %ge3A_782 = arith.cmpi sge, %add3A_781, %ge3A : i32
        %convert_element_type3A_783 = arith.extui %ge3A_782 : i1 to i32
        %cond3A_784 = arith.constant 0 : i32
        %cond3A_785 = arith.cmpi ne, %convert_element_type3A_783, %cond3A_784 : i32
        scf.if %cond3A_785 {
          %dma_wait3A_829 = arith.constant 0 : i32
          %dma_wait3A_830 = arith.constant 0 : i32
          %dma_wait3A_831 = tpu.memref_slice %arg21[%dma_wait3A_829, %dma_wait3A_830] : memref<10240x128xf32, #tpu.memory_space<vmem_shared>> -> memref<10240x128xf32, #tpu.memory_space<vmem_shared>>
          tpu.wait_indirect_dma semaphore(%arg26 : memref<!tpu.dma_semaphore, #tpu.memory_space<semaphore_mem>>) src(%arg17 : memref<64x128xf32, #tpu.memory_space<vmem>>) dst(%dma_wait3A_831 : memref<10240x128xf32, #tpu.memory_space<vmem_shared>>)
        } else {
        }
        %get3A_786 = arith.index_cast %add3A_634 : i32 to index
        %get3A_787 = arith.constant 0 : index
        %get3A_788 = tpu.vector_load %arg7[%get3A_786, %get3A_787] {strides = array<i32>} : memref<40x128xi32, #tpu.memory_space<vmem>>, vector<1x16xi32>,
        %get3A_789 = vector.shape_cast %get3A_788 : vector<1x16xi32> to vector<16xi32>
        %add3A_790 = vector.broadcast %mul3A_2 : i32 to vector<16xi32>
        %add3A_791 = arith.addi %get3A_789, %add3A_790 : vector<16xi32>
        %swap3A_792 = arith.constant 0 : index
        %swap3A_793 = tpu.vector_load %arg9[%swap3A_792] {strides = array<i32>} : memref<64xi32, #tpu.memory_space<vmem>>, vector<16xi32>,
        %swap3A_794 = vector.shape_cast %swap3A_793 : vector<16xi32> to vector<16xi32>
        %swap3A_795 = vector.shape_cast %add3A_791 : vector<16xi32> to vector<16xi32>
        tpu.vector_store %arg9[%swap3A_792], %swap3A_795 {strides = array<i32>} : memref<64xi32, #tpu.memory_space<vmem>>, vector<16xi32>,
        %get3A_796 = arith.index_cast %add3A_634 : i32 to index
        %get3A_797 = arith.constant 16 : index
        %get3A_798 = tpu.vector_load %arg7[%get3A_796, %get3A_797] {strides = array<i32>} : memref<40x128xi32, #tpu.memory_space<vmem>>, vector<1x16xi32>,
        %get3A_799 = vector.shape_cast %get3A_798 : vector<1x16xi32> to vector<16xi32>
        %add3A_800 = vector.broadcast %mul3A_2 : i32 to vector<16xi32>
        %add3A_801 = arith.addi %get3A_799, %add3A_800 : vector<16xi32>
        %swap3A_802 = arith.constant 16 : index
        %swap3A_803 = tpu.vector_load %arg9[%swap3A_802] {strides = array<i32>} : memref<64xi32, #tpu.memory_space<vmem>>, vector<16xi32>,
        %swap3A_804 = vector.shape_cast %swap3A_803 : vector<16xi32> to vector<16xi32>
        %swap3A_805 = vector.shape_cast %add3A_801 : vector<16xi32> to vector<16xi32>
        tpu.vector_store %arg9[%swap3A_802], %swap3A_805 {strides = array<i32>} : memref<64xi32, #tpu.memory_space<vmem>>, vector<16xi32>,
        %get3A_806 = arith.index_cast %add3A_634 : i32 to index
        %get3A_807 = arith.constant 32 : index
        %get3A_808 = tpu.vector_load %arg7[%get3A_806, %get3A_807] {strides = array<i32>} : memref<40x128xi32, #tpu.memory_space<vmem>>, vector<1x16xi32>,
        %get3A_809 = vector.shape_cast %get3A_808 : vector<1x16xi32> to vector<16xi32>
        %add3A_810 = vector.broadcast %mul3A_2 : i32 to vector<16xi32>
        %add3A_811 = arith.addi %get3A_809, %add3A_810 : vector<16xi32>
        %swap3A_812 = arith.constant 32 : index
        %swap3A_813 = tpu.vector_load %arg9[%swap3A_812] {strides = array<i32>} : memref<64xi32, #tpu.memory_space<vmem>>, vector<16xi32>,
        %swap3A_814 = vector.shape_cast %swap3A_813 : vector<16xi32> to vector<16xi32>
        %swap3A_815 = vector.shape_cast %add3A_811 : vector<16xi32> to vector<16xi32>
        tpu.vector_store %arg9[%swap3A_812], %swap3A_815 {strides = array<i32>} : memref<64xi32, #tpu.memory_space<vmem>>, vector<16xi32>,
        %get3A_816 = arith.index_cast %add3A_634 : i32 to index
        %get3A_817 = arith.constant 48 : index
        %get3A_818 = tpu.vector_load %arg7[%get3A_816, %get3A_817] {strides = array<i32>} : memref<40x128xi32, #tpu.memory_space<vmem>>, vector<1x16xi32>,
        %get3A_819 = vector.shape_cast %get3A_818 : vector<1x16xi32> to vector<16xi32>
        %add3A_820 = vector.broadcast %mul3A_2 : i32 to vector<16xi32>
        %add3A_821 = arith.addi %get3A_819, %add3A_820 : vector<16xi32>
        %swap3A_822 = arith.constant 48 : index
        %swap3A_823 = tpu.vector_load %arg9[%swap3A_822] {strides = array<i32>} : memref<64xi32, #tpu.memory_space<vmem>>, vector<16xi32>,
        %swap3A_824 = vector.shape_cast %swap3A_823 : vector<16xi32> to vector<16xi32>
        %swap3A_825 = vector.shape_cast %add3A_821 : vector<16xi32> to vector<16xi32>
        tpu.vector_store %arg9[%swap3A_822], %swap3A_825 {strides = array<i32>} : memref<64xi32, #tpu.memory_space<vmem>>, vector<16xi32>,
        %dma_start3A_826 = arith.constant 0 : i32
        %dma_start3A_827 = arith.constant 0 : i32
        %dma_start3A_828 = tpu.memref_slice %arg2[%dma_start3A_826, %dma_start3A_827] : memref<40960x128xf32, #tpu.memory_space<hbm>> -> memref<40960x128xf32, #tpu.memory_space<hbm>>
        tpu.enqueue_indirect_dma source(%dma_start3A_828 : memref<40960x128xf32, #tpu.memory_space<hbm>>) target(%arg17 : memref<64x128xf32, #tpu.memory_space<vmem>>) offsets(%arg9 : memref<64xi32, #tpu.memory_space<vmem>>) semaphore(%arg22 : memref<!tpu.dma_semaphore, #tpu.memory_space<semaphore_mem>>)
      } else {
      }
      %mul3A_642 = arith.constant 4 : i32
      %mul3A_643 = arith.muli %mul3A_642, %scan3A_504 : i32
      %add3A_644 = arith.constant 2 : i32
      %add3A_645 = arith.addi %mul3A_643, %add3A_644 : i32
      %mul3A_646 = arith.constant 2 : i32
      %mul3A_647 = arith.muli %mul3A_646, %scan3A_504 : i32
      %add3A_648 = arith.constant 1 : i32
      %add3A_649 = arith.addi %mul3A_647, %add3A_648 : i32
      %dma_wait3A_650 = arith.constant 0 : i32
      %dma_wait3A_651 = arith.constant 0 : i32
      %dma_wait3A_652 = tpu.memref_slice %arg2[%dma_wait3A_650, %dma_wait3A_651] : memref<40960x128xf32, #tpu.memory_space<hbm>> -> memref<40960x128xf32, #tpu.memory_space<hbm>>
      tpu.wait_indirect_dma semaphore(%arg24 : memref<!tpu.dma_semaphore, #tpu.memory_space<semaphore_mem>>) src(%dma_wait3A_652 : memref<40960x128xf32, #tpu.memory_space<hbm>>) dst(%arg19 : memref<64x128xf32, #tpu.memory_space<vmem>>)
      %get3A_653 = arith.index_cast %add3A_649 : i32 to index
      %get3A_654 = arith.constant 0 : index
      %get3A_655 = tpu.vector_load %arg8[%get3A_653, %get3A_654] {strides = array<i32>} : memref<40x128xi32, #tpu.memory_space<vmem>>, vector<1x16xi32>,
      %get3A_656 = vector.shape_cast %get3A_655 : vector<1x16xi32> to vector<16xi32>
      %add3A_657 = arith.constant 0 : i32
      %add3A_658 = vector.broadcast %add3A_657 : i32 to vector<16xi32>
      %add3A_659 = arith.addi %get3A_656, %add3A_658 : vector<16xi32>
      %swap3A_660 = arith.constant 0 : index
      %swap3A_661 = tpu.vector_load %arg15[%swap3A_660] {strides = array<i32>} : memref<64xi32, #tpu.memory_space<vmem>>, vector<16xi32>,
      %swap3A_662 = vector.shape_cast %swap3A_661 : vector<16xi32> to vector<16xi32>
      %swap3A_663 = vector.shape_cast %add3A_659 : vector<16xi32> to vector<16xi32>
      tpu.vector_store %arg15[%swap3A_660], %swap3A_663 {strides = array<i32>} : memref<64xi32, #tpu.memory_space<vmem>>, vector<16xi32>,
      %get3A_664 = arith.index_cast %add3A_649 : i32 to index
      %get3A_665 = arith.constant 16 : index
      %get3A_666 = tpu.vector_load %arg8[%get3A_664, %get3A_665] {strides = array<i32>} : memref<40x128xi32, #tpu.memory_space<vmem>>, vector<1x16xi32>,
      %get3A_667 = vector.shape_cast %get3A_666 : vector<1x16xi32> to vector<16xi32>
      %add3A_668 = arith.constant 0 : i32
      %add3A_669 = vector.broadcast %add3A_668 : i32 to vector<16xi32>
      %add3A_670 = arith.addi %get3A_667, %add3A_669 : vector<16xi32>
      %swap3A_671 = arith.constant 16 : index
      %swap3A_672 = tpu.vector_load %arg15[%swap3A_671] {strides = array<i32>} : memref<64xi32, #tpu.memory_space<vmem>>, vector<16xi32>,
      %swap3A_673 = vector.shape_cast %swap3A_672 : vector<16xi32> to vector<16xi32>
      %swap3A_674 = vector.shape_cast %add3A_670 : vector<16xi32> to vector<16xi32>
      tpu.vector_store %arg15[%swap3A_671], %swap3A_674 {strides = array<i32>} : memref<64xi32, #tpu.memory_space<vmem>>, vector<16xi32>,
      %get3A_675 = arith.index_cast %add3A_649 : i32 to index
      %get3A_676 = arith.constant 32 : index
      %get3A_677 = tpu.vector_load %arg8[%get3A_675, %get3A_676] {strides = array<i32>} : memref<40x128xi32, #tpu.memory_space<vmem>>, vector<1x16xi32>,
      %get3A_678 = vector.shape_cast %get3A_677 : vector<1x16xi32> to vector<16xi32>
      %add3A_679 = arith.constant 0 : i32
      %add3A_680 = vector.broadcast %add3A_679 : i32 to vector<16xi32>
      %add3A_681 = arith.addi %get3A_678, %add3A_680 : vector<16xi32>
      %swap3A_682 = arith.constant 32 : index
      %swap3A_683 = tpu.vector_load %arg15[%swap3A_682] {strides = array<i32>} : memref<64xi32, #tpu.memory_space<vmem>>, vector<16xi32>,
      %swap3A_684 = vector.shape_cast %swap3A_683 : vector<16xi32> to vector<16xi32>
      %swap3A_685 = vector.shape_cast %add3A_681 : vector<16xi32> to vector<16xi32>
      tpu.vector_store %arg15[%swap3A_682], %swap3A_685 {strides = array<i32>} : memref<64xi32, #tpu.memory_space<vmem>>, vector<16xi32>,
      %get3A_686 = arith.index_cast %add3A_649 : i32 to index
      %get3A_687 = arith.constant 48 : index
      %get3A_688 = tpu.vector_load %arg8[%get3A_686, %get3A_687] {strides = array<i32>} : memref<40x128xi32, #tpu.memory_space<vmem>>, vector<1x16xi32>,
      %get3A_689 = vector.shape_cast %get3A_688 : vector<1x16xi32> to vector<16xi32>
      %add3A_690 = arith.constant 0 : i32
      %add3A_691 = vector.broadcast %add3A_690 : i32 to vector<16xi32>
      %add3A_692 = arith.addi %get3A_689, %add3A_691 : vector<16xi32>
      %swap3A_693 = arith.constant 48 : index
      %swap3A_694 = tpu.vector_load %arg15[%swap3A_693] {strides = array<i32>} : memref<64xi32, #tpu.memory_space<vmem>>, vector<16xi32>,
      %swap3A_695 = vector.shape_cast %swap3A_694 : vector<16xi32> to vector<16xi32>
      %swap3A_696 = vector.shape_cast %add3A_692 : vector<16xi32> to vector<16xi32>
      tpu.vector_store %arg15[%swap3A_693], %swap3A_696 {strides = array<i32>} : memref<64xi32, #tpu.memory_space<vmem>>, vector<16xi32>,
      %dma_start3A_697 = arith.constant 0 : i32
      %dma_start3A_698 = arith.constant 0 : i32
      %dma_start3A_699 = tpu.memref_slice %arg21[%dma_start3A_697, %dma_start3A_698] : memref<10240x128xf32, #tpu.memory_space<vmem_shared>> -> memref<10240x128xf32, #tpu.memory_space<vmem_shared>>
      tpu.enqueue_indirect_dma source(%arg19 : memref<64x128xf32, #tpu.memory_space<vmem>>) target(%dma_start3A_699 : memref<10240x128xf32, #tpu.memory_space<vmem_shared>>) offsets(%arg15 : memref<64xi32, #tpu.memory_space<vmem>>) semaphore(%arg28 : memref<!tpu.dma_semaphore, #tpu.memory_space<semaphore_mem>>) {add = true}
      %mul3A_700 = arith.constant 2 : i32
      %mul3A_701 = arith.muli %mul3A_700, %scan3A_504 : i32
      %add3A_702 = arith.constant 2 : i32
      %add3A_703 = arith.addi %mul3A_701, %add3A_702 : i32
      %add3A_704 = arith.constant 3 : i32
      %add3A_705 = arith.addi %add3A_645, %add3A_704 : i32
      %lt3A_706 = arith.constant 80 : i32
      %lt3A_707 = arith.cmpi slt, %add3A_705, %lt3A_706 : i32
      %convert_element_type3A_708 = arith.extui %lt3A_707 : i1 to i32
      %cond3A_709 = arith.constant 0 : i32
      %cond3A_710 = arith.cmpi ne, %convert_element_type3A_708, %cond3A_709 : i32
      scf.if %cond3A_710 {
        %add3A_780 = arith.constant 3 : i32
        %add3A_781 = arith.addi %add3A_645, %add3A_780 : i32
        %ge3A = arith.constant 4 : i32
        %ge3A_782 = arith.cmpi sge, %add3A_781, %ge3A : i32
        %convert_element_type3A_783 = arith.extui %ge3A_782 : i1 to i32
        %cond3A_784 = arith.constant 0 : i32
        %cond3A_785 = arith.cmpi ne, %convert_element_type3A_783, %cond3A_784 : i32
        scf.if %cond3A_785 {
          %dma_wait3A_829 = arith.constant 0 : i32
          %dma_wait3A_830 = arith.constant 0 : i32
          %dma_wait3A_831 = tpu.memref_slice %arg21[%dma_wait3A_829, %dma_wait3A_830] : memref<10240x128xf32, #tpu.memory_space<vmem_shared>> -> memref<10240x128xf32, #tpu.memory_space<vmem_shared>>
          tpu.wait_indirect_dma semaphore(%arg27 : memref<!tpu.dma_semaphore, #tpu.memory_space<semaphore_mem>>) src(%arg18 : memref<64x128xf32, #tpu.memory_space<vmem>>) dst(%dma_wait3A_831 : memref<10240x128xf32, #tpu.memory_space<vmem_shared>>)
        } else {
        }
        %get3A_786 = arith.index_cast %add3A_703 : i32 to index
        %get3A_787 = arith.constant 64 : index
        %get3A_788 = tpu.vector_load %arg7[%get3A_786, %get3A_787] {strides = array<i32>} : memref<40x128xi32, #tpu.memory_space<vmem>>, vector<1x16xi32>,
        %get3A_789 = vector.shape_cast %get3A_788 : vector<1x16xi32> to vector<16xi32>
        %add3A_790 = vector.broadcast %mul3A_2 : i32 to vector<16xi32>
        %add3A_791 = arith.addi %get3A_789, %add3A_790 : vector<16xi32>
        %swap3A_792 = arith.constant 0 : index
        %swap3A_793 = tpu.vector_load %arg10[%swap3A_792] {strides = array<i32>} : memref<64xi32, #tpu.memory_space<vmem>>, vector<16xi32>,
        %swap3A_794 = vector.shape_cast %swap3A_793 : vector<16xi32> to vector<16xi32>
        %swap3A_795 = vector.shape_cast %add3A_791 : vector<16xi32> to vector<16xi32>
        tpu.vector_store %arg10[%swap3A_792], %swap3A_795 {strides = array<i32>} : memref<64xi32, #tpu.memory_space<vmem>>, vector<16xi32>,
        %get3A_796 = arith.index_cast %add3A_703 : i32 to index
        %get3A_797 = arith.constant 80 : index
        %get3A_798 = tpu.vector_load %arg7[%get3A_796, %get3A_797] {strides = array<i32>} : memref<40x128xi32, #tpu.memory_space<vmem>>, vector<1x16xi32>,
        %get3A_799 = vector.shape_cast %get3A_798 : vector<1x16xi32> to vector<16xi32>
        %add3A_800 = vector.broadcast %mul3A_2 : i32 to vector<16xi32>
        %add3A_801 = arith.addi %get3A_799, %add3A_800 : vector<16xi32>
        %swap3A_802 = arith.constant 16 : index
        %swap3A_803 = tpu.vector_load %arg10[%swap3A_802] {strides = array<i32>} : memref<64xi32, #tpu.memory_space<vmem>>, vector<16xi32>,
        %swap3A_804 = vector.shape_cast %swap3A_803 : vector<16xi32> to vector<16xi32>
        %swap3A_805 = vector.shape_cast %add3A_801 : vector<16xi32> to vector<16xi32>
        tpu.vector_store %arg10[%swap3A_802], %swap3A_805 {strides = array<i32>} : memref<64xi32, #tpu.memory_space<vmem>>, vector<16xi32>,
        %get3A_806 = arith.index_cast %add3A_703 : i32 to index
        %get3A_807 = arith.constant 96 : index
        %get3A_808 = tpu.vector_load %arg7[%get3A_806, %get3A_807] {strides = array<i32>} : memref<40x128xi32, #tpu.memory_space<vmem>>, vector<1x16xi32>,
        %get3A_809 = vector.shape_cast %get3A_808 : vector<1x16xi32> to vector<16xi32>
        %add3A_810 = vector.broadcast %mul3A_2 : i32 to vector<16xi32>
        %add3A_811 = arith.addi %get3A_809, %add3A_810 : vector<16xi32>
        %swap3A_812 = arith.constant 32 : index
        %swap3A_813 = tpu.vector_load %arg10[%swap3A_812] {strides = array<i32>} : memref<64xi32, #tpu.memory_space<vmem>>, vector<16xi32>,
        %swap3A_814 = vector.shape_cast %swap3A_813 : vector<16xi32> to vector<16xi32>
        %swap3A_815 = vector.shape_cast %add3A_811 : vector<16xi32> to vector<16xi32>
        tpu.vector_store %arg10[%swap3A_812], %swap3A_815 {strides = array<i32>} : memref<64xi32, #tpu.memory_space<vmem>>, vector<16xi32>,
        %get3A_816 = arith.index_cast %add3A_703 : i32 to index
        %get3A_817 = arith.constant 112 : index
        %get3A_818 = tpu.vector_load %arg7[%get3A_816, %get3A_817] {strides = array<i32>} : memref<40x128xi32, #tpu.memory_space<vmem>>, vector<1x16xi32>,
        %get3A_819 = vector.shape_cast %get3A_818 : vector<1x16xi32> to vector<16xi32>
        %add3A_820 = vector.broadcast %mul3A_2 : i32 to vector<16xi32>
        %add3A_821 = arith.addi %get3A_819, %add3A_820 : vector<16xi32>
        %swap3A_822 = arith.constant 48 : index
        %swap3A_823 = tpu.vector_load %arg10[%swap3A_822] {strides = array<i32>} : memref<64xi32, #tpu.memory_space<vmem>>, vector<16xi32>,
        %swap3A_824 = vector.shape_cast %swap3A_823 : vector<16xi32> to vector<16xi32>
        %swap3A_825 = vector.shape_cast %add3A_821 : vector<16xi32> to vector<16xi32>
        tpu.vector_store %arg10[%swap3A_822], %swap3A_825 {strides = array<i32>} : memref<64xi32, #tpu.memory_space<vmem>>, vector<16xi32>,
        %dma_start3A_826 = arith.constant 0 : i32
        %dma_start3A_827 = arith.constant 0 : i32
        %dma_start3A_828 = tpu.memref_slice %arg2[%dma_start3A_826, %dma_start3A_827] : memref<40960x128xf32, #tpu.memory_space<hbm>> -> memref<40960x128xf32, #tpu.memory_space<hbm>>
        tpu.enqueue_indirect_dma source(%dma_start3A_828 : memref<40960x128xf32, #tpu.memory_space<hbm>>) target(%arg18 : memref<64x128xf32, #tpu.memory_space<vmem>>) offsets(%arg10 : memref<64xi32, #tpu.memory_space<vmem>>) semaphore(%arg23 : memref<!tpu.dma_semaphore, #tpu.memory_space<semaphore_mem>>)
      } else {
      }
      %mul3A_711 = arith.constant 4 : i32
      %mul3A_712 = arith.muli %mul3A_711, %scan3A_504 : i32
      %add3A_713 = arith.constant 3 : i32
      %add3A_714 = arith.addi %mul3A_712, %add3A_713 : i32
      %mul3A_715 = arith.constant 2 : i32
      %mul3A_716 = arith.muli %mul3A_715, %scan3A_504 : i32
      %add3A_717 = arith.constant 1 : i32
      %add3A_718 = arith.addi %mul3A_716, %add3A_717 : i32
      %dma_wait3A_719 = arith.constant 0 : i32
      %dma_wait3A_720 = arith.constant 0 : i32
      %dma_wait3A_721 = tpu.memref_slice %arg2[%dma_wait3A_719, %dma_wait3A_720] : memref<40960x128xf32, #tpu.memory_space<hbm>> -> memref<40960x128xf32, #tpu.memory_space<hbm>>
      tpu.wait_indirect_dma semaphore(%arg25 : memref<!tpu.dma_semaphore, #tpu.memory_space<semaphore_mem>>) src(%dma_wait3A_721 : memref<40960x128xf32, #tpu.memory_space<hbm>>) dst(%arg20 : memref<64x128xf32, #tpu.memory_space<vmem>>)
      %get3A_722 = arith.index_cast %add3A_718 : i32 to index
      %get3A_723 = arith.constant 64 : index
      %get3A_724 = tpu.vector_load %arg8[%get3A_722, %get3A_723] {strides = array<i32>} : memref<40x128xi32, #tpu.memory_space<vmem>>, vector<1x16xi32>,
      %get3A_725 = vector.shape_cast %get3A_724 : vector<1x16xi32> to vector<16xi32>
      %add3A_726 = arith.constant 0 : i32
      %add3A_727 = vector.broadcast %add3A_726 : i32 to vector<16xi32>
      %add3A_728 = arith.addi %get3A_725, %add3A_727 : vector<16xi32>
      %swap3A_729 = arith.constant 0 : index
      %swap3A_730 = tpu.vector_load %arg16[%swap3A_729] {strides = array<i32>} : memref<64xi32, #tpu.memory_space<vmem>>, vector<16xi32>,
      %swap3A_731 = vector.shape_cast %swap3A_730 : vector<16xi32> to vector<16xi32>
      %swap3A_732 = vector.shape_cast %add3A_728 : vector<16xi32> to vector<16xi32>
      tpu.vector_store %arg16[%swap3A_729], %swap3A_732 {strides = array<i32>} : memref<64xi32, #tpu.memory_space<vmem>>, vector<16xi32>,
      %get3A_733 = arith.index_cast %add3A_718 : i32 to index
      %get3A_734 = arith.constant 80 : index
      %get3A_735 = tpu.vector_load %arg8[%get3A_733, %get3A_734] {strides = array<i32>} : memref<40x128xi32, #tpu.memory_space<vmem>>, vector<1x16xi32>,
      %get3A_736 = vector.shape_cast %get3A_735 : vector<1x16xi32> to vector<16xi32>
      %add3A_737 = arith.constant 0 : i32
      %add3A_738 = vector.broadcast %add3A_737 : i32 to vector<16xi32>
      %add3A_739 = arith.addi %get3A_736, %add3A_738 : vector<16xi32>
      %swap3A_740 = arith.constant 16 : index
      %swap3A_741 = tpu.vector_load %arg16[%swap3A_740] {strides = array<i32>} : memref<64xi32, #tpu.memory_space<vmem>>, vector<16xi32>,
      %swap3A_742 = vector.shape_cast %swap3A_741 : vector<16xi32> to vector<16xi32>
      %swap3A_743 = vector.shape_cast %add3A_739 : vector<16xi32> to vector<16xi32>
      tpu.vector_store %arg16[%swap3A_740], %swap3A_743 {strides = array<i32>} : memref<64xi32, #tpu.memory_space<vmem>>, vector<16xi32>,
      %get3A_744 = arith.index_cast %add3A_718 : i32 to index
      %get3A_745 = arith.constant 96 : index
      %get3A_746 = tpu.vector_load %arg8[%get3A_744, %get3A_745] {strides = array<i32>} : memref<40x128xi32, #tpu.memory_space<vmem>>, vector<1x16xi32>,
      %get3A_747 = vector.shape_cast %get3A_746 : vector<1x16xi32> to vector<16xi32>
      %add3A_748 = arith.constant 0 : i32
      %add3A_749 = vector.broadcast %add3A_748 : i32 to vector<16xi32>
      %add3A_750 = arith.addi %get3A_747, %add3A_749 : vector<16xi32>
      %swap3A_751 = arith.constant 32 : index
      %swap3A_752 = tpu.vector_load %arg16[%swap3A_751] {strides = array<i32>} : memref<64xi32, #tpu.memory_space<vmem>>, vector<16xi32>,
      %swap3A_753 = vector.shape_cast %swap3A_752 : vector<16xi32> to vector<16xi32>
      %swap3A_754 = vector.shape_cast %add3A_750 : vector<16xi32> to vector<16xi32>
      tpu.vector_store %arg16[%swap3A_751], %swap3A_754 {strides = array<i32>} : memref<64xi32, #tpu.memory_space<vmem>>, vector<16xi32>,
      %get3A_755 = arith.index_cast %add3A_718 : i32 to index
      %get3A_756 = arith.constant 112 : index
      %get3A_757 = tpu.vector_load %arg8[%get3A_755, %get3A_756] {strides = array<i32>} : memref<40x128xi32, #tpu.memory_space<vmem>>, vector<1x16xi32>,
      %get3A_758 = vector.shape_cast %get3A_757 : vector<1x16xi32> to vector<16xi32>
      %add3A_759 = arith.constant 0 : i32
      %add3A_760 = vector.broadcast %add3A_759 : i32 to vector<16xi32>
      %add3A_761 = arith.addi %get3A_758, %add3A_760 : vector<16xi32>
      %swap3A_762 = arith.constant 48 : index
      %swap3A_763 = tpu.vector_load %arg16[%swap3A_762] {strides = array<i32>} : memref<64xi32, #tpu.memory_space<vmem>>, vector<16xi32>,
      %swap3A_764 = vector.shape_cast %swap3A_763 : vector<16xi32> to vector<16xi32>
      %swap3A_765 = vector.shape_cast %add3A_761 : vector<16xi32> to vector<16xi32>
      tpu.vector_store %arg16[%swap3A_762], %swap3A_765 {strides = array<i32>} : memref<64xi32, #tpu.memory_space<vmem>>, vector<16xi32>,
      %dma_start3A_766 = arith.constant 0 : i32
      %dma_start3A_767 = arith.constant 0 : i32
      %dma_start3A_768 = tpu.memref_slice %arg21[%dma_start3A_766, %dma_start3A_767] : memref<10240x128xf32, #tpu.memory_space<vmem_shared>> -> memref<10240x128xf32, #tpu.memory_space<vmem_shared>>
      tpu.enqueue_indirect_dma source(%arg20 : memref<64x128xf32, #tpu.memory_space<vmem>>) target(%dma_start3A_768 : memref<10240x128xf32, #tpu.memory_space<vmem_shared>>) offsets(%arg16 : memref<64xi32, #tpu.memory_space<vmem>>) semaphore(%arg29 : memref<!tpu.dma_semaphore, #tpu.memory_space<semaphore_mem>>) {add = true}
      %mul3A_769 = arith.constant 2 : i32
      %mul3A_770 = arith.muli %mul3A_769, %scan3A_504 : i32
      %add3A_771 = arith.constant 3 : i32
      %add3A_772 = arith.addi %mul3A_770, %add3A_771 : i32
      %add3A_773 = arith.constant 3 : i32
      %add3A_774 = arith.addi %add3A_714, %add3A_773 : i32
      %lt3A_775 = arith.constant 80 : i32
      %lt3A_776 = arith.cmpi slt, %add3A_774, %lt3A_775 : i32
      %convert_element_type3A_777 = arith.extui %lt3A_776 : i1 to i32
      %cond3A_778 = arith.constant 0 : i32
      %cond3A_779 = arith.cmpi ne, %convert_element_type3A_777, %cond3A_778 : i32
      scf.if %cond3A_779 {
        %add3A_780 = arith.constant 3 : i32
        %add3A_781 = arith.addi %add3A_714, %add3A_780 : i32
        %ge3A = arith.constant 4 : i32
        %ge3A_782 = arith.cmpi sge, %add3A_781, %ge3A : i32
        %convert_element_type3A_783 = arith.extui %ge3A_782 : i1 to i32
        %cond3A_784 = arith.constant 0 : i32
        %cond3A_785 = arith.cmpi ne, %convert_element_type3A_783, %cond3A_784 : i32
        scf.if %cond3A_785 {
          %dma_wait3A_829 = arith.constant 0 : i32
          %dma_wait3A_830 = arith.constant 0 : i32
          %dma_wait3A_831 = tpu.memref_slice %arg21[%dma_wait3A_829, %dma_wait3A_830] : memref<10240x128xf32, #tpu.memory_space<vmem_shared>> -> memref<10240x128xf32, #tpu.memory_space<vmem_shared>>
          tpu.wait_indirect_dma semaphore(%arg28 : memref<!tpu.dma_semaphore, #tpu.memory_space<semaphore_mem>>) src(%arg19 : memref<64x128xf32, #tpu.memory_space<vmem>>) dst(%dma_wait3A_831 : memref<10240x128xf32, #tpu.memory_space<vmem_shared>>)
        } else {
        }
        %get3A_786 = arith.index_cast %add3A_772 : i32 to index
        %get3A_787 = arith.constant 0 : index
        %get3A_788 = tpu.vector_load %arg7[%get3A_786, %get3A_787] {strides = array<i32>} : memref<40x128xi32, #tpu.memory_space<vmem>>, vector<1x16xi32>,
        %get3A_789 = vector.shape_cast %get3A_788 : vector<1x16xi32> to vector<16xi32>
        %add3A_790 = vector.broadcast %mul3A_2 : i32 to vector<16xi32>
        %add3A_791 = arith.addi %get3A_789, %add3A_790 : vector<16xi32>
        %swap3A_792 = arith.constant 0 : index
        %swap3A_793 = tpu.vector_load %arg11[%swap3A_792] {strides = array<i32>} : memref<64xi32, #tpu.memory_space<vmem>>, vector<16xi32>,
        %swap3A_794 = vector.shape_cast %swap3A_793 : vector<16xi32> to vector<16xi32>
        %swap3A_795 = vector.shape_cast %add3A_791 : vector<16xi32> to vector<16xi32>
        tpu.vector_store %arg11[%swap3A_792], %swap3A_795 {strides = array<i32>} : memref<64xi32, #tpu.memory_space<vmem>>, vector<16xi32>,
        %get3A_796 = arith.index_cast %add3A_772 : i32 to index
        %get3A_797 = arith.constant 16 : index
        %get3A_798 = tpu.vector_load %arg7[%get3A_796, %get3A_797] {strides = array<i32>} : memref<40x128xi32, #tpu.memory_space<vmem>>, vector<1x16xi32>,
        %get3A_799 = vector.shape_cast %get3A_798 : vector<1x16xi32> to vector<16xi32>
        %add3A_800 = vector.broadcast %mul3A_2 : i32 to vector<16xi32>
        %add3A_801 = arith.addi %get3A_799, %add3A_800 : vector<16xi32>
        %swap3A_802 = arith.constant 16 : index
        %swap3A_803 = tpu.vector_load %arg11[%swap3A_802] {strides = array<i32>} : memref<64xi32, #tpu.memory_space<vmem>>, vector<16xi32>,
        %swap3A_804 = vector.shape_cast %swap3A_803 : vector<16xi32> to vector<16xi32>
        %swap3A_805 = vector.shape_cast %add3A_801 : vector<16xi32> to vector<16xi32>
        tpu.vector_store %arg11[%swap3A_802], %swap3A_805 {strides = array<i32>} : memref<64xi32, #tpu.memory_space<vmem>>, vector<16xi32>,
        %get3A_806 = arith.index_cast %add3A_772 : i32 to index
        %get3A_807 = arith.constant 32 : index
        %get3A_808 = tpu.vector_load %arg7[%get3A_806, %get3A_807] {strides = array<i32>} : memref<40x128xi32, #tpu.memory_space<vmem>>, vector<1x16xi32>,
        %get3A_809 = vector.shape_cast %get3A_808 : vector<1x16xi32> to vector<16xi32>
        %add3A_810 = vector.broadcast %mul3A_2 : i32 to vector<16xi32>
        %add3A_811 = arith.addi %get3A_809, %add3A_810 : vector<16xi32>
        %swap3A_812 = arith.constant 32 : index
        %swap3A_813 = tpu.vector_load %arg11[%swap3A_812] {strides = array<i32>} : memref<64xi32, #tpu.memory_space<vmem>>, vector<16xi32>,
        %swap3A_814 = vector.shape_cast %swap3A_813 : vector<16xi32> to vector<16xi32>
        %swap3A_815 = vector.shape_cast %add3A_811 : vector<16xi32> to vector<16xi32>
        tpu.vector_store %arg11[%swap3A_812], %swap3A_815 {strides = array<i32>} : memref<64xi32, #tpu.memory_space<vmem>>, vector<16xi32>,
        %get3A_816 = arith.index_cast %add3A_772 : i32 to index
        %get3A_817 = arith.constant 48 : index
        %get3A_818 = tpu.vector_load %arg7[%get3A_816, %get3A_817] {strides = array<i32>} : memref<40x128xi32, #tpu.memory_space<vmem>>, vector<1x16xi32>,
        %get3A_819 = vector.shape_cast %get3A_818 : vector<1x16xi32> to vector<16xi32>
        %add3A_820 = vector.broadcast %mul3A_2 : i32 to vector<16xi32>
        %add3A_821 = arith.addi %get3A_819, %add3A_820 : vector<16xi32>
        %swap3A_822 = arith.constant 48 : index
        %swap3A_823 = tpu.vector_load %arg11[%swap3A_822] {strides = array<i32>} : memref<64xi32, #tpu.memory_space<vmem>>, vector<16xi32>,
        %swap3A_824 = vector.shape_cast %swap3A_823 : vector<16xi32> to vector<16xi32>
        %swap3A_825 = vector.shape_cast %add3A_821 : vector<16xi32> to vector<16xi32>
        tpu.vector_store %arg11[%swap3A_822], %swap3A_825 {strides = array<i32>} : memref<64xi32, #tpu.memory_space<vmem>>, vector<16xi32>,
        %dma_start3A_826 = arith.constant 0 : i32
        %dma_start3A_827 = arith.constant 0 : i32
        %dma_start3A_828 = tpu.memref_slice %arg2[%dma_start3A_826, %dma_start3A_827] : memref<40960x128xf32, #tpu.memory_space<hbm>> -> memref<40960x128xf32, #tpu.memory_space<hbm>>
        tpu.enqueue_indirect_dma source(%dma_start3A_828 : memref<40960x128xf32, #tpu.memory_space<hbm>>) target(%arg19 : memref<64x128xf32, #tpu.memory_space<vmem>>) offsets(%arg11 : memref<64xi32, #tpu.memory_space<vmem>>) semaphore(%arg24 : memref<!tpu.dma_semaphore, #tpu.memory_space<semaphore_mem>>)
      } else {
      }
    }
    %scan3A_149 = arith.constant 20 : i32
    %dma_wait3A = arith.constant 0 : i32
    %dma_wait3A_150 = arith.constant 0 : i32
    %dma_wait3A_151 = tpu.memref_slice %arg21[%dma_wait3A, %dma_wait3A_150] : memref<10240x128xf32, #tpu.memory_space<vmem_shared>> -> memref<10240x128xf32, #tpu.memory_space<vmem_shared>>
    tpu.wait_indirect_dma semaphore(%arg26 : memref<!tpu.dma_semaphore, #tpu.memory_space<semaphore_mem>>) src(%arg17 : memref<64x128xf32, #tpu.memory_space<vmem>>) dst(%dma_wait3A_151 : memref<10240x128xf32, #tpu.memory_space<vmem_shared>>)
    %dma_wait3A_152 = arith.constant 0 : i32
    %dma_wait3A_153 = arith.constant 0 : i32
    %dma_wait3A_154 = tpu.memref_slice %arg21[%dma_wait3A_152, %dma_wait3A_153] : memref<10240x128xf32, #tpu.memory_space<vmem_shared>> -> memref<10240x128xf32, #tpu.memory_space<vmem_shared>>
    tpu.wait_indirect_dma semaphore(%arg27 : memref<!tpu.dma_semaphore, #tpu.memory_space<semaphore_mem>>) src(%arg18 : memref<64x128xf32, #tpu.memory_space<vmem>>) dst(%dma_wait3A_154 : memref<10240x128xf32, #tpu.memory_space<vmem_shared>>)
    %dma_wait3A_155 = arith.constant 0 : i32
    %dma_wait3A_156 = arith.constant 0 : i32
    %dma_wait3A_157 = tpu.memref_slice %arg21[%dma_wait3A_155, %dma_wait3A_156] : memref<10240x128xf32, #tpu.memory_space<vmem_shared>> -> memref<10240x128xf32, #tpu.memory_space<vmem_shared>>
    tpu.wait_indirect_dma semaphore(%arg28 : memref<!tpu.dma_semaphore, #tpu.memory_space<semaphore_mem>>) src(%arg19 : memref<64x128xf32, #tpu.memory_space<vmem>>) dst(%dma_wait3A_157 : memref<10240x128xf32, #tpu.memory_space<vmem_shared>>)
    %dma_wait3A_158 = arith.constant 0 : i32
    %dma_wait3A_159 = arith.constant 0 : i32
    %dma_wait3A_160 = tpu.memref_slice %arg21[%dma_wait3A_158, %dma_wait3A_159] : memref<10240x128xf32, #tpu.memory_space<vmem_shared>> -> memref<10240x128xf32, #tpu.memory_space<vmem_shared>>
    tpu.wait_indirect_dma semaphore(%arg29 : memref<!tpu.dma_semaphore, #tpu.memory_space<semaphore_mem>>) src(%arg20 : memref<64x128xf32, #tpu.memory_space<vmem>>) dst(%dma_wait3A_160 : memref<10240x128xf32, #tpu.memory_space<vmem_shared>>)
    %mul3A_161 = arith.constant 80 : i32
    %mul3A_162 = arith.muli %arg1, %mul3A_161 : i32
    %add3A_163 = arith.constant 40 : i32
    %add3A_164 = arith.addi %mul3A_162, %add3A_163 : i32
    "tpu.region"() ({
      %run_scoped3A = tpu.sem_alloc : memref<!tpu.dma_semaphore, #tpu.memory_space<semaphore_mem>>
      %dma_start3A_504 = arith.constant 0 : i32
      %dma_start3A_505 = tpu.memref_slice %arg3[%add3A_164, %dma_start3A_504] : memref<1280x128xi32, #tpu.memory_space<hbm>> -> memref<40x128xi32, #tpu.memory_space<hbm>>
      %dma_start3A_506 = arith.constant 0 : i32
      %dma_start3A_507 = tpu.memref_slice %arg3[%add3A_164, %dma_start3A_506] : memref<1280x128xi32, #tpu.memory_space<hbm>> -> memref<40x128xi32, #tpu.memory_space<hbm>>
      tpu.enqueue_dma source(%dma_start3A_507 : memref<40x128xi32, #tpu.memory_space<hbm>>) target(%arg7 : memref<40x128xi32, #tpu.memory_space<vmem>>) target_semaphore(%run_scoped3A : memref<!tpu.dma_semaphore, #tpu.memory_space<semaphore_mem>>)
      %dma_wait3A_508 = arith.constant 0 : i32
      %dma_wait3A_509 = tpu.memref_slice %arg3[%add3A_164, %dma_wait3A_508] : memref<1280x128xi32, #tpu.memory_space<hbm>> -> memref<40x128xi32, #tpu.memory_space<hbm>>
      %dma_wait3A_510 = arith.constant 0 : i32
      %dma_wait3A_511 = tpu.memref_slice %arg3[%add3A_164, %dma_wait3A_510] : memref<1280x128xi32, #tpu.memory_space<hbm>> -> memref<40x128xi32, #tpu.memory_space<hbm>>
      tpu.wait_dma2 semaphore(%run_scoped3A : memref<!tpu.dma_semaphore, #tpu.memory_space<semaphore_mem>>) src(%dma_wait3A_511 : memref<40x128xi32, #tpu.memory_space<hbm>>) dst(%arg7 : memref<40x128xi32, #tpu.memory_space<vmem>>)
      tpu.yield
    }) : () -> ()
    "tpu.region"() ({
      %run_scoped3A = tpu.sem_alloc : memref<!tpu.dma_semaphore, #tpu.memory_space<semaphore_mem>>
      %dma_start3A_504 = arith.constant 0 : i32
      %dma_start3A_505 = tpu.memref_slice %arg4[%add3A_164, %dma_start3A_504] : memref<1280x128xi32, #tpu.memory_space<hbm>> -> memref<40x128xi32, #tpu.memory_space<hbm>>
      %dma_start3A_506 = arith.constant 0 : i32
      %dma_start3A_507 = tpu.memref_slice %arg4[%add3A_164, %dma_start3A_506] : memref<1280x128xi32, #tpu.memory_space<hbm>> -> memref<40x128xi32, #tpu.memory_space<hbm>>
      tpu.enqueue_dma source(%dma_start3A_507 : memref<40x128xi32, #tpu.memory_space<hbm>>) target(%arg8 : memref<40x128xi32, #tpu.memory_space<vmem>>) target_semaphore(%run_scoped3A : memref<!tpu.dma_semaphore, #tpu.memory_space<semaphore_mem>>)
      %dma_wait3A_508 = arith.constant 0 : i32
      %dma_wait3A_509 = tpu.memref_slice %arg4[%add3A_164, %dma_wait3A_508] : memref<1280x128xi32, #tpu.memory_space<hbm>> -> memref<40x128xi32, #tpu.memory_space<hbm>>
      %dma_wait3A_510 = arith.constant 0 : i32
      %dma_wait3A_511 = tpu.memref_slice %arg4[%add3A_164, %dma_wait3A_510] : memref<1280x128xi32, #tpu.memory_space<hbm>> -> memref<40x128xi32, #tpu.memory_space<hbm>>
      tpu.wait_dma2 semaphore(%run_scoped3A : memref<!tpu.dma_semaphore, #tpu.memory_space<semaphore_mem>>) src(%dma_wait3A_511 : memref<40x128xi32, #tpu.memory_space<hbm>>) dst(%arg8 : memref<40x128xi32, #tpu.memory_space<vmem>>)
      tpu.yield
    }) : () -> ()
    %get3A_165 = arith.constant 0 : i32
    %get3A_166 = arith.index_cast %get3A_165 : i32 to index
    %get3A_167 = arith.constant 0 : index
    %get3A_168 = tpu.vector_load %arg7[%get3A_166, %get3A_167] {strides = array<i32>} : memref<40x128xi32, #tpu.memory_space<vmem>>, vector<1x16xi32>,
    %get3A_169 = vector.shape_cast %get3A_168 : vector<1x16xi32> to vector<16xi32>
    %add3A_170 = vector.broadcast %mul3A_2 : i32 to vector<16xi32>
    %add3A_171 = arith.addi %get3A_169, %add3A_170 : vector<16xi32>
    %swap3A_172 = arith.constant 0 : index
    %swap3A_173 = tpu.vector_load %arg9[%swap3A_172] {strides = array<i32>} : memref<64xi32, #tpu.memory_space<vmem>>, vector<16xi32>,
    %swap3A_174 = vector.shape_cast %swap3A_173 : vector<16xi32> to vector<16xi32>
    %swap3A_175 = vector.shape_cast %add3A_171 : vector<16xi32> to vector<16xi32>
    tpu.vector_store %arg9[%swap3A_172], %swap3A_175 {strides = array<i32>} : memref<64xi32, #tpu.memory_space<vmem>>, vector<16xi32>,
    %get3A_176 = arith.constant 0 : i32
    %get3A_177 = arith.index_cast %get3A_176 : i32 to index
    %get3A_178 = arith.constant 16 : index
    %get3A_179 = tpu.vector_load %arg7[%get3A_177, %get3A_178] {strides = array<i32>} : memref<40x128xi32, #tpu.memory_space<vmem>>, vector<1x16xi32>,
    %get3A_180 = vector.shape_cast %get3A_179 : vector<1x16xi32> to vector<16xi32>
    %add3A_181 = vector.broadcast %mul3A_2 : i32 to vector<16xi32>
    %add3A_182 = arith.addi %get3A_180, %add3A_181 : vector<16xi32>
    %swap3A_183 = arith.constant 16 : index
    %swap3A_184 = tpu.vector_load %arg9[%swap3A_183] {strides = array<i32>} : memref<64xi32, #tpu.memory_space<vmem>>, vector<16xi32>,
    %swap3A_185 = vector.shape_cast %swap3A_184 : vector<16xi32> to vector<16xi32>
    %swap3A_186 = vector.shape_cast %add3A_182 : vector<16xi32> to vector<16xi32>
    tpu.vector_store %arg9[%swap3A_183], %swap3A_186 {strides = array<i32>} : memref<64xi32, #tpu.memory_space<vmem>>, vector<16xi32>,
    %get3A_187 = arith.constant 0 : i32
    %get3A_188 = arith.index_cast %get3A_187 : i32 to index
    %get3A_189 = arith.constant 32 : index
    %get3A_190 = tpu.vector_load %arg7[%get3A_188, %get3A_189] {strides = array<i32>} : memref<40x128xi32, #tpu.memory_space<vmem>>, vector<1x16xi32>,
    %get3A_191 = vector.shape_cast %get3A_190 : vector<1x16xi32> to vector<16xi32>
    %add3A_192 = vector.broadcast %mul3A_2 : i32 to vector<16xi32>
    %add3A_193 = arith.addi %get3A_191, %add3A_192 : vector<16xi32>
    %swap3A_194 = arith.constant 32 : index
    %swap3A_195 = tpu.vector_load %arg9[%swap3A_194] {strides = array<i32>} : memref<64xi32, #tpu.memory_space<vmem>>, vector<16xi32>,
    %swap3A_196 = vector.shape_cast %swap3A_195 : vector<16xi32> to vector<16xi32>
    %swap3A_197 = vector.shape_cast %add3A_193 : vector<16xi32> to vector<16xi32>
    tpu.vector_store %arg9[%swap3A_194], %swap3A_197 {strides = array<i32>} : memref<64xi32, #tpu.memory_space<vmem>>, vector<16xi32>,
    %get3A_198 = arith.constant 0 : i32
    %get3A_199 = arith.index_cast %get3A_198 : i32 to index
    %get3A_200 = arith.constant 48 : index
    %get3A_201 = tpu.vector_load %arg7[%get3A_199, %get3A_200] {strides = array<i32>} : memref<40x128xi32, #tpu.memory_space<vmem>>, vector<1x16xi32>,
    %get3A_202 = vector.shape_cast %get3A_201 : vector<1x16xi32> to vector<16xi32>
    %add3A_203 = vector.broadcast %mul3A_2 : i32 to vector<16xi32>
    %add3A_204 = arith.addi %get3A_202, %add3A_203 : vector<16xi32>
    %swap3A_205 = arith.constant 48 : index
    %swap3A_206 = tpu.vector_load %arg9[%swap3A_205] {strides = array<i32>} : memref<64xi32, #tpu.memory_space<vmem>>, vector<16xi32>,
    %swap3A_207 = vector.shape_cast %swap3A_206 : vector<16xi32> to vector<16xi32>
    %swap3A_208 = vector.shape_cast %add3A_204 : vector<16xi32> to vector<16xi32>
    tpu.vector_store %arg9[%swap3A_205], %swap3A_208 {strides = array<i32>} : memref<64xi32, #tpu.memory_space<vmem>>, vector<16xi32>,
    %dma_start3A_209 = arith.constant 0 : i32
    %dma_start3A_210 = arith.constant 0 : i32
    %dma_start3A_211 = tpu.memref_slice %arg2[%dma_start3A_209, %dma_start3A_210] : memref<40960x128xf32, #tpu.memory_space<hbm>> -> memref<40960x128xf32, #tpu.memory_space<hbm>>
    tpu.enqueue_indirect_dma source(%dma_start3A_211 : memref<40960x128xf32, #tpu.memory_space<hbm>>) target(%arg17 : memref<64x128xf32, #tpu.memory_space<vmem>>) offsets(%arg9 : memref<64xi32, #tpu.memory_space<vmem>>) semaphore(%arg22 : memref<!tpu.dma_semaphore, #tpu.memory_space<semaphore_mem>>)
    %get3A_212 = arith.constant 0 : i32
    %get3A_213 = arith.index_cast %get3A_212 : i32 to index
    %get3A_214 = arith.constant 64 : index
    %get3A_215 = tpu.vector_load %arg7[%get3A_213, %get3A_214] {strides = array<i32>} : memref<40x128xi32, #tpu.memory_space<vmem>>, vector<1x16xi32>,
    %get3A_216 = vector.shape_cast %get3A_215 : vector<1x16xi32> to vector<16xi32>
    %add3A_217 = vector.broadcast %mul3A_2 : i32 to vector<16xi32>
    %add3A_218 = arith.addi %get3A_216, %add3A_217 : vector<16xi32>
    %swap3A_219 = arith.constant 0 : index
    %swap3A_220 = tpu.vector_load %arg10[%swap3A_219] {strides = array<i32>} : memref<64xi32, #tpu.memory_space<vmem>>, vector<16xi32>,
    %swap3A_221 = vector.shape_cast %swap3A_220 : vector<16xi32> to vector<16xi32>
    %swap3A_222 = vector.shape_cast %add3A_218 : vector<16xi32> to vector<16xi32>
    tpu.vector_store %arg10[%swap3A_219], %swap3A_222 {strides = array<i32>} : memref<64xi32, #tpu.memory_space<vmem>>, vector<16xi32>,
    %get3A_223 = arith.constant 0 : i32
    %get3A_224 = arith.index_cast %get3A_223 : i32 to index
    %get3A_225 = arith.constant 80 : index
    %get3A_226 = tpu.vector_load %arg7[%get3A_224, %get3A_225] {strides = array<i32>} : memref<40x128xi32, #tpu.memory_space<vmem>>, vector<1x16xi32>,
    %get3A_227 = vector.shape_cast %get3A_226 : vector<1x16xi32> to vector<16xi32>
    %add3A_228 = vector.broadcast %mul3A_2 : i32 to vector<16xi32>
    %add3A_229 = arith.addi %get3A_227, %add3A_228 : vector<16xi32>
    %swap3A_230 = arith.constant 16 : index
    %swap3A_231 = tpu.vector_load %arg10[%swap3A_230] {strides = array<i32>} : memref<64xi32, #tpu.memory_space<vmem>>, vector<16xi32>,
    %swap3A_232 = vector.shape_cast %swap3A_231 : vector<16xi32> to vector<16xi32>
    %swap3A_233 = vector.shape_cast %add3A_229 : vector<16xi32> to vector<16xi32>
    tpu.vector_store %arg10[%swap3A_230], %swap3A_233 {strides = array<i32>} : memref<64xi32, #tpu.memory_space<vmem>>, vector<16xi32>,
    %get3A_234 = arith.constant 0 : i32
    %get3A_235 = arith.index_cast %get3A_234 : i32 to index
    %get3A_236 = arith.constant 96 : index
    %get3A_237 = tpu.vector_load %arg7[%get3A_235, %get3A_236] {strides = array<i32>} : memref<40x128xi32, #tpu.memory_space<vmem>>, vector<1x16xi32>,
    %get3A_238 = vector.shape_cast %get3A_237 : vector<1x16xi32> to vector<16xi32>
    %add3A_239 = vector.broadcast %mul3A_2 : i32 to vector<16xi32>
    %add3A_240 = arith.addi %get3A_238, %add3A_239 : vector<16xi32>
    %swap3A_241 = arith.constant 32 : index
    %swap3A_242 = tpu.vector_load %arg10[%swap3A_241] {strides = array<i32>} : memref<64xi32, #tpu.memory_space<vmem>>, vector<16xi32>,
    %swap3A_243 = vector.shape_cast %swap3A_242 : vector<16xi32> to vector<16xi32>
    %swap3A_244 = vector.shape_cast %add3A_240 : vector<16xi32> to vector<16xi32>
    tpu.vector_store %arg10[%swap3A_241], %swap3A_244 {strides = array<i32>} : memref<64xi32, #tpu.memory_space<vmem>>, vector<16xi32>,
    %get3A_245 = arith.constant 0 : i32
    %get3A_246 = arith.index_cast %get3A_245 : i32 to index
    %get3A_247 = arith.constant 112 : index
    %get3A_248 = tpu.vector_load %arg7[%get3A_246, %get3A_247] {strides = array<i32>} : memref<40x128xi32, #tpu.memory_space<vmem>>, vector<1x16xi32>,
    %get3A_249 = vector.shape_cast %get3A_248 : vector<1x16xi32> to vector<16xi32>
    %add3A_250 = vector.broadcast %mul3A_2 : i32 to vector<16xi32>
    %add3A_251 = arith.addi %get3A_249, %add3A_250 : vector<16xi32>
    %swap3A_252 = arith.constant 48 : index
    %swap3A_253 = tpu.vector_load %arg10[%swap3A_252] {strides = array<i32>} : memref<64xi32, #tpu.memory_space<vmem>>, vector<16xi32>,
    %swap3A_254 = vector.shape_cast %swap3A_253 : vector<16xi32> to vector<16xi32>
    %swap3A_255 = vector.shape_cast %add3A_251 : vector<16xi32> to vector<16xi32>
    tpu.vector_store %arg10[%swap3A_252], %swap3A_255 {strides = array<i32>} : memref<64xi32, #tpu.memory_space<vmem>>, vector<16xi32>,
    %dma_start3A_256 = arith.constant 0 : i32
    %dma_start3A_257 = arith.constant 0 : i32
    %dma_start3A_258 = tpu.memref_slice %arg2[%dma_start3A_256, %dma_start3A_257] : memref<40960x128xf32, #tpu.memory_space<hbm>> -> memref<40960x128xf32, #tpu.memory_space<hbm>>
    tpu.enqueue_indirect_dma source(%dma_start3A_258 : memref<40960x128xf32, #tpu.memory_space<hbm>>) target(%arg18 : memref<64x128xf32, #tpu.memory_space<vmem>>) offsets(%arg10 : memref<64xi32, #tpu.memory_space<vmem>>) semaphore(%arg23 : memref<!tpu.dma_semaphore, #tpu.memory_space<semaphore_mem>>)
    %get3A_259 = arith.constant 1 : i32
    %get3A_260 = arith.index_cast %get3A_259 : i32 to index
    %get3A_261 = arith.constant 0 : index
    %get3A_262 = tpu.vector_load %arg7[%get3A_260, %get3A_261] {strides = array<i32>} : memref<40x128xi32, #tpu.memory_space<vmem>>, vector<1x16xi32>,
    %get3A_263 = vector.shape_cast %get3A_262 : vector<1x16xi32> to vector<16xi32>
    %add3A_264 = vector.broadcast %mul3A_2 : i32 to vector<16xi32>
    %add3A_265 = arith.addi %get3A_263, %add3A_264 : vector<16xi32>
    %swap3A_266 = arith.constant 0 : index
    %swap3A_267 = tpu.vector_load %arg11[%swap3A_266] {strides = array<i32>} : memref<64xi32, #tpu.memory_space<vmem>>, vector<16xi32>,
    %swap3A_268 = vector.shape_cast %swap3A_267 : vector<16xi32> to vector<16xi32>
    %swap3A_269 = vector.shape_cast %add3A_265 : vector<16xi32> to vector<16xi32>
    tpu.vector_store %arg11[%swap3A_266], %swap3A_269 {strides = array<i32>} : memref<64xi32, #tpu.memory_space<vmem>>, vector<16xi32>,
    %get3A_270 = arith.constant 1 : i32
    %get3A_271 = arith.index_cast %get3A_270 : i32 to index
    %get3A_272 = arith.constant 16 : index
    %get3A_273 = tpu.vector_load %arg7[%get3A_271, %get3A_272] {strides = array<i32>} : memref<40x128xi32, #tpu.memory_space<vmem>>, vector<1x16xi32>,
    %get3A_274 = vector.shape_cast %get3A_273 : vector<1x16xi32> to vector<16xi32>
    %add3A_275 = vector.broadcast %mul3A_2 : i32 to vector<16xi32>
    %add3A_276 = arith.addi %get3A_274, %add3A_275 : vector<16xi32>
    %swap3A_277 = arith.constant 16 : index
    %swap3A_278 = tpu.vector_load %arg11[%swap3A_277] {strides = array<i32>} : memref<64xi32, #tpu.memory_space<vmem>>, vector<16xi32>,
    %swap3A_279 = vector.shape_cast %swap3A_278 : vector<16xi32> to vector<16xi32>
    %swap3A_280 = vector.shape_cast %add3A_276 : vector<16xi32> to vector<16xi32>
    tpu.vector_store %arg11[%swap3A_277], %swap3A_280 {strides = array<i32>} : memref<64xi32, #tpu.memory_space<vmem>>, vector<16xi32>,
    %get3A_281 = arith.constant 1 : i32
    %get3A_282 = arith.index_cast %get3A_281 : i32 to index
    %get3A_283 = arith.constant 32 : index
    %get3A_284 = tpu.vector_load %arg7[%get3A_282, %get3A_283] {strides = array<i32>} : memref<40x128xi32, #tpu.memory_space<vmem>>, vector<1x16xi32>,
    %get3A_285 = vector.shape_cast %get3A_284 : vector<1x16xi32> to vector<16xi32>
    %add3A_286 = vector.broadcast %mul3A_2 : i32 to vector<16xi32>
    %add3A_287 = arith.addi %get3A_285, %add3A_286 : vector<16xi32>
    %swap3A_288 = arith.constant 32 : index
    %swap3A_289 = tpu.vector_load %arg11[%swap3A_288] {strides = array<i32>} : memref<64xi32, #tpu.memory_space<vmem>>, vector<16xi32>,
    %swap3A_290 = vector.shape_cast %swap3A_289 : vector<16xi32> to vector<16xi32>
    %swap3A_291 = vector.shape_cast %add3A_287 : vector<16xi32> to vector<16xi32>
    tpu.vector_store %arg11[%swap3A_288], %swap3A_291 {strides = array<i32>} : memref<64xi32, #tpu.memory_space<vmem>>, vector<16xi32>,
    %get3A_292 = arith.constant 1 : i32
    %get3A_293 = arith.index_cast %get3A_292 : i32 to index
    %get3A_294 = arith.constant 48 : index
    %get3A_295 = tpu.vector_load %arg7[%get3A_293, %get3A_294] {strides = array<i32>} : memref<40x128xi32, #tpu.memory_space<vmem>>, vector<1x16xi32>,
    %get3A_296 = vector.shape_cast %get3A_295 : vector<1x16xi32> to vector<16xi32>
    %add3A_297 = vector.broadcast %mul3A_2 : i32 to vector<16xi32>
    %add3A_298 = arith.addi %get3A_296, %add3A_297 : vector<16xi32>
    %swap3A_299 = arith.constant 48 : index
    %swap3A_300 = tpu.vector_load %arg11[%swap3A_299] {strides = array<i32>} : memref<64xi32, #tpu.memory_space<vmem>>, vector<16xi32>,
    %swap3A_301 = vector.shape_cast %swap3A_300 : vector<16xi32> to vector<16xi32>
    %swap3A_302 = vector.shape_cast %add3A_298 : vector<16xi32> to vector<16xi32>
    tpu.vector_store %arg11[%swap3A_299], %swap3A_302 {strides = array<i32>} : memref<64xi32, #tpu.memory_space<vmem>>, vector<16xi32>,
    %dma_start3A_303 = arith.constant 0 : i32
    %dma_start3A_304 = arith.constant 0 : i32
    %dma_start3A_305 = tpu.memref_slice %arg2[%dma_start3A_303, %dma_start3A_304] : memref<40960x128xf32, #tpu.memory_space<hbm>> -> memref<40960x128xf32, #tpu.memory_space<hbm>>
    tpu.enqueue_indirect_dma source(%dma_start3A_305 : memref<40960x128xf32, #tpu.memory_space<hbm>>) target(%arg19 : memref<64x128xf32, #tpu.memory_space<vmem>>) offsets(%arg11 : memref<64xi32, #tpu.memory_space<vmem>>) semaphore(%arg24 : memref<!tpu.dma_semaphore, #tpu.memory_space<semaphore_mem>>)
    %scan3A_306 = arith.constant 0 : i32
    %scan3A_307 = arith.constant 0 : i32
    %scan3A_308 = arith.constant 20 : i32
    %scan3A_309 = arith.addi %scan3A_307, %scan3A_308 : i32
    %scan3A_310 = arith.constant 1 : i32
    scf.for %scan3A_504 = %scan3A_307 to %scan3A_309 step %scan3A_310  : i32 {
      %mul3A_505 = arith.constant 4 : i32
      %mul3A_506 = arith.muli %mul3A_505, %scan3A_504 : i32
      %add3A_507 = arith.constant 0 : i32
      %add3A_508 = arith.addi %mul3A_506, %add3A_507 : i32
      %mul3A_509 = arith.constant 2 : i32
      %mul3A_510 = arith.muli %mul3A_509, %scan3A_504 : i32
      %add3A_511 = arith.constant 0 : i32
      %add3A_512 = arith.addi %mul3A_510, %add3A_511 : i32
      %dma_wait3A_513 = arith.constant 0 : i32
      %dma_wait3A_514 = arith.constant 0 : i32
      %dma_wait3A_515 = tpu.memref_slice %arg2[%dma_wait3A_513, %dma_wait3A_514] : memref<40960x128xf32, #tpu.memory_space<hbm>> -> memref<40960x128xf32, #tpu.memory_space<hbm>>
      tpu.wait_indirect_dma semaphore(%arg22 : memref<!tpu.dma_semaphore, #tpu.memory_space<semaphore_mem>>) src(%dma_wait3A_515 : memref<40960x128xf32, #tpu.memory_space<hbm>>) dst(%arg17 : memref<64x128xf32, #tpu.memory_space<vmem>>)
      %get3A_516 = arith.index_cast %add3A_512 : i32 to index
      %get3A_517 = arith.constant 0 : index
      %get3A_518 = tpu.vector_load %arg8[%get3A_516, %get3A_517] {strides = array<i32>} : memref<40x128xi32, #tpu.memory_space<vmem>>, vector<1x16xi32>,
      %get3A_519 = vector.shape_cast %get3A_518 : vector<1x16xi32> to vector<16xi32>
      %add3A_520 = arith.constant 0 : i32
      %add3A_521 = vector.broadcast %add3A_520 : i32 to vector<16xi32>
      %add3A_522 = arith.addi %get3A_519, %add3A_521 : vector<16xi32>
      %swap3A_523 = arith.constant 0 : index
      %swap3A_524 = tpu.vector_load %arg13[%swap3A_523] {strides = array<i32>} : memref<64xi32, #tpu.memory_space<vmem>>, vector<16xi32>,
      %swap3A_525 = vector.shape_cast %swap3A_524 : vector<16xi32> to vector<16xi32>
      %swap3A_526 = vector.shape_cast %add3A_522 : vector<16xi32> to vector<16xi32>
      tpu.vector_store %arg13[%swap3A_523], %swap3A_526 {strides = array<i32>} : memref<64xi32, #tpu.memory_space<vmem>>, vector<16xi32>,
      %get3A_527 = arith.index_cast %add3A_512 : i32 to index
      %get3A_528 = arith.constant 16 : index
      %get3A_529 = tpu.vector_load %arg8[%get3A_527, %get3A_528] {strides = array<i32>} : memref<40x128xi32, #tpu.memory_space<vmem>>, vector<1x16xi32>,
      %get3A_530 = vector.shape_cast %get3A_529 : vector<1x16xi32> to vector<16xi32>
      %add3A_531 = arith.constant 0 : i32
      %add3A_532 = vector.broadcast %add3A_531 : i32 to vector<16xi32>
      %add3A_533 = arith.addi %get3A_530, %add3A_532 : vector<16xi32>
      %swap3A_534 = arith.constant 16 : index
      %swap3A_535 = tpu.vector_load %arg13[%swap3A_534] {strides = array<i32>} : memref<64xi32, #tpu.memory_space<vmem>>, vector<16xi32>,
      %swap3A_536 = vector.shape_cast %swap3A_535 : vector<16xi32> to vector<16xi32>
      %swap3A_537 = vector.shape_cast %add3A_533 : vector<16xi32> to vector<16xi32>
      tpu.vector_store %arg13[%swap3A_534], %swap3A_537 {strides = array<i32>} : memref<64xi32, #tpu.memory_space<vmem>>, vector<16xi32>,
      %get3A_538 = arith.index_cast %add3A_512 : i32 to index
      %get3A_539 = arith.constant 32 : index
      %get3A_540 = tpu.vector_load %arg8[%get3A_538, %get3A_539] {strides = array<i32>} : memref<40x128xi32, #tpu.memory_space<vmem>>, vector<1x16xi32>,
      %get3A_541 = vector.shape_cast %get3A_540 : vector<1x16xi32> to vector<16xi32>
      %add3A_542 = arith.constant 0 : i32
      %add3A_543 = vector.broadcast %add3A_542 : i32 to vector<16xi32>
      %add3A_544 = arith.addi %get3A_541, %add3A_543 : vector<16xi32>
      %swap3A_545 = arith.constant 32 : index
      %swap3A_546 = tpu.vector_load %arg13[%swap3A_545] {strides = array<i32>} : memref<64xi32, #tpu.memory_space<vmem>>, vector<16xi32>,
      %swap3A_547 = vector.shape_cast %swap3A_546 : vector<16xi32> to vector<16xi32>
      %swap3A_548 = vector.shape_cast %add3A_544 : vector<16xi32> to vector<16xi32>
      tpu.vector_store %arg13[%swap3A_545], %swap3A_548 {strides = array<i32>} : memref<64xi32, #tpu.memory_space<vmem>>, vector<16xi32>,
      %get3A_549 = arith.index_cast %add3A_512 : i32 to index
      %get3A_550 = arith.constant 48 : index
      %get3A_551 = tpu.vector_load %arg8[%get3A_549, %get3A_550] {strides = array<i32>} : memref<40x128xi32, #tpu.memory_space<vmem>>, vector<1x16xi32>,
      %get3A_552 = vector.shape_cast %get3A_551 : vector<1x16xi32> to vector<16xi32>
      %add3A_553 = arith.constant 0 : i32
      %add3A_554 = vector.broadcast %add3A_553 : i32 to vector<16xi32>
      %add3A_555 = arith.addi %get3A_552, %add3A_554 : vector<16xi32>
      %swap3A_556 = arith.constant 48 : index
      %swap3A_557 = tpu.vector_load %arg13[%swap3A_556] {strides = array<i32>} : memref<64xi32, #tpu.memory_space<vmem>>, vector<16xi32>,
      %swap3A_558 = vector.shape_cast %swap3A_557 : vector<16xi32> to vector<16xi32>
      %swap3A_559 = vector.shape_cast %add3A_555 : vector<16xi32> to vector<16xi32>
      tpu.vector_store %arg13[%swap3A_556], %swap3A_559 {strides = array<i32>} : memref<64xi32, #tpu.memory_space<vmem>>, vector<16xi32>,
      %dma_start3A_560 = arith.constant 0 : i32
      %dma_start3A_561 = arith.constant 0 : i32
      %dma_start3A_562 = tpu.memref_slice %arg21[%dma_start3A_560, %dma_start3A_561] : memref<10240x128xf32, #tpu.memory_space<vmem_shared>> -> memref<10240x128xf32, #tpu.memory_space<vmem_shared>>
      tpu.enqueue_indirect_dma source(%arg17 : memref<64x128xf32, #tpu.memory_space<vmem>>) target(%dma_start3A_562 : memref<10240x128xf32, #tpu.memory_space<vmem_shared>>) offsets(%arg13 : memref<64xi32, #tpu.memory_space<vmem>>) semaphore(%arg26 : memref<!tpu.dma_semaphore, #tpu.memory_space<semaphore_mem>>) {add = true}
      %mul3A_563 = arith.constant 2 : i32
      %mul3A_564 = arith.muli %mul3A_563, %scan3A_504 : i32
      %add3A_565 = arith.constant 1 : i32
      %add3A_566 = arith.addi %mul3A_564, %add3A_565 : i32
      %add3A_567 = arith.constant 3 : i32
      %add3A_568 = arith.addi %add3A_508, %add3A_567 : i32
      %lt3A = arith.constant 80 : i32
      %lt3A_569 = arith.cmpi slt, %add3A_568, %lt3A : i32
      %convert_element_type3A_570 = arith.extui %lt3A_569 : i1 to i32
      %cond3A_571 = arith.constant 0 : i32
      %cond3A_572 = arith.cmpi ne, %convert_element_type3A_570, %cond3A_571 : i32
      scf.if %cond3A_572 {
        %add3A_780 = arith.constant 3 : i32
        %add3A_781 = arith.addi %add3A_508, %add3A_780 : i32
        %ge3A = arith.constant 4 : i32
        %ge3A_782 = arith.cmpi sge, %add3A_781, %ge3A : i32
        %convert_element_type3A_783 = arith.extui %ge3A_782 : i1 to i32
        %cond3A_784 = arith.constant 0 : i32
        %cond3A_785 = arith.cmpi ne, %convert_element_type3A_783, %cond3A_784 : i32
        scf.if %cond3A_785 {
          %dma_wait3A_829 = arith.constant 0 : i32
          %dma_wait3A_830 = arith.constant 0 : i32
          %dma_wait3A_831 = tpu.memref_slice %arg21[%dma_wait3A_829, %dma_wait3A_830] : memref<10240x128xf32, #tpu.memory_space<vmem_shared>> -> memref<10240x128xf32, #tpu.memory_space<vmem_shared>>
          tpu.wait_indirect_dma semaphore(%arg29 : memref<!tpu.dma_semaphore, #tpu.memory_space<semaphore_mem>>) src(%arg20 : memref<64x128xf32, #tpu.memory_space<vmem>>) dst(%dma_wait3A_831 : memref<10240x128xf32, #tpu.memory_space<vmem_shared>>)
        } else {
        }
        %get3A_786 = arith.index_cast %add3A_566 : i32 to index
        %get3A_787 = arith.constant 64 : index
        %get3A_788 = tpu.vector_load %arg7[%get3A_786, %get3A_787] {strides = array<i32>} : memref<40x128xi32, #tpu.memory_space<vmem>>, vector<1x16xi32>,
        %get3A_789 = vector.shape_cast %get3A_788 : vector<1x16xi32> to vector<16xi32>
        %add3A_790 = vector.broadcast %mul3A_2 : i32 to vector<16xi32>
        %add3A_791 = arith.addi %get3A_789, %add3A_790 : vector<16xi32>
        %swap3A_792 = arith.constant 0 : index
        %swap3A_793 = tpu.vector_load %arg12[%swap3A_792] {strides = array<i32>} : memref<64xi32, #tpu.memory_space<vmem>>, vector<16xi32>,
        %swap3A_794 = vector.shape_cast %swap3A_793 : vector<16xi32> to vector<16xi32>
        %swap3A_795 = vector.shape_cast %add3A_791 : vector<16xi32> to vector<16xi32>
        tpu.vector_store %arg12[%swap3A_792], %swap3A_795 {strides = array<i32>} : memref<64xi32, #tpu.memory_space<vmem>>, vector<16xi32>,
        %get3A_796 = arith.index_cast %add3A_566 : i32 to index
        %get3A_797 = arith.constant 80 : index
        %get3A_798 = tpu.vector_load %arg7[%get3A_796, %get3A_797] {strides = array<i32>} : memref<40x128xi32, #tpu.memory_space<vmem>>, vector<1x16xi32>,
        %get3A_799 = vector.shape_cast %get3A_798 : vector<1x16xi32> to vector<16xi32>
        %add3A_800 = vector.broadcast %mul3A_2 : i32 to vector<16xi32>
        %add3A_801 = arith.addi %get3A_799, %add3A_800 : vector<16xi32>
        %swap3A_802 = arith.constant 16 : index
        %swap3A_803 = tpu.vector_load %arg12[%swap3A_802] {strides = array<i32>} : memref<64xi32, #tpu.memory_space<vmem>>, vector<16xi32>,
        %swap3A_804 = vector.shape_cast %swap3A_803 : vector<16xi32> to vector<16xi32>
        %swap3A_805 = vector.shape_cast %add3A_801 : vector<16xi32> to vector<16xi32>
        tpu.vector_store %arg12[%swap3A_802], %swap3A_805 {strides = array<i32>} : memref<64xi32, #tpu.memory_space<vmem>>, vector<16xi32>,
        %get3A_806 = arith.index_cast %add3A_566 : i32 to index
        %get3A_807 = arith.constant 96 : index
        %get3A_808 = tpu.vector_load %arg7[%get3A_806, %get3A_807] {strides = array<i32>} : memref<40x128xi32, #tpu.memory_space<vmem>>, vector<1x16xi32>,
        %get3A_809 = vector.shape_cast %get3A_808 : vector<1x16xi32> to vector<16xi32>
        %add3A_810 = vector.broadcast %mul3A_2 : i32 to vector<16xi32>
        %add3A_811 = arith.addi %get3A_809, %add3A_810 : vector<16xi32>
        %swap3A_812 = arith.constant 32 : index
        %swap3A_813 = tpu.vector_load %arg12[%swap3A_812] {strides = array<i32>} : memref<64xi32, #tpu.memory_space<vmem>>, vector<16xi32>,
        %swap3A_814 = vector.shape_cast %swap3A_813 : vector<16xi32> to vector<16xi32>
        %swap3A_815 = vector.shape_cast %add3A_811 : vector<16xi32> to vector<16xi32>
        tpu.vector_store %arg12[%swap3A_812], %swap3A_815 {strides = array<i32>} : memref<64xi32, #tpu.memory_space<vmem>>, vector<16xi32>,
        %get3A_816 = arith.index_cast %add3A_566 : i32 to index
        %get3A_817 = arith.constant 112 : index
        %get3A_818 = tpu.vector_load %arg7[%get3A_816, %get3A_817] {strides = array<i32>} : memref<40x128xi32, #tpu.memory_space<vmem>>, vector<1x16xi32>,
        %get3A_819 = vector.shape_cast %get3A_818 : vector<1x16xi32> to vector<16xi32>
        %add3A_820 = vector.broadcast %mul3A_2 : i32 to vector<16xi32>
        %add3A_821 = arith.addi %get3A_819, %add3A_820 : vector<16xi32>
        %swap3A_822 = arith.constant 48 : index
        %swap3A_823 = tpu.vector_load %arg12[%swap3A_822] {strides = array<i32>} : memref<64xi32, #tpu.memory_space<vmem>>, vector<16xi32>,
        %swap3A_824 = vector.shape_cast %swap3A_823 : vector<16xi32> to vector<16xi32>
        %swap3A_825 = vector.shape_cast %add3A_821 : vector<16xi32> to vector<16xi32>
        tpu.vector_store %arg12[%swap3A_822], %swap3A_825 {strides = array<i32>} : memref<64xi32, #tpu.memory_space<vmem>>, vector<16xi32>,
        %dma_start3A_826 = arith.constant 0 : i32
        %dma_start3A_827 = arith.constant 0 : i32
        %dma_start3A_828 = tpu.memref_slice %arg2[%dma_start3A_826, %dma_start3A_827] : memref<40960x128xf32, #tpu.memory_space<hbm>> -> memref<40960x128xf32, #tpu.memory_space<hbm>>
        tpu.enqueue_indirect_dma source(%dma_start3A_828 : memref<40960x128xf32, #tpu.memory_space<hbm>>) target(%arg20 : memref<64x128xf32, #tpu.memory_space<vmem>>) offsets(%arg12 : memref<64xi32, #tpu.memory_space<vmem>>) semaphore(%arg25 : memref<!tpu.dma_semaphore, #tpu.memory_space<semaphore_mem>>)
      } else {
      }
      %mul3A_573 = arith.constant 4 : i32
      %mul3A_574 = arith.muli %mul3A_573, %scan3A_504 : i32
      %add3A_575 = arith.constant 1 : i32
      %add3A_576 = arith.addi %mul3A_574, %add3A_575 : i32
      %mul3A_577 = arith.constant 2 : i32
      %mul3A_578 = arith.muli %mul3A_577, %scan3A_504 : i32
      %add3A_579 = arith.constant 0 : i32
      %add3A_580 = arith.addi %mul3A_578, %add3A_579 : i32
      %dma_wait3A_581 = arith.constant 0 : i32
      %dma_wait3A_582 = arith.constant 0 : i32
      %dma_wait3A_583 = tpu.memref_slice %arg2[%dma_wait3A_581, %dma_wait3A_582] : memref<40960x128xf32, #tpu.memory_space<hbm>> -> memref<40960x128xf32, #tpu.memory_space<hbm>>
      tpu.wait_indirect_dma semaphore(%arg23 : memref<!tpu.dma_semaphore, #tpu.memory_space<semaphore_mem>>) src(%dma_wait3A_583 : memref<40960x128xf32, #tpu.memory_space<hbm>>) dst(%arg18 : memref<64x128xf32, #tpu.memory_space<vmem>>)
      %get3A_584 = arith.index_cast %add3A_580 : i32 to index
      %get3A_585 = arith.constant 64 : index
      %get3A_586 = tpu.vector_load %arg8[%get3A_584, %get3A_585] {strides = array<i32>} : memref<40x128xi32, #tpu.memory_space<vmem>>, vector<1x16xi32>,
      %get3A_587 = vector.shape_cast %get3A_586 : vector<1x16xi32> to vector<16xi32>
      %add3A_588 = arith.constant 0 : i32
      %add3A_589 = vector.broadcast %add3A_588 : i32 to vector<16xi32>
      %add3A_590 = arith.addi %get3A_587, %add3A_589 : vector<16xi32>
      %swap3A_591 = arith.constant 0 : index
      %swap3A_592 = tpu.vector_load %arg14[%swap3A_591] {strides = array<i32>} : memref<64xi32, #tpu.memory_space<vmem>>, vector<16xi32>,
      %swap3A_593 = vector.shape_cast %swap3A_592 : vector<16xi32> to vector<16xi32>
      %swap3A_594 = vector.shape_cast %add3A_590 : vector<16xi32> to vector<16xi32>
      tpu.vector_store %arg14[%swap3A_591], %swap3A_594 {strides = array<i32>} : memref<64xi32, #tpu.memory_space<vmem>>, vector<16xi32>,
      %get3A_595 = arith.index_cast %add3A_580 : i32 to index
      %get3A_596 = arith.constant 80 : index
      %get3A_597 = tpu.vector_load %arg8[%get3A_595, %get3A_596] {strides = array<i32>} : memref<40x128xi32, #tpu.memory_space<vmem>>, vector<1x16xi32>,
      %get3A_598 = vector.shape_cast %get3A_597 : vector<1x16xi32> to vector<16xi32>
      %add3A_599 = arith.constant 0 : i32
      %add3A_600 = vector.broadcast %add3A_599 : i32 to vector<16xi32>
      %add3A_601 = arith.addi %get3A_598, %add3A_600 : vector<16xi32>
      %swap3A_602 = arith.constant 16 : index
      %swap3A_603 = tpu.vector_load %arg14[%swap3A_602] {strides = array<i32>} : memref<64xi32, #tpu.memory_space<vmem>>, vector<16xi32>,
      %swap3A_604 = vector.shape_cast %swap3A_603 : vector<16xi32> to vector<16xi32>
      %swap3A_605 = vector.shape_cast %add3A_601 : vector<16xi32> to vector<16xi32>
      tpu.vector_store %arg14[%swap3A_602], %swap3A_605 {strides = array<i32>} : memref<64xi32, #tpu.memory_space<vmem>>, vector<16xi32>,
      %get3A_606 = arith.index_cast %add3A_580 : i32 to index
      %get3A_607 = arith.constant 96 : index
      %get3A_608 = tpu.vector_load %arg8[%get3A_606, %get3A_607] {strides = array<i32>} : memref<40x128xi32, #tpu.memory_space<vmem>>, vector<1x16xi32>,
      %get3A_609 = vector.shape_cast %get3A_608 : vector<1x16xi32> to vector<16xi32>
      %add3A_610 = arith.constant 0 : i32
      %add3A_611 = vector.broadcast %add3A_610 : i32 to vector<16xi32>
      %add3A_612 = arith.addi %get3A_609, %add3A_611 : vector<16xi32>
      %swap3A_613 = arith.constant 32 : index
      %swap3A_614 = tpu.vector_load %arg14[%swap3A_613] {strides = array<i32>} : memref<64xi32, #tpu.memory_space<vmem>>, vector<16xi32>,
      %swap3A_615 = vector.shape_cast %swap3A_614 : vector<16xi32> to vector<16xi32>
      %swap3A_616 = vector.shape_cast %add3A_612 : vector<16xi32> to vector<16xi32>
      tpu.vector_store %arg14[%swap3A_613], %swap3A_616 {strides = array<i32>} : memref<64xi32, #tpu.memory_space<vmem>>, vector<16xi32>,
      %get3A_617 = arith.index_cast %add3A_580 : i32 to index
      %get3A_618 = arith.constant 112 : index
      %get3A_619 = tpu.vector_load %arg8[%get3A_617, %get3A_618] {strides = array<i32>} : memref<40x128xi32, #tpu.memory_space<vmem>>, vector<1x16xi32>,
      %get3A_620 = vector.shape_cast %get3A_619 : vector<1x16xi32> to vector<16xi32>
      %add3A_621 = arith.constant 0 : i32
      %add3A_622 = vector.broadcast %add3A_621 : i32 to vector<16xi32>
      %add3A_623 = arith.addi %get3A_620, %add3A_622 : vector<16xi32>
      %swap3A_624 = arith.constant 48 : index
      %swap3A_625 = tpu.vector_load %arg14[%swap3A_624] {strides = array<i32>} : memref<64xi32, #tpu.memory_space<vmem>>, vector<16xi32>,
      %swap3A_626 = vector.shape_cast %swap3A_625 : vector<16xi32> to vector<16xi32>
      %swap3A_627 = vector.shape_cast %add3A_623 : vector<16xi32> to vector<16xi32>
      tpu.vector_store %arg14[%swap3A_624], %swap3A_627 {strides = array<i32>} : memref<64xi32, #tpu.memory_space<vmem>>, vector<16xi32>,
      %dma_start3A_628 = arith.constant 0 : i32
      %dma_start3A_629 = arith.constant 0 : i32
      %dma_start3A_630 = tpu.memref_slice %arg21[%dma_start3A_628, %dma_start3A_629] : memref<10240x128xf32, #tpu.memory_space<vmem_shared>> -> memref<10240x128xf32, #tpu.memory_space<vmem_shared>>
      tpu.enqueue_indirect_dma source(%arg18 : memref<64x128xf32, #tpu.memory_space<vmem>>) target(%dma_start3A_630 : memref<10240x128xf32, #tpu.memory_space<vmem_shared>>) offsets(%arg14 : memref<64xi32, #tpu.memory_space<vmem>>) semaphore(%arg27 : memref<!tpu.dma_semaphore, #tpu.memory_space<semaphore_mem>>) {add = true}
      %mul3A_631 = arith.constant 2 : i32
      %mul3A_632 = arith.muli %mul3A_631, %scan3A_504 : i32
      %add3A_633 = arith.constant 2 : i32
      %add3A_634 = arith.addi %mul3A_632, %add3A_633 : i32
      %add3A_635 = arith.constant 3 : i32
      %add3A_636 = arith.addi %add3A_576, %add3A_635 : i32
      %lt3A_637 = arith.constant 80 : i32
      %lt3A_638 = arith.cmpi slt, %add3A_636, %lt3A_637 : i32
      %convert_element_type3A_639 = arith.extui %lt3A_638 : i1 to i32
      %cond3A_640 = arith.constant 0 : i32
      %cond3A_641 = arith.cmpi ne, %convert_element_type3A_639, %cond3A_640 : i32
      scf.if %cond3A_641 {
        %add3A_780 = arith.constant 3 : i32
        %add3A_781 = arith.addi %add3A_576, %add3A_780 : i32
        %ge3A = arith.constant 4 : i32
        %ge3A_782 = arith.cmpi sge, %add3A_781, %ge3A : i32
        %convert_element_type3A_783 = arith.extui %ge3A_782 : i1 to i32
        %cond3A_784 = arith.constant 0 : i32
        %cond3A_785 = arith.cmpi ne, %convert_element_type3A_783, %cond3A_784 : i32
        scf.if %cond3A_785 {
          %dma_wait3A_829 = arith.constant 0 : i32
          %dma_wait3A_830 = arith.constant 0 : i32
          %dma_wait3A_831 = tpu.memref_slice %arg21[%dma_wait3A_829, %dma_wait3A_830] : memref<10240x128xf32, #tpu.memory_space<vmem_shared>> -> memref<10240x128xf32, #tpu.memory_space<vmem_shared>>
          tpu.wait_indirect_dma semaphore(%arg26 : memref<!tpu.dma_semaphore, #tpu.memory_space<semaphore_mem>>) src(%arg17 : memref<64x128xf32, #tpu.memory_space<vmem>>) dst(%dma_wait3A_831 : memref<10240x128xf32, #tpu.memory_space<vmem_shared>>)
        } else {
        }
        %get3A_786 = arith.index_cast %add3A_634 : i32 to index
        %get3A_787 = arith.constant 0 : index
        %get3A_788 = tpu.vector_load %arg7[%get3A_786, %get3A_787] {strides = array<i32>} : memref<40x128xi32, #tpu.memory_space<vmem>>, vector<1x16xi32>,
        %get3A_789 = vector.shape_cast %get3A_788 : vector<1x16xi32> to vector<16xi32>
        %add3A_790 = vector.broadcast %mul3A_2 : i32 to vector<16xi32>
        %add3A_791 = arith.addi %get3A_789, %add3A_790 : vector<16xi32>
        %swap3A_792 = arith.constant 0 : index
        %swap3A_793 = tpu.vector_load %arg9[%swap3A_792] {strides = array<i32>} : memref<64xi32, #tpu.memory_space<vmem>>, vector<16xi32>,
        %swap3A_794 = vector.shape_cast %swap3A_793 : vector<16xi32> to vector<16xi32>
        %swap3A_795 = vector.shape_cast %add3A_791 : vector<16xi32> to vector<16xi32>
        tpu.vector_store %arg9[%swap3A_792], %swap3A_795 {strides = array<i32>} : memref<64xi32, #tpu.memory_space<vmem>>, vector<16xi32>,
        %get3A_796 = arith.index_cast %add3A_634 : i32 to index
        %get3A_797 = arith.constant 16 : index
        %get3A_798 = tpu.vector_load %arg7[%get3A_796, %get3A_797] {strides = array<i32>} : memref<40x128xi32, #tpu.memory_space<vmem>>, vector<1x16xi32>,
        %get3A_799 = vector.shape_cast %get3A_798 : vector<1x16xi32> to vector<16xi32>
        %add3A_800 = vector.broadcast %mul3A_2 : i32 to vector<16xi32>
        %add3A_801 = arith.addi %get3A_799, %add3A_800 : vector<16xi32>
        %swap3A_802 = arith.constant 16 : index
        %swap3A_803 = tpu.vector_load %arg9[%swap3A_802] {strides = array<i32>} : memref<64xi32, #tpu.memory_space<vmem>>, vector<16xi32>,
        %swap3A_804 = vector.shape_cast %swap3A_803 : vector<16xi32> to vector<16xi32>
        %swap3A_805 = vector.shape_cast %add3A_801 : vector<16xi32> to vector<16xi32>
        tpu.vector_store %arg9[%swap3A_802], %swap3A_805 {strides = array<i32>} : memref<64xi32, #tpu.memory_space<vmem>>, vector<16xi32>,
        %get3A_806 = arith.index_cast %add3A_634 : i32 to index
        %get3A_807 = arith.constant 32 : index
        %get3A_808 = tpu.vector_load %arg7[%get3A_806, %get3A_807] {strides = array<i32>} : memref<40x128xi32, #tpu.memory_space<vmem>>, vector<1x16xi32>,
        %get3A_809 = vector.shape_cast %get3A_808 : vector<1x16xi32> to vector<16xi32>
        %add3A_810 = vector.broadcast %mul3A_2 : i32 to vector<16xi32>
        %add3A_811 = arith.addi %get3A_809, %add3A_810 : vector<16xi32>
        %swap3A_812 = arith.constant 32 : index
        %swap3A_813 = tpu.vector_load %arg9[%swap3A_812] {strides = array<i32>} : memref<64xi32, #tpu.memory_space<vmem>>, vector<16xi32>,
        %swap3A_814 = vector.shape_cast %swap3A_813 : vector<16xi32> to vector<16xi32>
        %swap3A_815 = vector.shape_cast %add3A_811 : vector<16xi32> to vector<16xi32>
        tpu.vector_store %arg9[%swap3A_812], %swap3A_815 {strides = array<i32>} : memref<64xi32, #tpu.memory_space<vmem>>, vector<16xi32>,
        %get3A_816 = arith.index_cast %add3A_634 : i32 to index
        %get3A_817 = arith.constant 48 : index
        %get3A_818 = tpu.vector_load %arg7[%get3A_816, %get3A_817] {strides = array<i32>} : memref<40x128xi32, #tpu.memory_space<vmem>>, vector<1x16xi32>,
        %get3A_819 = vector.shape_cast %get3A_818 : vector<1x16xi32> to vector<16xi32>
        %add3A_820 = vector.broadcast %mul3A_2 : i32 to vector<16xi32>
        %add3A_821 = arith.addi %get3A_819, %add3A_820 : vector<16xi32>
        %swap3A_822 = arith.constant 48 : index
        %swap3A_823 = tpu.vector_load %arg9[%swap3A_822] {strides = array<i32>} : memref<64xi32, #tpu.memory_space<vmem>>, vector<16xi32>,
        %swap3A_824 = vector.shape_cast %swap3A_823 : vector<16xi32> to vector<16xi32>
        %swap3A_825 = vector.shape_cast %add3A_821 : vector<16xi32> to vector<16xi32>
        tpu.vector_store %arg9[%swap3A_822], %swap3A_825 {strides = array<i32>} : memref<64xi32, #tpu.memory_space<vmem>>, vector<16xi32>,
        %dma_start3A_826 = arith.constant 0 : i32
        %dma_start3A_827 = arith.constant 0 : i32
        %dma_start3A_828 = tpu.memref_slice %arg2[%dma_start3A_826, %dma_start3A_827] : memref<40960x128xf32, #tpu.memory_space<hbm>> -> memref<40960x128xf32, #tpu.memory_space<hbm>>
        tpu.enqueue_indirect_dma source(%dma_start3A_828 : memref<40960x128xf32, #tpu.memory_space<hbm>>) target(%arg17 : memref<64x128xf32, #tpu.memory_space<vmem>>) offsets(%arg9 : memref<64xi32, #tpu.memory_space<vmem>>) semaphore(%arg22 : memref<!tpu.dma_semaphore, #tpu.memory_space<semaphore_mem>>)
      } else {
      }
      %mul3A_642 = arith.constant 4 : i32
      %mul3A_643 = arith.muli %mul3A_642, %scan3A_504 : i32
      %add3A_644 = arith.constant 2 : i32
      %add3A_645 = arith.addi %mul3A_643, %add3A_644 : i32
      %mul3A_646 = arith.constant 2 : i32
      %mul3A_647 = arith.muli %mul3A_646, %scan3A_504 : i32
      %add3A_648 = arith.constant 1 : i32
      %add3A_649 = arith.addi %mul3A_647, %add3A_648 : i32
      %dma_wait3A_650 = arith.constant 0 : i32
      %dma_wait3A_651 = arith.constant 0 : i32
      %dma_wait3A_652 = tpu.memref_slice %arg2[%dma_wait3A_650, %dma_wait3A_651] : memref<40960x128xf32, #tpu.memory_space<hbm>> -> memref<40960x128xf32, #tpu.memory_space<hbm>>
      tpu.wait_indirect_dma semaphore(%arg24 : memref<!tpu.dma_semaphore, #tpu.memory_space<semaphore_mem>>) src(%dma_wait3A_652 : memref<40960x128xf32, #tpu.memory_space<hbm>>) dst(%arg19 : memref<64x128xf32, #tpu.memory_space<vmem>>)
      %get3A_653 = arith.index_cast %add3A_649 : i32 to index
      %get3A_654 = arith.constant 0 : index
      %get3A_655 = tpu.vector_load %arg8[%get3A_653, %get3A_654] {strides = array<i32>} : memref<40x128xi32, #tpu.memory_space<vmem>>, vector<1x16xi32>,
      %get3A_656 = vector.shape_cast %get3A_655 : vector<1x16xi32> to vector<16xi32>
      %add3A_657 = arith.constant 0 : i32
      %add3A_658 = vector.broadcast %add3A_657 : i32 to vector<16xi32>
      %add3A_659 = arith.addi %get3A_656, %add3A_658 : vector<16xi32>
      %swap3A_660 = arith.constant 0 : index
      %swap3A_661 = tpu.vector_load %arg15[%swap3A_660] {strides = array<i32>} : memref<64xi32, #tpu.memory_space<vmem>>, vector<16xi32>,
      %swap3A_662 = vector.shape_cast %swap3A_661 : vector<16xi32> to vector<16xi32>
      %swap3A_663 = vector.shape_cast %add3A_659 : vector<16xi32> to vector<16xi32>
      tpu.vector_store %arg15[%swap3A_660], %swap3A_663 {strides = array<i32>} : memref<64xi32, #tpu.memory_space<vmem>>, vector<16xi32>,
      %get3A_664 = arith.index_cast %add3A_649 : i32 to index
      %get3A_665 = arith.constant 16 : index
      %get3A_666 = tpu.vector_load %arg8[%get3A_664, %get3A_665] {strides = array<i32>} : memref<40x128xi32, #tpu.memory_space<vmem>>, vector<1x16xi32>,
      %get3A_667 = vector.shape_cast %get3A_666 : vector<1x16xi32> to vector<16xi32>
      %add3A_668 = arith.constant 0 : i32
      %add3A_669 = vector.broadcast %add3A_668 : i32 to vector<16xi32>
      %add3A_670 = arith.addi %get3A_667, %add3A_669 : vector<16xi32>
      %swap3A_671 = arith.constant 16 : index
      %swap3A_672 = tpu.vector_load %arg15[%swap3A_671] {strides = array<i32>} : memref<64xi32, #tpu.memory_space<vmem>>, vector<16xi32>,
      %swap3A_673 = vector.shape_cast %swap3A_672 : vector<16xi32> to vector<16xi32>
      %swap3A_674 = vector.shape_cast %add3A_670 : vector<16xi32> to vector<16xi32>
      tpu.vector_store %arg15[%swap3A_671], %swap3A_674 {strides = array<i32>} : memref<64xi32, #tpu.memory_space<vmem>>, vector<16xi32>,
      %get3A_675 = arith.index_cast %add3A_649 : i32 to index
      %get3A_676 = arith.constant 32 : index
      %get3A_677 = tpu.vector_load %arg8[%get3A_675, %get3A_676] {strides = array<i32>} : memref<40x128xi32, #tpu.memory_space<vmem>>, vector<1x16xi32>,
      %get3A_678 = vector.shape_cast %get3A_677 : vector<1x16xi32> to vector<16xi32>
      %add3A_679 = arith.constant 0 : i32
      %add3A_680 = vector.broadcast %add3A_679 : i32 to vector<16xi32>
      %add3A_681 = arith.addi %get3A_678, %add3A_680 : vector<16xi32>
      %swap3A_682 = arith.constant 32 : index
      %swap3A_683 = tpu.vector_load %arg15[%swap3A_682] {strides = array<i32>} : memref<64xi32, #tpu.memory_space<vmem>>, vector<16xi32>,
      %swap3A_684 = vector.shape_cast %swap3A_683 : vector<16xi32> to vector<16xi32>
      %swap3A_685 = vector.shape_cast %add3A_681 : vector<16xi32> to vector<16xi32>
      tpu.vector_store %arg15[%swap3A_682], %swap3A_685 {strides = array<i32>} : memref<64xi32, #tpu.memory_space<vmem>>, vector<16xi32>,
      %get3A_686 = arith.index_cast %add3A_649 : i32 to index
      %get3A_687 = arith.constant 48 : index
      %get3A_688 = tpu.vector_load %arg8[%get3A_686, %get3A_687] {strides = array<i32>} : memref<40x128xi32, #tpu.memory_space<vmem>>, vector<1x16xi32>,
      %get3A_689 = vector.shape_cast %get3A_688 : vector<1x16xi32> to vector<16xi32>
      %add3A_690 = arith.constant 0 : i32
      %add3A_691 = vector.broadcast %add3A_690 : i32 to vector<16xi32>
      %add3A_692 = arith.addi %get3A_689, %add3A_691 : vector<16xi32>
      %swap3A_693 = arith.constant 48 : index
      %swap3A_694 = tpu.vector_load %arg15[%swap3A_693] {strides = array<i32>} : memref<64xi32, #tpu.memory_space<vmem>>, vector<16xi32>,
      %swap3A_695 = vector.shape_cast %swap3A_694 : vector<16xi32> to vector<16xi32>
      %swap3A_696 = vector.shape_cast %add3A_692 : vector<16xi32> to vector<16xi32>
      tpu.vector_store %arg15[%swap3A_693], %swap3A_696 {strides = array<i32>} : memref<64xi32, #tpu.memory_space<vmem>>, vector<16xi32>,
      %dma_start3A_697 = arith.constant 0 : i32
      %dma_start3A_698 = arith.constant 0 : i32
      %dma_start3A_699 = tpu.memref_slice %arg21[%dma_start3A_697, %dma_start3A_698] : memref<10240x128xf32, #tpu.memory_space<vmem_shared>> -> memref<10240x128xf32, #tpu.memory_space<vmem_shared>>
      tpu.enqueue_indirect_dma source(%arg19 : memref<64x128xf32, #tpu.memory_space<vmem>>) target(%dma_start3A_699 : memref<10240x128xf32, #tpu.memory_space<vmem_shared>>) offsets(%arg15 : memref<64xi32, #tpu.memory_space<vmem>>) semaphore(%arg28 : memref<!tpu.dma_semaphore, #tpu.memory_space<semaphore_mem>>) {add = true}
      %mul3A_700 = arith.constant 2 : i32
      %mul3A_701 = arith.muli %mul3A_700, %scan3A_504 : i32
      %add3A_702 = arith.constant 2 : i32
      %add3A_703 = arith.addi %mul3A_701, %add3A_702 : i32
      %add3A_704 = arith.constant 3 : i32
      %add3A_705 = arith.addi %add3A_645, %add3A_704 : i32
      %lt3A_706 = arith.constant 80 : i32
      %lt3A_707 = arith.cmpi slt, %add3A_705, %lt3A_706 : i32
      %convert_element_type3A_708 = arith.extui %lt3A_707 : i1 to i32
      %cond3A_709 = arith.constant 0 : i32
      %cond3A_710 = arith.cmpi ne, %convert_element_type3A_708, %cond3A_709 : i32
      scf.if %cond3A_710 {
        %add3A_780 = arith.constant 3 : i32
        %add3A_781 = arith.addi %add3A_645, %add3A_780 : i32
        %ge3A = arith.constant 4 : i32
        %ge3A_782 = arith.cmpi sge, %add3A_781, %ge3A : i32
        %convert_element_type3A_783 = arith.extui %ge3A_782 : i1 to i32
        %cond3A_784 = arith.constant 0 : i32
        %cond3A_785 = arith.cmpi ne, %convert_element_type3A_783, %cond3A_784 : i32
        scf.if %cond3A_785 {
          %dma_wait3A_829 = arith.constant 0 : i32
          %dma_wait3A_830 = arith.constant 0 : i32
          %dma_wait3A_831 = tpu.memref_slice %arg21[%dma_wait3A_829, %dma_wait3A_830] : memref<10240x128xf32, #tpu.memory_space<vmem_shared>> -> memref<10240x128xf32, #tpu.memory_space<vmem_shared>>
          tpu.wait_indirect_dma semaphore(%arg27 : memref<!tpu.dma_semaphore, #tpu.memory_space<semaphore_mem>>) src(%arg18 : memref<64x128xf32, #tpu.memory_space<vmem>>) dst(%dma_wait3A_831 : memref<10240x128xf32, #tpu.memory_space<vmem_shared>>)
        } else {
        }
        %get3A_786 = arith.index_cast %add3A_703 : i32 to index
        %get3A_787 = arith.constant 64 : index
        %get3A_788 = tpu.vector_load %arg7[%get3A_786, %get3A_787] {strides = array<i32>} : memref<40x128xi32, #tpu.memory_space<vmem>>, vector<1x16xi32>,
        %get3A_789 = vector.shape_cast %get3A_788 : vector<1x16xi32> to vector<16xi32>
        %add3A_790 = vector.broadcast %mul3A_2 : i32 to vector<16xi32>
        %add3A_791 = arith.addi %get3A_789, %add3A_790 : vector<16xi32>
        %swap3A_792 = arith.constant 0 : index
        %swap3A_793 = tpu.vector_load %arg10[%swap3A_792] {strides = array<i32>} : memref<64xi32, #tpu.memory_space<vmem>>, vector<16xi32>,
        %swap3A_794 = vector.shape_cast %swap3A_793 : vector<16xi32> to vector<16xi32>
        %swap3A_795 = vector.shape_cast %add3A_791 : vector<16xi32> to vector<16xi32>
        tpu.vector_store %arg10[%swap3A_792], %swap3A_795 {strides = array<i32>} : memref<64xi32, #tpu.memory_space<vmem>>, vector<16xi32>,
        %get3A_796 = arith.index_cast %add3A_703 : i32 to index
        %get3A_797 = arith.constant 80 : index
        %get3A_798 = tpu.vector_load %arg7[%get3A_796, %get3A_797] {strides = array<i32>} : memref<40x128xi32, #tpu.memory_space<vmem>>, vector<1x16xi32>,
        %get3A_799 = vector.shape_cast %get3A_798 : vector<1x16xi32> to vector<16xi32>
        %add3A_800 = vector.broadcast %mul3A_2 : i32 to vector<16xi32>
        %add3A_801 = arith.addi %get3A_799, %add3A_800 : vector<16xi32>
        %swap3A_802 = arith.constant 16 : index
        %swap3A_803 = tpu.vector_load %arg10[%swap3A_802] {strides = array<i32>} : memref<64xi32, #tpu.memory_space<vmem>>, vector<16xi32>,
        %swap3A_804 = vector.shape_cast %swap3A_803 : vector<16xi32> to vector<16xi32>
        %swap3A_805 = vector.shape_cast %add3A_801 : vector<16xi32> to vector<16xi32>
        tpu.vector_store %arg10[%swap3A_802], %swap3A_805 {strides = array<i32>} : memref<64xi32, #tpu.memory_space<vmem>>, vector<16xi32>,
        %get3A_806 = arith.index_cast %add3A_703 : i32 to index
        %get3A_807 = arith.constant 96 : index
        %get3A_808 = tpu.vector_load %arg7[%get3A_806, %get3A_807] {strides = array<i32>} : memref<40x128xi32, #tpu.memory_space<vmem>>, vector<1x16xi32>,
        %get3A_809 = vector.shape_cast %get3A_808 : vector<1x16xi32> to vector<16xi32>
        %add3A_810 = vector.broadcast %mul3A_2 : i32 to vector<16xi32>
        %add3A_811 = arith.addi %get3A_809, %add3A_810 : vector<16xi32>
        %swap3A_812 = arith.constant 32 : index
        %swap3A_813 = tpu.vector_load %arg10[%swap3A_812] {strides = array<i32>} : memref<64xi32, #tpu.memory_space<vmem>>, vector<16xi32>,
        %swap3A_814 = vector.shape_cast %swap3A_813 : vector<16xi32> to vector<16xi32>
        %swap3A_815 = vector.shape_cast %add3A_811 : vector<16xi32> to vector<16xi32>
        tpu.vector_store %arg10[%swap3A_812], %swap3A_815 {strides = array<i32>} : memref<64xi32, #tpu.memory_space<vmem>>, vector<16xi32>,
        %get3A_816 = arith.index_cast %add3A_703 : i32 to index
        %get3A_817 = arith.constant 112 : index
        %get3A_818 = tpu.vector_load %arg7[%get3A_816, %get3A_817] {strides = array<i32>} : memref<40x128xi32, #tpu.memory_space<vmem>>, vector<1x16xi32>,
        %get3A_819 = vector.shape_cast %get3A_818 : vector<1x16xi32> to vector<16xi32>
        %add3A_820 = vector.broadcast %mul3A_2 : i32 to vector<16xi32>
        %add3A_821 = arith.addi %get3A_819, %add3A_820 : vector<16xi32>
        %swap3A_822 = arith.constant 48 : index
        %swap3A_823 = tpu.vector_load %arg10[%swap3A_822] {strides = array<i32>} : memref<64xi32, #tpu.memory_space<vmem>>, vector<16xi32>,
        %swap3A_824 = vector.shape_cast %swap3A_823 : vector<16xi32> to vector<16xi32>
        %swap3A_825 = vector.shape_cast %add3A_821 : vector<16xi32> to vector<16xi32>
        tpu.vector_store %arg10[%swap3A_822], %swap3A_825 {strides = array<i32>} : memref<64xi32, #tpu.memory_space<vmem>>, vector<16xi32>,
        %dma_start3A_826 = arith.constant 0 : i32
        %dma_start3A_827 = arith.constant 0 : i32
        %dma_start3A_828 = tpu.memref_slice %arg2[%dma_start3A_826, %dma_start3A_827] : memref<40960x128xf32, #tpu.memory_space<hbm>> -> memref<40960x128xf32, #tpu.memory_space<hbm>>
        tpu.enqueue_indirect_dma source(%dma_start3A_828 : memref<40960x128xf32, #tpu.memory_space<hbm>>) target(%arg18 : memref<64x128xf32, #tpu.memory_space<vmem>>) offsets(%arg10 : memref<64xi32, #tpu.memory_space<vmem>>) semaphore(%arg23 : memref<!tpu.dma_semaphore, #tpu.memory_space<semaphore_mem>>)
      } else {
      }
      %mul3A_711 = arith.constant 4 : i32
      %mul3A_712 = arith.muli %mul3A_711, %scan3A_504 : i32
      %add3A_713 = arith.constant 3 : i32
      %add3A_714 = arith.addi %mul3A_712, %add3A_713 : i32
      %mul3A_715 = arith.constant 2 : i32
      %mul3A_716 = arith.muli %mul3A_715, %scan3A_504 : i32
      %add3A_717 = arith.constant 1 : i32
      %add3A_718 = arith.addi %mul3A_716, %add3A_717 : i32
      %dma_wait3A_719 = arith.constant 0 : i32
      %dma_wait3A_720 = arith.constant 0 : i32
      %dma_wait3A_721 = tpu.memref_slice %arg2[%dma_wait3A_719, %dma_wait3A_720] : memref<40960x128xf32, #tpu.memory_space<hbm>> -> memref<40960x128xf32, #tpu.memory_space<hbm>>
      tpu.wait_indirect_dma semaphore(%arg25 : memref<!tpu.dma_semaphore, #tpu.memory_space<semaphore_mem>>) src(%dma_wait3A_721 : memref<40960x128xf32, #tpu.memory_space<hbm>>) dst(%arg20 : memref<64x128xf32, #tpu.memory_space<vmem>>)
      %get3A_722 = arith.index_cast %add3A_718 : i32 to index
      %get3A_723 = arith.constant 64 : index
      %get3A_724 = tpu.vector_load %arg8[%get3A_722, %get3A_723] {strides = array<i32>} : memref<40x128xi32, #tpu.memory_space<vmem>>, vector<1x16xi32>,
      %get3A_725 = vector.shape_cast %get3A_724 : vector<1x16xi32> to vector<16xi32>
      %add3A_726 = arith.constant 0 : i32
      %add3A_727 = vector.broadcast %add3A_726 : i32 to vector<16xi32>
      %add3A_728 = arith.addi %get3A_725, %add3A_727 : vector<16xi32>
      %swap3A_729 = arith.constant 0 : index
      %swap3A_730 = tpu.vector_load %arg16[%swap3A_729] {strides = array<i32>} : memref<64xi32, #tpu.memory_space<vmem>>, vector<16xi32>,
      %swap3A_731 = vector.shape_cast %swap3A_730 : vector<16xi32> to vector<16xi32>
      %swap3A_732 = vector.shape_cast %add3A_728 : vector<16xi32> to vector<16xi32>
      tpu.vector_store %arg16[%swap3A_729], %swap3A_732 {strides = array<i32>} : memref<64xi32, #tpu.memory_space<vmem>>, vector<16xi32>,
      %get3A_733 = arith.index_cast %add3A_718 : i32 to index
      %get3A_734 = arith.constant 80 : index
      %get3A_735 = tpu.vector_load %arg8[%get3A_733, %get3A_734] {strides = array<i32>} : memref<40x128xi32, #tpu.memory_space<vmem>>, vector<1x16xi32>,
      %get3A_736 = vector.shape_cast %get3A_735 : vector<1x16xi32> to vector<16xi32>
      %add3A_737 = arith.constant 0 : i32
      %add3A_738 = vector.broadcast %add3A_737 : i32 to vector<16xi32>
      %add3A_739 = arith.addi %get3A_736, %add3A_738 : vector<16xi32>
      %swap3A_740 = arith.constant 16 : index
      %swap3A_741 = tpu.vector_load %arg16[%swap3A_740] {strides = array<i32>} : memref<64xi32, #tpu.memory_space<vmem>>, vector<16xi32>,
      %swap3A_742 = vector.shape_cast %swap3A_741 : vector<16xi32> to vector<16xi32>
      %swap3A_743 = vector.shape_cast %add3A_739 : vector<16xi32> to vector<16xi32>
      tpu.vector_store %arg16[%swap3A_740], %swap3A_743 {strides = array<i32>} : memref<64xi32, #tpu.memory_space<vmem>>, vector<16xi32>,
      %get3A_744 = arith.index_cast %add3A_718 : i32 to index
      %get3A_745 = arith.constant 96 : index
      %get3A_746 = tpu.vector_load %arg8[%get3A_744, %get3A_745] {strides = array<i32>} : memref<40x128xi32, #tpu.memory_space<vmem>>, vector<1x16xi32>,
      %get3A_747 = vector.shape_cast %get3A_746 : vector<1x16xi32> to vector<16xi32>
      %add3A_748 = arith.constant 0 : i32
      %add3A_749 = vector.broadcast %add3A_748 : i32 to vector<16xi32>
      %add3A_750 = arith.addi %get3A_747, %add3A_749 : vector<16xi32>
      %swap3A_751 = arith.constant 32 : index
      %swap3A_752 = tpu.vector_load %arg16[%swap3A_751] {strides = array<i32>} : memref<64xi32, #tpu.memory_space<vmem>>, vector<16xi32>,
      %swap3A_753 = vector.shape_cast %swap3A_752 : vector<16xi32> to vector<16xi32>
      %swap3A_754 = vector.shape_cast %add3A_750 : vector<16xi32> to vector<16xi32>
      tpu.vector_store %arg16[%swap3A_751], %swap3A_754 {strides = array<i32>} : memref<64xi32, #tpu.memory_space<vmem>>, vector<16xi32>,
      %get3A_755 = arith.index_cast %add3A_718 : i32 to index
      %get3A_756 = arith.constant 112 : index
      %get3A_757 = tpu.vector_load %arg8[%get3A_755, %get3A_756] {strides = array<i32>} : memref<40x128xi32, #tpu.memory_space<vmem>>, vector<1x16xi32>,
      %get3A_758 = vector.shape_cast %get3A_757 : vector<1x16xi32> to vector<16xi32>
      %add3A_759 = arith.constant 0 : i32
      %add3A_760 = vector.broadcast %add3A_759 : i32 to vector<16xi32>
      %add3A_761 = arith.addi %get3A_758, %add3A_760 : vector<16xi32>
      %swap3A_762 = arith.constant 48 : index
      %swap3A_763 = tpu.vector_load %arg16[%swap3A_762] {strides = array<i32>} : memref<64xi32, #tpu.memory_space<vmem>>, vector<16xi32>,
      %swap3A_764 = vector.shape_cast %swap3A_763 : vector<16xi32> to vector<16xi32>
      %swap3A_765 = vector.shape_cast %add3A_761 : vector<16xi32> to vector<16xi32>
      tpu.vector_store %arg16[%swap3A_762], %swap3A_765 {strides = array<i32>} : memref<64xi32, #tpu.memory_space<vmem>>, vector<16xi32>,
      %dma_start3A_766 = arith.constant 0 : i32
      %dma_start3A_767 = arith.constant 0 : i32
      %dma_start3A_768 = tpu.memref_slice %arg21[%dma_start3A_766, %dma_start3A_767] : memref<10240x128xf32, #tpu.memory_space<vmem_shared>> -> memref<10240x128xf32, #tpu.memory_space<vmem_shared>>
      tpu.enqueue_indirect_dma source(%arg20 : memref<64x128xf32, #tpu.memory_space<vmem>>) target(%dma_start3A_768 : memref<10240x128xf32, #tpu.memory_space<vmem_shared>>) offsets(%arg16 : memref<64xi32, #tpu.memory_space<vmem>>) semaphore(%arg29 : memref<!tpu.dma_semaphore, #tpu.memory_space<semaphore_mem>>) {add = true}
      %mul3A_769 = arith.constant 2 : i32
      %mul3A_770 = arith.muli %mul3A_769, %scan3A_504 : i32
      %add3A_771 = arith.constant 3 : i32
      %add3A_772 = arith.addi %mul3A_770, %add3A_771 : i32
      %add3A_773 = arith.constant 3 : i32
      %add3A_774 = arith.addi %add3A_714, %add3A_773 : i32
      %lt3A_775 = arith.constant 80 : i32
      %lt3A_776 = arith.cmpi slt, %add3A_774, %lt3A_775 : i32
      %convert_element_type3A_777 = arith.extui %lt3A_776 : i1 to i32
      %cond3A_778 = arith.constant 0 : i32
      %cond3A_779 = arith.cmpi ne, %convert_element_type3A_777, %cond3A_778 : i32
      scf.if %cond3A_779 {
        %add3A_780 = arith.constant 3 : i32
        %add3A_781 = arith.addi %add3A_714, %add3A_780 : i32
        %ge3A = arith.constant 4 : i32
        %ge3A_782 = arith.cmpi sge, %add3A_781, %ge3A : i32
        %convert_element_type3A_783 = arith.extui %ge3A_782 : i1 to i32
        %cond3A_784 = arith.constant 0 : i32
        %cond3A_785 = arith.cmpi ne, %convert_element_type3A_783, %cond3A_784 : i32
        scf.if %cond3A_785 {
          %dma_wait3A_829 = arith.constant 0 : i32
          %dma_wait3A_830 = arith.constant 0 : i32
          %dma_wait3A_831 = tpu.memref_slice %arg21[%dma_wait3A_829, %dma_wait3A_830] : memref<10240x128xf32, #tpu.memory_space<vmem_shared>> -> memref<10240x128xf32, #tpu.memory_space<vmem_shared>>
          tpu.wait_indirect_dma semaphore(%arg28 : memref<!tpu.dma_semaphore, #tpu.memory_space<semaphore_mem>>) src(%arg19 : memref<64x128xf32, #tpu.memory_space<vmem>>) dst(%dma_wait3A_831 : memref<10240x128xf32, #tpu.memory_space<vmem_shared>>)
        } else {
        }
        %get3A_786 = arith.index_cast %add3A_772 : i32 to index
        %get3A_787 = arith.constant 0 : index
        %get3A_788 = tpu.vector_load %arg7[%get3A_786, %get3A_787] {strides = array<i32>} : memref<40x128xi32, #tpu.memory_space<vmem>>, vector<1x16xi32>,
        %get3A_789 = vector.shape_cast %get3A_788 : vector<1x16xi32> to vector<16xi32>
        %add3A_790 = vector.broadcast %mul3A_2 : i32 to vector<16xi32>
        %add3A_791 = arith.addi %get3A_789, %add3A_790 : vector<16xi32>
        %swap3A_792 = arith.constant 0 : index
        %swap3A_793 = tpu.vector_load %arg11[%swap3A_792] {strides = array<i32>} : memref<64xi32, #tpu.memory_space<vmem>>, vector<16xi32>,
        %swap3A_794 = vector.shape_cast %swap3A_793 : vector<16xi32> to vector<16xi32>
        %swap3A_795 = vector.shape_cast %add3A_791 : vector<16xi32> to vector<16xi32>
        tpu.vector_store %arg11[%swap3A_792], %swap3A_795 {strides = array<i32>} : memref<64xi32, #tpu.memory_space<vmem>>, vector<16xi32>,
        %get3A_796 = arith.index_cast %add3A_772 : i32 to index
        %get3A_797 = arith.constant 16 : index
        %get3A_798 = tpu.vector_load %arg7[%get3A_796, %get3A_797] {strides = array<i32>} : memref<40x128xi32, #tpu.memory_space<vmem>>, vector<1x16xi32>,
        %get3A_799 = vector.shape_cast %get3A_798 : vector<1x16xi32> to vector<16xi32>
        %add3A_800 = vector.broadcast %mul3A_2 : i32 to vector<16xi32>
        %add3A_801 = arith.addi %get3A_799, %add3A_800 : vector<16xi32>
        %swap3A_802 = arith.constant 16 : index
        %swap3A_803 = tpu.vector_load %arg11[%swap3A_802] {strides = array<i32>} : memref<64xi32, #tpu.memory_space<vmem>>, vector<16xi32>,
        %swap3A_804 = vector.shape_cast %swap3A_803 : vector<16xi32> to vector<16xi32>
        %swap3A_805 = vector.shape_cast %add3A_801 : vector<16xi32> to vector<16xi32>
        tpu.vector_store %arg11[%swap3A_802], %swap3A_805 {strides = array<i32>} : memref<64xi32, #tpu.memory_space<vmem>>, vector<16xi32>,
        %get3A_806 = arith.index_cast %add3A_772 : i32 to index
        %get3A_807 = arith.constant 32 : index
        %get3A_808 = tpu.vector_load %arg7[%get3A_806, %get3A_807] {strides = array<i32>} : memref<40x128xi32, #tpu.memory_space<vmem>>, vector<1x16xi32>,
        %get3A_809 = vector.shape_cast %get3A_808 : vector<1x16xi32> to vector<16xi32>
        %add3A_810 = vector.broadcast %mul3A_2 : i32 to vector<16xi32>
        %add3A_811 = arith.addi %get3A_809, %add3A_810 : vector<16xi32>
        %swap3A_812 = arith.constant 32 : index
        %swap3A_813 = tpu.vector_load %arg11[%swap3A_812] {strides = array<i32>} : memref<64xi32, #tpu.memory_space<vmem>>, vector<16xi32>,
        %swap3A_814 = vector.shape_cast %swap3A_813 : vector<16xi32> to vector<16xi32>
        %swap3A_815 = vector.shape_cast %add3A_811 : vector<16xi32> to vector<16xi32>
        tpu.vector_store %arg11[%swap3A_812], %swap3A_815 {strides = array<i32>} : memref<64xi32, #tpu.memory_space<vmem>>, vector<16xi32>,
        %get3A_816 = arith.index_cast %add3A_772 : i32 to index
        %get3A_817 = arith.constant 48 : index
        %get3A_818 = tpu.vector_load %arg7[%get3A_816, %get3A_817] {strides = array<i32>} : memref<40x128xi32, #tpu.memory_space<vmem>>, vector<1x16xi32>,
        %get3A_819 = vector.shape_cast %get3A_818 : vector<1x16xi32> to vector<16xi32>
        %add3A_820 = vector.broadcast %mul3A_2 : i32 to vector<16xi32>
        %add3A_821 = arith.addi %get3A_819, %add3A_820 : vector<16xi32>
        %swap3A_822 = arith.constant 48 : index
        %swap3A_823 = tpu.vector_load %arg11[%swap3A_822] {strides = array<i32>} : memref<64xi32, #tpu.memory_space<vmem>>, vector<16xi32>,
        %swap3A_824 = vector.shape_cast %swap3A_823 : vector<16xi32> to vector<16xi32>
        %swap3A_825 = vector.shape_cast %add3A_821 : vector<16xi32> to vector<16xi32>
        tpu.vector_store %arg11[%swap3A_822], %swap3A_825 {strides = array<i32>} : memref<64xi32, #tpu.memory_space<vmem>>, vector<16xi32>,
        %dma_start3A_826 = arith.constant 0 : i32
        %dma_start3A_827 = arith.constant 0 : i32
        %dma_start3A_828 = tpu.memref_slice %arg2[%dma_start3A_826, %dma_start3A_827] : memref<40960x128xf32, #tpu.memory_space<hbm>> -> memref<40960x128xf32, #tpu.memory_space<hbm>>
        tpu.enqueue_indirect_dma source(%dma_start3A_828 : memref<40960x128xf32, #tpu.memory_space<hbm>>) target(%arg19 : memref<64x128xf32, #tpu.memory_space<vmem>>) offsets(%arg11 : memref<64xi32, #tpu.memory_space<vmem>>) semaphore(%arg24 : memref<!tpu.dma_semaphore, #tpu.memory_space<semaphore_mem>>)
      } else {
      }
    }
    %scan3A_311 = arith.constant 20 : i32
    %dma_wait3A_312 = arith.constant 0 : i32
    %dma_wait3A_313 = arith.constant 0 : i32
    %dma_wait3A_314 = tpu.memref_slice %arg21[%dma_wait3A_312, %dma_wait3A_313] : memref<10240x128xf32, #tpu.memory_space<vmem_shared>> -> memref<10240x128xf32, #tpu.memory_space<vmem_shared>>
    tpu.wait_indirect_dma semaphore(%arg26 : memref<!tpu.dma_semaphore, #tpu.memory_space<semaphore_mem>>) src(%arg17 : memref<64x128xf32, #tpu.memory_space<vmem>>) dst(%dma_wait3A_314 : memref<10240x128xf32, #tpu.memory_space<vmem_shared>>)
    %dma_wait3A_315 = arith.constant 0 : i32
    %dma_wait3A_316 = arith.constant 0 : i32
    %dma_wait3A_317 = tpu.memref_slice %arg21[%dma_wait3A_315, %dma_wait3A_316] : memref<10240x128xf32, #tpu.memory_space<vmem_shared>> -> memref<10240x128xf32, #tpu.memory_space<vmem_shared>>
    tpu.wait_indirect_dma semaphore(%arg27 : memref<!tpu.dma_semaphore, #tpu.memory_space<semaphore_mem>>) src(%arg18 : memref<64x128xf32, #tpu.memory_space<vmem>>) dst(%dma_wait3A_317 : memref<10240x128xf32, #tpu.memory_space<vmem_shared>>)
    %dma_wait3A_318 = arith.constant 0 : i32
    %dma_wait3A_319 = arith.constant 0 : i32
    %dma_wait3A_320 = tpu.memref_slice %arg21[%dma_wait3A_318, %dma_wait3A_319] : memref<10240x128xf32, #tpu.memory_space<vmem_shared>> -> memref<10240x128xf32, #tpu.memory_space<vmem_shared>>
    tpu.wait_indirect_dma semaphore(%arg28 : memref<!tpu.dma_semaphore, #tpu.memory_space<semaphore_mem>>) src(%arg19 : memref<64x128xf32, #tpu.memory_space<vmem>>) dst(%dma_wait3A_320 : memref<10240x128xf32, #tpu.memory_space<vmem_shared>>)
    %dma_wait3A_321 = arith.constant 0 : i32
    %dma_wait3A_322 = arith.constant 0 : i32
    %dma_wait3A_323 = tpu.memref_slice %arg21[%dma_wait3A_321, %dma_wait3A_322] : memref<10240x128xf32, #tpu.memory_space<vmem_shared>> -> memref<10240x128xf32, #tpu.memory_space<vmem_shared>>
    tpu.wait_indirect_dma semaphore(%arg29 : memref<!tpu.dma_semaphore, #tpu.memory_space<semaphore_mem>>) src(%arg20 : memref<64x128xf32, #tpu.memory_space<vmem>>) dst(%dma_wait3A_323 : memref<10240x128xf32, #tpu.memory_space<vmem_shared>>)
    %barrier3A_324 = arith.constant 0 : index
    tpu.barrier barrier_id(%barrier3A_324)
    "tpu.region"() ({
      %run_scoped3A = tpu.sem_alloc : memref<!tpu.dma_semaphore, #tpu.memory_space<semaphore_mem>>
      %dma_start3A_504 = arith.constant 0 : i32
      %dma_start3A_505 = tpu.memref_slice %arg6[%arg0, %mul3A_0, %dma_start3A_504] : memref<4x10240x128xf32, #tpu.memory_space<hbm>> -> memref<1x640x128xf32, #tpu.memory_space<hbm>>
      %dma_start3A_506 = tpu.memref_squeeze %dma_start3A_505 : memref<1x640x128xf32, #tpu.memory_space<hbm>> -> memref<640x128xf32, #tpu.memory_space<hbm>>
      %dma_start3A_507 = arith.constant 0 : i32
      %dma_start3A_508 = tpu.memref_slice %arg21[%mul3A_0, %dma_start3A_507] : memref<10240x128xf32, #tpu.memory_space<vmem_shared>> -> memref<640x128xf32, #tpu.memory_space<vmem_shared>>
      tpu.enqueue_dma source(%dma_start3A_508 : memref<640x128xf32, #tpu.memory_space<vmem_shared>>) target(%dma_start3A_506 : memref<640x128xf32, #tpu.memory_space<hbm>>) target_semaphore(%run_scoped3A : memref<!tpu.dma_semaphore, #tpu.memory_space<semaphore_mem>>)
      %dma_wait3A_509 = arith.constant 0 : i32
      %dma_wait3A_510 = tpu.memref_slice %arg6[%arg0, %mul3A_0, %dma_wait3A_509] : memref<4x10240x128xf32, #tpu.memory_space<hbm>> -> memref<1x640x128xf32, #tpu.memory_space<hbm>>
      %dma_wait3A_511 = tpu.memref_squeeze %dma_wait3A_510 : memref<1x640x128xf32, #tpu.memory_space<hbm>> -> memref<640x128xf32, #tpu.memory_space<hbm>>
      %dma_wait3A_512 = arith.constant 0 : i32
      %dma_wait3A_513 = tpu.memref_slice %arg21[%mul3A_0, %dma_wait3A_512] : memref<10240x128xf32, #tpu.memory_space<vmem_shared>> -> memref<640x128xf32, #tpu.memory_space<vmem_shared>>
      tpu.wait_dma2 semaphore(%run_scoped3A : memref<!tpu.dma_semaphore, #tpu.memory_space<semaphore_mem>>) src(%dma_wait3A_513 : memref<640x128xf32, #tpu.memory_space<vmem_shared>>) dst(%dma_wait3A_511 : memref<640x128xf32, #tpu.memory_space<hbm>>)
      tpu.yield
    }) : () -> ()
    %add3A_325 = arith.constant 2 : i32
    %add3A_326 = arith.addi %add3A_325, %arg0 : i32
    %mul3A_327 = arith.constant 10240 : i32
    %mul3A_328 = arith.muli %add3A_326, %mul3A_327 : i32
    %eq3A = arith.constant 0 : i32
    %eq3A_329 = arith.cmpi eq, %arg0, %eq3A : i32
    %convert_element_type3A = arith.extui %eq3A_329 : i1 to i32
    %cond3A = arith.constant 0 : i32
    %cond3A_330 = arith.cmpi ne, %convert_element_type3A, %cond3A : i32
    scf.if %cond3A_330 {
      %add3A_504 = arith.constant 20480 : i32
      %add3A_505 = arith.addi %add3A_504, %mul3A_0 : i32
      "tpu.region"() ({
        %run_scoped3A = tpu.sem_alloc : memref<!tpu.dma_semaphore, #tpu.memory_space<semaphore_mem>>
        %dma_start3A_506 = arith.constant 0 : i32
        %dma_start3A_507 = tpu.memref_slice %arg21[%mul3A_0, %dma_start3A_506] : memref<10240x128xf32, #tpu.memory_space<vmem_shared>> -> memref<640x128xf32, #tpu.memory_space<vmem_shared>>
        %dma_start3A_508 = arith.constant 0 : i32
        %dma_start3A_509 = tpu.memref_slice %arg2[%add3A_505, %dma_start3A_508] : memref<40960x128xf32, #tpu.memory_space<hbm>> -> memref<640x128xf32, #tpu.memory_space<hbm>>
        tpu.enqueue_dma source(%dma_start3A_509 : memref<640x128xf32, #tpu.memory_space<hbm>>) target(%dma_start3A_507 : memref<640x128xf32, #tpu.memory_space<vmem_shared>>) target_semaphore(%run_scoped3A : memref<!tpu.dma_semaphore, #tpu.memory_space<semaphore_mem>>)
        %dma_wait3A_510 = arith.constant 0 : i32
        %dma_wait3A_511 = tpu.memref_slice %arg21[%mul3A_0, %dma_wait3A_510] : memref<10240x128xf32, #tpu.memory_space<vmem_shared>> -> memref<640x128xf32, #tpu.memory_space<vmem_shared>>
        %dma_wait3A_512 = arith.constant 0 : i32
        %dma_wait3A_513 = tpu.memref_slice %arg2[%add3A_505, %dma_wait3A_512] : memref<40960x128xf32, #tpu.memory_space<hbm>> -> memref<640x128xf32, #tpu.memory_space<hbm>>
        tpu.wait_dma2 semaphore(%run_scoped3A : memref<!tpu.dma_semaphore, #tpu.memory_space<semaphore_mem>>) src(%dma_wait3A_513 : memref<640x128xf32, #tpu.memory_space<hbm>>) dst(%dma_wait3A_511 : memref<640x128xf32, #tpu.memory_space<vmem_shared>>)
        tpu.yield
      }) : () -> ()
    } else {
    }
    %eq3A_331 = arith.constant 1 : i32
    %eq3A_332 = arith.cmpi eq, %arg0, %eq3A_331 : i32
    %convert_element_type3A_333 = arith.extui %eq3A_332 : i1 to i32
    %cond3A_334 = arith.constant 0 : i32
    %cond3A_335 = arith.cmpi ne, %convert_element_type3A_333, %cond3A_334 : i32
    scf.if %cond3A_335 {
      "tpu.region"() ({
        %run_scoped3A = tpu.sem_alloc : memref<!tpu.dma_semaphore, #tpu.memory_space<semaphore_mem>>
        %dma_start3A_504 = arith.constant 0 : i32
        %dma_start3A_505 = tpu.memref_slice %arg21[%mul3A_0, %dma_start3A_504] : memref<10240x128xf32, #tpu.memory_space<vmem_shared>> -> memref<640x128xf32, #tpu.memory_space<vmem_shared>>
        %dma_start3A_506 = arith.constant 0 : i32
        %dma_start3A_507 = tpu.memref_slice %arg5[%mul3A_0, %dma_start3A_506] : memref<10240x128xf32, #tpu.memory_space<hbm>> -> memref<640x128xf32, #tpu.memory_space<hbm>>
        tpu.enqueue_dma source(%dma_start3A_507 : memref<640x128xf32, #tpu.memory_space<hbm>>) target(%dma_start3A_505 : memref<640x128xf32, #tpu.memory_space<vmem_shared>>) target_semaphore(%run_scoped3A : memref<!tpu.dma_semaphore, #tpu.memory_space<semaphore_mem>>)
        %dma_wait3A_508 = arith.constant 0 : i32
        %dma_wait3A_509 = tpu.memref_slice %arg21[%mul3A_0, %dma_wait3A_508] : memref<10240x128xf32, #tpu.memory_space<vmem_shared>> -> memref<640x128xf32, #tpu.memory_space<vmem_shared>>
        %dma_wait3A_510 = arith.constant 0 : i32
        %dma_wait3A_511 = tpu.memref_slice %arg5[%mul3A_0, %dma_wait3A_510] : memref<10240x128xf32, #tpu.memory_space<hbm>> -> memref<640x128xf32, #tpu.memory_space<hbm>>
        tpu.wait_dma2 semaphore(%run_scoped3A : memref<!tpu.dma_semaphore, #tpu.memory_space<semaphore_mem>>) src(%dma_wait3A_511 : memref<640x128xf32, #tpu.memory_space<hbm>>) dst(%dma_wait3A_509 : memref<640x128xf32, #tpu.memory_space<vmem_shared>>)
        tpu.yield
      }) : () -> ()
    } else {
    }
    %barrier3A_336 = arith.constant 0 : index
    tpu.barrier barrier_id(%barrier3A_336)
    %mul3A_337 = arith.constant 16 : i32
    %mul3A_338 = arith.muli %arg0, %mul3A_337 : i32
    %add3A_339 = arith.addi %mul3A_338, %arg1 : i32
    %mul3A_340 = arith.constant 40 : i32
    %mul3A_341 = arith.muli %add3A_339, %mul3A_340 : i32
    "tpu.region"() ({
      %run_scoped3A = tpu.sem_alloc : memref<!tpu.dma_semaphore, #tpu.memory_space<semaphore_mem>>
      %dma_start3A_504 = arith.constant 0 : i32
      %dma_start3A_505 = tpu.memref_slice %arg3[%mul3A_341, %dma_start3A_504] : memref<1280x128xi32, #tpu.memory_space<hbm>> -> memref<40x128xi32, #tpu.memory_space<hbm>>
      %dma_start3A_506 = arith.constant 0 : i32
      %dma_start3A_507 = tpu.memref_slice %arg3[%mul3A_341, %dma_start3A_506] : memref<1280x128xi32, #tpu.memory_space<hbm>> -> memref<40x128xi32, #tpu.memory_space<hbm>>
      tpu.enqueue_dma source(%dma_start3A_507 : memref<40x128xi32, #tpu.memory_space<hbm>>) target(%arg7 : memref<40x128xi32, #tpu.memory_space<vmem>>) target_semaphore(%run_scoped3A : memref<!tpu.dma_semaphore, #tpu.memory_space<semaphore_mem>>)
      %dma_wait3A_508 = arith.constant 0 : i32
      %dma_wait3A_509 = tpu.memref_slice %arg3[%mul3A_341, %dma_wait3A_508] : memref<1280x128xi32, #tpu.memory_space<hbm>> -> memref<40x128xi32, #tpu.memory_space<hbm>>
      %dma_wait3A_510 = arith.constant 0 : i32
      %dma_wait3A_511 = tpu.memref_slice %arg3[%mul3A_341, %dma_wait3A_510] : memref<1280x128xi32, #tpu.memory_space<hbm>> -> memref<40x128xi32, #tpu.memory_space<hbm>>
      tpu.wait_dma2 semaphore(%run_scoped3A : memref<!tpu.dma_semaphore, #tpu.memory_space<semaphore_mem>>) src(%dma_wait3A_511 : memref<40x128xi32, #tpu.memory_space<hbm>>) dst(%arg7 : memref<40x128xi32, #tpu.memory_space<vmem>>)
      tpu.yield
    }) : () -> ()
    "tpu.region"() ({
      %run_scoped3A = tpu.sem_alloc : memref<!tpu.dma_semaphore, #tpu.memory_space<semaphore_mem>>
      %dma_start3A_504 = arith.constant 0 : i32
      %dma_start3A_505 = tpu.memref_slice %arg4[%mul3A_341, %dma_start3A_504] : memref<1280x128xi32, #tpu.memory_space<hbm>> -> memref<40x128xi32, #tpu.memory_space<hbm>>
      %dma_start3A_506 = arith.constant 0 : i32
      %dma_start3A_507 = tpu.memref_slice %arg4[%mul3A_341, %dma_start3A_506] : memref<1280x128xi32, #tpu.memory_space<hbm>> -> memref<40x128xi32, #tpu.memory_space<hbm>>
      tpu.enqueue_dma source(%dma_start3A_507 : memref<40x128xi32, #tpu.memory_space<hbm>>) target(%arg8 : memref<40x128xi32, #tpu.memory_space<vmem>>) target_semaphore(%run_scoped3A : memref<!tpu.dma_semaphore, #tpu.memory_space<semaphore_mem>>)
      %dma_wait3A_508 = arith.constant 0 : i32
      %dma_wait3A_509 = tpu.memref_slice %arg4[%mul3A_341, %dma_wait3A_508] : memref<1280x128xi32, #tpu.memory_space<hbm>> -> memref<40x128xi32, #tpu.memory_space<hbm>>
      %dma_wait3A_510 = arith.constant 0 : i32
      %dma_wait3A_511 = tpu.memref_slice %arg4[%mul3A_341, %dma_wait3A_510] : memref<1280x128xi32, #tpu.memory_space<hbm>> -> memref<40x128xi32, #tpu.memory_space<hbm>>
      tpu.wait_dma2 semaphore(%run_scoped3A : memref<!tpu.dma_semaphore, #tpu.memory_space<semaphore_mem>>) src(%dma_wait3A_511 : memref<40x128xi32, #tpu.memory_space<hbm>>) dst(%arg8 : memref<40x128xi32, #tpu.memory_space<vmem>>)
      tpu.yield
    }) : () -> ()
    %get3A_342 = arith.constant 0 : i32
    %get3A_343 = arith.index_cast %get3A_342 : i32 to index
    %get3A_344 = arith.constant 0 : index
    %get3A_345 = tpu.vector_load %arg7[%get3A_343, %get3A_344] {strides = array<i32>} : memref<40x128xi32, #tpu.memory_space<vmem>>, vector<1x16xi32>,
    %get3A_346 = vector.shape_cast %get3A_345 : vector<1x16xi32> to vector<16xi32>
    %add3A_347 = vector.broadcast %mul3A_328 : i32 to vector<16xi32>
    %add3A_348 = arith.addi %get3A_346, %add3A_347 : vector<16xi32>
    %swap3A_349 = arith.constant 0 : index
    %swap3A_350 = tpu.vector_load %arg9[%swap3A_349] {strides = array<i32>} : memref<64xi32, #tpu.memory_space<vmem>>, vector<16xi32>,
    %swap3A_351 = vector.shape_cast %swap3A_350 : vector<16xi32> to vector<16xi32>
    %swap3A_352 = vector.shape_cast %add3A_348 : vector<16xi32> to vector<16xi32>
    tpu.vector_store %arg9[%swap3A_349], %swap3A_352 {strides = array<i32>} : memref<64xi32, #tpu.memory_space<vmem>>, vector<16xi32>,
    %get3A_353 = arith.constant 0 : i32
    %get3A_354 = arith.index_cast %get3A_353 : i32 to index
    %get3A_355 = arith.constant 16 : index
    %get3A_356 = tpu.vector_load %arg7[%get3A_354, %get3A_355] {strides = array<i32>} : memref<40x128xi32, #tpu.memory_space<vmem>>, vector<1x16xi32>,
    %get3A_357 = vector.shape_cast %get3A_356 : vector<1x16xi32> to vector<16xi32>
    %add3A_358 = vector.broadcast %mul3A_328 : i32 to vector<16xi32>
    %add3A_359 = arith.addi %get3A_357, %add3A_358 : vector<16xi32>
    %swap3A_360 = arith.constant 16 : index
    %swap3A_361 = tpu.vector_load %arg9[%swap3A_360] {strides = array<i32>} : memref<64xi32, #tpu.memory_space<vmem>>, vector<16xi32>,
    %swap3A_362 = vector.shape_cast %swap3A_361 : vector<16xi32> to vector<16xi32>
    %swap3A_363 = vector.shape_cast %add3A_359 : vector<16xi32> to vector<16xi32>
    tpu.vector_store %arg9[%swap3A_360], %swap3A_363 {strides = array<i32>} : memref<64xi32, #tpu.memory_space<vmem>>, vector<16xi32>,
    %get3A_364 = arith.constant 0 : i32
    %get3A_365 = arith.index_cast %get3A_364 : i32 to index
    %get3A_366 = arith.constant 32 : index
    %get3A_367 = tpu.vector_load %arg7[%get3A_365, %get3A_366] {strides = array<i32>} : memref<40x128xi32, #tpu.memory_space<vmem>>, vector<1x16xi32>,
    %get3A_368 = vector.shape_cast %get3A_367 : vector<1x16xi32> to vector<16xi32>
    %add3A_369 = vector.broadcast %mul3A_328 : i32 to vector<16xi32>
    %add3A_370 = arith.addi %get3A_368, %add3A_369 : vector<16xi32>
    %swap3A_371 = arith.constant 32 : index
    %swap3A_372 = tpu.vector_load %arg9[%swap3A_371] {strides = array<i32>} : memref<64xi32, #tpu.memory_space<vmem>>, vector<16xi32>,
    %swap3A_373 = vector.shape_cast %swap3A_372 : vector<16xi32> to vector<16xi32>
    %swap3A_374 = vector.shape_cast %add3A_370 : vector<16xi32> to vector<16xi32>
    tpu.vector_store %arg9[%swap3A_371], %swap3A_374 {strides = array<i32>} : memref<64xi32, #tpu.memory_space<vmem>>, vector<16xi32>,
    %get3A_375 = arith.constant 0 : i32
    %get3A_376 = arith.index_cast %get3A_375 : i32 to index
    %get3A_377 = arith.constant 48 : index
    %get3A_378 = tpu.vector_load %arg7[%get3A_376, %get3A_377] {strides = array<i32>} : memref<40x128xi32, #tpu.memory_space<vmem>>, vector<1x16xi32>,
    %get3A_379 = vector.shape_cast %get3A_378 : vector<1x16xi32> to vector<16xi32>
    %add3A_380 = vector.broadcast %mul3A_328 : i32 to vector<16xi32>
    %add3A_381 = arith.addi %get3A_379, %add3A_380 : vector<16xi32>
    %swap3A_382 = arith.constant 48 : index
    %swap3A_383 = tpu.vector_load %arg9[%swap3A_382] {strides = array<i32>} : memref<64xi32, #tpu.memory_space<vmem>>, vector<16xi32>,
    %swap3A_384 = vector.shape_cast %swap3A_383 : vector<16xi32> to vector<16xi32>
    %swap3A_385 = vector.shape_cast %add3A_381 : vector<16xi32> to vector<16xi32>
    tpu.vector_store %arg9[%swap3A_382], %swap3A_385 {strides = array<i32>} : memref<64xi32, #tpu.memory_space<vmem>>, vector<16xi32>,
    %dma_start3A_386 = arith.constant 0 : i32
    %dma_start3A_387 = arith.constant 0 : i32
    %dma_start3A_388 = tpu.memref_slice %arg2[%dma_start3A_386, %dma_start3A_387] : memref<40960x128xf32, #tpu.memory_space<hbm>> -> memref<40960x128xf32, #tpu.memory_space<hbm>>
    tpu.enqueue_indirect_dma source(%dma_start3A_388 : memref<40960x128xf32, #tpu.memory_space<hbm>>) target(%arg17 : memref<64x128xf32, #tpu.memory_space<vmem>>) offsets(%arg9 : memref<64xi32, #tpu.memory_space<vmem>>) semaphore(%arg22 : memref<!tpu.dma_semaphore, #tpu.memory_space<semaphore_mem>>)
    %get3A_389 = arith.constant 0 : i32
    %get3A_390 = arith.index_cast %get3A_389 : i32 to index
    %get3A_391 = arith.constant 64 : index
    %get3A_392 = tpu.vector_load %arg7[%get3A_390, %get3A_391] {strides = array<i32>} : memref<40x128xi32, #tpu.memory_space<vmem>>, vector<1x16xi32>,
    %get3A_393 = vector.shape_cast %get3A_392 : vector<1x16xi32> to vector<16xi32>
    %add3A_394 = vector.broadcast %mul3A_328 : i32 to vector<16xi32>
    %add3A_395 = arith.addi %get3A_393, %add3A_394 : vector<16xi32>
    %swap3A_396 = arith.constant 0 : index
    %swap3A_397 = tpu.vector_load %arg10[%swap3A_396] {strides = array<i32>} : memref<64xi32, #tpu.memory_space<vmem>>, vector<16xi32>,
    %swap3A_398 = vector.shape_cast %swap3A_397 : vector<16xi32> to vector<16xi32>
    %swap3A_399 = vector.shape_cast %add3A_395 : vector<16xi32> to vector<16xi32>
    tpu.vector_store %arg10[%swap3A_396], %swap3A_399 {strides = array<i32>} : memref<64xi32, #tpu.memory_space<vmem>>, vector<16xi32>,
    %get3A_400 = arith.constant 0 : i32
    %get3A_401 = arith.index_cast %get3A_400 : i32 to index
    %get3A_402 = arith.constant 80 : index
    %get3A_403 = tpu.vector_load %arg7[%get3A_401, %get3A_402] {strides = array<i32>} : memref<40x128xi32, #tpu.memory_space<vmem>>, vector<1x16xi32>,
    %get3A_404 = vector.shape_cast %get3A_403 : vector<1x16xi32> to vector<16xi32>
    %add3A_405 = vector.broadcast %mul3A_328 : i32 to vector<16xi32>
    %add3A_406 = arith.addi %get3A_404, %add3A_405 : vector<16xi32>
    %swap3A_407 = arith.constant 16 : index
    %swap3A_408 = tpu.vector_load %arg10[%swap3A_407] {strides = array<i32>} : memref<64xi32, #tpu.memory_space<vmem>>, vector<16xi32>,
    %swap3A_409 = vector.shape_cast %swap3A_408 : vector<16xi32> to vector<16xi32>
    %swap3A_410 = vector.shape_cast %add3A_406 : vector<16xi32> to vector<16xi32>
    tpu.vector_store %arg10[%swap3A_407], %swap3A_410 {strides = array<i32>} : memref<64xi32, #tpu.memory_space<vmem>>, vector<16xi32>,
    %get3A_411 = arith.constant 0 : i32
    %get3A_412 = arith.index_cast %get3A_411 : i32 to index
    %get3A_413 = arith.constant 96 : index
    %get3A_414 = tpu.vector_load %arg7[%get3A_412, %get3A_413] {strides = array<i32>} : memref<40x128xi32, #tpu.memory_space<vmem>>, vector<1x16xi32>,
    %get3A_415 = vector.shape_cast %get3A_414 : vector<1x16xi32> to vector<16xi32>
    %add3A_416 = vector.broadcast %mul3A_328 : i32 to vector<16xi32>
    %add3A_417 = arith.addi %get3A_415, %add3A_416 : vector<16xi32>
    %swap3A_418 = arith.constant 32 : index
    %swap3A_419 = tpu.vector_load %arg10[%swap3A_418] {strides = array<i32>} : memref<64xi32, #tpu.memory_space<vmem>>, vector<16xi32>,
    %swap3A_420 = vector.shape_cast %swap3A_419 : vector<16xi32> to vector<16xi32>
    %swap3A_421 = vector.shape_cast %add3A_417 : vector<16xi32> to vector<16xi32>
    tpu.vector_store %arg10[%swap3A_418], %swap3A_421 {strides = array<i32>} : memref<64xi32, #tpu.memory_space<vmem>>, vector<16xi32>,
    %get3A_422 = arith.constant 0 : i32
    %get3A_423 = arith.index_cast %get3A_422 : i32 to index
    %get3A_424 = arith.constant 112 : index
    %get3A_425 = tpu.vector_load %arg7[%get3A_423, %get3A_424] {strides = array<i32>} : memref<40x128xi32, #tpu.memory_space<vmem>>, vector<1x16xi32>,
    %get3A_426 = vector.shape_cast %get3A_425 : vector<1x16xi32> to vector<16xi32>
    %add3A_427 = vector.broadcast %mul3A_328 : i32 to vector<16xi32>
    %add3A_428 = arith.addi %get3A_426, %add3A_427 : vector<16xi32>
    %swap3A_429 = arith.constant 48 : index
    %swap3A_430 = tpu.vector_load %arg10[%swap3A_429] {strides = array<i32>} : memref<64xi32, #tpu.memory_space<vmem>>, vector<16xi32>,
    %swap3A_431 = vector.shape_cast %swap3A_430 : vector<16xi32> to vector<16xi32>
    %swap3A_432 = vector.shape_cast %add3A_428 : vector<16xi32> to vector<16xi32>
    tpu.vector_store %arg10[%swap3A_429], %swap3A_432 {strides = array<i32>} : memref<64xi32, #tpu.memory_space<vmem>>, vector<16xi32>,
    %dma_start3A_433 = arith.constant 0 : i32
    %dma_start3A_434 = arith.constant 0 : i32
    %dma_start3A_435 = tpu.memref_slice %arg2[%dma_start3A_433, %dma_start3A_434] : memref<40960x128xf32, #tpu.memory_space<hbm>> -> memref<40960x128xf32, #tpu.memory_space<hbm>>
    tpu.enqueue_indirect_dma source(%dma_start3A_435 : memref<40960x128xf32, #tpu.memory_space<hbm>>) target(%arg18 : memref<64x128xf32, #tpu.memory_space<vmem>>) offsets(%arg10 : memref<64xi32, #tpu.memory_space<vmem>>) semaphore(%arg23 : memref<!tpu.dma_semaphore, #tpu.memory_space<semaphore_mem>>)
    %get3A_436 = arith.constant 1 : i32
    %get3A_437 = arith.index_cast %get3A_436 : i32 to index
    %get3A_438 = arith.constant 0 : index
    %get3A_439 = tpu.vector_load %arg7[%get3A_437, %get3A_438] {strides = array<i32>} : memref<40x128xi32, #tpu.memory_space<vmem>>, vector<1x16xi32>,
    %get3A_440 = vector.shape_cast %get3A_439 : vector<1x16xi32> to vector<16xi32>
    %add3A_441 = vector.broadcast %mul3A_328 : i32 to vector<16xi32>
    %add3A_442 = arith.addi %get3A_440, %add3A_441 : vector<16xi32>
    %swap3A_443 = arith.constant 0 : index
    %swap3A_444 = tpu.vector_load %arg11[%swap3A_443] {strides = array<i32>} : memref<64xi32, #tpu.memory_space<vmem>>, vector<16xi32>,
    %swap3A_445 = vector.shape_cast %swap3A_444 : vector<16xi32> to vector<16xi32>
    %swap3A_446 = vector.shape_cast %add3A_442 : vector<16xi32> to vector<16xi32>
    tpu.vector_store %arg11[%swap3A_443], %swap3A_446 {strides = array<i32>} : memref<64xi32, #tpu.memory_space<vmem>>, vector<16xi32>,
    %get3A_447 = arith.constant 1 : i32
    %get3A_448 = arith.index_cast %get3A_447 : i32 to index
    %get3A_449 = arith.constant 16 : index
    %get3A_450 = tpu.vector_load %arg7[%get3A_448, %get3A_449] {strides = array<i32>} : memref<40x128xi32, #tpu.memory_space<vmem>>, vector<1x16xi32>,
    %get3A_451 = vector.shape_cast %get3A_450 : vector<1x16xi32> to vector<16xi32>
    %add3A_452 = vector.broadcast %mul3A_328 : i32 to vector<16xi32>
    %add3A_453 = arith.addi %get3A_451, %add3A_452 : vector<16xi32>
    %swap3A_454 = arith.constant 16 : index
    %swap3A_455 = tpu.vector_load %arg11[%swap3A_454] {strides = array<i32>} : memref<64xi32, #tpu.memory_space<vmem>>, vector<16xi32>,
    %swap3A_456 = vector.shape_cast %swap3A_455 : vector<16xi32> to vector<16xi32>
    %swap3A_457 = vector.shape_cast %add3A_453 : vector<16xi32> to vector<16xi32>
    tpu.vector_store %arg11[%swap3A_454], %swap3A_457 {strides = array<i32>} : memref<64xi32, #tpu.memory_space<vmem>>, vector<16xi32>,
    %get3A_458 = arith.constant 1 : i32
    %get3A_459 = arith.index_cast %get3A_458 : i32 to index
    %get3A_460 = arith.constant 32 : index
    %get3A_461 = tpu.vector_load %arg7[%get3A_459, %get3A_460] {strides = array<i32>} : memref<40x128xi32, #tpu.memory_space<vmem>>, vector<1x16xi32>,
    %get3A_462 = vector.shape_cast %get3A_461 : vector<1x16xi32> to vector<16xi32>
    %add3A_463 = vector.broadcast %mul3A_328 : i32 to vector<16xi32>
    %add3A_464 = arith.addi %get3A_462, %add3A_463 : vector<16xi32>
    %swap3A_465 = arith.constant 32 : index
    %swap3A_466 = tpu.vector_load %arg11[%swap3A_465] {strides = array<i32>} : memref<64xi32, #tpu.memory_space<vmem>>, vector<16xi32>,
    %swap3A_467 = vector.shape_cast %swap3A_466 : vector<16xi32> to vector<16xi32>
    %swap3A_468 = vector.shape_cast %add3A_464 : vector<16xi32> to vector<16xi32>
    tpu.vector_store %arg11[%swap3A_465], %swap3A_468 {strides = array<i32>} : memref<64xi32, #tpu.memory_space<vmem>>, vector<16xi32>,
    %get3A_469 = arith.constant 1 : i32
    %get3A_470 = arith.index_cast %get3A_469 : i32 to index
    %get3A_471 = arith.constant 48 : index
    %get3A_472 = tpu.vector_load %arg7[%get3A_470, %get3A_471] {strides = array<i32>} : memref<40x128xi32, #tpu.memory_space<vmem>>, vector<1x16xi32>,
    %get3A_473 = vector.shape_cast %get3A_472 : vector<1x16xi32> to vector<16xi32>
    %add3A_474 = vector.broadcast %mul3A_328 : i32 to vector<16xi32>
    %add3A_475 = arith.addi %get3A_473, %add3A_474 : vector<16xi32>
    %swap3A_476 = arith.constant 48 : index
    %swap3A_477 = tpu.vector_load %arg11[%swap3A_476] {strides = array<i32>} : memref<64xi32, #tpu.memory_space<vmem>>, vector<16xi32>,
    %swap3A_478 = vector.shape_cast %swap3A_477 : vector<16xi32> to vector<16xi32>
    %swap3A_479 = vector.shape_cast %add3A_475 : vector<16xi32> to vector<16xi32>
    tpu.vector_store %arg11[%swap3A_476], %swap3A_479 {strides = array<i32>} : memref<64xi32, #tpu.memory_space<vmem>>, vector<16xi32>,
    %dma_start3A_480 = arith.constant 0 : i32
    %dma_start3A_481 = arith.constant 0 : i32
    %dma_start3A_482 = tpu.memref_slice %arg2[%dma_start3A_480, %dma_start3A_481] : memref<40960x128xf32, #tpu.memory_space<hbm>> -> memref<40960x128xf32, #tpu.memory_space<hbm>>
    tpu.enqueue_indirect_dma source(%dma_start3A_482 : memref<40960x128xf32, #tpu.memory_space<hbm>>) target(%arg19 : memref<64x128xf32, #tpu.memory_space<vmem>>) offsets(%arg11 : memref<64xi32, #tpu.memory_space<vmem>>) semaphore(%arg24 : memref<!tpu.dma_semaphore, #tpu.memory_space<semaphore_mem>>)
    %scan3A_483 = arith.constant 0 : i32
    %scan3A_484 = arith.constant 0 : i32
    %scan3A_485 = arith.constant 20 : i32
    %scan3A_486 = arith.addi %scan3A_484, %scan3A_485 : i32
    %scan3A_487 = arith.constant 1 : i32
    scf.for %scan3A_504 = %scan3A_484 to %scan3A_486 step %scan3A_487  : i32 {
      %mul3A_505 = arith.constant 4 : i32
      %mul3A_506 = arith.muli %mul3A_505, %scan3A_504 : i32
      %add3A_507 = arith.constant 0 : i32
      %add3A_508 = arith.addi %mul3A_506, %add3A_507 : i32
      %mul3A_509 = arith.constant 2 : i32
      %mul3A_510 = arith.muli %mul3A_509, %scan3A_504 : i32
      %add3A_511 = arith.constant 0 : i32
      %add3A_512 = arith.addi %mul3A_510, %add3A_511 : i32
      %dma_wait3A_513 = arith.constant 0 : i32
      %dma_wait3A_514 = arith.constant 0 : i32
      %dma_wait3A_515 = tpu.memref_slice %arg2[%dma_wait3A_513, %dma_wait3A_514] : memref<40960x128xf32, #tpu.memory_space<hbm>> -> memref<40960x128xf32, #tpu.memory_space<hbm>>
      tpu.wait_indirect_dma semaphore(%arg22 : memref<!tpu.dma_semaphore, #tpu.memory_space<semaphore_mem>>) src(%dma_wait3A_515 : memref<40960x128xf32, #tpu.memory_space<hbm>>) dst(%arg17 : memref<64x128xf32, #tpu.memory_space<vmem>>)
      %get3A_516 = arith.index_cast %add3A_512 : i32 to index
      %get3A_517 = arith.constant 0 : index
      %get3A_518 = tpu.vector_load %arg8[%get3A_516, %get3A_517] {strides = array<i32>} : memref<40x128xi32, #tpu.memory_space<vmem>>, vector<1x16xi32>,
      %get3A_519 = vector.shape_cast %get3A_518 : vector<1x16xi32> to vector<16xi32>
      %add3A_520 = arith.constant 0 : i32
      %add3A_521 = vector.broadcast %add3A_520 : i32 to vector<16xi32>
      %add3A_522 = arith.addi %get3A_519, %add3A_521 : vector<16xi32>
      %swap3A_523 = arith.constant 0 : index
      %swap3A_524 = tpu.vector_load %arg13[%swap3A_523] {strides = array<i32>} : memref<64xi32, #tpu.memory_space<vmem>>, vector<16xi32>,
      %swap3A_525 = vector.shape_cast %swap3A_524 : vector<16xi32> to vector<16xi32>
      %swap3A_526 = vector.shape_cast %add3A_522 : vector<16xi32> to vector<16xi32>
      tpu.vector_store %arg13[%swap3A_523], %swap3A_526 {strides = array<i32>} : memref<64xi32, #tpu.memory_space<vmem>>, vector<16xi32>,
      %get3A_527 = arith.index_cast %add3A_512 : i32 to index
      %get3A_528 = arith.constant 16 : index
      %get3A_529 = tpu.vector_load %arg8[%get3A_527, %get3A_528] {strides = array<i32>} : memref<40x128xi32, #tpu.memory_space<vmem>>, vector<1x16xi32>,
      %get3A_530 = vector.shape_cast %get3A_529 : vector<1x16xi32> to vector<16xi32>
      %add3A_531 = arith.constant 0 : i32
      %add3A_532 = vector.broadcast %add3A_531 : i32 to vector<16xi32>
      %add3A_533 = arith.addi %get3A_530, %add3A_532 : vector<16xi32>
      %swap3A_534 = arith.constant 16 : index
      %swap3A_535 = tpu.vector_load %arg13[%swap3A_534] {strides = array<i32>} : memref<64xi32, #tpu.memory_space<vmem>>, vector<16xi32>,
      %swap3A_536 = vector.shape_cast %swap3A_535 : vector<16xi32> to vector<16xi32>
      %swap3A_537 = vector.shape_cast %add3A_533 : vector<16xi32> to vector<16xi32>
      tpu.vector_store %arg13[%swap3A_534], %swap3A_537 {strides = array<i32>} : memref<64xi32, #tpu.memory_space<vmem>>, vector<16xi32>,
      %get3A_538 = arith.index_cast %add3A_512 : i32 to index
      %get3A_539 = arith.constant 32 : index
      %get3A_540 = tpu.vector_load %arg8[%get3A_538, %get3A_539] {strides = array<i32>} : memref<40x128xi32, #tpu.memory_space<vmem>>, vector<1x16xi32>,
      %get3A_541 = vector.shape_cast %get3A_540 : vector<1x16xi32> to vector<16xi32>
      %add3A_542 = arith.constant 0 : i32
      %add3A_543 = vector.broadcast %add3A_542 : i32 to vector<16xi32>
      %add3A_544 = arith.addi %get3A_541, %add3A_543 : vector<16xi32>
      %swap3A_545 = arith.constant 32 : index
      %swap3A_546 = tpu.vector_load %arg13[%swap3A_545] {strides = array<i32>} : memref<64xi32, #tpu.memory_space<vmem>>, vector<16xi32>,
      %swap3A_547 = vector.shape_cast %swap3A_546 : vector<16xi32> to vector<16xi32>
      %swap3A_548 = vector.shape_cast %add3A_544 : vector<16xi32> to vector<16xi32>
      tpu.vector_store %arg13[%swap3A_545], %swap3A_548 {strides = array<i32>} : memref<64xi32, #tpu.memory_space<vmem>>, vector<16xi32>,
      %get3A_549 = arith.index_cast %add3A_512 : i32 to index
      %get3A_550 = arith.constant 48 : index
      %get3A_551 = tpu.vector_load %arg8[%get3A_549, %get3A_550] {strides = array<i32>} : memref<40x128xi32, #tpu.memory_space<vmem>>, vector<1x16xi32>,
      %get3A_552 = vector.shape_cast %get3A_551 : vector<1x16xi32> to vector<16xi32>
      %add3A_553 = arith.constant 0 : i32
      %add3A_554 = vector.broadcast %add3A_553 : i32 to vector<16xi32>
      %add3A_555 = arith.addi %get3A_552, %add3A_554 : vector<16xi32>
      %swap3A_556 = arith.constant 48 : index
      %swap3A_557 = tpu.vector_load %arg13[%swap3A_556] {strides = array<i32>} : memref<64xi32, #tpu.memory_space<vmem>>, vector<16xi32>,
      %swap3A_558 = vector.shape_cast %swap3A_557 : vector<16xi32> to vector<16xi32>
      %swap3A_559 = vector.shape_cast %add3A_555 : vector<16xi32> to vector<16xi32>
      tpu.vector_store %arg13[%swap3A_556], %swap3A_559 {strides = array<i32>} : memref<64xi32, #tpu.memory_space<vmem>>, vector<16xi32>,
      %dma_start3A_560 = arith.constant 0 : i32
      %dma_start3A_561 = arith.constant 0 : i32
      %dma_start3A_562 = tpu.memref_slice %arg21[%dma_start3A_560, %dma_start3A_561] : memref<10240x128xf32, #tpu.memory_space<vmem_shared>> -> memref<10240x128xf32, #tpu.memory_space<vmem_shared>>
      tpu.enqueue_indirect_dma source(%arg17 : memref<64x128xf32, #tpu.memory_space<vmem>>) target(%dma_start3A_562 : memref<10240x128xf32, #tpu.memory_space<vmem_shared>>) offsets(%arg13 : memref<64xi32, #tpu.memory_space<vmem>>) semaphore(%arg26 : memref<!tpu.dma_semaphore, #tpu.memory_space<semaphore_mem>>) {add = true}
      %mul3A_563 = arith.constant 2 : i32
      %mul3A_564 = arith.muli %mul3A_563, %scan3A_504 : i32
      %add3A_565 = arith.constant 1 : i32
      %add3A_566 = arith.addi %mul3A_564, %add3A_565 : i32
      %add3A_567 = arith.constant 3 : i32
      %add3A_568 = arith.addi %add3A_508, %add3A_567 : i32
      %lt3A = arith.constant 80 : i32
      %lt3A_569 = arith.cmpi slt, %add3A_568, %lt3A : i32
      %convert_element_type3A_570 = arith.extui %lt3A_569 : i1 to i32
      %cond3A_571 = arith.constant 0 : i32
      %cond3A_572 = arith.cmpi ne, %convert_element_type3A_570, %cond3A_571 : i32
      scf.if %cond3A_572 {
        %add3A_780 = arith.constant 3 : i32
        %add3A_781 = arith.addi %add3A_508, %add3A_780 : i32
        %ge3A = arith.constant 4 : i32
        %ge3A_782 = arith.cmpi sge, %add3A_781, %ge3A : i32
        %convert_element_type3A_783 = arith.extui %ge3A_782 : i1 to i32
        %cond3A_784 = arith.constant 0 : i32
        %cond3A_785 = arith.cmpi ne, %convert_element_type3A_783, %cond3A_784 : i32
        scf.if %cond3A_785 {
          %dma_wait3A_829 = arith.constant 0 : i32
          %dma_wait3A_830 = arith.constant 0 : i32
          %dma_wait3A_831 = tpu.memref_slice %arg21[%dma_wait3A_829, %dma_wait3A_830] : memref<10240x128xf32, #tpu.memory_space<vmem_shared>> -> memref<10240x128xf32, #tpu.memory_space<vmem_shared>>
          tpu.wait_indirect_dma semaphore(%arg29 : memref<!tpu.dma_semaphore, #tpu.memory_space<semaphore_mem>>) src(%arg20 : memref<64x128xf32, #tpu.memory_space<vmem>>) dst(%dma_wait3A_831 : memref<10240x128xf32, #tpu.memory_space<vmem_shared>>)
        } else {
        }
        %get3A_786 = arith.index_cast %add3A_566 : i32 to index
        %get3A_787 = arith.constant 64 : index
        %get3A_788 = tpu.vector_load %arg7[%get3A_786, %get3A_787] {strides = array<i32>} : memref<40x128xi32, #tpu.memory_space<vmem>>, vector<1x16xi32>,
        %get3A_789 = vector.shape_cast %get3A_788 : vector<1x16xi32> to vector<16xi32>
        %add3A_790 = vector.broadcast %mul3A_328 : i32 to vector<16xi32>
        %add3A_791 = arith.addi %get3A_789, %add3A_790 : vector<16xi32>
        %swap3A_792 = arith.constant 0 : index
        %swap3A_793 = tpu.vector_load %arg12[%swap3A_792] {strides = array<i32>} : memref<64xi32, #tpu.memory_space<vmem>>, vector<16xi32>,
        %swap3A_794 = vector.shape_cast %swap3A_793 : vector<16xi32> to vector<16xi32>
        %swap3A_795 = vector.shape_cast %add3A_791 : vector<16xi32> to vector<16xi32>
        tpu.vector_store %arg12[%swap3A_792], %swap3A_795 {strides = array<i32>} : memref<64xi32, #tpu.memory_space<vmem>>, vector<16xi32>,
        %get3A_796 = arith.index_cast %add3A_566 : i32 to index
        %get3A_797 = arith.constant 80 : index
        %get3A_798 = tpu.vector_load %arg7[%get3A_796, %get3A_797] {strides = array<i32>} : memref<40x128xi32, #tpu.memory_space<vmem>>, vector<1x16xi32>,
        %get3A_799 = vector.shape_cast %get3A_798 : vector<1x16xi32> to vector<16xi32>
        %add3A_800 = vector.broadcast %mul3A_328 : i32 to vector<16xi32>
        %add3A_801 = arith.addi %get3A_799, %add3A_800 : vector<16xi32>
        %swap3A_802 = arith.constant 16 : index
        %swap3A_803 = tpu.vector_load %arg12[%swap3A_802] {strides = array<i32>} : memref<64xi32, #tpu.memory_space<vmem>>, vector<16xi32>,
        %swap3A_804 = vector.shape_cast %swap3A_803 : vector<16xi32> to vector<16xi32>
        %swap3A_805 = vector.shape_cast %add3A_801 : vector<16xi32> to vector<16xi32>
        tpu.vector_store %arg12[%swap3A_802], %swap3A_805 {strides = array<i32>} : memref<64xi32, #tpu.memory_space<vmem>>, vector<16xi32>,
        %get3A_806 = arith.index_cast %add3A_566 : i32 to index
        %get3A_807 = arith.constant 96 : index
        %get3A_808 = tpu.vector_load %arg7[%get3A_806, %get3A_807] {strides = array<i32>} : memref<40x128xi32, #tpu.memory_space<vmem>>, vector<1x16xi32>,
        %get3A_809 = vector.shape_cast %get3A_808 : vector<1x16xi32> to vector<16xi32>
        %add3A_810 = vector.broadcast %mul3A_328 : i32 to vector<16xi32>
        %add3A_811 = arith.addi %get3A_809, %add3A_810 : vector<16xi32>
        %swap3A_812 = arith.constant 32 : index
        %swap3A_813 = tpu.vector_load %arg12[%swap3A_812] {strides = array<i32>} : memref<64xi32, #tpu.memory_space<vmem>>, vector<16xi32>,
        %swap3A_814 = vector.shape_cast %swap3A_813 : vector<16xi32> to vector<16xi32>
        %swap3A_815 = vector.shape_cast %add3A_811 : vector<16xi32> to vector<16xi32>
        tpu.vector_store %arg12[%swap3A_812], %swap3A_815 {strides = array<i32>} : memref<64xi32, #tpu.memory_space<vmem>>, vector<16xi32>,
        %get3A_816 = arith.index_cast %add3A_566 : i32 to index
        %get3A_817 = arith.constant 112 : index
        %get3A_818 = tpu.vector_load %arg7[%get3A_816, %get3A_817] {strides = array<i32>} : memref<40x128xi32, #tpu.memory_space<vmem>>, vector<1x16xi32>,
        %get3A_819 = vector.shape_cast %get3A_818 : vector<1x16xi32> to vector<16xi32>
        %add3A_820 = vector.broadcast %mul3A_328 : i32 to vector<16xi32>
        %add3A_821 = arith.addi %get3A_819, %add3A_820 : vector<16xi32>
        %swap3A_822 = arith.constant 48 : index
        %swap3A_823 = tpu.vector_load %arg12[%swap3A_822] {strides = array<i32>} : memref<64xi32, #tpu.memory_space<vmem>>, vector<16xi32>,
        %swap3A_824 = vector.shape_cast %swap3A_823 : vector<16xi32> to vector<16xi32>
        %swap3A_825 = vector.shape_cast %add3A_821 : vector<16xi32> to vector<16xi32>
        tpu.vector_store %arg12[%swap3A_822], %swap3A_825 {strides = array<i32>} : memref<64xi32, #tpu.memory_space<vmem>>, vector<16xi32>,
        %dma_start3A_826 = arith.constant 0 : i32
        %dma_start3A_827 = arith.constant 0 : i32
        %dma_start3A_828 = tpu.memref_slice %arg2[%dma_start3A_826, %dma_start3A_827] : memref<40960x128xf32, #tpu.memory_space<hbm>> -> memref<40960x128xf32, #tpu.memory_space<hbm>>
        tpu.enqueue_indirect_dma source(%dma_start3A_828 : memref<40960x128xf32, #tpu.memory_space<hbm>>) target(%arg20 : memref<64x128xf32, #tpu.memory_space<vmem>>) offsets(%arg12 : memref<64xi32, #tpu.memory_space<vmem>>) semaphore(%arg25 : memref<!tpu.dma_semaphore, #tpu.memory_space<semaphore_mem>>)
      } else {
      }
      %mul3A_573 = arith.constant 4 : i32
      %mul3A_574 = arith.muli %mul3A_573, %scan3A_504 : i32
      %add3A_575 = arith.constant 1 : i32
      %add3A_576 = arith.addi %mul3A_574, %add3A_575 : i32
      %mul3A_577 = arith.constant 2 : i32
      %mul3A_578 = arith.muli %mul3A_577, %scan3A_504 : i32
      %add3A_579 = arith.constant 0 : i32
      %add3A_580 = arith.addi %mul3A_578, %add3A_579 : i32
      %dma_wait3A_581 = arith.constant 0 : i32
      %dma_wait3A_582 = arith.constant 0 : i32
      %dma_wait3A_583 = tpu.memref_slice %arg2[%dma_wait3A_581, %dma_wait3A_582] : memref<40960x128xf32, #tpu.memory_space<hbm>> -> memref<40960x128xf32, #tpu.memory_space<hbm>>
      tpu.wait_indirect_dma semaphore(%arg23 : memref<!tpu.dma_semaphore, #tpu.memory_space<semaphore_mem>>) src(%dma_wait3A_583 : memref<40960x128xf32, #tpu.memory_space<hbm>>) dst(%arg18 : memref<64x128xf32, #tpu.memory_space<vmem>>)
      %get3A_584 = arith.index_cast %add3A_580 : i32 to index
      %get3A_585 = arith.constant 64 : index
      %get3A_586 = tpu.vector_load %arg8[%get3A_584, %get3A_585] {strides = array<i32>} : memref<40x128xi32, #tpu.memory_space<vmem>>, vector<1x16xi32>,
      %get3A_587 = vector.shape_cast %get3A_586 : vector<1x16xi32> to vector<16xi32>
      %add3A_588 = arith.constant 0 : i32
      %add3A_589 = vector.broadcast %add3A_588 : i32 to vector<16xi32>
      %add3A_590 = arith.addi %get3A_587, %add3A_589 : vector<16xi32>
      %swap3A_591 = arith.constant 0 : index
      %swap3A_592 = tpu.vector_load %arg14[%swap3A_591] {strides = array<i32>} : memref<64xi32, #tpu.memory_space<vmem>>, vector<16xi32>,
      %swap3A_593 = vector.shape_cast %swap3A_592 : vector<16xi32> to vector<16xi32>
      %swap3A_594 = vector.shape_cast %add3A_590 : vector<16xi32> to vector<16xi32>
      tpu.vector_store %arg14[%swap3A_591], %swap3A_594 {strides = array<i32>} : memref<64xi32, #tpu.memory_space<vmem>>, vector<16xi32>,
      %get3A_595 = arith.index_cast %add3A_580 : i32 to index
      %get3A_596 = arith.constant 80 : index
      %get3A_597 = tpu.vector_load %arg8[%get3A_595, %get3A_596] {strides = array<i32>} : memref<40x128xi32, #tpu.memory_space<vmem>>, vector<1x16xi32>,
      %get3A_598 = vector.shape_cast %get3A_597 : vector<1x16xi32> to vector<16xi32>
      %add3A_599 = arith.constant 0 : i32
      %add3A_600 = vector.broadcast %add3A_599 : i32 to vector<16xi32>
      %add3A_601 = arith.addi %get3A_598, %add3A_600 : vector<16xi32>
      %swap3A_602 = arith.constant 16 : index
      %swap3A_603 = tpu.vector_load %arg14[%swap3A_602] {strides = array<i32>} : memref<64xi32, #tpu.memory_space<vmem>>, vector<16xi32>,
      %swap3A_604 = vector.shape_cast %swap3A_603 : vector<16xi32> to vector<16xi32>
      %swap3A_605 = vector.shape_cast %add3A_601 : vector<16xi32> to vector<16xi32>
      tpu.vector_store %arg14[%swap3A_602], %swap3A_605 {strides = array<i32>} : memref<64xi32, #tpu.memory_space<vmem>>, vector<16xi32>,
      %get3A_606 = arith.index_cast %add3A_580 : i32 to index
      %get3A_607 = arith.constant 96 : index
      %get3A_608 = tpu.vector_load %arg8[%get3A_606, %get3A_607] {strides = array<i32>} : memref<40x128xi32, #tpu.memory_space<vmem>>, vector<1x16xi32>,
      %get3A_609 = vector.shape_cast %get3A_608 : vector<1x16xi32> to vector<16xi32>
      %add3A_610 = arith.constant 0 : i32
      %add3A_611 = vector.broadcast %add3A_610 : i32 to vector<16xi32>
      %add3A_612 = arith.addi %get3A_609, %add3A_611 : vector<16xi32>
      %swap3A_613 = arith.constant 32 : index
      %swap3A_614 = tpu.vector_load %arg14[%swap3A_613] {strides = array<i32>} : memref<64xi32, #tpu.memory_space<vmem>>, vector<16xi32>,
      %swap3A_615 = vector.shape_cast %swap3A_614 : vector<16xi32> to vector<16xi32>
      %swap3A_616 = vector.shape_cast %add3A_612 : vector<16xi32> to vector<16xi32>
      tpu.vector_store %arg14[%swap3A_613], %swap3A_616 {strides = array<i32>} : memref<64xi32, #tpu.memory_space<vmem>>, vector<16xi32>,
      %get3A_617 = arith.index_cast %add3A_580 : i32 to index
      %get3A_618 = arith.constant 112 : index
      %get3A_619 = tpu.vector_load %arg8[%get3A_617, %get3A_618] {strides = array<i32>} : memref<40x128xi32, #tpu.memory_space<vmem>>, vector<1x16xi32>,
      %get3A_620 = vector.shape_cast %get3A_619 : vector<1x16xi32> to vector<16xi32>
      %add3A_621 = arith.constant 0 : i32
      %add3A_622 = vector.broadcast %add3A_621 : i32 to vector<16xi32>
      %add3A_623 = arith.addi %get3A_620, %add3A_622 : vector<16xi32>
      %swap3A_624 = arith.constant 48 : index
      %swap3A_625 = tpu.vector_load %arg14[%swap3A_624] {strides = array<i32>} : memref<64xi32, #tpu.memory_space<vmem>>, vector<16xi32>,
      %swap3A_626 = vector.shape_cast %swap3A_625 : vector<16xi32> to vector<16xi32>
      %swap3A_627 = vector.shape_cast %add3A_623 : vector<16xi32> to vector<16xi32>
      tpu.vector_store %arg14[%swap3A_624], %swap3A_627 {strides = array<i32>} : memref<64xi32, #tpu.memory_space<vmem>>, vector<16xi32>,
      %dma_start3A_628 = arith.constant 0 : i32
      %dma_start3A_629 = arith.constant 0 : i32
      %dma_start3A_630 = tpu.memref_slice %arg21[%dma_start3A_628, %dma_start3A_629] : memref<10240x128xf32, #tpu.memory_space<vmem_shared>> -> memref<10240x128xf32, #tpu.memory_space<vmem_shared>>
      tpu.enqueue_indirect_dma source(%arg18 : memref<64x128xf32, #tpu.memory_space<vmem>>) target(%dma_start3A_630 : memref<10240x128xf32, #tpu.memory_space<vmem_shared>>) offsets(%arg14 : memref<64xi32, #tpu.memory_space<vmem>>) semaphore(%arg27 : memref<!tpu.dma_semaphore, #tpu.memory_space<semaphore_mem>>) {add = true}
      %mul3A_631 = arith.constant 2 : i32
      %mul3A_632 = arith.muli %mul3A_631, %scan3A_504 : i32
      %add3A_633 = arith.constant 2 : i32
      %add3A_634 = arith.addi %mul3A_632, %add3A_633 : i32
      %add3A_635 = arith.constant 3 : i32
      %add3A_636 = arith.addi %add3A_576, %add3A_635 : i32
      %lt3A_637 = arith.constant 80 : i32
      %lt3A_638 = arith.cmpi slt, %add3A_636, %lt3A_637 : i32
      %convert_element_type3A_639 = arith.extui %lt3A_638 : i1 to i32
      %cond3A_640 = arith.constant 0 : i32
      %cond3A_641 = arith.cmpi ne, %convert_element_type3A_639, %cond3A_640 : i32
      scf.if %cond3A_641 {
        %add3A_780 = arith.constant 3 : i32
        %add3A_781 = arith.addi %add3A_576, %add3A_780 : i32
        %ge3A = arith.constant 4 : i32
        %ge3A_782 = arith.cmpi sge, %add3A_781, %ge3A : i32
        %convert_element_type3A_783 = arith.extui %ge3A_782 : i1 to i32
        %cond3A_784 = arith.constant 0 : i32
        %cond3A_785 = arith.cmpi ne, %convert_element_type3A_783, %cond3A_784 : i32
        scf.if %cond3A_785 {
          %dma_wait3A_829 = arith.constant 0 : i32
          %dma_wait3A_830 = arith.constant 0 : i32
          %dma_wait3A_831 = tpu.memref_slice %arg21[%dma_wait3A_829, %dma_wait3A_830] : memref<10240x128xf32, #tpu.memory_space<vmem_shared>> -> memref<10240x128xf32, #tpu.memory_space<vmem_shared>>
          tpu.wait_indirect_dma semaphore(%arg26 : memref<!tpu.dma_semaphore, #tpu.memory_space<semaphore_mem>>) src(%arg17 : memref<64x128xf32, #tpu.memory_space<vmem>>) dst(%dma_wait3A_831 : memref<10240x128xf32, #tpu.memory_space<vmem_shared>>)
        } else {
        }
        %get3A_786 = arith.index_cast %add3A_634 : i32 to index
        %get3A_787 = arith.constant 0 : index
        %get3A_788 = tpu.vector_load %arg7[%get3A_786, %get3A_787] {strides = array<i32>} : memref<40x128xi32, #tpu.memory_space<vmem>>, vector<1x16xi32>,
        %get3A_789 = vector.shape_cast %get3A_788 : vector<1x16xi32> to vector<16xi32>
        %add3A_790 = vector.broadcast %mul3A_328 : i32 to vector<16xi32>
        %add3A_791 = arith.addi %get3A_789, %add3A_790 : vector<16xi32>
        %swap3A_792 = arith.constant 0 : index
        %swap3A_793 = tpu.vector_load %arg9[%swap3A_792] {strides = array<i32>} : memref<64xi32, #tpu.memory_space<vmem>>, vector<16xi32>,
        %swap3A_794 = vector.shape_cast %swap3A_793 : vector<16xi32> to vector<16xi32>
        %swap3A_795 = vector.shape_cast %add3A_791 : vector<16xi32> to vector<16xi32>
        tpu.vector_store %arg9[%swap3A_792], %swap3A_795 {strides = array<i32>} : memref<64xi32, #tpu.memory_space<vmem>>, vector<16xi32>,
        %get3A_796 = arith.index_cast %add3A_634 : i32 to index
        %get3A_797 = arith.constant 16 : index
        %get3A_798 = tpu.vector_load %arg7[%get3A_796, %get3A_797] {strides = array<i32>} : memref<40x128xi32, #tpu.memory_space<vmem>>, vector<1x16xi32>,
        %get3A_799 = vector.shape_cast %get3A_798 : vector<1x16xi32> to vector<16xi32>
        %add3A_800 = vector.broadcast %mul3A_328 : i32 to vector<16xi32>
        %add3A_801 = arith.addi %get3A_799, %add3A_800 : vector<16xi32>
        %swap3A_802 = arith.constant 16 : index
        %swap3A_803 = tpu.vector_load %arg9[%swap3A_802] {strides = array<i32>} : memref<64xi32, #tpu.memory_space<vmem>>, vector<16xi32>,
        %swap3A_804 = vector.shape_cast %swap3A_803 : vector<16xi32> to vector<16xi32>
        %swap3A_805 = vector.shape_cast %add3A_801 : vector<16xi32> to vector<16xi32>
        tpu.vector_store %arg9[%swap3A_802], %swap3A_805 {strides = array<i32>} : memref<64xi32, #tpu.memory_space<vmem>>, vector<16xi32>,
        %get3A_806 = arith.index_cast %add3A_634 : i32 to index
        %get3A_807 = arith.constant 32 : index
        %get3A_808 = tpu.vector_load %arg7[%get3A_806, %get3A_807] {strides = array<i32>} : memref<40x128xi32, #tpu.memory_space<vmem>>, vector<1x16xi32>,
        %get3A_809 = vector.shape_cast %get3A_808 : vector<1x16xi32> to vector<16xi32>
        %add3A_810 = vector.broadcast %mul3A_328 : i32 to vector<16xi32>
        %add3A_811 = arith.addi %get3A_809, %add3A_810 : vector<16xi32>
        %swap3A_812 = arith.constant 32 : index
        %swap3A_813 = tpu.vector_load %arg9[%swap3A_812] {strides = array<i32>} : memref<64xi32, #tpu.memory_space<vmem>>, vector<16xi32>,
        %swap3A_814 = vector.shape_cast %swap3A_813 : vector<16xi32> to vector<16xi32>
        %swap3A_815 = vector.shape_cast %add3A_811 : vector<16xi32> to vector<16xi32>
        tpu.vector_store %arg9[%swap3A_812], %swap3A_815 {strides = array<i32>} : memref<64xi32, #tpu.memory_space<vmem>>, vector<16xi32>,
        %get3A_816 = arith.index_cast %add3A_634 : i32 to index
        %get3A_817 = arith.constant 48 : index
        %get3A_818 = tpu.vector_load %arg7[%get3A_816, %get3A_817] {strides = array<i32>} : memref<40x128xi32, #tpu.memory_space<vmem>>, vector<1x16xi32>,
        %get3A_819 = vector.shape_cast %get3A_818 : vector<1x16xi32> to vector<16xi32>
        %add3A_820 = vector.broadcast %mul3A_328 : i32 to vector<16xi32>
        %add3A_821 = arith.addi %get3A_819, %add3A_820 : vector<16xi32>
        %swap3A_822 = arith.constant 48 : index
        %swap3A_823 = tpu.vector_load %arg9[%swap3A_822] {strides = array<i32>} : memref<64xi32, #tpu.memory_space<vmem>>, vector<16xi32>,
        %swap3A_824 = vector.shape_cast %swap3A_823 : vector<16xi32> to vector<16xi32>
        %swap3A_825 = vector.shape_cast %add3A_821 : vector<16xi32> to vector<16xi32>
        tpu.vector_store %arg9[%swap3A_822], %swap3A_825 {strides = array<i32>} : memref<64xi32, #tpu.memory_space<vmem>>, vector<16xi32>,
        %dma_start3A_826 = arith.constant 0 : i32
        %dma_start3A_827 = arith.constant 0 : i32
        %dma_start3A_828 = tpu.memref_slice %arg2[%dma_start3A_826, %dma_start3A_827] : memref<40960x128xf32, #tpu.memory_space<hbm>> -> memref<40960x128xf32, #tpu.memory_space<hbm>>
        tpu.enqueue_indirect_dma source(%dma_start3A_828 : memref<40960x128xf32, #tpu.memory_space<hbm>>) target(%arg17 : memref<64x128xf32, #tpu.memory_space<vmem>>) offsets(%arg9 : memref<64xi32, #tpu.memory_space<vmem>>) semaphore(%arg22 : memref<!tpu.dma_semaphore, #tpu.memory_space<semaphore_mem>>)
      } else {
      }
      %mul3A_642 = arith.constant 4 : i32
      %mul3A_643 = arith.muli %mul3A_642, %scan3A_504 : i32
      %add3A_644 = arith.constant 2 : i32
      %add3A_645 = arith.addi %mul3A_643, %add3A_644 : i32
      %mul3A_646 = arith.constant 2 : i32
      %mul3A_647 = arith.muli %mul3A_646, %scan3A_504 : i32
      %add3A_648 = arith.constant 1 : i32
      %add3A_649 = arith.addi %mul3A_647, %add3A_648 : i32
      %dma_wait3A_650 = arith.constant 0 : i32
      %dma_wait3A_651 = arith.constant 0 : i32
      %dma_wait3A_652 = tpu.memref_slice %arg2[%dma_wait3A_650, %dma_wait3A_651] : memref<40960x128xf32, #tpu.memory_space<hbm>> -> memref<40960x128xf32, #tpu.memory_space<hbm>>
      tpu.wait_indirect_dma semaphore(%arg24 : memref<!tpu.dma_semaphore, #tpu.memory_space<semaphore_mem>>) src(%dma_wait3A_652 : memref<40960x128xf32, #tpu.memory_space<hbm>>) dst(%arg19 : memref<64x128xf32, #tpu.memory_space<vmem>>)
      %get3A_653 = arith.index_cast %add3A_649 : i32 to index
      %get3A_654 = arith.constant 0 : index
      %get3A_655 = tpu.vector_load %arg8[%get3A_653, %get3A_654] {strides = array<i32>} : memref<40x128xi32, #tpu.memory_space<vmem>>, vector<1x16xi32>,
      %get3A_656 = vector.shape_cast %get3A_655 : vector<1x16xi32> to vector<16xi32>
      %add3A_657 = arith.constant 0 : i32
      %add3A_658 = vector.broadcast %add3A_657 : i32 to vector<16xi32>
      %add3A_659 = arith.addi %get3A_656, %add3A_658 : vector<16xi32>
      %swap3A_660 = arith.constant 0 : index
      %swap3A_661 = tpu.vector_load %arg15[%swap3A_660] {strides = array<i32>} : memref<64xi32, #tpu.memory_space<vmem>>, vector<16xi32>,
      %swap3A_662 = vector.shape_cast %swap3A_661 : vector<16xi32> to vector<16xi32>
      %swap3A_663 = vector.shape_cast %add3A_659 : vector<16xi32> to vector<16xi32>
      tpu.vector_store %arg15[%swap3A_660], %swap3A_663 {strides = array<i32>} : memref<64xi32, #tpu.memory_space<vmem>>, vector<16xi32>,
      %get3A_664 = arith.index_cast %add3A_649 : i32 to index
      %get3A_665 = arith.constant 16 : index
      %get3A_666 = tpu.vector_load %arg8[%get3A_664, %get3A_665] {strides = array<i32>} : memref<40x128xi32, #tpu.memory_space<vmem>>, vector<1x16xi32>,
      %get3A_667 = vector.shape_cast %get3A_666 : vector<1x16xi32> to vector<16xi32>
      %add3A_668 = arith.constant 0 : i32
      %add3A_669 = vector.broadcast %add3A_668 : i32 to vector<16xi32>
      %add3A_670 = arith.addi %get3A_667, %add3A_669 : vector<16xi32>
      %swap3A_671 = arith.constant 16 : index
      %swap3A_672 = tpu.vector_load %arg15[%swap3A_671] {strides = array<i32>} : memref<64xi32, #tpu.memory_space<vmem>>, vector<16xi32>,
      %swap3A_673 = vector.shape_cast %swap3A_672 : vector<16xi32> to vector<16xi32>
      %swap3A_674 = vector.shape_cast %add3A_670 : vector<16xi32> to vector<16xi32>
      tpu.vector_store %arg15[%swap3A_671], %swap3A_674 {strides = array<i32>} : memref<64xi32, #tpu.memory_space<vmem>>, vector<16xi32>,
      %get3A_675 = arith.index_cast %add3A_649 : i32 to index
      %get3A_676 = arith.constant 32 : index
      %get3A_677 = tpu.vector_load %arg8[%get3A_675, %get3A_676] {strides = array<i32>} : memref<40x128xi32, #tpu.memory_space<vmem>>, vector<1x16xi32>,
      %get3A_678 = vector.shape_cast %get3A_677 : vector<1x16xi32> to vector<16xi32>
      %add3A_679 = arith.constant 0 : i32
      %add3A_680 = vector.broadcast %add3A_679 : i32 to vector<16xi32>
      %add3A_681 = arith.addi %get3A_678, %add3A_680 : vector<16xi32>
      %swap3A_682 = arith.constant 32 : index
      %swap3A_683 = tpu.vector_load %arg15[%swap3A_682] {strides = array<i32>} : memref<64xi32, #tpu.memory_space<vmem>>, vector<16xi32>,
      %swap3A_684 = vector.shape_cast %swap3A_683 : vector<16xi32> to vector<16xi32>
      %swap3A_685 = vector.shape_cast %add3A_681 : vector<16xi32> to vector<16xi32>
      tpu.vector_store %arg15[%swap3A_682], %swap3A_685 {strides = array<i32>} : memref<64xi32, #tpu.memory_space<vmem>>, vector<16xi32>,
      %get3A_686 = arith.index_cast %add3A_649 : i32 to index
      %get3A_687 = arith.constant 48 : index
      %get3A_688 = tpu.vector_load %arg8[%get3A_686, %get3A_687] {strides = array<i32>} : memref<40x128xi32, #tpu.memory_space<vmem>>, vector<1x16xi32>,
      %get3A_689 = vector.shape_cast %get3A_688 : vector<1x16xi32> to vector<16xi32>
      %add3A_690 = arith.constant 0 : i32
      %add3A_691 = vector.broadcast %add3A_690 : i32 to vector<16xi32>
      %add3A_692 = arith.addi %get3A_689, %add3A_691 : vector<16xi32>
      %swap3A_693 = arith.constant 48 : index
      %swap3A_694 = tpu.vector_load %arg15[%swap3A_693] {strides = array<i32>} : memref<64xi32, #tpu.memory_space<vmem>>, vector<16xi32>,
      %swap3A_695 = vector.shape_cast %swap3A_694 : vector<16xi32> to vector<16xi32>
      %swap3A_696 = vector.shape_cast %add3A_692 : vector<16xi32> to vector<16xi32>
      tpu.vector_store %arg15[%swap3A_693], %swap3A_696 {strides = array<i32>} : memref<64xi32, #tpu.memory_space<vmem>>, vector<16xi32>,
      %dma_start3A_697 = arith.constant 0 : i32
      %dma_start3A_698 = arith.constant 0 : i32
      %dma_start3A_699 = tpu.memref_slice %arg21[%dma_start3A_697, %dma_start3A_698] : memref<10240x128xf32, #tpu.memory_space<vmem_shared>> -> memref<10240x128xf32, #tpu.memory_space<vmem_shared>>
      tpu.enqueue_indirect_dma source(%arg19 : memref<64x128xf32, #tpu.memory_space<vmem>>) target(%dma_start3A_699 : memref<10240x128xf32, #tpu.memory_space<vmem_shared>>) offsets(%arg15 : memref<64xi32, #tpu.memory_space<vmem>>) semaphore(%arg28 : memref<!tpu.dma_semaphore, #tpu.memory_space<semaphore_mem>>) {add = true}
      %mul3A_700 = arith.constant 2 : i32
      %mul3A_701 = arith.muli %mul3A_700, %scan3A_504 : i32
      %add3A_702 = arith.constant 2 : i32
      %add3A_703 = arith.addi %mul3A_701, %add3A_702 : i32
      %add3A_704 = arith.constant 3 : i32
      %add3A_705 = arith.addi %add3A_645, %add3A_704 : i32
      %lt3A_706 = arith.constant 80 : i32
      %lt3A_707 = arith.cmpi slt, %add3A_705, %lt3A_706 : i32
      %convert_element_type3A_708 = arith.extui %lt3A_707 : i1 to i32
      %cond3A_709 = arith.constant 0 : i32
      %cond3A_710 = arith.cmpi ne, %convert_element_type3A_708, %cond3A_709 : i32
      scf.if %cond3A_710 {
        %add3A_780 = arith.constant 3 : i32
        %add3A_781 = arith.addi %add3A_645, %add3A_780 : i32
        %ge3A = arith.constant 4 : i32
        %ge3A_782 = arith.cmpi sge, %add3A_781, %ge3A : i32
        %convert_element_type3A_783 = arith.extui %ge3A_782 : i1 to i32
        %cond3A_784 = arith.constant 0 : i32
        %cond3A_785 = arith.cmpi ne, %convert_element_type3A_783, %cond3A_784 : i32
        scf.if %cond3A_785 {
          %dma_wait3A_829 = arith.constant 0 : i32
          %dma_wait3A_830 = arith.constant 0 : i32
          %dma_wait3A_831 = tpu.memref_slice %arg21[%dma_wait3A_829, %dma_wait3A_830] : memref<10240x128xf32, #tpu.memory_space<vmem_shared>> -> memref<10240x128xf32, #tpu.memory_space<vmem_shared>>
          tpu.wait_indirect_dma semaphore(%arg27 : memref<!tpu.dma_semaphore, #tpu.memory_space<semaphore_mem>>) src(%arg18 : memref<64x128xf32, #tpu.memory_space<vmem>>) dst(%dma_wait3A_831 : memref<10240x128xf32, #tpu.memory_space<vmem_shared>>)
        } else {
        }
        %get3A_786 = arith.index_cast %add3A_703 : i32 to index
        %get3A_787 = arith.constant 64 : index
        %get3A_788 = tpu.vector_load %arg7[%get3A_786, %get3A_787] {strides = array<i32>} : memref<40x128xi32, #tpu.memory_space<vmem>>, vector<1x16xi32>,
        %get3A_789 = vector.shape_cast %get3A_788 : vector<1x16xi32> to vector<16xi32>
        %add3A_790 = vector.broadcast %mul3A_328 : i32 to vector<16xi32>
        %add3A_791 = arith.addi %get3A_789, %add3A_790 : vector<16xi32>
        %swap3A_792 = arith.constant 0 : index
        %swap3A_793 = tpu.vector_load %arg10[%swap3A_792] {strides = array<i32>} : memref<64xi32, #tpu.memory_space<vmem>>, vector<16xi32>,
        %swap3A_794 = vector.shape_cast %swap3A_793 : vector<16xi32> to vector<16xi32>
        %swap3A_795 = vector.shape_cast %add3A_791 : vector<16xi32> to vector<16xi32>
        tpu.vector_store %arg10[%swap3A_792], %swap3A_795 {strides = array<i32>} : memref<64xi32, #tpu.memory_space<vmem>>, vector<16xi32>,
        %get3A_796 = arith.index_cast %add3A_703 : i32 to index
        %get3A_797 = arith.constant 80 : index
        %get3A_798 = tpu.vector_load %arg7[%get3A_796, %get3A_797] {strides = array<i32>} : memref<40x128xi32, #tpu.memory_space<vmem>>, vector<1x16xi32>,
        %get3A_799 = vector.shape_cast %get3A_798 : vector<1x16xi32> to vector<16xi32>
        %add3A_800 = vector.broadcast %mul3A_328 : i32 to vector<16xi32>
        %add3A_801 = arith.addi %get3A_799, %add3A_800 : vector<16xi32>
        %swap3A_802 = arith.constant 16 : index
        %swap3A_803 = tpu.vector_load %arg10[%swap3A_802] {strides = array<i32>} : memref<64xi32, #tpu.memory_space<vmem>>, vector<16xi32>,
        %swap3A_804 = vector.shape_cast %swap3A_803 : vector<16xi32> to vector<16xi32>
        %swap3A_805 = vector.shape_cast %add3A_801 : vector<16xi32> to vector<16xi32>
        tpu.vector_store %arg10[%swap3A_802], %swap3A_805 {strides = array<i32>} : memref<64xi32, #tpu.memory_space<vmem>>, vector<16xi32>,
        %get3A_806 = arith.index_cast %add3A_703 : i32 to index
        %get3A_807 = arith.constant 96 : index
        %get3A_808 = tpu.vector_load %arg7[%get3A_806, %get3A_807] {strides = array<i32>} : memref<40x128xi32, #tpu.memory_space<vmem>>, vector<1x16xi32>,
        %get3A_809 = vector.shape_cast %get3A_808 : vector<1x16xi32> to vector<16xi32>
        %add3A_810 = vector.broadcast %mul3A_328 : i32 to vector<16xi32>
        %add3A_811 = arith.addi %get3A_809, %add3A_810 : vector<16xi32>
        %swap3A_812 = arith.constant 32 : index
        %swap3A_813 = tpu.vector_load %arg10[%swap3A_812] {strides = array<i32>} : memref<64xi32, #tpu.memory_space<vmem>>, vector<16xi32>,
        %swap3A_814 = vector.shape_cast %swap3A_813 : vector<16xi32> to vector<16xi32>
        %swap3A_815 = vector.shape_cast %add3A_811 : vector<16xi32> to vector<16xi32>
        tpu.vector_store %arg10[%swap3A_812], %swap3A_815 {strides = array<i32>} : memref<64xi32, #tpu.memory_space<vmem>>, vector<16xi32>,
        %get3A_816 = arith.index_cast %add3A_703 : i32 to index
        %get3A_817 = arith.constant 112 : index
        %get3A_818 = tpu.vector_load %arg7[%get3A_816, %get3A_817] {strides = array<i32>} : memref<40x128xi32, #tpu.memory_space<vmem>>, vector<1x16xi32>,
        %get3A_819 = vector.shape_cast %get3A_818 : vector<1x16xi32> to vector<16xi32>
        %add3A_820 = vector.broadcast %mul3A_328 : i32 to vector<16xi32>
        %add3A_821 = arith.addi %get3A_819, %add3A_820 : vector<16xi32>
        %swap3A_822 = arith.constant 48 : index
        %swap3A_823 = tpu.vector_load %arg10[%swap3A_822] {strides = array<i32>} : memref<64xi32, #tpu.memory_space<vmem>>, vector<16xi32>,
        %swap3A_824 = vector.shape_cast %swap3A_823 : vector<16xi32> to vector<16xi32>
        %swap3A_825 = vector.shape_cast %add3A_821 : vector<16xi32> to vector<16xi32>
        tpu.vector_store %arg10[%swap3A_822], %swap3A_825 {strides = array<i32>} : memref<64xi32, #tpu.memory_space<vmem>>, vector<16xi32>,
        %dma_start3A_826 = arith.constant 0 : i32
        %dma_start3A_827 = arith.constant 0 : i32
        %dma_start3A_828 = tpu.memref_slice %arg2[%dma_start3A_826, %dma_start3A_827] : memref<40960x128xf32, #tpu.memory_space<hbm>> -> memref<40960x128xf32, #tpu.memory_space<hbm>>
        tpu.enqueue_indirect_dma source(%dma_start3A_828 : memref<40960x128xf32, #tpu.memory_space<hbm>>) target(%arg18 : memref<64x128xf32, #tpu.memory_space<vmem>>) offsets(%arg10 : memref<64xi32, #tpu.memory_space<vmem>>) semaphore(%arg23 : memref<!tpu.dma_semaphore, #tpu.memory_space<semaphore_mem>>)
      } else {
      }
      %mul3A_711 = arith.constant 4 : i32
      %mul3A_712 = arith.muli %mul3A_711, %scan3A_504 : i32
      %add3A_713 = arith.constant 3 : i32
      %add3A_714 = arith.addi %mul3A_712, %add3A_713 : i32
      %mul3A_715 = arith.constant 2 : i32
      %mul3A_716 = arith.muli %mul3A_715, %scan3A_504 : i32
      %add3A_717 = arith.constant 1 : i32
      %add3A_718 = arith.addi %mul3A_716, %add3A_717 : i32
      %dma_wait3A_719 = arith.constant 0 : i32
      %dma_wait3A_720 = arith.constant 0 : i32
      %dma_wait3A_721 = tpu.memref_slice %arg2[%dma_wait3A_719, %dma_wait3A_720] : memref<40960x128xf32, #tpu.memory_space<hbm>> -> memref<40960x128xf32, #tpu.memory_space<hbm>>
      tpu.wait_indirect_dma semaphore(%arg25 : memref<!tpu.dma_semaphore, #tpu.memory_space<semaphore_mem>>) src(%dma_wait3A_721 : memref<40960x128xf32, #tpu.memory_space<hbm>>) dst(%arg20 : memref<64x128xf32, #tpu.memory_space<vmem>>)
      %get3A_722 = arith.index_cast %add3A_718 : i32 to index
      %get3A_723 = arith.constant 64 : index
      %get3A_724 = tpu.vector_load %arg8[%get3A_722, %get3A_723] {strides = array<i32>} : memref<40x128xi32, #tpu.memory_space<vmem>>, vector<1x16xi32>,
      %get3A_725 = vector.shape_cast %get3A_724 : vector<1x16xi32> to vector<16xi32>
      %add3A_726 = arith.constant 0 : i32
      %add3A_727 = vector.broadcast %add3A_726 : i32 to vector<16xi32>
      %add3A_728 = arith.addi %get3A_725, %add3A_727 : vector<16xi32>
      %swap3A_729 = arith.constant 0 : index
      %swap3A_730 = tpu.vector_load %arg16[%swap3A_729] {strides = array<i32>} : memref<64xi32, #tpu.memory_space<vmem>>, vector<16xi32>,
      %swap3A_731 = vector.shape_cast %swap3A_730 : vector<16xi32> to vector<16xi32>
      %swap3A_732 = vector.shape_cast %add3A_728 : vector<16xi32> to vector<16xi32>
      tpu.vector_store %arg16[%swap3A_729], %swap3A_732 {strides = array<i32>} : memref<64xi32, #tpu.memory_space<vmem>>, vector<16xi32>,
      %get3A_733 = arith.index_cast %add3A_718 : i32 to index
      %get3A_734 = arith.constant 80 : index
      %get3A_735 = tpu.vector_load %arg8[%get3A_733, %get3A_734] {strides = array<i32>} : memref<40x128xi32, #tpu.memory_space<vmem>>, vector<1x16xi32>,
      %get3A_736 = vector.shape_cast %get3A_735 : vector<1x16xi32> to vector<16xi32>
      %add3A_737 = arith.constant 0 : i32
      %add3A_738 = vector.broadcast %add3A_737 : i32 to vector<16xi32>
      %add3A_739 = arith.addi %get3A_736, %add3A_738 : vector<16xi32>
      %swap3A_740 = arith.constant 16 : index
      %swap3A_741 = tpu.vector_load %arg16[%swap3A_740] {strides = array<i32>} : memref<64xi32, #tpu.memory_space<vmem>>, vector<16xi32>,
      %swap3A_742 = vector.shape_cast %swap3A_741 : vector<16xi32> to vector<16xi32>
      %swap3A_743 = vector.shape_cast %add3A_739 : vector<16xi32> to vector<16xi32>
      tpu.vector_store %arg16[%swap3A_740], %swap3A_743 {strides = array<i32>} : memref<64xi32, #tpu.memory_space<vmem>>, vector<16xi32>,
      %get3A_744 = arith.index_cast %add3A_718 : i32 to index
      %get3A_745 = arith.constant 96 : index
      %get3A_746 = tpu.vector_load %arg8[%get3A_744, %get3A_745] {strides = array<i32>} : memref<40x128xi32, #tpu.memory_space<vmem>>, vector<1x16xi32>,
      %get3A_747 = vector.shape_cast %get3A_746 : vector<1x16xi32> to vector<16xi32>
      %add3A_748 = arith.constant 0 : i32
      %add3A_749 = vector.broadcast %add3A_748 : i32 to vector<16xi32>
      %add3A_750 = arith.addi %get3A_747, %add3A_749 : vector<16xi32>
      %swap3A_751 = arith.constant 32 : index
      %swap3A_752 = tpu.vector_load %arg16[%swap3A_751] {strides = array<i32>} : memref<64xi32, #tpu.memory_space<vmem>>, vector<16xi32>,
      %swap3A_753 = vector.shape_cast %swap3A_752 : vector<16xi32> to vector<16xi32>
      %swap3A_754 = vector.shape_cast %add3A_750 : vector<16xi32> to vector<16xi32>
      tpu.vector_store %arg16[%swap3A_751], %swap3A_754 {strides = array<i32>} : memref<64xi32, #tpu.memory_space<vmem>>, vector<16xi32>,
      %get3A_755 = arith.index_cast %add3A_718 : i32 to index
      %get3A_756 = arith.constant 112 : index
      %get3A_757 = tpu.vector_load %arg8[%get3A_755, %get3A_756] {strides = array<i32>} : memref<40x128xi32, #tpu.memory_space<vmem>>, vector<1x16xi32>,
      %get3A_758 = vector.shape_cast %get3A_757 : vector<1x16xi32> to vector<16xi32>
      %add3A_759 = arith.constant 0 : i32
      %add3A_760 = vector.broadcast %add3A_759 : i32 to vector<16xi32>
      %add3A_761 = arith.addi %get3A_758, %add3A_760 : vector<16xi32>
      %swap3A_762 = arith.constant 48 : index
      %swap3A_763 = tpu.vector_load %arg16[%swap3A_762] {strides = array<i32>} : memref<64xi32, #tpu.memory_space<vmem>>, vector<16xi32>,
      %swap3A_764 = vector.shape_cast %swap3A_763 : vector<16xi32> to vector<16xi32>
      %swap3A_765 = vector.shape_cast %add3A_761 : vector<16xi32> to vector<16xi32>
      tpu.vector_store %arg16[%swap3A_762], %swap3A_765 {strides = array<i32>} : memref<64xi32, #tpu.memory_space<vmem>>, vector<16xi32>,
      %dma_start3A_766 = arith.constant 0 : i32
      %dma_start3A_767 = arith.constant 0 : i32
      %dma_start3A_768 = tpu.memref_slice %arg21[%dma_start3A_766, %dma_start3A_767] : memref<10240x128xf32, #tpu.memory_space<vmem_shared>> -> memref<10240x128xf32, #tpu.memory_space<vmem_shared>>
      tpu.enqueue_indirect_dma source(%arg20 : memref<64x128xf32, #tpu.memory_space<vmem>>) target(%dma_start3A_768 : memref<10240x128xf32, #tpu.memory_space<vmem_shared>>) offsets(%arg16 : memref<64xi32, #tpu.memory_space<vmem>>) semaphore(%arg29 : memref<!tpu.dma_semaphore, #tpu.memory_space<semaphore_mem>>) {add = true}
      %mul3A_769 = arith.constant 2 : i32
      %mul3A_770 = arith.muli %mul3A_769, %scan3A_504 : i32
      %add3A_771 = arith.constant 3 : i32
      %add3A_772 = arith.addi %mul3A_770, %add3A_771 : i32
      %add3A_773 = arith.constant 3 : i32
      %add3A_774 = arith.addi %add3A_714, %add3A_773 : i32
      %lt3A_775 = arith.constant 80 : i32
      %lt3A_776 = arith.cmpi slt, %add3A_774, %lt3A_775 : i32
      %convert_element_type3A_777 = arith.extui %lt3A_776 : i1 to i32
      %cond3A_778 = arith.constant 0 : i32
      %cond3A_779 = arith.cmpi ne, %convert_element_type3A_777, %cond3A_778 : i32
      scf.if %cond3A_779 {
        %add3A_780 = arith.constant 3 : i32
        %add3A_781 = arith.addi %add3A_714, %add3A_780 : i32
        %ge3A = arith.constant 4 : i32
        %ge3A_782 = arith.cmpi sge, %add3A_781, %ge3A : i32
        %convert_element_type3A_783 = arith.extui %ge3A_782 : i1 to i32
        %cond3A_784 = arith.constant 0 : i32
        %cond3A_785 = arith.cmpi ne, %convert_element_type3A_783, %cond3A_784 : i32
        scf.if %cond3A_785 {
          %dma_wait3A_829 = arith.constant 0 : i32
          %dma_wait3A_830 = arith.constant 0 : i32
          %dma_wait3A_831 = tpu.memref_slice %arg21[%dma_wait3A_829, %dma_wait3A_830] : memref<10240x128xf32, #tpu.memory_space<vmem_shared>> -> memref<10240x128xf32, #tpu.memory_space<vmem_shared>>
          tpu.wait_indirect_dma semaphore(%arg28 : memref<!tpu.dma_semaphore, #tpu.memory_space<semaphore_mem>>) src(%arg19 : memref<64x128xf32, #tpu.memory_space<vmem>>) dst(%dma_wait3A_831 : memref<10240x128xf32, #tpu.memory_space<vmem_shared>>)
        } else {
        }
        %get3A_786 = arith.index_cast %add3A_772 : i32 to index
        %get3A_787 = arith.constant 0 : index
        %get3A_788 = tpu.vector_load %arg7[%get3A_786, %get3A_787] {strides = array<i32>} : memref<40x128xi32, #tpu.memory_space<vmem>>, vector<1x16xi32>,
        %get3A_789 = vector.shape_cast %get3A_788 : vector<1x16xi32> to vector<16xi32>
        %add3A_790 = vector.broadcast %mul3A_328 : i32 to vector<16xi32>
        %add3A_791 = arith.addi %get3A_789, %add3A_790 : vector<16xi32>
        %swap3A_792 = arith.constant 0 : index
        %swap3A_793 = tpu.vector_load %arg11[%swap3A_792] {strides = array<i32>} : memref<64xi32, #tpu.memory_space<vmem>>, vector<16xi32>,
        %swap3A_794 = vector.shape_cast %swap3A_793 : vector<16xi32> to vector<16xi32>
        %swap3A_795 = vector.shape_cast %add3A_791 : vector<16xi32> to vector<16xi32>
        tpu.vector_store %arg11[%swap3A_792], %swap3A_795 {strides = array<i32>} : memref<64xi32, #tpu.memory_space<vmem>>, vector<16xi32>,
        %get3A_796 = arith.index_cast %add3A_772 : i32 to index
        %get3A_797 = arith.constant 16 : index
        %get3A_798 = tpu.vector_load %arg7[%get3A_796, %get3A_797] {strides = array<i32>} : memref<40x128xi32, #tpu.memory_space<vmem>>, vector<1x16xi32>,
        %get3A_799 = vector.shape_cast %get3A_798 : vector<1x16xi32> to vector<16xi32>
        %add3A_800 = vector.broadcast %mul3A_328 : i32 to vector<16xi32>
        %add3A_801 = arith.addi %get3A_799, %add3A_800 : vector<16xi32>
        %swap3A_802 = arith.constant 16 : index
        %swap3A_803 = tpu.vector_load %arg11[%swap3A_802] {strides = array<i32>} : memref<64xi32, #tpu.memory_space<vmem>>, vector<16xi32>,
        %swap3A_804 = vector.shape_cast %swap3A_803 : vector<16xi32> to vector<16xi32>
        %swap3A_805 = vector.shape_cast %add3A_801 : vector<16xi32> to vector<16xi32>
        tpu.vector_store %arg11[%swap3A_802], %swap3A_805 {strides = array<i32>} : memref<64xi32, #tpu.memory_space<vmem>>, vector<16xi32>,
        %get3A_806 = arith.index_cast %add3A_772 : i32 to index
        %get3A_807 = arith.constant 32 : index
        %get3A_808 = tpu.vector_load %arg7[%get3A_806, %get3A_807] {strides = array<i32>} : memref<40x128xi32, #tpu.memory_space<vmem>>, vector<1x16xi32>,
        %get3A_809 = vector.shape_cast %get3A_808 : vector<1x16xi32> to vector<16xi32>
        %add3A_810 = vector.broadcast %mul3A_328 : i32 to vector<16xi32>
        %add3A_811 = arith.addi %get3A_809, %add3A_810 : vector<16xi32>
        %swap3A_812 = arith.constant 32 : index
        %swap3A_813 = tpu.vector_load %arg11[%swap3A_812] {strides = array<i32>} : memref<64xi32, #tpu.memory_space<vmem>>, vector<16xi32>,
        %swap3A_814 = vector.shape_cast %swap3A_813 : vector<16xi32> to vector<16xi32>
        %swap3A_815 = vector.shape_cast %add3A_811 : vector<16xi32> to vector<16xi32>
        tpu.vector_store %arg11[%swap3A_812], %swap3A_815 {strides = array<i32>} : memref<64xi32, #tpu.memory_space<vmem>>, vector<16xi32>,
        %get3A_816 = arith.index_cast %add3A_772 : i32 to index
        %get3A_817 = arith.constant 48 : index
        %get3A_818 = tpu.vector_load %arg7[%get3A_816, %get3A_817] {strides = array<i32>} : memref<40x128xi32, #tpu.memory_space<vmem>>, vector<1x16xi32>,
        %get3A_819 = vector.shape_cast %get3A_818 : vector<1x16xi32> to vector<16xi32>
        %add3A_820 = vector.broadcast %mul3A_328 : i32 to vector<16xi32>
        %add3A_821 = arith.addi %get3A_819, %add3A_820 : vector<16xi32>
        %swap3A_822 = arith.constant 48 : index
        %swap3A_823 = tpu.vector_load %arg11[%swap3A_822] {strides = array<i32>} : memref<64xi32, #tpu.memory_space<vmem>>, vector<16xi32>,
        %swap3A_824 = vector.shape_cast %swap3A_823 : vector<16xi32> to vector<16xi32>
        %swap3A_825 = vector.shape_cast %add3A_821 : vector<16xi32> to vector<16xi32>
        tpu.vector_store %arg11[%swap3A_822], %swap3A_825 {strides = array<i32>} : memref<64xi32, #tpu.memory_space<vmem>>, vector<16xi32>,
        %dma_start3A_826 = arith.constant 0 : i32
        %dma_start3A_827 = arith.constant 0 : i32
        %dma_start3A_828 = tpu.memref_slice %arg2[%dma_start3A_826, %dma_start3A_827] : memref<40960x128xf32, #tpu.memory_space<hbm>> -> memref<40960x128xf32, #tpu.memory_space<hbm>>
        tpu.enqueue_indirect_dma source(%dma_start3A_828 : memref<40960x128xf32, #tpu.memory_space<hbm>>) target(%arg19 : memref<64x128xf32, #tpu.memory_space<vmem>>) offsets(%arg11 : memref<64xi32, #tpu.memory_space<vmem>>) semaphore(%arg24 : memref<!tpu.dma_semaphore, #tpu.memory_space<semaphore_mem>>)
      } else {
      }
    }
    %scan3A_488 = arith.constant 20 : i32
    %dma_wait3A_489 = arith.constant 0 : i32
    %dma_wait3A_490 = arith.constant 0 : i32
    %dma_wait3A_491 = tpu.memref_slice %arg21[%dma_wait3A_489, %dma_wait3A_490] : memref<10240x128xf32, #tpu.memory_space<vmem_shared>> -> memref<10240x128xf32, #tpu.memory_space<vmem_shared>>
    tpu.wait_indirect_dma semaphore(%arg26 : memref<!tpu.dma_semaphore, #tpu.memory_space<semaphore_mem>>) src(%arg17 : memref<64x128xf32, #tpu.memory_space<vmem>>) dst(%dma_wait3A_491 : memref<10240x128xf32, #tpu.memory_space<vmem_shared>>)
    %dma_wait3A_492 = arith.constant 0 : i32
    %dma_wait3A_493 = arith.constant 0 : i32
    %dma_wait3A_494 = tpu.memref_slice %arg21[%dma_wait3A_492, %dma_wait3A_493] : memref<10240x128xf32, #tpu.memory_space<vmem_shared>> -> memref<10240x128xf32, #tpu.memory_space<vmem_shared>>
    tpu.wait_indirect_dma semaphore(%arg27 : memref<!tpu.dma_semaphore, #tpu.memory_space<semaphore_mem>>) src(%arg18 : memref<64x128xf32, #tpu.memory_space<vmem>>) dst(%dma_wait3A_494 : memref<10240x128xf32, #tpu.memory_space<vmem_shared>>)
    %dma_wait3A_495 = arith.constant 0 : i32
    %dma_wait3A_496 = arith.constant 0 : i32
    %dma_wait3A_497 = tpu.memref_slice %arg21[%dma_wait3A_495, %dma_wait3A_496] : memref<10240x128xf32, #tpu.memory_space<vmem_shared>> -> memref<10240x128xf32, #tpu.memory_space<vmem_shared>>
    tpu.wait_indirect_dma semaphore(%arg28 : memref<!tpu.dma_semaphore, #tpu.memory_space<semaphore_mem>>) src(%arg19 : memref<64x128xf32, #tpu.memory_space<vmem>>) dst(%dma_wait3A_497 : memref<10240x128xf32, #tpu.memory_space<vmem_shared>>)
    %dma_wait3A_498 = arith.constant 0 : i32
    %dma_wait3A_499 = arith.constant 0 : i32
    %dma_wait3A_500 = tpu.memref_slice %arg21[%dma_wait3A_498, %dma_wait3A_499] : memref<10240x128xf32, #tpu.memory_space<vmem_shared>> -> memref<10240x128xf32, #tpu.memory_space<vmem_shared>>
    tpu.wait_indirect_dma semaphore(%arg29 : memref<!tpu.dma_semaphore, #tpu.memory_space<semaphore_mem>>) src(%arg20 : memref<64x128xf32, #tpu.memory_space<vmem>>) dst(%dma_wait3A_500 : memref<10240x128xf32, #tpu.memory_space<vmem_shared>>)
    %barrier3A_501 = arith.constant 0 : index
    tpu.barrier barrier_id(%barrier3A_501)
    %add3A_502 = arith.constant 2 : i32
    %add3A_503 = arith.addi %add3A_502, %arg0 : i32
    "tpu.region"() ({
      %run_scoped3A = tpu.sem_alloc : memref<!tpu.dma_semaphore, #tpu.memory_space<semaphore_mem>>
      %dma_start3A_504 = arith.constant 0 : i32
      %dma_start3A_505 = tpu.memref_slice %arg6[%add3A_503, %mul3A_0, %dma_start3A_504] : memref<4x10240x128xf32, #tpu.memory_space<hbm>> -> memref<1x640x128xf32, #tpu.memory_space<hbm>>
      %dma_start3A_506 = tpu.memref_squeeze %dma_start3A_505 : memref<1x640x128xf32, #tpu.memory_space<hbm>> -> memref<640x128xf32, #tpu.memory_space<hbm>>
      %dma_start3A_507 = arith.constant 0 : i32
      %dma_start3A_508 = tpu.memref_slice %arg21[%mul3A_0, %dma_start3A_507] : memref<10240x128xf32, #tpu.memory_space<vmem_shared>> -> memref<640x128xf32, #tpu.memory_space<vmem_shared>>
      tpu.enqueue_dma source(%dma_start3A_508 : memref<640x128xf32, #tpu.memory_space<vmem_shared>>) target(%dma_start3A_506 : memref<640x128xf32, #tpu.memory_space<hbm>>) target_semaphore(%run_scoped3A : memref<!tpu.dma_semaphore, #tpu.memory_space<semaphore_mem>>)
      %dma_wait3A_509 = arith.constant 0 : i32
      %dma_wait3A_510 = tpu.memref_slice %arg6[%add3A_503, %mul3A_0, %dma_wait3A_509] : memref<4x10240x128xf32, #tpu.memory_space<hbm>> -> memref<1x640x128xf32, #tpu.memory_space<hbm>>
      %dma_wait3A_511 = tpu.memref_squeeze %dma_wait3A_510 : memref<1x640x128xf32, #tpu.memory_space<hbm>> -> memref<640x128xf32, #tpu.memory_space<hbm>>
      %dma_wait3A_512 = arith.constant 0 : i32
      %dma_wait3A_513 = tpu.memref_slice %arg21[%mul3A_0, %dma_wait3A_512] : memref<10240x128xf32, #tpu.memory_space<vmem_shared>> -> memref<640x128xf32, #tpu.memory_space<vmem_shared>>
      tpu.wait_dma2 semaphore(%run_scoped3A : memref<!tpu.dma_semaphore, #tpu.memory_space<semaphore_mem>>) src(%dma_wait3A_513 : memref<640x128xf32, #tpu.memory_space<vmem_shared>>) dst(%dma_wait3A_511 : memref<640x128xf32, #tpu.memory_space<hbm>>)
      tpu.yield
    }) : () -> ()
    return
  }
}

#map = affine_map<(d0, d1) -> (0, 0)>
#map1 = affine_map<(d0, d1) -> (0, 0, 0)>
module attributes {stable_mosaic.version = 14 : i64} {
  func.func @_scatter(%arg0: i32, %arg1: i32, %arg2: memref<20480x128xf32, #tpu.memory_space<hbm>>, %arg3: memref<1280x128xi32, #tpu.memory_space<hbm>>, %arg4: memref<1280x128xi32, #tpu.memory_space<hbm>>, %arg5: memref<2x10240x128xf32, #tpu.memory_space<hbm>>, %arg6: memref<40x128xi32, #tpu.memory_space<vmem>>, %arg7: memref<40x128xi32, #tpu.memory_space<vmem>>, %arg8: memref<64xi32, #tpu.memory_space<vmem>>, %arg9: memref<64xi32, #tpu.memory_space<vmem>>, %arg10: memref<64xi32, #tpu.memory_space<vmem>>, %arg11: memref<64xi32, #tpu.memory_space<vmem>>, %arg12: memref<64xi32, #tpu.memory_space<vmem>>, %arg13: memref<64xi32, #tpu.memory_space<vmem>>, %arg14: memref<64xi32, #tpu.memory_space<vmem>>, %arg15: memref<64xi32, #tpu.memory_space<vmem>>, %arg16: memref<64x128xf32, #tpu.memory_space<vmem>>, %arg17: memref<64x128xf32, #tpu.memory_space<vmem>>, %arg18: memref<64x128xf32, #tpu.memory_space<vmem>>, %arg19: memref<64x128xf32, #tpu.memory_space<vmem>>, %arg20: memref<10240x128xf32, #tpu.memory_space<vmem_shared>>, %arg21: memref<!tpu.dma_semaphore, #tpu.memory_space<semaphore_mem>>, %arg22: memref<!tpu.dma_semaphore, #tpu.memory_space<semaphore_mem>>, %arg23: memref<!tpu.dma_semaphore, #tpu.memory_space<semaphore_mem>>, %arg24: memref<!tpu.dma_semaphore, #tpu.memory_space<semaphore_mem>>, %arg25: memref<!tpu.dma_semaphore, #tpu.memory_space<semaphore_mem>>, %arg26: memref<!tpu.dma_semaphore, #tpu.memory_space<semaphore_mem>>, %arg27: memref<!tpu.dma_semaphore, #tpu.memory_space<semaphore_mem>>, %arg28: memref<!tpu.dma_semaphore, #tpu.memory_space<semaphore_mem>>) attributes {dimension_semantics = [#tpu.dimension_semantics<core_parallel>, #tpu.dimension_semantics<subcore_parallel>], iteration_bounds = array<i64: 2, 16>, scalar_prefetch = 0 : i64, scratch_operands = 23 : i64, tpu.core_type = #tpu.core_type<sc_vector_subcore>, window_params = [{transform_indices = #map}, {transform_indices = #map}, {transform_indices = #map}, {transform_indices = #map1}]} {
    %mul3A = arith.constant 640 : i32
    %mul3A_0 = arith.muli %arg1, %mul3A : i32
    %add3A = arith.constant 0 : i32
    %add3A_1 = arith.addi %add3A, %arg0 : i32
    %mul3A_2 = arith.constant 10240 : i32
    %mul3A_3 = arith.muli %add3A_1, %mul3A_2 : i32
    %add3A_4 = arith.addi %mul3A_3, %mul3A_0 : i32
    "tpu.region"() ({
      %run_scoped3A = tpu.sem_alloc : memref<!tpu.dma_semaphore, #tpu.memory_space<semaphore_mem>>
      %dma_start3A_327 = arith.constant 0 : i32
      %dma_start3A_328 = tpu.memref_slice %arg20[%mul3A_0, %dma_start3A_327] : memref<10240x128xf32, #tpu.memory_space<vmem_shared>> -> memref<640x128xf32, #tpu.memory_space<vmem_shared>>
      %dma_start3A_329 = arith.constant 0 : i32
      %dma_start3A_330 = tpu.memref_slice %arg2[%add3A_4, %dma_start3A_329] : memref<20480x128xf32, #tpu.memory_space<hbm>> -> memref<640x128xf32, #tpu.memory_space<hbm>>
      tpu.enqueue_dma source(%dma_start3A_330 : memref<640x128xf32, #tpu.memory_space<hbm>>) target(%dma_start3A_328 : memref<640x128xf32, #tpu.memory_space<vmem_shared>>) target_semaphore(%run_scoped3A : memref<!tpu.dma_semaphore, #tpu.memory_space<semaphore_mem>>)
      %dma_wait3A_331 = arith.constant 0 : i32
      %dma_wait3A_332 = tpu.memref_slice %arg20[%mul3A_0, %dma_wait3A_331] : memref<10240x128xf32, #tpu.memory_space<vmem_shared>> -> memref<640x128xf32, #tpu.memory_space<vmem_shared>>
      %dma_wait3A_333 = arith.constant 0 : i32
      %dma_wait3A_334 = tpu.memref_slice %arg2[%add3A_4, %dma_wait3A_333] : memref<20480x128xf32, #tpu.memory_space<hbm>> -> memref<640x128xf32, #tpu.memory_space<hbm>>
      tpu.wait_dma2 semaphore(%run_scoped3A : memref<!tpu.dma_semaphore, #tpu.memory_space<semaphore_mem>>) src(%dma_wait3A_334 : memref<640x128xf32, #tpu.memory_space<hbm>>) dst(%dma_wait3A_332 : memref<640x128xf32, #tpu.memory_space<vmem_shared>>)
      tpu.yield
    }) : () -> ()
    %barrier3A = arith.constant 0 : index
    tpu.barrier barrier_id(%barrier3A)
    %mul3A_5 = arith.constant 80 : i32
    %mul3A_6 = arith.muli %arg1, %mul3A_5 : i32
    %add3A_7 = arith.constant 0 : i32
    %add3A_8 = arith.addi %mul3A_6, %add3A_7 : i32
    "tpu.region"() ({
      %run_scoped3A = tpu.sem_alloc : memref<!tpu.dma_semaphore, #tpu.memory_space<semaphore_mem>>
      %dma_start3A_327 = arith.constant 0 : i32
      %dma_start3A_328 = tpu.memref_slice %arg3[%add3A_8, %dma_start3A_327] : memref<1280x128xi32, #tpu.memory_space<hbm>> -> memref<40x128xi32, #tpu.memory_space<hbm>>
      %dma_start3A_329 = arith.constant 0 : i32
      %dma_start3A_330 = tpu.memref_slice %arg3[%add3A_8, %dma_start3A_329] : memref<1280x128xi32, #tpu.memory_space<hbm>> -> memref<40x128xi32, #tpu.memory_space<hbm>>
      tpu.enqueue_dma source(%dma_start3A_330 : memref<40x128xi32, #tpu.memory_space<hbm>>) target(%arg6 : memref<40x128xi32, #tpu.memory_space<vmem>>) target_semaphore(%run_scoped3A : memref<!tpu.dma_semaphore, #tpu.memory_space<semaphore_mem>>)
      %dma_wait3A_331 = arith.constant 0 : i32
      %dma_wait3A_332 = tpu.memref_slice %arg3[%add3A_8, %dma_wait3A_331] : memref<1280x128xi32, #tpu.memory_space<hbm>> -> memref<40x128xi32, #tpu.memory_space<hbm>>
      %dma_wait3A_333 = arith.constant 0 : i32
      %dma_wait3A_334 = tpu.memref_slice %arg3[%add3A_8, %dma_wait3A_333] : memref<1280x128xi32, #tpu.memory_space<hbm>> -> memref<40x128xi32, #tpu.memory_space<hbm>>
      tpu.wait_dma2 semaphore(%run_scoped3A : memref<!tpu.dma_semaphore, #tpu.memory_space<semaphore_mem>>) src(%dma_wait3A_334 : memref<40x128xi32, #tpu.memory_space<hbm>>) dst(%arg6 : memref<40x128xi32, #tpu.memory_space<vmem>>)
      tpu.yield
    }) : () -> ()
    "tpu.region"() ({
      %run_scoped3A = tpu.sem_alloc : memref<!tpu.dma_semaphore, #tpu.memory_space<semaphore_mem>>
      %dma_start3A_327 = arith.constant 0 : i32
      %dma_start3A_328 = tpu.memref_slice %arg4[%add3A_8, %dma_start3A_327] : memref<1280x128xi32, #tpu.memory_space<hbm>> -> memref<40x128xi32, #tpu.memory_space<hbm>>
      %dma_start3A_329 = arith.constant 0 : i32
      %dma_start3A_330 = tpu.memref_slice %arg4[%add3A_8, %dma_start3A_329] : memref<1280x128xi32, #tpu.memory_space<hbm>> -> memref<40x128xi32, #tpu.memory_space<hbm>>
      tpu.enqueue_dma source(%dma_start3A_330 : memref<40x128xi32, #tpu.memory_space<hbm>>) target(%arg7 : memref<40x128xi32, #tpu.memory_space<vmem>>) target_semaphore(%run_scoped3A : memref<!tpu.dma_semaphore, #tpu.memory_space<semaphore_mem>>)
      %dma_wait3A_331 = arith.constant 0 : i32
      %dma_wait3A_332 = tpu.memref_slice %arg4[%add3A_8, %dma_wait3A_331] : memref<1280x128xi32, #tpu.memory_space<hbm>> -> memref<40x128xi32, #tpu.memory_space<hbm>>
      %dma_wait3A_333 = arith.constant 0 : i32
      %dma_wait3A_334 = tpu.memref_slice %arg4[%add3A_8, %dma_wait3A_333] : memref<1280x128xi32, #tpu.memory_space<hbm>> -> memref<40x128xi32, #tpu.memory_space<hbm>>
      tpu.wait_dma2 semaphore(%run_scoped3A : memref<!tpu.dma_semaphore, #tpu.memory_space<semaphore_mem>>) src(%dma_wait3A_334 : memref<40x128xi32, #tpu.memory_space<hbm>>) dst(%arg7 : memref<40x128xi32, #tpu.memory_space<vmem>>)
      tpu.yield
    }) : () -> ()
    %get3A = arith.constant 0 : i32
    %get3A_9 = arith.index_cast %get3A : i32 to index
    %get3A_10 = arith.constant 0 : index
    %get3A_11 = tpu.vector_load %arg6[%get3A_9, %get3A_10] {strides = array<i32>} : memref<40x128xi32, #tpu.memory_space<vmem>>, vector<1x16xi32>,
    %get3A_12 = vector.shape_cast %get3A_11 : vector<1x16xi32> to vector<16xi32>
    %add3A_13 = vector.broadcast %mul3A_3 : i32 to vector<16xi32>
    %add3A_14 = arith.addi %get3A_12, %add3A_13 : vector<16xi32>
    %swap3A = arith.constant 0 : index
    %swap3A_15 = tpu.vector_load %arg8[%swap3A] {strides = array<i32>} : memref<64xi32, #tpu.memory_space<vmem>>, vector<16xi32>,
    %swap3A_16 = vector.shape_cast %swap3A_15 : vector<16xi32> to vector<16xi32>
    %swap3A_17 = vector.shape_cast %add3A_14 : vector<16xi32> to vector<16xi32>
    tpu.vector_store %arg8[%swap3A], %swap3A_17 {strides = array<i32>} : memref<64xi32, #tpu.memory_space<vmem>>, vector<16xi32>,
    %get3A_18 = arith.constant 0 : i32
    %get3A_19 = arith.index_cast %get3A_18 : i32 to index
    %get3A_20 = arith.constant 16 : index
    %get3A_21 = tpu.vector_load %arg6[%get3A_19, %get3A_20] {strides = array<i32>} : memref<40x128xi32, #tpu.memory_space<vmem>>, vector<1x16xi32>,
    %get3A_22 = vector.shape_cast %get3A_21 : vector<1x16xi32> to vector<16xi32>
    %add3A_23 = vector.broadcast %mul3A_3 : i32 to vector<16xi32>
    %add3A_24 = arith.addi %get3A_22, %add3A_23 : vector<16xi32>
    %swap3A_25 = arith.constant 16 : index
    %swap3A_26 = tpu.vector_load %arg8[%swap3A_25] {strides = array<i32>} : memref<64xi32, #tpu.memory_space<vmem>>, vector<16xi32>,
    %swap3A_27 = vector.shape_cast %swap3A_26 : vector<16xi32> to vector<16xi32>
    %swap3A_28 = vector.shape_cast %add3A_24 : vector<16xi32> to vector<16xi32>
    tpu.vector_store %arg8[%swap3A_25], %swap3A_28 {strides = array<i32>} : memref<64xi32, #tpu.memory_space<vmem>>, vector<16xi32>,
    %get3A_29 = arith.constant 0 : i32
    %get3A_30 = arith.index_cast %get3A_29 : i32 to index
    %get3A_31 = arith.constant 32 : index
    %get3A_32 = tpu.vector_load %arg6[%get3A_30, %get3A_31] {strides = array<i32>} : memref<40x128xi32, #tpu.memory_space<vmem>>, vector<1x16xi32>,
    %get3A_33 = vector.shape_cast %get3A_32 : vector<1x16xi32> to vector<16xi32>
    %add3A_34 = vector.broadcast %mul3A_3 : i32 to vector<16xi32>
    %add3A_35 = arith.addi %get3A_33, %add3A_34 : vector<16xi32>
    %swap3A_36 = arith.constant 32 : index
    %swap3A_37 = tpu.vector_load %arg8[%swap3A_36] {strides = array<i32>} : memref<64xi32, #tpu.memory_space<vmem>>, vector<16xi32>,
    %swap3A_38 = vector.shape_cast %swap3A_37 : vector<16xi32> to vector<16xi32>
    %swap3A_39 = vector.shape_cast %add3A_35 : vector<16xi32> to vector<16xi32>
    tpu.vector_store %arg8[%swap3A_36], %swap3A_39 {strides = array<i32>} : memref<64xi32, #tpu.memory_space<vmem>>, vector<16xi32>,
    %get3A_40 = arith.constant 0 : i32
    %get3A_41 = arith.index_cast %get3A_40 : i32 to index
    %get3A_42 = arith.constant 48 : index
    %get3A_43 = tpu.vector_load %arg6[%get3A_41, %get3A_42] {strides = array<i32>} : memref<40x128xi32, #tpu.memory_space<vmem>>, vector<1x16xi32>,
    %get3A_44 = vector.shape_cast %get3A_43 : vector<1x16xi32> to vector<16xi32>
    %add3A_45 = vector.broadcast %mul3A_3 : i32 to vector<16xi32>
    %add3A_46 = arith.addi %get3A_44, %add3A_45 : vector<16xi32>
    %swap3A_47 = arith.constant 48 : index
    %swap3A_48 = tpu.vector_load %arg8[%swap3A_47] {strides = array<i32>} : memref<64xi32, #tpu.memory_space<vmem>>, vector<16xi32>,
    %swap3A_49 = vector.shape_cast %swap3A_48 : vector<16xi32> to vector<16xi32>
    %swap3A_50 = vector.shape_cast %add3A_46 : vector<16xi32> to vector<16xi32>
    tpu.vector_store %arg8[%swap3A_47], %swap3A_50 {strides = array<i32>} : memref<64xi32, #tpu.memory_space<vmem>>, vector<16xi32>,
    %dma_start3A = arith.constant 0 : i32
    %dma_start3A_51 = arith.constant 0 : i32
    %dma_start3A_52 = tpu.memref_slice %arg2[%dma_start3A, %dma_start3A_51] : memref<20480x128xf32, #tpu.memory_space<hbm>> -> memref<20480x128xf32, #tpu.memory_space<hbm>>
    tpu.enqueue_indirect_dma source(%dma_start3A_52 : memref<20480x128xf32, #tpu.memory_space<hbm>>) target(%arg16 : memref<64x128xf32, #tpu.memory_space<vmem>>) offsets(%arg8 : memref<64xi32, #tpu.memory_space<vmem>>) semaphore(%arg21 : memref<!tpu.dma_semaphore, #tpu.memory_space<semaphore_mem>>)
    %get3A_53 = arith.constant 0 : i32
    %get3A_54 = arith.index_cast %get3A_53 : i32 to index
    %get3A_55 = arith.constant 64 : index
    %get3A_56 = tpu.vector_load %arg6[%get3A_54, %get3A_55] {strides = array<i32>} : memref<40x128xi32, #tpu.memory_space<vmem>>, vector<1x16xi32>,
    %get3A_57 = vector.shape_cast %get3A_56 : vector<1x16xi32> to vector<16xi32>
    %add3A_58 = vector.broadcast %mul3A_3 : i32 to vector<16xi32>
    %add3A_59 = arith.addi %get3A_57, %add3A_58 : vector<16xi32>
    %swap3A_60 = arith.constant 0 : index
    %swap3A_61 = tpu.vector_load %arg9[%swap3A_60] {strides = array<i32>} : memref<64xi32, #tpu.memory_space<vmem>>, vector<16xi32>,
    %swap3A_62 = vector.shape_cast %swap3A_61 : vector<16xi32> to vector<16xi32>
    %swap3A_63 = vector.shape_cast %add3A_59 : vector<16xi32> to vector<16xi32>
    tpu.vector_store %arg9[%swap3A_60], %swap3A_63 {strides = array<i32>} : memref<64xi32, #tpu.memory_space<vmem>>, vector<16xi32>,
    %get3A_64 = arith.constant 0 : i32
    %get3A_65 = arith.index_cast %get3A_64 : i32 to index
    %get3A_66 = arith.constant 80 : index
    %get3A_67 = tpu.vector_load %arg6[%get3A_65, %get3A_66] {strides = array<i32>} : memref<40x128xi32, #tpu.memory_space<vmem>>, vector<1x16xi32>,
    %get3A_68 = vector.shape_cast %get3A_67 : vector<1x16xi32> to vector<16xi32>
    %add3A_69 = vector.broadcast %mul3A_3 : i32 to vector<16xi32>
    %add3A_70 = arith.addi %get3A_68, %add3A_69 : vector<16xi32>
    %swap3A_71 = arith.constant 16 : index
    %swap3A_72 = tpu.vector_load %arg9[%swap3A_71] {strides = array<i32>} : memref<64xi32, #tpu.memory_space<vmem>>, vector<16xi32>,
    %swap3A_73 = vector.shape_cast %swap3A_72 : vector<16xi32> to vector<16xi32>
    %swap3A_74 = vector.shape_cast %add3A_70 : vector<16xi32> to vector<16xi32>
    tpu.vector_store %arg9[%swap3A_71], %swap3A_74 {strides = array<i32>} : memref<64xi32, #tpu.memory_space<vmem>>, vector<16xi32>,
    %get3A_75 = arith.constant 0 : i32
    %get3A_76 = arith.index_cast %get3A_75 : i32 to index
    %get3A_77 = arith.constant 96 : index
    %get3A_78 = tpu.vector_load %arg6[%get3A_76, %get3A_77] {strides = array<i32>} : memref<40x128xi32, #tpu.memory_space<vmem>>, vector<1x16xi32>,
    %get3A_79 = vector.shape_cast %get3A_78 : vector<1x16xi32> to vector<16xi32>
    %add3A_80 = vector.broadcast %mul3A_3 : i32 to vector<16xi32>
    %add3A_81 = arith.addi %get3A_79, %add3A_80 : vector<16xi32>
    %swap3A_82 = arith.constant 32 : index
    %swap3A_83 = tpu.vector_load %arg9[%swap3A_82] {strides = array<i32>} : memref<64xi32, #tpu.memory_space<vmem>>, vector<16xi32>,
    %swap3A_84 = vector.shape_cast %swap3A_83 : vector<16xi32> to vector<16xi32>
    %swap3A_85 = vector.shape_cast %add3A_81 : vector<16xi32> to vector<16xi32>
    tpu.vector_store %arg9[%swap3A_82], %swap3A_85 {strides = array<i32>} : memref<64xi32, #tpu.memory_space<vmem>>, vector<16xi32>,
    %get3A_86 = arith.constant 0 : i32
    %get3A_87 = arith.index_cast %get3A_86 : i32 to index
    %get3A_88 = arith.constant 112 : index
    %get3A_89 = tpu.vector_load %arg6[%get3A_87, %get3A_88] {strides = array<i32>} : memref<40x128xi32, #tpu.memory_space<vmem>>, vector<1x16xi32>,
    %get3A_90 = vector.shape_cast %get3A_89 : vector<1x16xi32> to vector<16xi32>
    %add3A_91 = vector.broadcast %mul3A_3 : i32 to vector<16xi32>
    %add3A_92 = arith.addi %get3A_90, %add3A_91 : vector<16xi32>
    %swap3A_93 = arith.constant 48 : index
    %swap3A_94 = tpu.vector_load %arg9[%swap3A_93] {strides = array<i32>} : memref<64xi32, #tpu.memory_space<vmem>>, vector<16xi32>,
    %swap3A_95 = vector.shape_cast %swap3A_94 : vector<16xi32> to vector<16xi32>
    %swap3A_96 = vector.shape_cast %add3A_92 : vector<16xi32> to vector<16xi32>
    tpu.vector_store %arg9[%swap3A_93], %swap3A_96 {strides = array<i32>} : memref<64xi32, #tpu.memory_space<vmem>>, vector<16xi32>,
    %dma_start3A_97 = arith.constant 0 : i32
    %dma_start3A_98 = arith.constant 0 : i32
    %dma_start3A_99 = tpu.memref_slice %arg2[%dma_start3A_97, %dma_start3A_98] : memref<20480x128xf32, #tpu.memory_space<hbm>> -> memref<20480x128xf32, #tpu.memory_space<hbm>>
    tpu.enqueue_indirect_dma source(%dma_start3A_99 : memref<20480x128xf32, #tpu.memory_space<hbm>>) target(%arg17 : memref<64x128xf32, #tpu.memory_space<vmem>>) offsets(%arg9 : memref<64xi32, #tpu.memory_space<vmem>>) semaphore(%arg22 : memref<!tpu.dma_semaphore, #tpu.memory_space<semaphore_mem>>)
    %get3A_100 = arith.constant 1 : i32
    %get3A_101 = arith.index_cast %get3A_100 : i32 to index
    %get3A_102 = arith.constant 0 : index
    %get3A_103 = tpu.vector_load %arg6[%get3A_101, %get3A_102] {strides = array<i32>} : memref<40x128xi32, #tpu.memory_space<vmem>>, vector<1x16xi32>,
    %get3A_104 = vector.shape_cast %get3A_103 : vector<1x16xi32> to vector<16xi32>
    %add3A_105 = vector.broadcast %mul3A_3 : i32 to vector<16xi32>
    %add3A_106 = arith.addi %get3A_104, %add3A_105 : vector<16xi32>
    %swap3A_107 = arith.constant 0 : index
    %swap3A_108 = tpu.vector_load %arg10[%swap3A_107] {strides = array<i32>} : memref<64xi32, #tpu.memory_space<vmem>>, vector<16xi32>,
    %swap3A_109 = vector.shape_cast %swap3A_108 : vector<16xi32> to vector<16xi32>
    %swap3A_110 = vector.shape_cast %add3A_106 : vector<16xi32> to vector<16xi32>
    tpu.vector_store %arg10[%swap3A_107], %swap3A_110 {strides = array<i32>} : memref<64xi32, #tpu.memory_space<vmem>>, vector<16xi32>,
    %get3A_111 = arith.constant 1 : i32
    %get3A_112 = arith.index_cast %get3A_111 : i32 to index
    %get3A_113 = arith.constant 16 : index
    %get3A_114 = tpu.vector_load %arg6[%get3A_112, %get3A_113] {strides = array<i32>} : memref<40x128xi32, #tpu.memory_space<vmem>>, vector<1x16xi32>,
    %get3A_115 = vector.shape_cast %get3A_114 : vector<1x16xi32> to vector<16xi32>
    %add3A_116 = vector.broadcast %mul3A_3 : i32 to vector<16xi32>
    %add3A_117 = arith.addi %get3A_115, %add3A_116 : vector<16xi32>
    %swap3A_118 = arith.constant 16 : index
    %swap3A_119 = tpu.vector_load %arg10[%swap3A_118] {strides = array<i32>} : memref<64xi32, #tpu.memory_space<vmem>>, vector<16xi32>,
    %swap3A_120 = vector.shape_cast %swap3A_119 : vector<16xi32> to vector<16xi32>
    %swap3A_121 = vector.shape_cast %add3A_117 : vector<16xi32> to vector<16xi32>
    tpu.vector_store %arg10[%swap3A_118], %swap3A_121 {strides = array<i32>} : memref<64xi32, #tpu.memory_space<vmem>>, vector<16xi32>,
    %get3A_122 = arith.constant 1 : i32
    %get3A_123 = arith.index_cast %get3A_122 : i32 to index
    %get3A_124 = arith.constant 32 : index
    %get3A_125 = tpu.vector_load %arg6[%get3A_123, %get3A_124] {strides = array<i32>} : memref<40x128xi32, #tpu.memory_space<vmem>>, vector<1x16xi32>,
    %get3A_126 = vector.shape_cast %get3A_125 : vector<1x16xi32> to vector<16xi32>
    %add3A_127 = vector.broadcast %mul3A_3 : i32 to vector<16xi32>
    %add3A_128 = arith.addi %get3A_126, %add3A_127 : vector<16xi32>
    %swap3A_129 = arith.constant 32 : index
    %swap3A_130 = tpu.vector_load %arg10[%swap3A_129] {strides = array<i32>} : memref<64xi32, #tpu.memory_space<vmem>>, vector<16xi32>,
    %swap3A_131 = vector.shape_cast %swap3A_130 : vector<16xi32> to vector<16xi32>
    %swap3A_132 = vector.shape_cast %add3A_128 : vector<16xi32> to vector<16xi32>
    tpu.vector_store %arg10[%swap3A_129], %swap3A_132 {strides = array<i32>} : memref<64xi32, #tpu.memory_space<vmem>>, vector<16xi32>,
    %get3A_133 = arith.constant 1 : i32
    %get3A_134 = arith.index_cast %get3A_133 : i32 to index
    %get3A_135 = arith.constant 48 : index
    %get3A_136 = tpu.vector_load %arg6[%get3A_134, %get3A_135] {strides = array<i32>} : memref<40x128xi32, #tpu.memory_space<vmem>>, vector<1x16xi32>,
    %get3A_137 = vector.shape_cast %get3A_136 : vector<1x16xi32> to vector<16xi32>
    %add3A_138 = vector.broadcast %mul3A_3 : i32 to vector<16xi32>
    %add3A_139 = arith.addi %get3A_137, %add3A_138 : vector<16xi32>
    %swap3A_140 = arith.constant 48 : index
    %swap3A_141 = tpu.vector_load %arg10[%swap3A_140] {strides = array<i32>} : memref<64xi32, #tpu.memory_space<vmem>>, vector<16xi32>,
    %swap3A_142 = vector.shape_cast %swap3A_141 : vector<16xi32> to vector<16xi32>
    %swap3A_143 = vector.shape_cast %add3A_139 : vector<16xi32> to vector<16xi32>
    tpu.vector_store %arg10[%swap3A_140], %swap3A_143 {strides = array<i32>} : memref<64xi32, #tpu.memory_space<vmem>>, vector<16xi32>,
    %dma_start3A_144 = arith.constant 0 : i32
    %dma_start3A_145 = arith.constant 0 : i32
    %dma_start3A_146 = tpu.memref_slice %arg2[%dma_start3A_144, %dma_start3A_145] : memref<20480x128xf32, #tpu.memory_space<hbm>> -> memref<20480x128xf32, #tpu.memory_space<hbm>>
    tpu.enqueue_indirect_dma source(%dma_start3A_146 : memref<20480x128xf32, #tpu.memory_space<hbm>>) target(%arg18 : memref<64x128xf32, #tpu.memory_space<vmem>>) offsets(%arg10 : memref<64xi32, #tpu.memory_space<vmem>>) semaphore(%arg23 : memref<!tpu.dma_semaphore, #tpu.memory_space<semaphore_mem>>)
    %scan3A = arith.constant 0 : i32
    %scan3A_147 = arith.constant 0 : i32
    %scan3A_148 = arith.constant 20 : i32
    %scan3A_149 = arith.addi %scan3A_147, %scan3A_148 : i32
    %scan3A_150 = arith.constant 1 : i32
    scf.for %scan3A_327 = %scan3A_147 to %scan3A_149 step %scan3A_150  : i32 {
      %mul3A_328 = arith.constant 4 : i32
      %mul3A_329 = arith.muli %mul3A_328, %scan3A_327 : i32
      %add3A_330 = arith.constant 0 : i32
      %add3A_331 = arith.addi %mul3A_329, %add3A_330 : i32
      %mul3A_332 = arith.constant 2 : i32
      %mul3A_333 = arith.muli %mul3A_332, %scan3A_327 : i32
      %add3A_334 = arith.constant 0 : i32
      %add3A_335 = arith.addi %mul3A_333, %add3A_334 : i32
      %dma_wait3A_336 = arith.constant 0 : i32
      %dma_wait3A_337 = arith.constant 0 : i32
      %dma_wait3A_338 = tpu.memref_slice %arg2[%dma_wait3A_336, %dma_wait3A_337] : memref<20480x128xf32, #tpu.memory_space<hbm>> -> memref<20480x128xf32, #tpu.memory_space<hbm>>
      tpu.wait_indirect_dma semaphore(%arg21 : memref<!tpu.dma_semaphore, #tpu.memory_space<semaphore_mem>>) src(%dma_wait3A_338 : memref<20480x128xf32, #tpu.memory_space<hbm>>) dst(%arg16 : memref<64x128xf32, #tpu.memory_space<vmem>>)
      %get3A_339 = arith.index_cast %add3A_335 : i32 to index
      %get3A_340 = arith.constant 0 : index
      %get3A_341 = tpu.vector_load %arg7[%get3A_339, %get3A_340] {strides = array<i32>} : memref<40x128xi32, #tpu.memory_space<vmem>>, vector<1x16xi32>,
      %get3A_342 = vector.shape_cast %get3A_341 : vector<1x16xi32> to vector<16xi32>
      %add3A_343 = arith.constant 0 : i32
      %add3A_344 = vector.broadcast %add3A_343 : i32 to vector<16xi32>
      %add3A_345 = arith.addi %get3A_342, %add3A_344 : vector<16xi32>
      %swap3A_346 = arith.constant 0 : index
      %swap3A_347 = tpu.vector_load %arg12[%swap3A_346] {strides = array<i32>} : memref<64xi32, #tpu.memory_space<vmem>>, vector<16xi32>,
      %swap3A_348 = vector.shape_cast %swap3A_347 : vector<16xi32> to vector<16xi32>
      %swap3A_349 = vector.shape_cast %add3A_345 : vector<16xi32> to vector<16xi32>
      tpu.vector_store %arg12[%swap3A_346], %swap3A_349 {strides = array<i32>} : memref<64xi32, #tpu.memory_space<vmem>>, vector<16xi32>,
      %get3A_350 = arith.index_cast %add3A_335 : i32 to index
      %get3A_351 = arith.constant 16 : index
      %get3A_352 = tpu.vector_load %arg7[%get3A_350, %get3A_351] {strides = array<i32>} : memref<40x128xi32, #tpu.memory_space<vmem>>, vector<1x16xi32>,
      %get3A_353 = vector.shape_cast %get3A_352 : vector<1x16xi32> to vector<16xi32>
      %add3A_354 = arith.constant 0 : i32
      %add3A_355 = vector.broadcast %add3A_354 : i32 to vector<16xi32>
      %add3A_356 = arith.addi %get3A_353, %add3A_355 : vector<16xi32>
      %swap3A_357 = arith.constant 16 : index
      %swap3A_358 = tpu.vector_load %arg12[%swap3A_357] {strides = array<i32>} : memref<64xi32, #tpu.memory_space<vmem>>, vector<16xi32>,
      %swap3A_359 = vector.shape_cast %swap3A_358 : vector<16xi32> to vector<16xi32>
      %swap3A_360 = vector.shape_cast %add3A_356 : vector<16xi32> to vector<16xi32>
      tpu.vector_store %arg12[%swap3A_357], %swap3A_360 {strides = array<i32>} : memref<64xi32, #tpu.memory_space<vmem>>, vector<16xi32>,
      %get3A_361 = arith.index_cast %add3A_335 : i32 to index
      %get3A_362 = arith.constant 32 : index
      %get3A_363 = tpu.vector_load %arg7[%get3A_361, %get3A_362] {strides = array<i32>} : memref<40x128xi32, #tpu.memory_space<vmem>>, vector<1x16xi32>,
      %get3A_364 = vector.shape_cast %get3A_363 : vector<1x16xi32> to vector<16xi32>
      %add3A_365 = arith.constant 0 : i32
      %add3A_366 = vector.broadcast %add3A_365 : i32 to vector<16xi32>
      %add3A_367 = arith.addi %get3A_364, %add3A_366 : vector<16xi32>
      %swap3A_368 = arith.constant 32 : index
      %swap3A_369 = tpu.vector_load %arg12[%swap3A_368] {strides = array<i32>} : memref<64xi32, #tpu.memory_space<vmem>>, vector<16xi32>,
      %swap3A_370 = vector.shape_cast %swap3A_369 : vector<16xi32> to vector<16xi32>
      %swap3A_371 = vector.shape_cast %add3A_367 : vector<16xi32> to vector<16xi32>
      tpu.vector_store %arg12[%swap3A_368], %swap3A_371 {strides = array<i32>} : memref<64xi32, #tpu.memory_space<vmem>>, vector<16xi32>,
      %get3A_372 = arith.index_cast %add3A_335 : i32 to index
      %get3A_373 = arith.constant 48 : index
      %get3A_374 = tpu.vector_load %arg7[%get3A_372, %get3A_373] {strides = array<i32>} : memref<40x128xi32, #tpu.memory_space<vmem>>, vector<1x16xi32>,
      %get3A_375 = vector.shape_cast %get3A_374 : vector<1x16xi32> to vector<16xi32>
      %add3A_376 = arith.constant 0 : i32
      %add3A_377 = vector.broadcast %add3A_376 : i32 to vector<16xi32>
      %add3A_378 = arith.addi %get3A_375, %add3A_377 : vector<16xi32>
      %swap3A_379 = arith.constant 48 : index
      %swap3A_380 = tpu.vector_load %arg12[%swap3A_379] {strides = array<i32>} : memref<64xi32, #tpu.memory_space<vmem>>, vector<16xi32>,
      %swap3A_381 = vector.shape_cast %swap3A_380 : vector<16xi32> to vector<16xi32>
      %swap3A_382 = vector.shape_cast %add3A_378 : vector<16xi32> to vector<16xi32>
      tpu.vector_store %arg12[%swap3A_379], %swap3A_382 {strides = array<i32>} : memref<64xi32, #tpu.memory_space<vmem>>, vector<16xi32>,
      %dma_start3A_383 = arith.constant 0 : i32
      %dma_start3A_384 = arith.constant 0 : i32
      %dma_start3A_385 = tpu.memref_slice %arg20[%dma_start3A_383, %dma_start3A_384] : memref<10240x128xf32, #tpu.memory_space<vmem_shared>> -> memref<10240x128xf32, #tpu.memory_space<vmem_shared>>
      tpu.enqueue_indirect_dma source(%arg16 : memref<64x128xf32, #tpu.memory_space<vmem>>) target(%dma_start3A_385 : memref<10240x128xf32, #tpu.memory_space<vmem_shared>>) offsets(%arg12 : memref<64xi32, #tpu.memory_space<vmem>>) semaphore(%arg25 : memref<!tpu.dma_semaphore, #tpu.memory_space<semaphore_mem>>) {add = true}
      %mul3A_386 = arith.constant 2 : i32
      %mul3A_387 = arith.muli %mul3A_386, %scan3A_327 : i32
      %add3A_388 = arith.constant 1 : i32
      %add3A_389 = arith.addi %mul3A_387, %add3A_388 : i32
      %add3A_390 = arith.constant 3 : i32
      %add3A_391 = arith.addi %add3A_331, %add3A_390 : i32
      %lt3A = arith.constant 80 : i32
      %lt3A_392 = arith.cmpi slt, %add3A_391, %lt3A : i32
      %convert_element_type3A = arith.extui %lt3A_392 : i1 to i32
      %cond3A = arith.constant 0 : i32
      %cond3A_393 = arith.cmpi ne, %convert_element_type3A, %cond3A : i32
      scf.if %cond3A_393 {
        %add3A_601 = arith.constant 3 : i32
        %add3A_602 = arith.addi %add3A_331, %add3A_601 : i32
        %ge3A = arith.constant 4 : i32
        %ge3A_603 = arith.cmpi sge, %add3A_602, %ge3A : i32
        %convert_element_type3A_604 = arith.extui %ge3A_603 : i1 to i32
        %cond3A_605 = arith.constant 0 : i32
        %cond3A_606 = arith.cmpi ne, %convert_element_type3A_604, %cond3A_605 : i32
        scf.if %cond3A_606 {
          %dma_wait3A_650 = arith.constant 0 : i32
          %dma_wait3A_651 = arith.constant 0 : i32
          %dma_wait3A_652 = tpu.memref_slice %arg20[%dma_wait3A_650, %dma_wait3A_651] : memref<10240x128xf32, #tpu.memory_space<vmem_shared>> -> memref<10240x128xf32, #tpu.memory_space<vmem_shared>>
          tpu.wait_indirect_dma semaphore(%arg28 : memref<!tpu.dma_semaphore, #tpu.memory_space<semaphore_mem>>) src(%arg19 : memref<64x128xf32, #tpu.memory_space<vmem>>) dst(%dma_wait3A_652 : memref<10240x128xf32, #tpu.memory_space<vmem_shared>>)
        } else {
        }
        %get3A_607 = arith.index_cast %add3A_389 : i32 to index
        %get3A_608 = arith.constant 64 : index
        %get3A_609 = tpu.vector_load %arg6[%get3A_607, %get3A_608] {strides = array<i32>} : memref<40x128xi32, #tpu.memory_space<vmem>>, vector<1x16xi32>,
        %get3A_610 = vector.shape_cast %get3A_609 : vector<1x16xi32> to vector<16xi32>
        %add3A_611 = vector.broadcast %mul3A_3 : i32 to vector<16xi32>
        %add3A_612 = arith.addi %get3A_610, %add3A_611 : vector<16xi32>
        %swap3A_613 = arith.constant 0 : index
        %swap3A_614 = tpu.vector_load %arg11[%swap3A_613] {strides = array<i32>} : memref<64xi32, #tpu.memory_space<vmem>>, vector<16xi32>,
        %swap3A_615 = vector.shape_cast %swap3A_614 : vector<16xi32> to vector<16xi32>
        %swap3A_616 = vector.shape_cast %add3A_612 : vector<16xi32> to vector<16xi32>
        tpu.vector_store %arg11[%swap3A_613], %swap3A_616 {strides = array<i32>} : memref<64xi32, #tpu.memory_space<vmem>>, vector<16xi32>,
        %get3A_617 = arith.index_cast %add3A_389 : i32 to index
        %get3A_618 = arith.constant 80 : index
        %get3A_619 = tpu.vector_load %arg6[%get3A_617, %get3A_618] {strides = array<i32>} : memref<40x128xi32, #tpu.memory_space<vmem>>, vector<1x16xi32>,
        %get3A_620 = vector.shape_cast %get3A_619 : vector<1x16xi32> to vector<16xi32>
        %add3A_621 = vector.broadcast %mul3A_3 : i32 to vector<16xi32>
        %add3A_622 = arith.addi %get3A_620, %add3A_621 : vector<16xi32>
        %swap3A_623 = arith.constant 16 : index
        %swap3A_624 = tpu.vector_load %arg11[%swap3A_623] {strides = array<i32>} : memref<64xi32, #tpu.memory_space<vmem>>, vector<16xi32>,
        %swap3A_625 = vector.shape_cast %swap3A_624 : vector<16xi32> to vector<16xi32>
        %swap3A_626 = vector.shape_cast %add3A_622 : vector<16xi32> to vector<16xi32>
        tpu.vector_store %arg11[%swap3A_623], %swap3A_626 {strides = array<i32>} : memref<64xi32, #tpu.memory_space<vmem>>, vector<16xi32>,
        %get3A_627 = arith.index_cast %add3A_389 : i32 to index
        %get3A_628 = arith.constant 96 : index
        %get3A_629 = tpu.vector_load %arg6[%get3A_627, %get3A_628] {strides = array<i32>} : memref<40x128xi32, #tpu.memory_space<vmem>>, vector<1x16xi32>,
        %get3A_630 = vector.shape_cast %get3A_629 : vector<1x16xi32> to vector<16xi32>
        %add3A_631 = vector.broadcast %mul3A_3 : i32 to vector<16xi32>
        %add3A_632 = arith.addi %get3A_630, %add3A_631 : vector<16xi32>
        %swap3A_633 = arith.constant 32 : index
        %swap3A_634 = tpu.vector_load %arg11[%swap3A_633] {strides = array<i32>} : memref<64xi32, #tpu.memory_space<vmem>>, vector<16xi32>,
        %swap3A_635 = vector.shape_cast %swap3A_634 : vector<16xi32> to vector<16xi32>
        %swap3A_636 = vector.shape_cast %add3A_632 : vector<16xi32> to vector<16xi32>
        tpu.vector_store %arg11[%swap3A_633], %swap3A_636 {strides = array<i32>} : memref<64xi32, #tpu.memory_space<vmem>>, vector<16xi32>,
        %get3A_637 = arith.index_cast %add3A_389 : i32 to index
        %get3A_638 = arith.constant 112 : index
        %get3A_639 = tpu.vector_load %arg6[%get3A_637, %get3A_638] {strides = array<i32>} : memref<40x128xi32, #tpu.memory_space<vmem>>, vector<1x16xi32>,
        %get3A_640 = vector.shape_cast %get3A_639 : vector<1x16xi32> to vector<16xi32>
        %add3A_641 = vector.broadcast %mul3A_3 : i32 to vector<16xi32>
        %add3A_642 = arith.addi %get3A_640, %add3A_641 : vector<16xi32>
        %swap3A_643 = arith.constant 48 : index
        %swap3A_644 = tpu.vector_load %arg11[%swap3A_643] {strides = array<i32>} : memref<64xi32, #tpu.memory_space<vmem>>, vector<16xi32>,
        %swap3A_645 = vector.shape_cast %swap3A_644 : vector<16xi32> to vector<16xi32>
        %swap3A_646 = vector.shape_cast %add3A_642 : vector<16xi32> to vector<16xi32>
        tpu.vector_store %arg11[%swap3A_643], %swap3A_646 {strides = array<i32>} : memref<64xi32, #tpu.memory_space<vmem>>, vector<16xi32>,
        %dma_start3A_647 = arith.constant 0 : i32
        %dma_start3A_648 = arith.constant 0 : i32
        %dma_start3A_649 = tpu.memref_slice %arg2[%dma_start3A_647, %dma_start3A_648] : memref<20480x128xf32, #tpu.memory_space<hbm>> -> memref<20480x128xf32, #tpu.memory_space<hbm>>
        tpu.enqueue_indirect_dma source(%dma_start3A_649 : memref<20480x128xf32, #tpu.memory_space<hbm>>) target(%arg19 : memref<64x128xf32, #tpu.memory_space<vmem>>) offsets(%arg11 : memref<64xi32, #tpu.memory_space<vmem>>) semaphore(%arg24 : memref<!tpu.dma_semaphore, #tpu.memory_space<semaphore_mem>>)
      } else {
      }
      %mul3A_394 = arith.constant 4 : i32
      %mul3A_395 = arith.muli %mul3A_394, %scan3A_327 : i32
      %add3A_396 = arith.constant 1 : i32
      %add3A_397 = arith.addi %mul3A_395, %add3A_396 : i32
      %mul3A_398 = arith.constant 2 : i32
      %mul3A_399 = arith.muli %mul3A_398, %scan3A_327 : i32
      %add3A_400 = arith.constant 0 : i32
      %add3A_401 = arith.addi %mul3A_399, %add3A_400 : i32
      %dma_wait3A_402 = arith.constant 0 : i32
      %dma_wait3A_403 = arith.constant 0 : i32
      %dma_wait3A_404 = tpu.memref_slice %arg2[%dma_wait3A_402, %dma_wait3A_403] : memref<20480x128xf32, #tpu.memory_space<hbm>> -> memref<20480x128xf32, #tpu.memory_space<hbm>>
      tpu.wait_indirect_dma semaphore(%arg22 : memref<!tpu.dma_semaphore, #tpu.memory_space<semaphore_mem>>) src(%dma_wait3A_404 : memref<20480x128xf32, #tpu.memory_space<hbm>>) dst(%arg17 : memref<64x128xf32, #tpu.memory_space<vmem>>)
      %get3A_405 = arith.index_cast %add3A_401 : i32 to index
      %get3A_406 = arith.constant 64 : index
      %get3A_407 = tpu.vector_load %arg7[%get3A_405, %get3A_406] {strides = array<i32>} : memref<40x128xi32, #tpu.memory_space<vmem>>, vector<1x16xi32>,
      %get3A_408 = vector.shape_cast %get3A_407 : vector<1x16xi32> to vector<16xi32>
      %add3A_409 = arith.constant 0 : i32
      %add3A_410 = vector.broadcast %add3A_409 : i32 to vector<16xi32>
      %add3A_411 = arith.addi %get3A_408, %add3A_410 : vector<16xi32>
      %swap3A_412 = arith.constant 0 : index
      %swap3A_413 = tpu.vector_load %arg13[%swap3A_412] {strides = array<i32>} : memref<64xi32, #tpu.memory_space<vmem>>, vector<16xi32>,
      %swap3A_414 = vector.shape_cast %swap3A_413 : vector<16xi32> to vector<16xi32>
      %swap3A_415 = vector.shape_cast %add3A_411 : vector<16xi32> to vector<16xi32>
      tpu.vector_store %arg13[%swap3A_412], %swap3A_415 {strides = array<i32>} : memref<64xi32, #tpu.memory_space<vmem>>, vector<16xi32>,
      %get3A_416 = arith.index_cast %add3A_401 : i32 to index
      %get3A_417 = arith.constant 80 : index
      %get3A_418 = tpu.vector_load %arg7[%get3A_416, %get3A_417] {strides = array<i32>} : memref<40x128xi32, #tpu.memory_space<vmem>>, vector<1x16xi32>,
      %get3A_419 = vector.shape_cast %get3A_418 : vector<1x16xi32> to vector<16xi32>
      %add3A_420 = arith.constant 0 : i32
      %add3A_421 = vector.broadcast %add3A_420 : i32 to vector<16xi32>
      %add3A_422 = arith.addi %get3A_419, %add3A_421 : vector<16xi32>
      %swap3A_423 = arith.constant 16 : index
      %swap3A_424 = tpu.vector_load %arg13[%swap3A_423] {strides = array<i32>} : memref<64xi32, #tpu.memory_space<vmem>>, vector<16xi32>,
      %swap3A_425 = vector.shape_cast %swap3A_424 : vector<16xi32> to vector<16xi32>
      %swap3A_426 = vector.shape_cast %add3A_422 : vector<16xi32> to vector<16xi32>
      tpu.vector_store %arg13[%swap3A_423], %swap3A_426 {strides = array<i32>} : memref<64xi32, #tpu.memory_space<vmem>>, vector<16xi32>,
      %get3A_427 = arith.index_cast %add3A_401 : i32 to index
      %get3A_428 = arith.constant 96 : index
      %get3A_429 = tpu.vector_load %arg7[%get3A_427, %get3A_428] {strides = array<i32>} : memref<40x128xi32, #tpu.memory_space<vmem>>, vector<1x16xi32>,
      %get3A_430 = vector.shape_cast %get3A_429 : vector<1x16xi32> to vector<16xi32>
      %add3A_431 = arith.constant 0 : i32
      %add3A_432 = vector.broadcast %add3A_431 : i32 to vector<16xi32>
      %add3A_433 = arith.addi %get3A_430, %add3A_432 : vector<16xi32>
      %swap3A_434 = arith.constant 32 : index
      %swap3A_435 = tpu.vector_load %arg13[%swap3A_434] {strides = array<i32>} : memref<64xi32, #tpu.memory_space<vmem>>, vector<16xi32>,
      %swap3A_436 = vector.shape_cast %swap3A_435 : vector<16xi32> to vector<16xi32>
      %swap3A_437 = vector.shape_cast %add3A_433 : vector<16xi32> to vector<16xi32>
      tpu.vector_store %arg13[%swap3A_434], %swap3A_437 {strides = array<i32>} : memref<64xi32, #tpu.memory_space<vmem>>, vector<16xi32>,
      %get3A_438 = arith.index_cast %add3A_401 : i32 to index
      %get3A_439 = arith.constant 112 : index
      %get3A_440 = tpu.vector_load %arg7[%get3A_438, %get3A_439] {strides = array<i32>} : memref<40x128xi32, #tpu.memory_space<vmem>>, vector<1x16xi32>,
      %get3A_441 = vector.shape_cast %get3A_440 : vector<1x16xi32> to vector<16xi32>
      %add3A_442 = arith.constant 0 : i32
      %add3A_443 = vector.broadcast %add3A_442 : i32 to vector<16xi32>
      %add3A_444 = arith.addi %get3A_441, %add3A_443 : vector<16xi32>
      %swap3A_445 = arith.constant 48 : index
      %swap3A_446 = tpu.vector_load %arg13[%swap3A_445] {strides = array<i32>} : memref<64xi32, #tpu.memory_space<vmem>>, vector<16xi32>,
      %swap3A_447 = vector.shape_cast %swap3A_446 : vector<16xi32> to vector<16xi32>
      %swap3A_448 = vector.shape_cast %add3A_444 : vector<16xi32> to vector<16xi32>
      tpu.vector_store %arg13[%swap3A_445], %swap3A_448 {strides = array<i32>} : memref<64xi32, #tpu.memory_space<vmem>>, vector<16xi32>,
      %dma_start3A_449 = arith.constant 0 : i32
      %dma_start3A_450 = arith.constant 0 : i32
      %dma_start3A_451 = tpu.memref_slice %arg20[%dma_start3A_449, %dma_start3A_450] : memref<10240x128xf32, #tpu.memory_space<vmem_shared>> -> memref<10240x128xf32, #tpu.memory_space<vmem_shared>>
      tpu.enqueue_indirect_dma source(%arg17 : memref<64x128xf32, #tpu.memory_space<vmem>>) target(%dma_start3A_451 : memref<10240x128xf32, #tpu.memory_space<vmem_shared>>) offsets(%arg13 : memref<64xi32, #tpu.memory_space<vmem>>) semaphore(%arg26 : memref<!tpu.dma_semaphore, #tpu.memory_space<semaphore_mem>>) {add = true}
      %mul3A_452 = arith.constant 2 : i32
      %mul3A_453 = arith.muli %mul3A_452, %scan3A_327 : i32
      %add3A_454 = arith.constant 2 : i32
      %add3A_455 = arith.addi %mul3A_453, %add3A_454 : i32
      %add3A_456 = arith.constant 3 : i32
      %add3A_457 = arith.addi %add3A_397, %add3A_456 : i32
      %lt3A_458 = arith.constant 80 : i32
      %lt3A_459 = arith.cmpi slt, %add3A_457, %lt3A_458 : i32
      %convert_element_type3A_460 = arith.extui %lt3A_459 : i1 to i32
      %cond3A_461 = arith.constant 0 : i32
      %cond3A_462 = arith.cmpi ne, %convert_element_type3A_460, %cond3A_461 : i32
      scf.if %cond3A_462 {
        %add3A_601 = arith.constant 3 : i32
        %add3A_602 = arith.addi %add3A_397, %add3A_601 : i32
        %ge3A = arith.constant 4 : i32
        %ge3A_603 = arith.cmpi sge, %add3A_602, %ge3A : i32
        %convert_element_type3A_604 = arith.extui %ge3A_603 : i1 to i32
        %cond3A_605 = arith.constant 0 : i32
        %cond3A_606 = arith.cmpi ne, %convert_element_type3A_604, %cond3A_605 : i32
        scf.if %cond3A_606 {
          %dma_wait3A_650 = arith.constant 0 : i32
          %dma_wait3A_651 = arith.constant 0 : i32
          %dma_wait3A_652 = tpu.memref_slice %arg20[%dma_wait3A_650, %dma_wait3A_651] : memref<10240x128xf32, #tpu.memory_space<vmem_shared>> -> memref<10240x128xf32, #tpu.memory_space<vmem_shared>>
          tpu.wait_indirect_dma semaphore(%arg25 : memref<!tpu.dma_semaphore, #tpu.memory_space<semaphore_mem>>) src(%arg16 : memref<64x128xf32, #tpu.memory_space<vmem>>) dst(%dma_wait3A_652 : memref<10240x128xf32, #tpu.memory_space<vmem_shared>>)
        } else {
        }
        %get3A_607 = arith.index_cast %add3A_455 : i32 to index
        %get3A_608 = arith.constant 0 : index
        %get3A_609 = tpu.vector_load %arg6[%get3A_607, %get3A_608] {strides = array<i32>} : memref<40x128xi32, #tpu.memory_space<vmem>>, vector<1x16xi32>,
        %get3A_610 = vector.shape_cast %get3A_609 : vector<1x16xi32> to vector<16xi32>
        %add3A_611 = vector.broadcast %mul3A_3 : i32 to vector<16xi32>
        %add3A_612 = arith.addi %get3A_610, %add3A_611 : vector<16xi32>
        %swap3A_613 = arith.constant 0 : index
        %swap3A_614 = tpu.vector_load %arg8[%swap3A_613] {strides = array<i32>} : memref<64xi32, #tpu.memory_space<vmem>>, vector<16xi32>,
        %swap3A_615 = vector.shape_cast %swap3A_614 : vector<16xi32> to vector<16xi32>
        %swap3A_616 = vector.shape_cast %add3A_612 : vector<16xi32> to vector<16xi32>
        tpu.vector_store %arg8[%swap3A_613], %swap3A_616 {strides = array<i32>} : memref<64xi32, #tpu.memory_space<vmem>>, vector<16xi32>,
        %get3A_617 = arith.index_cast %add3A_455 : i32 to index
        %get3A_618 = arith.constant 16 : index
        %get3A_619 = tpu.vector_load %arg6[%get3A_617, %get3A_618] {strides = array<i32>} : memref<40x128xi32, #tpu.memory_space<vmem>>, vector<1x16xi32>,
        %get3A_620 = vector.shape_cast %get3A_619 : vector<1x16xi32> to vector<16xi32>
        %add3A_621 = vector.broadcast %mul3A_3 : i32 to vector<16xi32>
        %add3A_622 = arith.addi %get3A_620, %add3A_621 : vector<16xi32>
        %swap3A_623 = arith.constant 16 : index
        %swap3A_624 = tpu.vector_load %arg8[%swap3A_623] {strides = array<i32>} : memref<64xi32, #tpu.memory_space<vmem>>, vector<16xi32>,
        %swap3A_625 = vector.shape_cast %swap3A_624 : vector<16xi32> to vector<16xi32>
        %swap3A_626 = vector.shape_cast %add3A_622 : vector<16xi32> to vector<16xi32>
        tpu.vector_store %arg8[%swap3A_623], %swap3A_626 {strides = array<i32>} : memref<64xi32, #tpu.memory_space<vmem>>, vector<16xi32>,
        %get3A_627 = arith.index_cast %add3A_455 : i32 to index
        %get3A_628 = arith.constant 32 : index
        %get3A_629 = tpu.vector_load %arg6[%get3A_627, %get3A_628] {strides = array<i32>} : memref<40x128xi32, #tpu.memory_space<vmem>>, vector<1x16xi32>,
        %get3A_630 = vector.shape_cast %get3A_629 : vector<1x16xi32> to vector<16xi32>
        %add3A_631 = vector.broadcast %mul3A_3 : i32 to vector<16xi32>
        %add3A_632 = arith.addi %get3A_630, %add3A_631 : vector<16xi32>
        %swap3A_633 = arith.constant 32 : index
        %swap3A_634 = tpu.vector_load %arg8[%swap3A_633] {strides = array<i32>} : memref<64xi32, #tpu.memory_space<vmem>>, vector<16xi32>,
        %swap3A_635 = vector.shape_cast %swap3A_634 : vector<16xi32> to vector<16xi32>
        %swap3A_636 = vector.shape_cast %add3A_632 : vector<16xi32> to vector<16xi32>
        tpu.vector_store %arg8[%swap3A_633], %swap3A_636 {strides = array<i32>} : memref<64xi32, #tpu.memory_space<vmem>>, vector<16xi32>,
        %get3A_637 = arith.index_cast %add3A_455 : i32 to index
        %get3A_638 = arith.constant 48 : index
        %get3A_639 = tpu.vector_load %arg6[%get3A_637, %get3A_638] {strides = array<i32>} : memref<40x128xi32, #tpu.memory_space<vmem>>, vector<1x16xi32>,
        %get3A_640 = vector.shape_cast %get3A_639 : vector<1x16xi32> to vector<16xi32>
        %add3A_641 = vector.broadcast %mul3A_3 : i32 to vector<16xi32>
        %add3A_642 = arith.addi %get3A_640, %add3A_641 : vector<16xi32>
        %swap3A_643 = arith.constant 48 : index
        %swap3A_644 = tpu.vector_load %arg8[%swap3A_643] {strides = array<i32>} : memref<64xi32, #tpu.memory_space<vmem>>, vector<16xi32>,
        %swap3A_645 = vector.shape_cast %swap3A_644 : vector<16xi32> to vector<16xi32>
        %swap3A_646 = vector.shape_cast %add3A_642 : vector<16xi32> to vector<16xi32>
        tpu.vector_store %arg8[%swap3A_643], %swap3A_646 {strides = array<i32>} : memref<64xi32, #tpu.memory_space<vmem>>, vector<16xi32>,
        %dma_start3A_647 = arith.constant 0 : i32
        %dma_start3A_648 = arith.constant 0 : i32
        %dma_start3A_649 = tpu.memref_slice %arg2[%dma_start3A_647, %dma_start3A_648] : memref<20480x128xf32, #tpu.memory_space<hbm>> -> memref<20480x128xf32, #tpu.memory_space<hbm>>
        tpu.enqueue_indirect_dma source(%dma_start3A_649 : memref<20480x128xf32, #tpu.memory_space<hbm>>) target(%arg16 : memref<64x128xf32, #tpu.memory_space<vmem>>) offsets(%arg8 : memref<64xi32, #tpu.memory_space<vmem>>) semaphore(%arg21 : memref<!tpu.dma_semaphore, #tpu.memory_space<semaphore_mem>>)
      } else {
      }
      %mul3A_463 = arith.constant 4 : i32
      %mul3A_464 = arith.muli %mul3A_463, %scan3A_327 : i32
      %add3A_465 = arith.constant 2 : i32
      %add3A_466 = arith.addi %mul3A_464, %add3A_465 : i32
      %mul3A_467 = arith.constant 2 : i32
      %mul3A_468 = arith.muli %mul3A_467, %scan3A_327 : i32
      %add3A_469 = arith.constant 1 : i32
      %add3A_470 = arith.addi %mul3A_468, %add3A_469 : i32
      %dma_wait3A_471 = arith.constant 0 : i32
      %dma_wait3A_472 = arith.constant 0 : i32
      %dma_wait3A_473 = tpu.memref_slice %arg2[%dma_wait3A_471, %dma_wait3A_472] : memref<20480x128xf32, #tpu.memory_space<hbm>> -> memref<20480x128xf32, #tpu.memory_space<hbm>>
      tpu.wait_indirect_dma semaphore(%arg23 : memref<!tpu.dma_semaphore, #tpu.memory_space<semaphore_mem>>) src(%dma_wait3A_473 : memref<20480x128xf32, #tpu.memory_space<hbm>>) dst(%arg18 : memref<64x128xf32, #tpu.memory_space<vmem>>)
      %get3A_474 = arith.index_cast %add3A_470 : i32 to index
      %get3A_475 = arith.constant 0 : index
      %get3A_476 = tpu.vector_load %arg7[%get3A_474, %get3A_475] {strides = array<i32>} : memref<40x128xi32, #tpu.memory_space<vmem>>, vector<1x16xi32>,
      %get3A_477 = vector.shape_cast %get3A_476 : vector<1x16xi32> to vector<16xi32>
      %add3A_478 = arith.constant 0 : i32
      %add3A_479 = vector.broadcast %add3A_478 : i32 to vector<16xi32>
      %add3A_480 = arith.addi %get3A_477, %add3A_479 : vector<16xi32>
      %swap3A_481 = arith.constant 0 : index
      %swap3A_482 = tpu.vector_load %arg14[%swap3A_481] {strides = array<i32>} : memref<64xi32, #tpu.memory_space<vmem>>, vector<16xi32>,
      %swap3A_483 = vector.shape_cast %swap3A_482 : vector<16xi32> to vector<16xi32>
      %swap3A_484 = vector.shape_cast %add3A_480 : vector<16xi32> to vector<16xi32>
      tpu.vector_store %arg14[%swap3A_481], %swap3A_484 {strides = array<i32>} : memref<64xi32, #tpu.memory_space<vmem>>, vector<16xi32>,
      %get3A_485 = arith.index_cast %add3A_470 : i32 to index
      %get3A_486 = arith.constant 16 : index
      %get3A_487 = tpu.vector_load %arg7[%get3A_485, %get3A_486] {strides = array<i32>} : memref<40x128xi32, #tpu.memory_space<vmem>>, vector<1x16xi32>,
      %get3A_488 = vector.shape_cast %get3A_487 : vector<1x16xi32> to vector<16xi32>
      %add3A_489 = arith.constant 0 : i32
      %add3A_490 = vector.broadcast %add3A_489 : i32 to vector<16xi32>
      %add3A_491 = arith.addi %get3A_488, %add3A_490 : vector<16xi32>
      %swap3A_492 = arith.constant 16 : index
      %swap3A_493 = tpu.vector_load %arg14[%swap3A_492] {strides = array<i32>} : memref<64xi32, #tpu.memory_space<vmem>>, vector<16xi32>,
      %swap3A_494 = vector.shape_cast %swap3A_493 : vector<16xi32> to vector<16xi32>
      %swap3A_495 = vector.shape_cast %add3A_491 : vector<16xi32> to vector<16xi32>
      tpu.vector_store %arg14[%swap3A_492], %swap3A_495 {strides = array<i32>} : memref<64xi32, #tpu.memory_space<vmem>>, vector<16xi32>,
      %get3A_496 = arith.index_cast %add3A_470 : i32 to index
      %get3A_497 = arith.constant 32 : index
      %get3A_498 = tpu.vector_load %arg7[%get3A_496, %get3A_497] {strides = array<i32>} : memref<40x128xi32, #tpu.memory_space<vmem>>, vector<1x16xi32>,
      %get3A_499 = vector.shape_cast %get3A_498 : vector<1x16xi32> to vector<16xi32>
      %add3A_500 = arith.constant 0 : i32
      %add3A_501 = vector.broadcast %add3A_500 : i32 to vector<16xi32>
      %add3A_502 = arith.addi %get3A_499, %add3A_501 : vector<16xi32>
      %swap3A_503 = arith.constant 32 : index
      %swap3A_504 = tpu.vector_load %arg14[%swap3A_503] {strides = array<i32>} : memref<64xi32, #tpu.memory_space<vmem>>, vector<16xi32>,
      %swap3A_505 = vector.shape_cast %swap3A_504 : vector<16xi32> to vector<16xi32>
      %swap3A_506 = vector.shape_cast %add3A_502 : vector<16xi32> to vector<16xi32>
      tpu.vector_store %arg14[%swap3A_503], %swap3A_506 {strides = array<i32>} : memref<64xi32, #tpu.memory_space<vmem>>, vector<16xi32>,
      %get3A_507 = arith.index_cast %add3A_470 : i32 to index
      %get3A_508 = arith.constant 48 : index
      %get3A_509 = tpu.vector_load %arg7[%get3A_507, %get3A_508] {strides = array<i32>} : memref<40x128xi32, #tpu.memory_space<vmem>>, vector<1x16xi32>,
      %get3A_510 = vector.shape_cast %get3A_509 : vector<1x16xi32> to vector<16xi32>
      %add3A_511 = arith.constant 0 : i32
      %add3A_512 = vector.broadcast %add3A_511 : i32 to vector<16xi32>
      %add3A_513 = arith.addi %get3A_510, %add3A_512 : vector<16xi32>
      %swap3A_514 = arith.constant 48 : index
      %swap3A_515 = tpu.vector_load %arg14[%swap3A_514] {strides = array<i32>} : memref<64xi32, #tpu.memory_space<vmem>>, vector<16xi32>,
      %swap3A_516 = vector.shape_cast %swap3A_515 : vector<16xi32> to vector<16xi32>
      %swap3A_517 = vector.shape_cast %add3A_513 : vector<16xi32> to vector<16xi32>
      tpu.vector_store %arg14[%swap3A_514], %swap3A_517 {strides = array<i32>} : memref<64xi32, #tpu.memory_space<vmem>>, vector<16xi32>,
      %dma_start3A_518 = arith.constant 0 : i32
      %dma_start3A_519 = arith.constant 0 : i32
      %dma_start3A_520 = tpu.memref_slice %arg20[%dma_start3A_518, %dma_start3A_519] : memref<10240x128xf32, #tpu.memory_space<vmem_shared>> -> memref<10240x128xf32, #tpu.memory_space<vmem_shared>>
      tpu.enqueue_indirect_dma source(%arg18 : memref<64x128xf32, #tpu.memory_space<vmem>>) target(%dma_start3A_520 : memref<10240x128xf32, #tpu.memory_space<vmem_shared>>) offsets(%arg14 : memref<64xi32, #tpu.memory_space<vmem>>) semaphore(%arg27 : memref<!tpu.dma_semaphore, #tpu.memory_space<semaphore_mem>>) {add = true}
      %mul3A_521 = arith.constant 2 : i32
      %mul3A_522 = arith.muli %mul3A_521, %scan3A_327 : i32
      %add3A_523 = arith.constant 2 : i32
      %add3A_524 = arith.addi %mul3A_522, %add3A_523 : i32
      %add3A_525 = arith.constant 3 : i32
      %add3A_526 = arith.addi %add3A_466, %add3A_525 : i32
      %lt3A_527 = arith.constant 80 : i32
      %lt3A_528 = arith.cmpi slt, %add3A_526, %lt3A_527 : i32
      %convert_element_type3A_529 = arith.extui %lt3A_528 : i1 to i32
      %cond3A_530 = arith.constant 0 : i32
      %cond3A_531 = arith.cmpi ne, %convert_element_type3A_529, %cond3A_530 : i32
      scf.if %cond3A_531 {
        %add3A_601 = arith.constant 3 : i32
        %add3A_602 = arith.addi %add3A_466, %add3A_601 : i32
        %ge3A = arith.constant 4 : i32
        %ge3A_603 = arith.cmpi sge, %add3A_602, %ge3A : i32
        %convert_element_type3A_604 = arith.extui %ge3A_603 : i1 to i32
        %cond3A_605 = arith.constant 0 : i32
        %cond3A_606 = arith.cmpi ne, %convert_element_type3A_604, %cond3A_605 : i32
        scf.if %cond3A_606 {
          %dma_wait3A_650 = arith.constant 0 : i32
          %dma_wait3A_651 = arith.constant 0 : i32
          %dma_wait3A_652 = tpu.memref_slice %arg20[%dma_wait3A_650, %dma_wait3A_651] : memref<10240x128xf32, #tpu.memory_space<vmem_shared>> -> memref<10240x128xf32, #tpu.memory_space<vmem_shared>>
          tpu.wait_indirect_dma semaphore(%arg26 : memref<!tpu.dma_semaphore, #tpu.memory_space<semaphore_mem>>) src(%arg17 : memref<64x128xf32, #tpu.memory_space<vmem>>) dst(%dma_wait3A_652 : memref<10240x128xf32, #tpu.memory_space<vmem_shared>>)
        } else {
        }
        %get3A_607 = arith.index_cast %add3A_524 : i32 to index
        %get3A_608 = arith.constant 64 : index
        %get3A_609 = tpu.vector_load %arg6[%get3A_607, %get3A_608] {strides = array<i32>} : memref<40x128xi32, #tpu.memory_space<vmem>>, vector<1x16xi32>,
        %get3A_610 = vector.shape_cast %get3A_609 : vector<1x16xi32> to vector<16xi32>
        %add3A_611 = vector.broadcast %mul3A_3 : i32 to vector<16xi32>
        %add3A_612 = arith.addi %get3A_610, %add3A_611 : vector<16xi32>
        %swap3A_613 = arith.constant 0 : index
        %swap3A_614 = tpu.vector_load %arg9[%swap3A_613] {strides = array<i32>} : memref<64xi32, #tpu.memory_space<vmem>>, vector<16xi32>,
        %swap3A_615 = vector.shape_cast %swap3A_614 : vector<16xi32> to vector<16xi32>
        %swap3A_616 = vector.shape_cast %add3A_612 : vector<16xi32> to vector<16xi32>
        tpu.vector_store %arg9[%swap3A_613], %swap3A_616 {strides = array<i32>} : memref<64xi32, #tpu.memory_space<vmem>>, vector<16xi32>,
        %get3A_617 = arith.index_cast %add3A_524 : i32 to index
        %get3A_618 = arith.constant 80 : index
        %get3A_619 = tpu.vector_load %arg6[%get3A_617, %get3A_618] {strides = array<i32>} : memref<40x128xi32, #tpu.memory_space<vmem>>, vector<1x16xi32>,
        %get3A_620 = vector.shape_cast %get3A_619 : vector<1x16xi32> to vector<16xi32>
        %add3A_621 = vector.broadcast %mul3A_3 : i32 to vector<16xi32>
        %add3A_622 = arith.addi %get3A_620, %add3A_621 : vector<16xi32>
        %swap3A_623 = arith.constant 16 : index
        %swap3A_624 = tpu.vector_load %arg9[%swap3A_623] {strides = array<i32>} : memref<64xi32, #tpu.memory_space<vmem>>, vector<16xi32>,
        %swap3A_625 = vector.shape_cast %swap3A_624 : vector<16xi32> to vector<16xi32>
        %swap3A_626 = vector.shape_cast %add3A_622 : vector<16xi32> to vector<16xi32>
        tpu.vector_store %arg9[%swap3A_623], %swap3A_626 {strides = array<i32>} : memref<64xi32, #tpu.memory_space<vmem>>, vector<16xi32>,
        %get3A_627 = arith.index_cast %add3A_524 : i32 to index
        %get3A_628 = arith.constant 96 : index
        %get3A_629 = tpu.vector_load %arg6[%get3A_627, %get3A_628] {strides = array<i32>} : memref<40x128xi32, #tpu.memory_space<vmem>>, vector<1x16xi32>,
        %get3A_630 = vector.shape_cast %get3A_629 : vector<1x16xi32> to vector<16xi32>
        %add3A_631 = vector.broadcast %mul3A_3 : i32 to vector<16xi32>
        %add3A_632 = arith.addi %get3A_630, %add3A_631 : vector<16xi32>
        %swap3A_633 = arith.constant 32 : index
        %swap3A_634 = tpu.vector_load %arg9[%swap3A_633] {strides = array<i32>} : memref<64xi32, #tpu.memory_space<vmem>>, vector<16xi32>,
        %swap3A_635 = vector.shape_cast %swap3A_634 : vector<16xi32> to vector<16xi32>
        %swap3A_636 = vector.shape_cast %add3A_632 : vector<16xi32> to vector<16xi32>
        tpu.vector_store %arg9[%swap3A_633], %swap3A_636 {strides = array<i32>} : memref<64xi32, #tpu.memory_space<vmem>>, vector<16xi32>,
        %get3A_637 = arith.index_cast %add3A_524 : i32 to index
        %get3A_638 = arith.constant 112 : index
        %get3A_639 = tpu.vector_load %arg6[%get3A_637, %get3A_638] {strides = array<i32>} : memref<40x128xi32, #tpu.memory_space<vmem>>, vector<1x16xi32>,
        %get3A_640 = vector.shape_cast %get3A_639 : vector<1x16xi32> to vector<16xi32>
        %add3A_641 = vector.broadcast %mul3A_3 : i32 to vector<16xi32>
        %add3A_642 = arith.addi %get3A_640, %add3A_641 : vector<16xi32>
        %swap3A_643 = arith.constant 48 : index
        %swap3A_644 = tpu.vector_load %arg9[%swap3A_643] {strides = array<i32>} : memref<64xi32, #tpu.memory_space<vmem>>, vector<16xi32>,
        %swap3A_645 = vector.shape_cast %swap3A_644 : vector<16xi32> to vector<16xi32>
        %swap3A_646 = vector.shape_cast %add3A_642 : vector<16xi32> to vector<16xi32>
        tpu.vector_store %arg9[%swap3A_643], %swap3A_646 {strides = array<i32>} : memref<64xi32, #tpu.memory_space<vmem>>, vector<16xi32>,
        %dma_start3A_647 = arith.constant 0 : i32
        %dma_start3A_648 = arith.constant 0 : i32
        %dma_start3A_649 = tpu.memref_slice %arg2[%dma_start3A_647, %dma_start3A_648] : memref<20480x128xf32, #tpu.memory_space<hbm>> -> memref<20480x128xf32, #tpu.memory_space<hbm>>
        tpu.enqueue_indirect_dma source(%dma_start3A_649 : memref<20480x128xf32, #tpu.memory_space<hbm>>) target(%arg17 : memref<64x128xf32, #tpu.memory_space<vmem>>) offsets(%arg9 : memref<64xi32, #tpu.memory_space<vmem>>) semaphore(%arg22 : memref<!tpu.dma_semaphore, #tpu.memory_space<semaphore_mem>>)
      } else {
      }
      %mul3A_532 = arith.constant 4 : i32
      %mul3A_533 = arith.muli %mul3A_532, %scan3A_327 : i32
      %add3A_534 = arith.constant 3 : i32
      %add3A_535 = arith.addi %mul3A_533, %add3A_534 : i32
      %mul3A_536 = arith.constant 2 : i32
      %mul3A_537 = arith.muli %mul3A_536, %scan3A_327 : i32
      %add3A_538 = arith.constant 1 : i32
      %add3A_539 = arith.addi %mul3A_537, %add3A_538 : i32
      %dma_wait3A_540 = arith.constant 0 : i32
      %dma_wait3A_541 = arith.constant 0 : i32
      %dma_wait3A_542 = tpu.memref_slice %arg2[%dma_wait3A_540, %dma_wait3A_541] : memref<20480x128xf32, #tpu.memory_space<hbm>> -> memref<20480x128xf32, #tpu.memory_space<hbm>>
      tpu.wait_indirect_dma semaphore(%arg24 : memref<!tpu.dma_semaphore, #tpu.memory_space<semaphore_mem>>) src(%dma_wait3A_542 : memref<20480x128xf32, #tpu.memory_space<hbm>>) dst(%arg19 : memref<64x128xf32, #tpu.memory_space<vmem>>)
      %get3A_543 = arith.index_cast %add3A_539 : i32 to index
      %get3A_544 = arith.constant 64 : index
      %get3A_545 = tpu.vector_load %arg7[%get3A_543, %get3A_544] {strides = array<i32>} : memref<40x128xi32, #tpu.memory_space<vmem>>, vector<1x16xi32>,
      %get3A_546 = vector.shape_cast %get3A_545 : vector<1x16xi32> to vector<16xi32>
      %add3A_547 = arith.constant 0 : i32
      %add3A_548 = vector.broadcast %add3A_547 : i32 to vector<16xi32>
      %add3A_549 = arith.addi %get3A_546, %add3A_548 : vector<16xi32>
      %swap3A_550 = arith.constant 0 : index
      %swap3A_551 = tpu.vector_load %arg15[%swap3A_550] {strides = array<i32>} : memref<64xi32, #tpu.memory_space<vmem>>, vector<16xi32>,
      %swap3A_552 = vector.shape_cast %swap3A_551 : vector<16xi32> to vector<16xi32>
      %swap3A_553 = vector.shape_cast %add3A_549 : vector<16xi32> to vector<16xi32>
      tpu.vector_store %arg15[%swap3A_550], %swap3A_553 {strides = array<i32>} : memref<64xi32, #tpu.memory_space<vmem>>, vector<16xi32>,
      %get3A_554 = arith.index_cast %add3A_539 : i32 to index
      %get3A_555 = arith.constant 80 : index
      %get3A_556 = tpu.vector_load %arg7[%get3A_554, %get3A_555] {strides = array<i32>} : memref<40x128xi32, #tpu.memory_space<vmem>>, vector<1x16xi32>,
      %get3A_557 = vector.shape_cast %get3A_556 : vector<1x16xi32> to vector<16xi32>
      %add3A_558 = arith.constant 0 : i32
      %add3A_559 = vector.broadcast %add3A_558 : i32 to vector<16xi32>
      %add3A_560 = arith.addi %get3A_557, %add3A_559 : vector<16xi32>
      %swap3A_561 = arith.constant 16 : index
      %swap3A_562 = tpu.vector_load %arg15[%swap3A_561] {strides = array<i32>} : memref<64xi32, #tpu.memory_space<vmem>>, vector<16xi32>,
      %swap3A_563 = vector.shape_cast %swap3A_562 : vector<16xi32> to vector<16xi32>
      %swap3A_564 = vector.shape_cast %add3A_560 : vector<16xi32> to vector<16xi32>
      tpu.vector_store %arg15[%swap3A_561], %swap3A_564 {strides = array<i32>} : memref<64xi32, #tpu.memory_space<vmem>>, vector<16xi32>,
      %get3A_565 = arith.index_cast %add3A_539 : i32 to index
      %get3A_566 = arith.constant 96 : index
      %get3A_567 = tpu.vector_load %arg7[%get3A_565, %get3A_566] {strides = array<i32>} : memref<40x128xi32, #tpu.memory_space<vmem>>, vector<1x16xi32>,
      %get3A_568 = vector.shape_cast %get3A_567 : vector<1x16xi32> to vector<16xi32>
      %add3A_569 = arith.constant 0 : i32
      %add3A_570 = vector.broadcast %add3A_569 : i32 to vector<16xi32>
      %add3A_571 = arith.addi %get3A_568, %add3A_570 : vector<16xi32>
      %swap3A_572 = arith.constant 32 : index
      %swap3A_573 = tpu.vector_load %arg15[%swap3A_572] {strides = array<i32>} : memref<64xi32, #tpu.memory_space<vmem>>, vector<16xi32>,
      %swap3A_574 = vector.shape_cast %swap3A_573 : vector<16xi32> to vector<16xi32>
      %swap3A_575 = vector.shape_cast %add3A_571 : vector<16xi32> to vector<16xi32>
      tpu.vector_store %arg15[%swap3A_572], %swap3A_575 {strides = array<i32>} : memref<64xi32, #tpu.memory_space<vmem>>, vector<16xi32>,
      %get3A_576 = arith.index_cast %add3A_539 : i32 to index
      %get3A_577 = arith.constant 112 : index
      %get3A_578 = tpu.vector_load %arg7[%get3A_576, %get3A_577] {strides = array<i32>} : memref<40x128xi32, #tpu.memory_space<vmem>>, vector<1x16xi32>,
      %get3A_579 = vector.shape_cast %get3A_578 : vector<1x16xi32> to vector<16xi32>
      %add3A_580 = arith.constant 0 : i32
      %add3A_581 = vector.broadcast %add3A_580 : i32 to vector<16xi32>
      %add3A_582 = arith.addi %get3A_579, %add3A_581 : vector<16xi32>
      %swap3A_583 = arith.constant 48 : index
      %swap3A_584 = tpu.vector_load %arg15[%swap3A_583] {strides = array<i32>} : memref<64xi32, #tpu.memory_space<vmem>>, vector<16xi32>,
      %swap3A_585 = vector.shape_cast %swap3A_584 : vector<16xi32> to vector<16xi32>
      %swap3A_586 = vector.shape_cast %add3A_582 : vector<16xi32> to vector<16xi32>
      tpu.vector_store %arg15[%swap3A_583], %swap3A_586 {strides = array<i32>} : memref<64xi32, #tpu.memory_space<vmem>>, vector<16xi32>,
      %dma_start3A_587 = arith.constant 0 : i32
      %dma_start3A_588 = arith.constant 0 : i32
      %dma_start3A_589 = tpu.memref_slice %arg20[%dma_start3A_587, %dma_start3A_588] : memref<10240x128xf32, #tpu.memory_space<vmem_shared>> -> memref<10240x128xf32, #tpu.memory_space<vmem_shared>>
      tpu.enqueue_indirect_dma source(%arg19 : memref<64x128xf32, #tpu.memory_space<vmem>>) target(%dma_start3A_589 : memref<10240x128xf32, #tpu.memory_space<vmem_shared>>) offsets(%arg15 : memref<64xi32, #tpu.memory_space<vmem>>) semaphore(%arg28 : memref<!tpu.dma_semaphore, #tpu.memory_space<semaphore_mem>>) {add = true}
      %mul3A_590 = arith.constant 2 : i32
      %mul3A_591 = arith.muli %mul3A_590, %scan3A_327 : i32
      %add3A_592 = arith.constant 3 : i32
      %add3A_593 = arith.addi %mul3A_591, %add3A_592 : i32
      %add3A_594 = arith.constant 3 : i32
      %add3A_595 = arith.addi %add3A_535, %add3A_594 : i32
      %lt3A_596 = arith.constant 80 : i32
      %lt3A_597 = arith.cmpi slt, %add3A_595, %lt3A_596 : i32
      %convert_element_type3A_598 = arith.extui %lt3A_597 : i1 to i32
      %cond3A_599 = arith.constant 0 : i32
      %cond3A_600 = arith.cmpi ne, %convert_element_type3A_598, %cond3A_599 : i32
      scf.if %cond3A_600 {
        %add3A_601 = arith.constant 3 : i32
        %add3A_602 = arith.addi %add3A_535, %add3A_601 : i32
        %ge3A = arith.constant 4 : i32
        %ge3A_603 = arith.cmpi sge, %add3A_602, %ge3A : i32
        %convert_element_type3A_604 = arith.extui %ge3A_603 : i1 to i32
        %cond3A_605 = arith.constant 0 : i32
        %cond3A_606 = arith.cmpi ne, %convert_element_type3A_604, %cond3A_605 : i32
        scf.if %cond3A_606 {
          %dma_wait3A_650 = arith.constant 0 : i32
          %dma_wait3A_651 = arith.constant 0 : i32
          %dma_wait3A_652 = tpu.memref_slice %arg20[%dma_wait3A_650, %dma_wait3A_651] : memref<10240x128xf32, #tpu.memory_space<vmem_shared>> -> memref<10240x128xf32, #tpu.memory_space<vmem_shared>>
          tpu.wait_indirect_dma semaphore(%arg27 : memref<!tpu.dma_semaphore, #tpu.memory_space<semaphore_mem>>) src(%arg18 : memref<64x128xf32, #tpu.memory_space<vmem>>) dst(%dma_wait3A_652 : memref<10240x128xf32, #tpu.memory_space<vmem_shared>>)
        } else {
        }
        %get3A_607 = arith.index_cast %add3A_593 : i32 to index
        %get3A_608 = arith.constant 0 : index
        %get3A_609 = tpu.vector_load %arg6[%get3A_607, %get3A_608] {strides = array<i32>} : memref<40x128xi32, #tpu.memory_space<vmem>>, vector<1x16xi32>,
        %get3A_610 = vector.shape_cast %get3A_609 : vector<1x16xi32> to vector<16xi32>
        %add3A_611 = vector.broadcast %mul3A_3 : i32 to vector<16xi32>
        %add3A_612 = arith.addi %get3A_610, %add3A_611 : vector<16xi32>
        %swap3A_613 = arith.constant 0 : index
        %swap3A_614 = tpu.vector_load %arg10[%swap3A_613] {strides = array<i32>} : memref<64xi32, #tpu.memory_space<vmem>>, vector<16xi32>,
        %swap3A_615 = vector.shape_cast %swap3A_614 : vector<16xi32> to vector<16xi32>
        %swap3A_616 = vector.shape_cast %add3A_612 : vector<16xi32> to vector<16xi32>
        tpu.vector_store %arg10[%swap3A_613], %swap3A_616 {strides = array<i32>} : memref<64xi32, #tpu.memory_space<vmem>>, vector<16xi32>,
        %get3A_617 = arith.index_cast %add3A_593 : i32 to index
        %get3A_618 = arith.constant 16 : index
        %get3A_619 = tpu.vector_load %arg6[%get3A_617, %get3A_618] {strides = array<i32>} : memref<40x128xi32, #tpu.memory_space<vmem>>, vector<1x16xi32>,
        %get3A_620 = vector.shape_cast %get3A_619 : vector<1x16xi32> to vector<16xi32>
        %add3A_621 = vector.broadcast %mul3A_3 : i32 to vector<16xi32>
        %add3A_622 = arith.addi %get3A_620, %add3A_621 : vector<16xi32>
        %swap3A_623 = arith.constant 16 : index
        %swap3A_624 = tpu.vector_load %arg10[%swap3A_623] {strides = array<i32>} : memref<64xi32, #tpu.memory_space<vmem>>, vector<16xi32>,
        %swap3A_625 = vector.shape_cast %swap3A_624 : vector<16xi32> to vector<16xi32>
        %swap3A_626 = vector.shape_cast %add3A_622 : vector<16xi32> to vector<16xi32>
        tpu.vector_store %arg10[%swap3A_623], %swap3A_626 {strides = array<i32>} : memref<64xi32, #tpu.memory_space<vmem>>, vector<16xi32>,
        %get3A_627 = arith.index_cast %add3A_593 : i32 to index
        %get3A_628 = arith.constant 32 : index
        %get3A_629 = tpu.vector_load %arg6[%get3A_627, %get3A_628] {strides = array<i32>} : memref<40x128xi32, #tpu.memory_space<vmem>>, vector<1x16xi32>,
        %get3A_630 = vector.shape_cast %get3A_629 : vector<1x16xi32> to vector<16xi32>
        %add3A_631 = vector.broadcast %mul3A_3 : i32 to vector<16xi32>
        %add3A_632 = arith.addi %get3A_630, %add3A_631 : vector<16xi32>
        %swap3A_633 = arith.constant 32 : index
        %swap3A_634 = tpu.vector_load %arg10[%swap3A_633] {strides = array<i32>} : memref<64xi32, #tpu.memory_space<vmem>>, vector<16xi32>,
        %swap3A_635 = vector.shape_cast %swap3A_634 : vector<16xi32> to vector<16xi32>
        %swap3A_636 = vector.shape_cast %add3A_632 : vector<16xi32> to vector<16xi32>
        tpu.vector_store %arg10[%swap3A_633], %swap3A_636 {strides = array<i32>} : memref<64xi32, #tpu.memory_space<vmem>>, vector<16xi32>,
        %get3A_637 = arith.index_cast %add3A_593 : i32 to index
        %get3A_638 = arith.constant 48 : index
        %get3A_639 = tpu.vector_load %arg6[%get3A_637, %get3A_638] {strides = array<i32>} : memref<40x128xi32, #tpu.memory_space<vmem>>, vector<1x16xi32>,
        %get3A_640 = vector.shape_cast %get3A_639 : vector<1x16xi32> to vector<16xi32>
        %add3A_641 = vector.broadcast %mul3A_3 : i32 to vector<16xi32>
        %add3A_642 = arith.addi %get3A_640, %add3A_641 : vector<16xi32>
        %swap3A_643 = arith.constant 48 : index
        %swap3A_644 = tpu.vector_load %arg10[%swap3A_643] {strides = array<i32>} : memref<64xi32, #tpu.memory_space<vmem>>, vector<16xi32>,
        %swap3A_645 = vector.shape_cast %swap3A_644 : vector<16xi32> to vector<16xi32>
        %swap3A_646 = vector.shape_cast %add3A_642 : vector<16xi32> to vector<16xi32>
        tpu.vector_store %arg10[%swap3A_643], %swap3A_646 {strides = array<i32>} : memref<64xi32, #tpu.memory_space<vmem>>, vector<16xi32>,
        %dma_start3A_647 = arith.constant 0 : i32
        %dma_start3A_648 = arith.constant 0 : i32
        %dma_start3A_649 = tpu.memref_slice %arg2[%dma_start3A_647, %dma_start3A_648] : memref<20480x128xf32, #tpu.memory_space<hbm>> -> memref<20480x128xf32, #tpu.memory_space<hbm>>
        tpu.enqueue_indirect_dma source(%dma_start3A_649 : memref<20480x128xf32, #tpu.memory_space<hbm>>) target(%arg18 : memref<64x128xf32, #tpu.memory_space<vmem>>) offsets(%arg10 : memref<64xi32, #tpu.memory_space<vmem>>) semaphore(%arg23 : memref<!tpu.dma_semaphore, #tpu.memory_space<semaphore_mem>>)
      } else {
      }
    }
    %scan3A_151 = arith.constant 20 : i32
    %dma_wait3A = arith.constant 0 : i32
    %dma_wait3A_152 = arith.constant 0 : i32
    %dma_wait3A_153 = tpu.memref_slice %arg20[%dma_wait3A, %dma_wait3A_152] : memref<10240x128xf32, #tpu.memory_space<vmem_shared>> -> memref<10240x128xf32, #tpu.memory_space<vmem_shared>>
    tpu.wait_indirect_dma semaphore(%arg25 : memref<!tpu.dma_semaphore, #tpu.memory_space<semaphore_mem>>) src(%arg16 : memref<64x128xf32, #tpu.memory_space<vmem>>) dst(%dma_wait3A_153 : memref<10240x128xf32, #tpu.memory_space<vmem_shared>>)
    %dma_wait3A_154 = arith.constant 0 : i32
    %dma_wait3A_155 = arith.constant 0 : i32
    %dma_wait3A_156 = tpu.memref_slice %arg20[%dma_wait3A_154, %dma_wait3A_155] : memref<10240x128xf32, #tpu.memory_space<vmem_shared>> -> memref<10240x128xf32, #tpu.memory_space<vmem_shared>>
    tpu.wait_indirect_dma semaphore(%arg26 : memref<!tpu.dma_semaphore, #tpu.memory_space<semaphore_mem>>) src(%arg17 : memref<64x128xf32, #tpu.memory_space<vmem>>) dst(%dma_wait3A_156 : memref<10240x128xf32, #tpu.memory_space<vmem_shared>>)
    %dma_wait3A_157 = arith.constant 0 : i32
    %dma_wait3A_158 = arith.constant 0 : i32
    %dma_wait3A_159 = tpu.memref_slice %arg20[%dma_wait3A_157, %dma_wait3A_158] : memref<10240x128xf32, #tpu.memory_space<vmem_shared>> -> memref<10240x128xf32, #tpu.memory_space<vmem_shared>>
    tpu.wait_indirect_dma semaphore(%arg27 : memref<!tpu.dma_semaphore, #tpu.memory_space<semaphore_mem>>) src(%arg18 : memref<64x128xf32, #tpu.memory_space<vmem>>) dst(%dma_wait3A_159 : memref<10240x128xf32, #tpu.memory_space<vmem_shared>>)
    %dma_wait3A_160 = arith.constant 0 : i32
    %dma_wait3A_161 = arith.constant 0 : i32
    %dma_wait3A_162 = tpu.memref_slice %arg20[%dma_wait3A_160, %dma_wait3A_161] : memref<10240x128xf32, #tpu.memory_space<vmem_shared>> -> memref<10240x128xf32, #tpu.memory_space<vmem_shared>>
    tpu.wait_indirect_dma semaphore(%arg28 : memref<!tpu.dma_semaphore, #tpu.memory_space<semaphore_mem>>) src(%arg19 : memref<64x128xf32, #tpu.memory_space<vmem>>) dst(%dma_wait3A_162 : memref<10240x128xf32, #tpu.memory_space<vmem_shared>>)
    %mul3A_163 = arith.constant 80 : i32
    %mul3A_164 = arith.muli %arg1, %mul3A_163 : i32
    %add3A_165 = arith.constant 40 : i32
    %add3A_166 = arith.addi %mul3A_164, %add3A_165 : i32
    "tpu.region"() ({
      %run_scoped3A = tpu.sem_alloc : memref<!tpu.dma_semaphore, #tpu.memory_space<semaphore_mem>>
      %dma_start3A_327 = arith.constant 0 : i32
      %dma_start3A_328 = tpu.memref_slice %arg3[%add3A_166, %dma_start3A_327] : memref<1280x128xi32, #tpu.memory_space<hbm>> -> memref<40x128xi32, #tpu.memory_space<hbm>>
      %dma_start3A_329 = arith.constant 0 : i32
      %dma_start3A_330 = tpu.memref_slice %arg3[%add3A_166, %dma_start3A_329] : memref<1280x128xi32, #tpu.memory_space<hbm>> -> memref<40x128xi32, #tpu.memory_space<hbm>>
      tpu.enqueue_dma source(%dma_start3A_330 : memref<40x128xi32, #tpu.memory_space<hbm>>) target(%arg6 : memref<40x128xi32, #tpu.memory_space<vmem>>) target_semaphore(%run_scoped3A : memref<!tpu.dma_semaphore, #tpu.memory_space<semaphore_mem>>)
      %dma_wait3A_331 = arith.constant 0 : i32
      %dma_wait3A_332 = tpu.memref_slice %arg3[%add3A_166, %dma_wait3A_331] : memref<1280x128xi32, #tpu.memory_space<hbm>> -> memref<40x128xi32, #tpu.memory_space<hbm>>
      %dma_wait3A_333 = arith.constant 0 : i32
      %dma_wait3A_334 = tpu.memref_slice %arg3[%add3A_166, %dma_wait3A_333] : memref<1280x128xi32, #tpu.memory_space<hbm>> -> memref<40x128xi32, #tpu.memory_space<hbm>>
      tpu.wait_dma2 semaphore(%run_scoped3A : memref<!tpu.dma_semaphore, #tpu.memory_space<semaphore_mem>>) src(%dma_wait3A_334 : memref<40x128xi32, #tpu.memory_space<hbm>>) dst(%arg6 : memref<40x128xi32, #tpu.memory_space<vmem>>)
      tpu.yield
    }) : () -> ()
    "tpu.region"() ({
      %run_scoped3A = tpu.sem_alloc : memref<!tpu.dma_semaphore, #tpu.memory_space<semaphore_mem>>
      %dma_start3A_327 = arith.constant 0 : i32
      %dma_start3A_328 = tpu.memref_slice %arg4[%add3A_166, %dma_start3A_327] : memref<1280x128xi32, #tpu.memory_space<hbm>> -> memref<40x128xi32, #tpu.memory_space<hbm>>
      %dma_start3A_329 = arith.constant 0 : i32
      %dma_start3A_330 = tpu.memref_slice %arg4[%add3A_166, %dma_start3A_329] : memref<1280x128xi32, #tpu.memory_space<hbm>> -> memref<40x128xi32, #tpu.memory_space<hbm>>
      tpu.enqueue_dma source(%dma_start3A_330 : memref<40x128xi32, #tpu.memory_space<hbm>>) target(%arg7 : memref<40x128xi32, #tpu.memory_space<vmem>>) target_semaphore(%run_scoped3A : memref<!tpu.dma_semaphore, #tpu.memory_space<semaphore_mem>>)
      %dma_wait3A_331 = arith.constant 0 : i32
      %dma_wait3A_332 = tpu.memref_slice %arg4[%add3A_166, %dma_wait3A_331] : memref<1280x128xi32, #tpu.memory_space<hbm>> -> memref<40x128xi32, #tpu.memory_space<hbm>>
      %dma_wait3A_333 = arith.constant 0 : i32
      %dma_wait3A_334 = tpu.memref_slice %arg4[%add3A_166, %dma_wait3A_333] : memref<1280x128xi32, #tpu.memory_space<hbm>> -> memref<40x128xi32, #tpu.memory_space<hbm>>
      tpu.wait_dma2 semaphore(%run_scoped3A : memref<!tpu.dma_semaphore, #tpu.memory_space<semaphore_mem>>) src(%dma_wait3A_334 : memref<40x128xi32, #tpu.memory_space<hbm>>) dst(%arg7 : memref<40x128xi32, #tpu.memory_space<vmem>>)
      tpu.yield
    }) : () -> ()
    %get3A_167 = arith.constant 0 : i32
    %get3A_168 = arith.index_cast %get3A_167 : i32 to index
    %get3A_169 = arith.constant 0 : index
    %get3A_170 = tpu.vector_load %arg6[%get3A_168, %get3A_169] {strides = array<i32>} : memref<40x128xi32, #tpu.memory_space<vmem>>, vector<1x16xi32>,
    %get3A_171 = vector.shape_cast %get3A_170 : vector<1x16xi32> to vector<16xi32>
    %add3A_172 = vector.broadcast %mul3A_3 : i32 to vector<16xi32>
    %add3A_173 = arith.addi %get3A_171, %add3A_172 : vector<16xi32>
    %swap3A_174 = arith.constant 0 : index
    %swap3A_175 = tpu.vector_load %arg8[%swap3A_174] {strides = array<i32>} : memref<64xi32, #tpu.memory_space<vmem>>, vector<16xi32>,
    %swap3A_176 = vector.shape_cast %swap3A_175 : vector<16xi32> to vector<16xi32>
    %swap3A_177 = vector.shape_cast %add3A_173 : vector<16xi32> to vector<16xi32>
    tpu.vector_store %arg8[%swap3A_174], %swap3A_177 {strides = array<i32>} : memref<64xi32, #tpu.memory_space<vmem>>, vector<16xi32>,
    %get3A_178 = arith.constant 0 : i32
    %get3A_179 = arith.index_cast %get3A_178 : i32 to index
    %get3A_180 = arith.constant 16 : index
    %get3A_181 = tpu.vector_load %arg6[%get3A_179, %get3A_180] {strides = array<i32>} : memref<40x128xi32, #tpu.memory_space<vmem>>, vector<1x16xi32>,
    %get3A_182 = vector.shape_cast %get3A_181 : vector<1x16xi32> to vector<16xi32>
    %add3A_183 = vector.broadcast %mul3A_3 : i32 to vector<16xi32>
    %add3A_184 = arith.addi %get3A_182, %add3A_183 : vector<16xi32>
    %swap3A_185 = arith.constant 16 : index
    %swap3A_186 = tpu.vector_load %arg8[%swap3A_185] {strides = array<i32>} : memref<64xi32, #tpu.memory_space<vmem>>, vector<16xi32>,
    %swap3A_187 = vector.shape_cast %swap3A_186 : vector<16xi32> to vector<16xi32>
    %swap3A_188 = vector.shape_cast %add3A_184 : vector<16xi32> to vector<16xi32>
    tpu.vector_store %arg8[%swap3A_185], %swap3A_188 {strides = array<i32>} : memref<64xi32, #tpu.memory_space<vmem>>, vector<16xi32>,
    %get3A_189 = arith.constant 0 : i32
    %get3A_190 = arith.index_cast %get3A_189 : i32 to index
    %get3A_191 = arith.constant 32 : index
    %get3A_192 = tpu.vector_load %arg6[%get3A_190, %get3A_191] {strides = array<i32>} : memref<40x128xi32, #tpu.memory_space<vmem>>, vector<1x16xi32>,
    %get3A_193 = vector.shape_cast %get3A_192 : vector<1x16xi32> to vector<16xi32>
    %add3A_194 = vector.broadcast %mul3A_3 : i32 to vector<16xi32>
    %add3A_195 = arith.addi %get3A_193, %add3A_194 : vector<16xi32>
    %swap3A_196 = arith.constant 32 : index
    %swap3A_197 = tpu.vector_load %arg8[%swap3A_196] {strides = array<i32>} : memref<64xi32, #tpu.memory_space<vmem>>, vector<16xi32>,
    %swap3A_198 = vector.shape_cast %swap3A_197 : vector<16xi32> to vector<16xi32>
    %swap3A_199 = vector.shape_cast %add3A_195 : vector<16xi32> to vector<16xi32>
    tpu.vector_store %arg8[%swap3A_196], %swap3A_199 {strides = array<i32>} : memref<64xi32, #tpu.memory_space<vmem>>, vector<16xi32>,
    %get3A_200 = arith.constant 0 : i32
    %get3A_201 = arith.index_cast %get3A_200 : i32 to index
    %get3A_202 = arith.constant 48 : index
    %get3A_203 = tpu.vector_load %arg6[%get3A_201, %get3A_202] {strides = array<i32>} : memref<40x128xi32, #tpu.memory_space<vmem>>, vector<1x16xi32>,
    %get3A_204 = vector.shape_cast %get3A_203 : vector<1x16xi32> to vector<16xi32>
    %add3A_205 = vector.broadcast %mul3A_3 : i32 to vector<16xi32>
    %add3A_206 = arith.addi %get3A_204, %add3A_205 : vector<16xi32>
    %swap3A_207 = arith.constant 48 : index
    %swap3A_208 = tpu.vector_load %arg8[%swap3A_207] {strides = array<i32>} : memref<64xi32, #tpu.memory_space<vmem>>, vector<16xi32>,
    %swap3A_209 = vector.shape_cast %swap3A_208 : vector<16xi32> to vector<16xi32>
    %swap3A_210 = vector.shape_cast %add3A_206 : vector<16xi32> to vector<16xi32>
    tpu.vector_store %arg8[%swap3A_207], %swap3A_210 {strides = array<i32>} : memref<64xi32, #tpu.memory_space<vmem>>, vector<16xi32>,
    %dma_start3A_211 = arith.constant 0 : i32
    %dma_start3A_212 = arith.constant 0 : i32
    %dma_start3A_213 = tpu.memref_slice %arg2[%dma_start3A_211, %dma_start3A_212] : memref<20480x128xf32, #tpu.memory_space<hbm>> -> memref<20480x128xf32, #tpu.memory_space<hbm>>
    tpu.enqueue_indirect_dma source(%dma_start3A_213 : memref<20480x128xf32, #tpu.memory_space<hbm>>) target(%arg16 : memref<64x128xf32, #tpu.memory_space<vmem>>) offsets(%arg8 : memref<64xi32, #tpu.memory_space<vmem>>) semaphore(%arg21 : memref<!tpu.dma_semaphore, #tpu.memory_space<semaphore_mem>>)
    %get3A_214 = arith.constant 0 : i32
    %get3A_215 = arith.index_cast %get3A_214 : i32 to index
    %get3A_216 = arith.constant 64 : index
    %get3A_217 = tpu.vector_load %arg6[%get3A_215, %get3A_216] {strides = array<i32>} : memref<40x128xi32, #tpu.memory_space<vmem>>, vector<1x16xi32>,
    %get3A_218 = vector.shape_cast %get3A_217 : vector<1x16xi32> to vector<16xi32>
    %add3A_219 = vector.broadcast %mul3A_3 : i32 to vector<16xi32>
    %add3A_220 = arith.addi %get3A_218, %add3A_219 : vector<16xi32>
    %swap3A_221 = arith.constant 0 : index
    %swap3A_222 = tpu.vector_load %arg9[%swap3A_221] {strides = array<i32>} : memref<64xi32, #tpu.memory_space<vmem>>, vector<16xi32>,
    %swap3A_223 = vector.shape_cast %swap3A_222 : vector<16xi32> to vector<16xi32>
    %swap3A_224 = vector.shape_cast %add3A_220 : vector<16xi32> to vector<16xi32>
    tpu.vector_store %arg9[%swap3A_221], %swap3A_224 {strides = array<i32>} : memref<64xi32, #tpu.memory_space<vmem>>, vector<16xi32>,
    %get3A_225 = arith.constant 0 : i32
    %get3A_226 = arith.index_cast %get3A_225 : i32 to index
    %get3A_227 = arith.constant 80 : index
    %get3A_228 = tpu.vector_load %arg6[%get3A_226, %get3A_227] {strides = array<i32>} : memref<40x128xi32, #tpu.memory_space<vmem>>, vector<1x16xi32>,
    %get3A_229 = vector.shape_cast %get3A_228 : vector<1x16xi32> to vector<16xi32>
    %add3A_230 = vector.broadcast %mul3A_3 : i32 to vector<16xi32>
    %add3A_231 = arith.addi %get3A_229, %add3A_230 : vector<16xi32>
    %swap3A_232 = arith.constant 16 : index
    %swap3A_233 = tpu.vector_load %arg9[%swap3A_232] {strides = array<i32>} : memref<64xi32, #tpu.memory_space<vmem>>, vector<16xi32>,
    %swap3A_234 = vector.shape_cast %swap3A_233 : vector<16xi32> to vector<16xi32>
    %swap3A_235 = vector.shape_cast %add3A_231 : vector<16xi32> to vector<16xi32>
    tpu.vector_store %arg9[%swap3A_232], %swap3A_235 {strides = array<i32>} : memref<64xi32, #tpu.memory_space<vmem>>, vector<16xi32>,
    %get3A_236 = arith.constant 0 : i32
    %get3A_237 = arith.index_cast %get3A_236 : i32 to index
    %get3A_238 = arith.constant 96 : index
    %get3A_239 = tpu.vector_load %arg6[%get3A_237, %get3A_238] {strides = array<i32>} : memref<40x128xi32, #tpu.memory_space<vmem>>, vector<1x16xi32>,
    %get3A_240 = vector.shape_cast %get3A_239 : vector<1x16xi32> to vector<16xi32>
    %add3A_241 = vector.broadcast %mul3A_3 : i32 to vector<16xi32>
    %add3A_242 = arith.addi %get3A_240, %add3A_241 : vector<16xi32>
    %swap3A_243 = arith.constant 32 : index
    %swap3A_244 = tpu.vector_load %arg9[%swap3A_243] {strides = array<i32>} : memref<64xi32, #tpu.memory_space<vmem>>, vector<16xi32>,
    %swap3A_245 = vector.shape_cast %swap3A_244 : vector<16xi32> to vector<16xi32>
    %swap3A_246 = vector.shape_cast %add3A_242 : vector<16xi32> to vector<16xi32>
    tpu.vector_store %arg9[%swap3A_243], %swap3A_246 {strides = array<i32>} : memref<64xi32, #tpu.memory_space<vmem>>, vector<16xi32>,
    %get3A_247 = arith.constant 0 : i32
    %get3A_248 = arith.index_cast %get3A_247 : i32 to index
    %get3A_249 = arith.constant 112 : index
    %get3A_250 = tpu.vector_load %arg6[%get3A_248, %get3A_249] {strides = array<i32>} : memref<40x128xi32, #tpu.memory_space<vmem>>, vector<1x16xi32>,
    %get3A_251 = vector.shape_cast %get3A_250 : vector<1x16xi32> to vector<16xi32>
    %add3A_252 = vector.broadcast %mul3A_3 : i32 to vector<16xi32>
    %add3A_253 = arith.addi %get3A_251, %add3A_252 : vector<16xi32>
    %swap3A_254 = arith.constant 48 : index
    %swap3A_255 = tpu.vector_load %arg9[%swap3A_254] {strides = array<i32>} : memref<64xi32, #tpu.memory_space<vmem>>, vector<16xi32>,
    %swap3A_256 = vector.shape_cast %swap3A_255 : vector<16xi32> to vector<16xi32>
    %swap3A_257 = vector.shape_cast %add3A_253 : vector<16xi32> to vector<16xi32>
    tpu.vector_store %arg9[%swap3A_254], %swap3A_257 {strides = array<i32>} : memref<64xi32, #tpu.memory_space<vmem>>, vector<16xi32>,
    %dma_start3A_258 = arith.constant 0 : i32
    %dma_start3A_259 = arith.constant 0 : i32
    %dma_start3A_260 = tpu.memref_slice %arg2[%dma_start3A_258, %dma_start3A_259] : memref<20480x128xf32, #tpu.memory_space<hbm>> -> memref<20480x128xf32, #tpu.memory_space<hbm>>
    tpu.enqueue_indirect_dma source(%dma_start3A_260 : memref<20480x128xf32, #tpu.memory_space<hbm>>) target(%arg17 : memref<64x128xf32, #tpu.memory_space<vmem>>) offsets(%arg9 : memref<64xi32, #tpu.memory_space<vmem>>) semaphore(%arg22 : memref<!tpu.dma_semaphore, #tpu.memory_space<semaphore_mem>>)
    %get3A_261 = arith.constant 1 : i32
    %get3A_262 = arith.index_cast %get3A_261 : i32 to index
    %get3A_263 = arith.constant 0 : index
    %get3A_264 = tpu.vector_load %arg6[%get3A_262, %get3A_263] {strides = array<i32>} : memref<40x128xi32, #tpu.memory_space<vmem>>, vector<1x16xi32>,
    %get3A_265 = vector.shape_cast %get3A_264 : vector<1x16xi32> to vector<16xi32>
    %add3A_266 = vector.broadcast %mul3A_3 : i32 to vector<16xi32>
    %add3A_267 = arith.addi %get3A_265, %add3A_266 : vector<16xi32>
    %swap3A_268 = arith.constant 0 : index
    %swap3A_269 = tpu.vector_load %arg10[%swap3A_268] {strides = array<i32>} : memref<64xi32, #tpu.memory_space<vmem>>, vector<16xi32>,
    %swap3A_270 = vector.shape_cast %swap3A_269 : vector<16xi32> to vector<16xi32>
    %swap3A_271 = vector.shape_cast %add3A_267 : vector<16xi32> to vector<16xi32>
    tpu.vector_store %arg10[%swap3A_268], %swap3A_271 {strides = array<i32>} : memref<64xi32, #tpu.memory_space<vmem>>, vector<16xi32>,
    %get3A_272 = arith.constant 1 : i32
    %get3A_273 = arith.index_cast %get3A_272 : i32 to index
    %get3A_274 = arith.constant 16 : index
    %get3A_275 = tpu.vector_load %arg6[%get3A_273, %get3A_274] {strides = array<i32>} : memref<40x128xi32, #tpu.memory_space<vmem>>, vector<1x16xi32>,
    %get3A_276 = vector.shape_cast %get3A_275 : vector<1x16xi32> to vector<16xi32>
    %add3A_277 = vector.broadcast %mul3A_3 : i32 to vector<16xi32>
    %add3A_278 = arith.addi %get3A_276, %add3A_277 : vector<16xi32>
    %swap3A_279 = arith.constant 16 : index
    %swap3A_280 = tpu.vector_load %arg10[%swap3A_279] {strides = array<i32>} : memref<64xi32, #tpu.memory_space<vmem>>, vector<16xi32>,
    %swap3A_281 = vector.shape_cast %swap3A_280 : vector<16xi32> to vector<16xi32>
    %swap3A_282 = vector.shape_cast %add3A_278 : vector<16xi32> to vector<16xi32>
    tpu.vector_store %arg10[%swap3A_279], %swap3A_282 {strides = array<i32>} : memref<64xi32, #tpu.memory_space<vmem>>, vector<16xi32>,
    %get3A_283 = arith.constant 1 : i32
    %get3A_284 = arith.index_cast %get3A_283 : i32 to index
    %get3A_285 = arith.constant 32 : index
    %get3A_286 = tpu.vector_load %arg6[%get3A_284, %get3A_285] {strides = array<i32>} : memref<40x128xi32, #tpu.memory_space<vmem>>, vector<1x16xi32>,
    %get3A_287 = vector.shape_cast %get3A_286 : vector<1x16xi32> to vector<16xi32>
    %add3A_288 = vector.broadcast %mul3A_3 : i32 to vector<16xi32>
    %add3A_289 = arith.addi %get3A_287, %add3A_288 : vector<16xi32>
    %swap3A_290 = arith.constant 32 : index
    %swap3A_291 = tpu.vector_load %arg10[%swap3A_290] {strides = array<i32>} : memref<64xi32, #tpu.memory_space<vmem>>, vector<16xi32>,
    %swap3A_292 = vector.shape_cast %swap3A_291 : vector<16xi32> to vector<16xi32>
    %swap3A_293 = vector.shape_cast %add3A_289 : vector<16xi32> to vector<16xi32>
    tpu.vector_store %arg10[%swap3A_290], %swap3A_293 {strides = array<i32>} : memref<64xi32, #tpu.memory_space<vmem>>, vector<16xi32>,
    %get3A_294 = arith.constant 1 : i32
    %get3A_295 = arith.index_cast %get3A_294 : i32 to index
    %get3A_296 = arith.constant 48 : index
    %get3A_297 = tpu.vector_load %arg6[%get3A_295, %get3A_296] {strides = array<i32>} : memref<40x128xi32, #tpu.memory_space<vmem>>, vector<1x16xi32>,
    %get3A_298 = vector.shape_cast %get3A_297 : vector<1x16xi32> to vector<16xi32>
    %add3A_299 = vector.broadcast %mul3A_3 : i32 to vector<16xi32>
    %add3A_300 = arith.addi %get3A_298, %add3A_299 : vector<16xi32>
    %swap3A_301 = arith.constant 48 : index
    %swap3A_302 = tpu.vector_load %arg10[%swap3A_301] {strides = array<i32>} : memref<64xi32, #tpu.memory_space<vmem>>, vector<16xi32>,
    %swap3A_303 = vector.shape_cast %swap3A_302 : vector<16xi32> to vector<16xi32>
    %swap3A_304 = vector.shape_cast %add3A_300 : vector<16xi32> to vector<16xi32>
    tpu.vector_store %arg10[%swap3A_301], %swap3A_304 {strides = array<i32>} : memref<64xi32, #tpu.memory_space<vmem>>, vector<16xi32>,
    %dma_start3A_305 = arith.constant 0 : i32
    %dma_start3A_306 = arith.constant 0 : i32
    %dma_start3A_307 = tpu.memref_slice %arg2[%dma_start3A_305, %dma_start3A_306] : memref<20480x128xf32, #tpu.memory_space<hbm>> -> memref<20480x128xf32, #tpu.memory_space<hbm>>
    tpu.enqueue_indirect_dma source(%dma_start3A_307 : memref<20480x128xf32, #tpu.memory_space<hbm>>) target(%arg18 : memref<64x128xf32, #tpu.memory_space<vmem>>) offsets(%arg10 : memref<64xi32, #tpu.memory_space<vmem>>) semaphore(%arg23 : memref<!tpu.dma_semaphore, #tpu.memory_space<semaphore_mem>>)
    %scan3A_308 = arith.constant 0 : i32
    %scan3A_309 = arith.constant 0 : i32
    %scan3A_310 = arith.constant 20 : i32
    %scan3A_311 = arith.addi %scan3A_309, %scan3A_310 : i32
    %scan3A_312 = arith.constant 1 : i32
    scf.for %scan3A_327 = %scan3A_309 to %scan3A_311 step %scan3A_312  : i32 {
      %mul3A_328 = arith.constant 4 : i32
      %mul3A_329 = arith.muli %mul3A_328, %scan3A_327 : i32
      %add3A_330 = arith.constant 0 : i32
      %add3A_331 = arith.addi %mul3A_329, %add3A_330 : i32
      %mul3A_332 = arith.constant 2 : i32
      %mul3A_333 = arith.muli %mul3A_332, %scan3A_327 : i32
      %add3A_334 = arith.constant 0 : i32
      %add3A_335 = arith.addi %mul3A_333, %add3A_334 : i32
      %dma_wait3A_336 = arith.constant 0 : i32
      %dma_wait3A_337 = arith.constant 0 : i32
      %dma_wait3A_338 = tpu.memref_slice %arg2[%dma_wait3A_336, %dma_wait3A_337] : memref<20480x128xf32, #tpu.memory_space<hbm>> -> memref<20480x128xf32, #tpu.memory_space<hbm>>
      tpu.wait_indirect_dma semaphore(%arg21 : memref<!tpu.dma_semaphore, #tpu.memory_space<semaphore_mem>>) src(%dma_wait3A_338 : memref<20480x128xf32, #tpu.memory_space<hbm>>) dst(%arg16 : memref<64x128xf32, #tpu.memory_space<vmem>>)
      %get3A_339 = arith.index_cast %add3A_335 : i32 to index
      %get3A_340 = arith.constant 0 : index
      %get3A_341 = tpu.vector_load %arg7[%get3A_339, %get3A_340] {strides = array<i32>} : memref<40x128xi32, #tpu.memory_space<vmem>>, vector<1x16xi32>,
      %get3A_342 = vector.shape_cast %get3A_341 : vector<1x16xi32> to vector<16xi32>
      %add3A_343 = arith.constant 0 : i32
      %add3A_344 = vector.broadcast %add3A_343 : i32 to vector<16xi32>
      %add3A_345 = arith.addi %get3A_342, %add3A_344 : vector<16xi32>
      %swap3A_346 = arith.constant 0 : index
      %swap3A_347 = tpu.vector_load %arg12[%swap3A_346] {strides = array<i32>} : memref<64xi32, #tpu.memory_space<vmem>>, vector<16xi32>,
      %swap3A_348 = vector.shape_cast %swap3A_347 : vector<16xi32> to vector<16xi32>
      %swap3A_349 = vector.shape_cast %add3A_345 : vector<16xi32> to vector<16xi32>
      tpu.vector_store %arg12[%swap3A_346], %swap3A_349 {strides = array<i32>} : memref<64xi32, #tpu.memory_space<vmem>>, vector<16xi32>,
      %get3A_350 = arith.index_cast %add3A_335 : i32 to index
      %get3A_351 = arith.constant 16 : index
      %get3A_352 = tpu.vector_load %arg7[%get3A_350, %get3A_351] {strides = array<i32>} : memref<40x128xi32, #tpu.memory_space<vmem>>, vector<1x16xi32>,
      %get3A_353 = vector.shape_cast %get3A_352 : vector<1x16xi32> to vector<16xi32>
      %add3A_354 = arith.constant 0 : i32
      %add3A_355 = vector.broadcast %add3A_354 : i32 to vector<16xi32>
      %add3A_356 = arith.addi %get3A_353, %add3A_355 : vector<16xi32>
      %swap3A_357 = arith.constant 16 : index
      %swap3A_358 = tpu.vector_load %arg12[%swap3A_357] {strides = array<i32>} : memref<64xi32, #tpu.memory_space<vmem>>, vector<16xi32>,
      %swap3A_359 = vector.shape_cast %swap3A_358 : vector<16xi32> to vector<16xi32>
      %swap3A_360 = vector.shape_cast %add3A_356 : vector<16xi32> to vector<16xi32>
      tpu.vector_store %arg12[%swap3A_357], %swap3A_360 {strides = array<i32>} : memref<64xi32, #tpu.memory_space<vmem>>, vector<16xi32>,
      %get3A_361 = arith.index_cast %add3A_335 : i32 to index
      %get3A_362 = arith.constant 32 : index
      %get3A_363 = tpu.vector_load %arg7[%get3A_361, %get3A_362] {strides = array<i32>} : memref<40x128xi32, #tpu.memory_space<vmem>>, vector<1x16xi32>,
      %get3A_364 = vector.shape_cast %get3A_363 : vector<1x16xi32> to vector<16xi32>
      %add3A_365 = arith.constant 0 : i32
      %add3A_366 = vector.broadcast %add3A_365 : i32 to vector<16xi32>
      %add3A_367 = arith.addi %get3A_364, %add3A_366 : vector<16xi32>
      %swap3A_368 = arith.constant 32 : index
      %swap3A_369 = tpu.vector_load %arg12[%swap3A_368] {strides = array<i32>} : memref<64xi32, #tpu.memory_space<vmem>>, vector<16xi32>,
      %swap3A_370 = vector.shape_cast %swap3A_369 : vector<16xi32> to vector<16xi32>
      %swap3A_371 = vector.shape_cast %add3A_367 : vector<16xi32> to vector<16xi32>
      tpu.vector_store %arg12[%swap3A_368], %swap3A_371 {strides = array<i32>} : memref<64xi32, #tpu.memory_space<vmem>>, vector<16xi32>,
      %get3A_372 = arith.index_cast %add3A_335 : i32 to index
      %get3A_373 = arith.constant 48 : index
      %get3A_374 = tpu.vector_load %arg7[%get3A_372, %get3A_373] {strides = array<i32>} : memref<40x128xi32, #tpu.memory_space<vmem>>, vector<1x16xi32>,
      %get3A_375 = vector.shape_cast %get3A_374 : vector<1x16xi32> to vector<16xi32>
      %add3A_376 = arith.constant 0 : i32
      %add3A_377 = vector.broadcast %add3A_376 : i32 to vector<16xi32>
      %add3A_378 = arith.addi %get3A_375, %add3A_377 : vector<16xi32>
      %swap3A_379 = arith.constant 48 : index
      %swap3A_380 = tpu.vector_load %arg12[%swap3A_379] {strides = array<i32>} : memref<64xi32, #tpu.memory_space<vmem>>, vector<16xi32>,
      %swap3A_381 = vector.shape_cast %swap3A_380 : vector<16xi32> to vector<16xi32>
      %swap3A_382 = vector.shape_cast %add3A_378 : vector<16xi32> to vector<16xi32>
      tpu.vector_store %arg12[%swap3A_379], %swap3A_382 {strides = array<i32>} : memref<64xi32, #tpu.memory_space<vmem>>, vector<16xi32>,
      %dma_start3A_383 = arith.constant 0 : i32
      %dma_start3A_384 = arith.constant 0 : i32
      %dma_start3A_385 = tpu.memref_slice %arg20[%dma_start3A_383, %dma_start3A_384] : memref<10240x128xf32, #tpu.memory_space<vmem_shared>> -> memref<10240x128xf32, #tpu.memory_space<vmem_shared>>
      tpu.enqueue_indirect_dma source(%arg16 : memref<64x128xf32, #tpu.memory_space<vmem>>) target(%dma_start3A_385 : memref<10240x128xf32, #tpu.memory_space<vmem_shared>>) offsets(%arg12 : memref<64xi32, #tpu.memory_space<vmem>>) semaphore(%arg25 : memref<!tpu.dma_semaphore, #tpu.memory_space<semaphore_mem>>) {add = true}
      %mul3A_386 = arith.constant 2 : i32
      %mul3A_387 = arith.muli %mul3A_386, %scan3A_327 : i32
      %add3A_388 = arith.constant 1 : i32
      %add3A_389 = arith.addi %mul3A_387, %add3A_388 : i32
      %add3A_390 = arith.constant 3 : i32
      %add3A_391 = arith.addi %add3A_331, %add3A_390 : i32
      %lt3A = arith.constant 80 : i32
      %lt3A_392 = arith.cmpi slt, %add3A_391, %lt3A : i32
      %convert_element_type3A = arith.extui %lt3A_392 : i1 to i32
      %cond3A = arith.constant 0 : i32
      %cond3A_393 = arith.cmpi ne, %convert_element_type3A, %cond3A : i32
      scf.if %cond3A_393 {
        %add3A_601 = arith.constant 3 : i32
        %add3A_602 = arith.addi %add3A_331, %add3A_601 : i32
        %ge3A = arith.constant 4 : i32
        %ge3A_603 = arith.cmpi sge, %add3A_602, %ge3A : i32
        %convert_element_type3A_604 = arith.extui %ge3A_603 : i1 to i32
        %cond3A_605 = arith.constant 0 : i32
        %cond3A_606 = arith.cmpi ne, %convert_element_type3A_604, %cond3A_605 : i32
        scf.if %cond3A_606 {
          %dma_wait3A_650 = arith.constant 0 : i32
          %dma_wait3A_651 = arith.constant 0 : i32
          %dma_wait3A_652 = tpu.memref_slice %arg20[%dma_wait3A_650, %dma_wait3A_651] : memref<10240x128xf32, #tpu.memory_space<vmem_shared>> -> memref<10240x128xf32, #tpu.memory_space<vmem_shared>>
          tpu.wait_indirect_dma semaphore(%arg28 : memref<!tpu.dma_semaphore, #tpu.memory_space<semaphore_mem>>) src(%arg19 : memref<64x128xf32, #tpu.memory_space<vmem>>) dst(%dma_wait3A_652 : memref<10240x128xf32, #tpu.memory_space<vmem_shared>>)
        } else {
        }
        %get3A_607 = arith.index_cast %add3A_389 : i32 to index
        %get3A_608 = arith.constant 64 : index
        %get3A_609 = tpu.vector_load %arg6[%get3A_607, %get3A_608] {strides = array<i32>} : memref<40x128xi32, #tpu.memory_space<vmem>>, vector<1x16xi32>,
        %get3A_610 = vector.shape_cast %get3A_609 : vector<1x16xi32> to vector<16xi32>
        %add3A_611 = vector.broadcast %mul3A_3 : i32 to vector<16xi32>
        %add3A_612 = arith.addi %get3A_610, %add3A_611 : vector<16xi32>
        %swap3A_613 = arith.constant 0 : index
        %swap3A_614 = tpu.vector_load %arg11[%swap3A_613] {strides = array<i32>} : memref<64xi32, #tpu.memory_space<vmem>>, vector<16xi32>,
        %swap3A_615 = vector.shape_cast %swap3A_614 : vector<16xi32> to vector<16xi32>
        %swap3A_616 = vector.shape_cast %add3A_612 : vector<16xi32> to vector<16xi32>
        tpu.vector_store %arg11[%swap3A_613], %swap3A_616 {strides = array<i32>} : memref<64xi32, #tpu.memory_space<vmem>>, vector<16xi32>,
        %get3A_617 = arith.index_cast %add3A_389 : i32 to index
        %get3A_618 = arith.constant 80 : index
        %get3A_619 = tpu.vector_load %arg6[%get3A_617, %get3A_618] {strides = array<i32>} : memref<40x128xi32, #tpu.memory_space<vmem>>, vector<1x16xi32>,
        %get3A_620 = vector.shape_cast %get3A_619 : vector<1x16xi32> to vector<16xi32>
        %add3A_621 = vector.broadcast %mul3A_3 : i32 to vector<16xi32>
        %add3A_622 = arith.addi %get3A_620, %add3A_621 : vector<16xi32>
        %swap3A_623 = arith.constant 16 : index
        %swap3A_624 = tpu.vector_load %arg11[%swap3A_623] {strides = array<i32>} : memref<64xi32, #tpu.memory_space<vmem>>, vector<16xi32>,
        %swap3A_625 = vector.shape_cast %swap3A_624 : vector<16xi32> to vector<16xi32>
        %swap3A_626 = vector.shape_cast %add3A_622 : vector<16xi32> to vector<16xi32>
        tpu.vector_store %arg11[%swap3A_623], %swap3A_626 {strides = array<i32>} : memref<64xi32, #tpu.memory_space<vmem>>, vector<16xi32>,
        %get3A_627 = arith.index_cast %add3A_389 : i32 to index
        %get3A_628 = arith.constant 96 : index
        %get3A_629 = tpu.vector_load %arg6[%get3A_627, %get3A_628] {strides = array<i32>} : memref<40x128xi32, #tpu.memory_space<vmem>>, vector<1x16xi32>,
        %get3A_630 = vector.shape_cast %get3A_629 : vector<1x16xi32> to vector<16xi32>
        %add3A_631 = vector.broadcast %mul3A_3 : i32 to vector<16xi32>
        %add3A_632 = arith.addi %get3A_630, %add3A_631 : vector<16xi32>
        %swap3A_633 = arith.constant 32 : index
        %swap3A_634 = tpu.vector_load %arg11[%swap3A_633] {strides = array<i32>} : memref<64xi32, #tpu.memory_space<vmem>>, vector<16xi32>,
        %swap3A_635 = vector.shape_cast %swap3A_634 : vector<16xi32> to vector<16xi32>
        %swap3A_636 = vector.shape_cast %add3A_632 : vector<16xi32> to vector<16xi32>
        tpu.vector_store %arg11[%swap3A_633], %swap3A_636 {strides = array<i32>} : memref<64xi32, #tpu.memory_space<vmem>>, vector<16xi32>,
        %get3A_637 = arith.index_cast %add3A_389 : i32 to index
        %get3A_638 = arith.constant 112 : index
        %get3A_639 = tpu.vector_load %arg6[%get3A_637, %get3A_638] {strides = array<i32>} : memref<40x128xi32, #tpu.memory_space<vmem>>, vector<1x16xi32>,
        %get3A_640 = vector.shape_cast %get3A_639 : vector<1x16xi32> to vector<16xi32>
        %add3A_641 = vector.broadcast %mul3A_3 : i32 to vector<16xi32>
        %add3A_642 = arith.addi %get3A_640, %add3A_641 : vector<16xi32>
        %swap3A_643 = arith.constant 48 : index
        %swap3A_644 = tpu.vector_load %arg11[%swap3A_643] {strides = array<i32>} : memref<64xi32, #tpu.memory_space<vmem>>, vector<16xi32>,
        %swap3A_645 = vector.shape_cast %swap3A_644 : vector<16xi32> to vector<16xi32>
        %swap3A_646 = vector.shape_cast %add3A_642 : vector<16xi32> to vector<16xi32>
        tpu.vector_store %arg11[%swap3A_643], %swap3A_646 {strides = array<i32>} : memref<64xi32, #tpu.memory_space<vmem>>, vector<16xi32>,
        %dma_start3A_647 = arith.constant 0 : i32
        %dma_start3A_648 = arith.constant 0 : i32
        %dma_start3A_649 = tpu.memref_slice %arg2[%dma_start3A_647, %dma_start3A_648] : memref<20480x128xf32, #tpu.memory_space<hbm>> -> memref<20480x128xf32, #tpu.memory_space<hbm>>
        tpu.enqueue_indirect_dma source(%dma_start3A_649 : memref<20480x128xf32, #tpu.memory_space<hbm>>) target(%arg19 : memref<64x128xf32, #tpu.memory_space<vmem>>) offsets(%arg11 : memref<64xi32, #tpu.memory_space<vmem>>) semaphore(%arg24 : memref<!tpu.dma_semaphore, #tpu.memory_space<semaphore_mem>>)
      } else {
      }
      %mul3A_394 = arith.constant 4 : i32
      %mul3A_395 = arith.muli %mul3A_394, %scan3A_327 : i32
      %add3A_396 = arith.constant 1 : i32
      %add3A_397 = arith.addi %mul3A_395, %add3A_396 : i32
      %mul3A_398 = arith.constant 2 : i32
      %mul3A_399 = arith.muli %mul3A_398, %scan3A_327 : i32
      %add3A_400 = arith.constant 0 : i32
      %add3A_401 = arith.addi %mul3A_399, %add3A_400 : i32
      %dma_wait3A_402 = arith.constant 0 : i32
      %dma_wait3A_403 = arith.constant 0 : i32
      %dma_wait3A_404 = tpu.memref_slice %arg2[%dma_wait3A_402, %dma_wait3A_403] : memref<20480x128xf32, #tpu.memory_space<hbm>> -> memref<20480x128xf32, #tpu.memory_space<hbm>>
      tpu.wait_indirect_dma semaphore(%arg22 : memref<!tpu.dma_semaphore, #tpu.memory_space<semaphore_mem>>) src(%dma_wait3A_404 : memref<20480x128xf32, #tpu.memory_space<hbm>>) dst(%arg17 : memref<64x128xf32, #tpu.memory_space<vmem>>)
      %get3A_405 = arith.index_cast %add3A_401 : i32 to index
      %get3A_406 = arith.constant 64 : index
      %get3A_407 = tpu.vector_load %arg7[%get3A_405, %get3A_406] {strides = array<i32>} : memref<40x128xi32, #tpu.memory_space<vmem>>, vector<1x16xi32>,
      %get3A_408 = vector.shape_cast %get3A_407 : vector<1x16xi32> to vector<16xi32>
      %add3A_409 = arith.constant 0 : i32
      %add3A_410 = vector.broadcast %add3A_409 : i32 to vector<16xi32>
      %add3A_411 = arith.addi %get3A_408, %add3A_410 : vector<16xi32>
      %swap3A_412 = arith.constant 0 : index
      %swap3A_413 = tpu.vector_load %arg13[%swap3A_412] {strides = array<i32>} : memref<64xi32, #tpu.memory_space<vmem>>, vector<16xi32>,
      %swap3A_414 = vector.shape_cast %swap3A_413 : vector<16xi32> to vector<16xi32>
      %swap3A_415 = vector.shape_cast %add3A_411 : vector<16xi32> to vector<16xi32>
      tpu.vector_store %arg13[%swap3A_412], %swap3A_415 {strides = array<i32>} : memref<64xi32, #tpu.memory_space<vmem>>, vector<16xi32>,
      %get3A_416 = arith.index_cast %add3A_401 : i32 to index
      %get3A_417 = arith.constant 80 : index
      %get3A_418 = tpu.vector_load %arg7[%get3A_416, %get3A_417] {strides = array<i32>} : memref<40x128xi32, #tpu.memory_space<vmem>>, vector<1x16xi32>,
      %get3A_419 = vector.shape_cast %get3A_418 : vector<1x16xi32> to vector<16xi32>
      %add3A_420 = arith.constant 0 : i32
      %add3A_421 = vector.broadcast %add3A_420 : i32 to vector<16xi32>
      %add3A_422 = arith.addi %get3A_419, %add3A_421 : vector<16xi32>
      %swap3A_423 = arith.constant 16 : index
      %swap3A_424 = tpu.vector_load %arg13[%swap3A_423] {strides = array<i32>} : memref<64xi32, #tpu.memory_space<vmem>>, vector<16xi32>,
      %swap3A_425 = vector.shape_cast %swap3A_424 : vector<16xi32> to vector<16xi32>
      %swap3A_426 = vector.shape_cast %add3A_422 : vector<16xi32> to vector<16xi32>
      tpu.vector_store %arg13[%swap3A_423], %swap3A_426 {strides = array<i32>} : memref<64xi32, #tpu.memory_space<vmem>>, vector<16xi32>,
      %get3A_427 = arith.index_cast %add3A_401 : i32 to index
      %get3A_428 = arith.constant 96 : index
      %get3A_429 = tpu.vector_load %arg7[%get3A_427, %get3A_428] {strides = array<i32>} : memref<40x128xi32, #tpu.memory_space<vmem>>, vector<1x16xi32>,
      %get3A_430 = vector.shape_cast %get3A_429 : vector<1x16xi32> to vector<16xi32>
      %add3A_431 = arith.constant 0 : i32
      %add3A_432 = vector.broadcast %add3A_431 : i32 to vector<16xi32>
      %add3A_433 = arith.addi %get3A_430, %add3A_432 : vector<16xi32>
      %swap3A_434 = arith.constant 32 : index
      %swap3A_435 = tpu.vector_load %arg13[%swap3A_434] {strides = array<i32>} : memref<64xi32, #tpu.memory_space<vmem>>, vector<16xi32>,
      %swap3A_436 = vector.shape_cast %swap3A_435 : vector<16xi32> to vector<16xi32>
      %swap3A_437 = vector.shape_cast %add3A_433 : vector<16xi32> to vector<16xi32>
      tpu.vector_store %arg13[%swap3A_434], %swap3A_437 {strides = array<i32>} : memref<64xi32, #tpu.memory_space<vmem>>, vector<16xi32>,
      %get3A_438 = arith.index_cast %add3A_401 : i32 to index
      %get3A_439 = arith.constant 112 : index
      %get3A_440 = tpu.vector_load %arg7[%get3A_438, %get3A_439] {strides = array<i32>} : memref<40x128xi32, #tpu.memory_space<vmem>>, vector<1x16xi32>,
      %get3A_441 = vector.shape_cast %get3A_440 : vector<1x16xi32> to vector<16xi32>
      %add3A_442 = arith.constant 0 : i32
      %add3A_443 = vector.broadcast %add3A_442 : i32 to vector<16xi32>
      %add3A_444 = arith.addi %get3A_441, %add3A_443 : vector<16xi32>
      %swap3A_445 = arith.constant 48 : index
      %swap3A_446 = tpu.vector_load %arg13[%swap3A_445] {strides = array<i32>} : memref<64xi32, #tpu.memory_space<vmem>>, vector<16xi32>,
      %swap3A_447 = vector.shape_cast %swap3A_446 : vector<16xi32> to vector<16xi32>
      %swap3A_448 = vector.shape_cast %add3A_444 : vector<16xi32> to vector<16xi32>
      tpu.vector_store %arg13[%swap3A_445], %swap3A_448 {strides = array<i32>} : memref<64xi32, #tpu.memory_space<vmem>>, vector<16xi32>,
      %dma_start3A_449 = arith.constant 0 : i32
      %dma_start3A_450 = arith.constant 0 : i32
      %dma_start3A_451 = tpu.memref_slice %arg20[%dma_start3A_449, %dma_start3A_450] : memref<10240x128xf32, #tpu.memory_space<vmem_shared>> -> memref<10240x128xf32, #tpu.memory_space<vmem_shared>>
      tpu.enqueue_indirect_dma source(%arg17 : memref<64x128xf32, #tpu.memory_space<vmem>>) target(%dma_start3A_451 : memref<10240x128xf32, #tpu.memory_space<vmem_shared>>) offsets(%arg13 : memref<64xi32, #tpu.memory_space<vmem>>) semaphore(%arg26 : memref<!tpu.dma_semaphore, #tpu.memory_space<semaphore_mem>>) {add = true}
      %mul3A_452 = arith.constant 2 : i32
      %mul3A_453 = arith.muli %mul3A_452, %scan3A_327 : i32
      %add3A_454 = arith.constant 2 : i32
      %add3A_455 = arith.addi %mul3A_453, %add3A_454 : i32
      %add3A_456 = arith.constant 3 : i32
      %add3A_457 = arith.addi %add3A_397, %add3A_456 : i32
      %lt3A_458 = arith.constant 80 : i32
      %lt3A_459 = arith.cmpi slt, %add3A_457, %lt3A_458 : i32
      %convert_element_type3A_460 = arith.extui %lt3A_459 : i1 to i32
      %cond3A_461 = arith.constant 0 : i32
      %cond3A_462 = arith.cmpi ne, %convert_element_type3A_460, %cond3A_461 : i32
      scf.if %cond3A_462 {
        %add3A_601 = arith.constant 3 : i32
        %add3A_602 = arith.addi %add3A_397, %add3A_601 : i32
        %ge3A = arith.constant 4 : i32
        %ge3A_603 = arith.cmpi sge, %add3A_602, %ge3A : i32
        %convert_element_type3A_604 = arith.extui %ge3A_603 : i1 to i32
        %cond3A_605 = arith.constant 0 : i32
        %cond3A_606 = arith.cmpi ne, %convert_element_type3A_604, %cond3A_605 : i32
        scf.if %cond3A_606 {
          %dma_wait3A_650 = arith.constant 0 : i32
          %dma_wait3A_651 = arith.constant 0 : i32
          %dma_wait3A_652 = tpu.memref_slice %arg20[%dma_wait3A_650, %dma_wait3A_651] : memref<10240x128xf32, #tpu.memory_space<vmem_shared>> -> memref<10240x128xf32, #tpu.memory_space<vmem_shared>>
          tpu.wait_indirect_dma semaphore(%arg25 : memref<!tpu.dma_semaphore, #tpu.memory_space<semaphore_mem>>) src(%arg16 : memref<64x128xf32, #tpu.memory_space<vmem>>) dst(%dma_wait3A_652 : memref<10240x128xf32, #tpu.memory_space<vmem_shared>>)
        } else {
        }
        %get3A_607 = arith.index_cast %add3A_455 : i32 to index
        %get3A_608 = arith.constant 0 : index
        %get3A_609 = tpu.vector_load %arg6[%get3A_607, %get3A_608] {strides = array<i32>} : memref<40x128xi32, #tpu.memory_space<vmem>>, vector<1x16xi32>,
        %get3A_610 = vector.shape_cast %get3A_609 : vector<1x16xi32> to vector<16xi32>
        %add3A_611 = vector.broadcast %mul3A_3 : i32 to vector<16xi32>
        %add3A_612 = arith.addi %get3A_610, %add3A_611 : vector<16xi32>
        %swap3A_613 = arith.constant 0 : index
        %swap3A_614 = tpu.vector_load %arg8[%swap3A_613] {strides = array<i32>} : memref<64xi32, #tpu.memory_space<vmem>>, vector<16xi32>,
        %swap3A_615 = vector.shape_cast %swap3A_614 : vector<16xi32> to vector<16xi32>
        %swap3A_616 = vector.shape_cast %add3A_612 : vector<16xi32> to vector<16xi32>
        tpu.vector_store %arg8[%swap3A_613], %swap3A_616 {strides = array<i32>} : memref<64xi32, #tpu.memory_space<vmem>>, vector<16xi32>,
        %get3A_617 = arith.index_cast %add3A_455 : i32 to index
        %get3A_618 = arith.constant 16 : index
        %get3A_619 = tpu.vector_load %arg6[%get3A_617, %get3A_618] {strides = array<i32>} : memref<40x128xi32, #tpu.memory_space<vmem>>, vector<1x16xi32>,
        %get3A_620 = vector.shape_cast %get3A_619 : vector<1x16xi32> to vector<16xi32>
        %add3A_621 = vector.broadcast %mul3A_3 : i32 to vector<16xi32>
        %add3A_622 = arith.addi %get3A_620, %add3A_621 : vector<16xi32>
        %swap3A_623 = arith.constant 16 : index
        %swap3A_624 = tpu.vector_load %arg8[%swap3A_623] {strides = array<i32>} : memref<64xi32, #tpu.memory_space<vmem>>, vector<16xi32>,
        %swap3A_625 = vector.shape_cast %swap3A_624 : vector<16xi32> to vector<16xi32>
        %swap3A_626 = vector.shape_cast %add3A_622 : vector<16xi32> to vector<16xi32>
        tpu.vector_store %arg8[%swap3A_623], %swap3A_626 {strides = array<i32>} : memref<64xi32, #tpu.memory_space<vmem>>, vector<16xi32>,
        %get3A_627 = arith.index_cast %add3A_455 : i32 to index
        %get3A_628 = arith.constant 32 : index
        %get3A_629 = tpu.vector_load %arg6[%get3A_627, %get3A_628] {strides = array<i32>} : memref<40x128xi32, #tpu.memory_space<vmem>>, vector<1x16xi32>,
        %get3A_630 = vector.shape_cast %get3A_629 : vector<1x16xi32> to vector<16xi32>
        %add3A_631 = vector.broadcast %mul3A_3 : i32 to vector<16xi32>
        %add3A_632 = arith.addi %get3A_630, %add3A_631 : vector<16xi32>
        %swap3A_633 = arith.constant 32 : index
        %swap3A_634 = tpu.vector_load %arg8[%swap3A_633] {strides = array<i32>} : memref<64xi32, #tpu.memory_space<vmem>>, vector<16xi32>,
        %swap3A_635 = vector.shape_cast %swap3A_634 : vector<16xi32> to vector<16xi32>
        %swap3A_636 = vector.shape_cast %add3A_632 : vector<16xi32> to vector<16xi32>
        tpu.vector_store %arg8[%swap3A_633], %swap3A_636 {strides = array<i32>} : memref<64xi32, #tpu.memory_space<vmem>>, vector<16xi32>,
        %get3A_637 = arith.index_cast %add3A_455 : i32 to index
        %get3A_638 = arith.constant 48 : index
        %get3A_639 = tpu.vector_load %arg6[%get3A_637, %get3A_638] {strides = array<i32>} : memref<40x128xi32, #tpu.memory_space<vmem>>, vector<1x16xi32>,
        %get3A_640 = vector.shape_cast %get3A_639 : vector<1x16xi32> to vector<16xi32>
        %add3A_641 = vector.broadcast %mul3A_3 : i32 to vector<16xi32>
        %add3A_642 = arith.addi %get3A_640, %add3A_641 : vector<16xi32>
        %swap3A_643 = arith.constant 48 : index
        %swap3A_644 = tpu.vector_load %arg8[%swap3A_643] {strides = array<i32>} : memref<64xi32, #tpu.memory_space<vmem>>, vector<16xi32>,
        %swap3A_645 = vector.shape_cast %swap3A_644 : vector<16xi32> to vector<16xi32>
        %swap3A_646 = vector.shape_cast %add3A_642 : vector<16xi32> to vector<16xi32>
        tpu.vector_store %arg8[%swap3A_643], %swap3A_646 {strides = array<i32>} : memref<64xi32, #tpu.memory_space<vmem>>, vector<16xi32>,
        %dma_start3A_647 = arith.constant 0 : i32
        %dma_start3A_648 = arith.constant 0 : i32
        %dma_start3A_649 = tpu.memref_slice %arg2[%dma_start3A_647, %dma_start3A_648] : memref<20480x128xf32, #tpu.memory_space<hbm>> -> memref<20480x128xf32, #tpu.memory_space<hbm>>
        tpu.enqueue_indirect_dma source(%dma_start3A_649 : memref<20480x128xf32, #tpu.memory_space<hbm>>) target(%arg16 : memref<64x128xf32, #tpu.memory_space<vmem>>) offsets(%arg8 : memref<64xi32, #tpu.memory_space<vmem>>) semaphore(%arg21 : memref<!tpu.dma_semaphore, #tpu.memory_space<semaphore_mem>>)
      } else {
      }
      %mul3A_463 = arith.constant 4 : i32
      %mul3A_464 = arith.muli %mul3A_463, %scan3A_327 : i32
      %add3A_465 = arith.constant 2 : i32
      %add3A_466 = arith.addi %mul3A_464, %add3A_465 : i32
      %mul3A_467 = arith.constant 2 : i32
      %mul3A_468 = arith.muli %mul3A_467, %scan3A_327 : i32
      %add3A_469 = arith.constant 1 : i32
      %add3A_470 = arith.addi %mul3A_468, %add3A_469 : i32
      %dma_wait3A_471 = arith.constant 0 : i32
      %dma_wait3A_472 = arith.constant 0 : i32
      %dma_wait3A_473 = tpu.memref_slice %arg2[%dma_wait3A_471, %dma_wait3A_472] : memref<20480x128xf32, #tpu.memory_space<hbm>> -> memref<20480x128xf32, #tpu.memory_space<hbm>>
      tpu.wait_indirect_dma semaphore(%arg23 : memref<!tpu.dma_semaphore, #tpu.memory_space<semaphore_mem>>) src(%dma_wait3A_473 : memref<20480x128xf32, #tpu.memory_space<hbm>>) dst(%arg18 : memref<64x128xf32, #tpu.memory_space<vmem>>)
      %get3A_474 = arith.index_cast %add3A_470 : i32 to index
      %get3A_475 = arith.constant 0 : index
      %get3A_476 = tpu.vector_load %arg7[%get3A_474, %get3A_475] {strides = array<i32>} : memref<40x128xi32, #tpu.memory_space<vmem>>, vector<1x16xi32>,
      %get3A_477 = vector.shape_cast %get3A_476 : vector<1x16xi32> to vector<16xi32>
      %add3A_478 = arith.constant 0 : i32
      %add3A_479 = vector.broadcast %add3A_478 : i32 to vector<16xi32>
      %add3A_480 = arith.addi %get3A_477, %add3A_479 : vector<16xi32>
      %swap3A_481 = arith.constant 0 : index
      %swap3A_482 = tpu.vector_load %arg14[%swap3A_481] {strides = array<i32>} : memref<64xi32, #tpu.memory_space<vmem>>, vector<16xi32>,
      %swap3A_483 = vector.shape_cast %swap3A_482 : vector<16xi32> to vector<16xi32>
      %swap3A_484 = vector.shape_cast %add3A_480 : vector<16xi32> to vector<16xi32>
      tpu.vector_store %arg14[%swap3A_481], %swap3A_484 {strides = array<i32>} : memref<64xi32, #tpu.memory_space<vmem>>, vector<16xi32>,
      %get3A_485 = arith.index_cast %add3A_470 : i32 to index
      %get3A_486 = arith.constant 16 : index
      %get3A_487 = tpu.vector_load %arg7[%get3A_485, %get3A_486] {strides = array<i32>} : memref<40x128xi32, #tpu.memory_space<vmem>>, vector<1x16xi32>,
      %get3A_488 = vector.shape_cast %get3A_487 : vector<1x16xi32> to vector<16xi32>
      %add3A_489 = arith.constant 0 : i32
      %add3A_490 = vector.broadcast %add3A_489 : i32 to vector<16xi32>
      %add3A_491 = arith.addi %get3A_488, %add3A_490 : vector<16xi32>
      %swap3A_492 = arith.constant 16 : index
      %swap3A_493 = tpu.vector_load %arg14[%swap3A_492] {strides = array<i32>} : memref<64xi32, #tpu.memory_space<vmem>>, vector<16xi32>,
      %swap3A_494 = vector.shape_cast %swap3A_493 : vector<16xi32> to vector<16xi32>
      %swap3A_495 = vector.shape_cast %add3A_491 : vector<16xi32> to vector<16xi32>
      tpu.vector_store %arg14[%swap3A_492], %swap3A_495 {strides = array<i32>} : memref<64xi32, #tpu.memory_space<vmem>>, vector<16xi32>,
      %get3A_496 = arith.index_cast %add3A_470 : i32 to index
      %get3A_497 = arith.constant 32 : index
      %get3A_498 = tpu.vector_load %arg7[%get3A_496, %get3A_497] {strides = array<i32>} : memref<40x128xi32, #tpu.memory_space<vmem>>, vector<1x16xi32>,
      %get3A_499 = vector.shape_cast %get3A_498 : vector<1x16xi32> to vector<16xi32>
      %add3A_500 = arith.constant 0 : i32
      %add3A_501 = vector.broadcast %add3A_500 : i32 to vector<16xi32>
      %add3A_502 = arith.addi %get3A_499, %add3A_501 : vector<16xi32>
      %swap3A_503 = arith.constant 32 : index
      %swap3A_504 = tpu.vector_load %arg14[%swap3A_503] {strides = array<i32>} : memref<64xi32, #tpu.memory_space<vmem>>, vector<16xi32>,
      %swap3A_505 = vector.shape_cast %swap3A_504 : vector<16xi32> to vector<16xi32>
      %swap3A_506 = vector.shape_cast %add3A_502 : vector<16xi32> to vector<16xi32>
      tpu.vector_store %arg14[%swap3A_503], %swap3A_506 {strides = array<i32>} : memref<64xi32, #tpu.memory_space<vmem>>, vector<16xi32>,
      %get3A_507 = arith.index_cast %add3A_470 : i32 to index
      %get3A_508 = arith.constant 48 : index
      %get3A_509 = tpu.vector_load %arg7[%get3A_507, %get3A_508] {strides = array<i32>} : memref<40x128xi32, #tpu.memory_space<vmem>>, vector<1x16xi32>,
      %get3A_510 = vector.shape_cast %get3A_509 : vector<1x16xi32> to vector<16xi32>
      %add3A_511 = arith.constant 0 : i32
      %add3A_512 = vector.broadcast %add3A_511 : i32 to vector<16xi32>
      %add3A_513 = arith.addi %get3A_510, %add3A_512 : vector<16xi32>
      %swap3A_514 = arith.constant 48 : index
      %swap3A_515 = tpu.vector_load %arg14[%swap3A_514] {strides = array<i32>} : memref<64xi32, #tpu.memory_space<vmem>>, vector<16xi32>,
      %swap3A_516 = vector.shape_cast %swap3A_515 : vector<16xi32> to vector<16xi32>
      %swap3A_517 = vector.shape_cast %add3A_513 : vector<16xi32> to vector<16xi32>
      tpu.vector_store %arg14[%swap3A_514], %swap3A_517 {strides = array<i32>} : memref<64xi32, #tpu.memory_space<vmem>>, vector<16xi32>,
      %dma_start3A_518 = arith.constant 0 : i32
      %dma_start3A_519 = arith.constant 0 : i32
      %dma_start3A_520 = tpu.memref_slice %arg20[%dma_start3A_518, %dma_start3A_519] : memref<10240x128xf32, #tpu.memory_space<vmem_shared>> -> memref<10240x128xf32, #tpu.memory_space<vmem_shared>>
      tpu.enqueue_indirect_dma source(%arg18 : memref<64x128xf32, #tpu.memory_space<vmem>>) target(%dma_start3A_520 : memref<10240x128xf32, #tpu.memory_space<vmem_shared>>) offsets(%arg14 : memref<64xi32, #tpu.memory_space<vmem>>) semaphore(%arg27 : memref<!tpu.dma_semaphore, #tpu.memory_space<semaphore_mem>>) {add = true}
      %mul3A_521 = arith.constant 2 : i32
      %mul3A_522 = arith.muli %mul3A_521, %scan3A_327 : i32
      %add3A_523 = arith.constant 2 : i32
      %add3A_524 = arith.addi %mul3A_522, %add3A_523 : i32
      %add3A_525 = arith.constant 3 : i32
      %add3A_526 = arith.addi %add3A_466, %add3A_525 : i32
      %lt3A_527 = arith.constant 80 : i32
      %lt3A_528 = arith.cmpi slt, %add3A_526, %lt3A_527 : i32
      %convert_element_type3A_529 = arith.extui %lt3A_528 : i1 to i32
      %cond3A_530 = arith.constant 0 : i32
      %cond3A_531 = arith.cmpi ne, %convert_element_type3A_529, %cond3A_530 : i32
      scf.if %cond3A_531 {
        %add3A_601 = arith.constant 3 : i32
        %add3A_602 = arith.addi %add3A_466, %add3A_601 : i32
        %ge3A = arith.constant 4 : i32
        %ge3A_603 = arith.cmpi sge, %add3A_602, %ge3A : i32
        %convert_element_type3A_604 = arith.extui %ge3A_603 : i1 to i32
        %cond3A_605 = arith.constant 0 : i32
        %cond3A_606 = arith.cmpi ne, %convert_element_type3A_604, %cond3A_605 : i32
        scf.if %cond3A_606 {
          %dma_wait3A_650 = arith.constant 0 : i32
          %dma_wait3A_651 = arith.constant 0 : i32
          %dma_wait3A_652 = tpu.memref_slice %arg20[%dma_wait3A_650, %dma_wait3A_651] : memref<10240x128xf32, #tpu.memory_space<vmem_shared>> -> memref<10240x128xf32, #tpu.memory_space<vmem_shared>>
          tpu.wait_indirect_dma semaphore(%arg26 : memref<!tpu.dma_semaphore, #tpu.memory_space<semaphore_mem>>) src(%arg17 : memref<64x128xf32, #tpu.memory_space<vmem>>) dst(%dma_wait3A_652 : memref<10240x128xf32, #tpu.memory_space<vmem_shared>>)
        } else {
        }
        %get3A_607 = arith.index_cast %add3A_524 : i32 to index
        %get3A_608 = arith.constant 64 : index
        %get3A_609 = tpu.vector_load %arg6[%get3A_607, %get3A_608] {strides = array<i32>} : memref<40x128xi32, #tpu.memory_space<vmem>>, vector<1x16xi32>,
        %get3A_610 = vector.shape_cast %get3A_609 : vector<1x16xi32> to vector<16xi32>
        %add3A_611 = vector.broadcast %mul3A_3 : i32 to vector<16xi32>
        %add3A_612 = arith.addi %get3A_610, %add3A_611 : vector<16xi32>
        %swap3A_613 = arith.constant 0 : index
        %swap3A_614 = tpu.vector_load %arg9[%swap3A_613] {strides = array<i32>} : memref<64xi32, #tpu.memory_space<vmem>>, vector<16xi32>,
        %swap3A_615 = vector.shape_cast %swap3A_614 : vector<16xi32> to vector<16xi32>
        %swap3A_616 = vector.shape_cast %add3A_612 : vector<16xi32> to vector<16xi32>
        tpu.vector_store %arg9[%swap3A_613], %swap3A_616 {strides = array<i32>} : memref<64xi32, #tpu.memory_space<vmem>>, vector<16xi32>,
        %get3A_617 = arith.index_cast %add3A_524 : i32 to index
        %get3A_618 = arith.constant 80 : index
        %get3A_619 = tpu.vector_load %arg6[%get3A_617, %get3A_618] {strides = array<i32>} : memref<40x128xi32, #tpu.memory_space<vmem>>, vector<1x16xi32>,
        %get3A_620 = vector.shape_cast %get3A_619 : vector<1x16xi32> to vector<16xi32>
        %add3A_621 = vector.broadcast %mul3A_3 : i32 to vector<16xi32>
        %add3A_622 = arith.addi %get3A_620, %add3A_621 : vector<16xi32>
        %swap3A_623 = arith.constant 16 : index
        %swap3A_624 = tpu.vector_load %arg9[%swap3A_623] {strides = array<i32>} : memref<64xi32, #tpu.memory_space<vmem>>, vector<16xi32>,
        %swap3A_625 = vector.shape_cast %swap3A_624 : vector<16xi32> to vector<16xi32>
        %swap3A_626 = vector.shape_cast %add3A_622 : vector<16xi32> to vector<16xi32>
        tpu.vector_store %arg9[%swap3A_623], %swap3A_626 {strides = array<i32>} : memref<64xi32, #tpu.memory_space<vmem>>, vector<16xi32>,
        %get3A_627 = arith.index_cast %add3A_524 : i32 to index
        %get3A_628 = arith.constant 96 : index
        %get3A_629 = tpu.vector_load %arg6[%get3A_627, %get3A_628] {strides = array<i32>} : memref<40x128xi32, #tpu.memory_space<vmem>>, vector<1x16xi32>,
        %get3A_630 = vector.shape_cast %get3A_629 : vector<1x16xi32> to vector<16xi32>
        %add3A_631 = vector.broadcast %mul3A_3 : i32 to vector<16xi32>
        %add3A_632 = arith.addi %get3A_630, %add3A_631 : vector<16xi32>
        %swap3A_633 = arith.constant 32 : index
        %swap3A_634 = tpu.vector_load %arg9[%swap3A_633] {strides = array<i32>} : memref<64xi32, #tpu.memory_space<vmem>>, vector<16xi32>,
        %swap3A_635 = vector.shape_cast %swap3A_634 : vector<16xi32> to vector<16xi32>
        %swap3A_636 = vector.shape_cast %add3A_632 : vector<16xi32> to vector<16xi32>
        tpu.vector_store %arg9[%swap3A_633], %swap3A_636 {strides = array<i32>} : memref<64xi32, #tpu.memory_space<vmem>>, vector<16xi32>,
        %get3A_637 = arith.index_cast %add3A_524 : i32 to index
        %get3A_638 = arith.constant 112 : index
        %get3A_639 = tpu.vector_load %arg6[%get3A_637, %get3A_638] {strides = array<i32>} : memref<40x128xi32, #tpu.memory_space<vmem>>, vector<1x16xi32>,
        %get3A_640 = vector.shape_cast %get3A_639 : vector<1x16xi32> to vector<16xi32>
        %add3A_641 = vector.broadcast %mul3A_3 : i32 to vector<16xi32>
        %add3A_642 = arith.addi %get3A_640, %add3A_641 : vector<16xi32>
        %swap3A_643 = arith.constant 48 : index
        %swap3A_644 = tpu.vector_load %arg9[%swap3A_643] {strides = array<i32>} : memref<64xi32, #tpu.memory_space<vmem>>, vector<16xi32>,
        %swap3A_645 = vector.shape_cast %swap3A_644 : vector<16xi32> to vector<16xi32>
        %swap3A_646 = vector.shape_cast %add3A_642 : vector<16xi32> to vector<16xi32>
        tpu.vector_store %arg9[%swap3A_643], %swap3A_646 {strides = array<i32>} : memref<64xi32, #tpu.memory_space<vmem>>, vector<16xi32>,
        %dma_start3A_647 = arith.constant 0 : i32
        %dma_start3A_648 = arith.constant 0 : i32
        %dma_start3A_649 = tpu.memref_slice %arg2[%dma_start3A_647, %dma_start3A_648] : memref<20480x128xf32, #tpu.memory_space<hbm>> -> memref<20480x128xf32, #tpu.memory_space<hbm>>
        tpu.enqueue_indirect_dma source(%dma_start3A_649 : memref<20480x128xf32, #tpu.memory_space<hbm>>) target(%arg17 : memref<64x128xf32, #tpu.memory_space<vmem>>) offsets(%arg9 : memref<64xi32, #tpu.memory_space<vmem>>) semaphore(%arg22 : memref<!tpu.dma_semaphore, #tpu.memory_space<semaphore_mem>>)
      } else {
      }
      %mul3A_532 = arith.constant 4 : i32
      %mul3A_533 = arith.muli %mul3A_532, %scan3A_327 : i32
      %add3A_534 = arith.constant 3 : i32
      %add3A_535 = arith.addi %mul3A_533, %add3A_534 : i32
      %mul3A_536 = arith.constant 2 : i32
      %mul3A_537 = arith.muli %mul3A_536, %scan3A_327 : i32
      %add3A_538 = arith.constant 1 : i32
      %add3A_539 = arith.addi %mul3A_537, %add3A_538 : i32
      %dma_wait3A_540 = arith.constant 0 : i32
      %dma_wait3A_541 = arith.constant 0 : i32
      %dma_wait3A_542 = tpu.memref_slice %arg2[%dma_wait3A_540, %dma_wait3A_541] : memref<20480x128xf32, #tpu.memory_space<hbm>> -> memref<20480x128xf32, #tpu.memory_space<hbm>>
      tpu.wait_indirect_dma semaphore(%arg24 : memref<!tpu.dma_semaphore, #tpu.memory_space<semaphore_mem>>) src(%dma_wait3A_542 : memref<20480x128xf32, #tpu.memory_space<hbm>>) dst(%arg19 : memref<64x128xf32, #tpu.memory_space<vmem>>)
      %get3A_543 = arith.index_cast %add3A_539 : i32 to index
      %get3A_544 = arith.constant 64 : index
      %get3A_545 = tpu.vector_load %arg7[%get3A_543, %get3A_544] {strides = array<i32>} : memref<40x128xi32, #tpu.memory_space<vmem>>, vector<1x16xi32>,
      %get3A_546 = vector.shape_cast %get3A_545 : vector<1x16xi32> to vector<16xi32>
      %add3A_547 = arith.constant 0 : i32
      %add3A_548 = vector.broadcast %add3A_547 : i32 to vector<16xi32>
      %add3A_549 = arith.addi %get3A_546, %add3A_548 : vector<16xi32>
      %swap3A_550 = arith.constant 0 : index
      %swap3A_551 = tpu.vector_load %arg15[%swap3A_550] {strides = array<i32>} : memref<64xi32, #tpu.memory_space<vmem>>, vector<16xi32>,
      %swap3A_552 = vector.shape_cast %swap3A_551 : vector<16xi32> to vector<16xi32>
      %swap3A_553 = vector.shape_cast %add3A_549 : vector<16xi32> to vector<16xi32>
      tpu.vector_store %arg15[%swap3A_550], %swap3A_553 {strides = array<i32>} : memref<64xi32, #tpu.memory_space<vmem>>, vector<16xi32>,
      %get3A_554 = arith.index_cast %add3A_539 : i32 to index
      %get3A_555 = arith.constant 80 : index
      %get3A_556 = tpu.vector_load %arg7[%get3A_554, %get3A_555] {strides = array<i32>} : memref<40x128xi32, #tpu.memory_space<vmem>>, vector<1x16xi32>,
      %get3A_557 = vector.shape_cast %get3A_556 : vector<1x16xi32> to vector<16xi32>
      %add3A_558 = arith.constant 0 : i32
      %add3A_559 = vector.broadcast %add3A_558 : i32 to vector<16xi32>
      %add3A_560 = arith.addi %get3A_557, %add3A_559 : vector<16xi32>
      %swap3A_561 = arith.constant 16 : index
      %swap3A_562 = tpu.vector_load %arg15[%swap3A_561] {strides = array<i32>} : memref<64xi32, #tpu.memory_space<vmem>>, vector<16xi32>,
      %swap3A_563 = vector.shape_cast %swap3A_562 : vector<16xi32> to vector<16xi32>
      %swap3A_564 = vector.shape_cast %add3A_560 : vector<16xi32> to vector<16xi32>
      tpu.vector_store %arg15[%swap3A_561], %swap3A_564 {strides = array<i32>} : memref<64xi32, #tpu.memory_space<vmem>>, vector<16xi32>,
      %get3A_565 = arith.index_cast %add3A_539 : i32 to index
      %get3A_566 = arith.constant 96 : index
      %get3A_567 = tpu.vector_load %arg7[%get3A_565, %get3A_566] {strides = array<i32>} : memref<40x128xi32, #tpu.memory_space<vmem>>, vector<1x16xi32>,
      %get3A_568 = vector.shape_cast %get3A_567 : vector<1x16xi32> to vector<16xi32>
      %add3A_569 = arith.constant 0 : i32
      %add3A_570 = vector.broadcast %add3A_569 : i32 to vector<16xi32>
      %add3A_571 = arith.addi %get3A_568, %add3A_570 : vector<16xi32>
      %swap3A_572 = arith.constant 32 : index
      %swap3A_573 = tpu.vector_load %arg15[%swap3A_572] {strides = array<i32>} : memref<64xi32, #tpu.memory_space<vmem>>, vector<16xi32>,
      %swap3A_574 = vector.shape_cast %swap3A_573 : vector<16xi32> to vector<16xi32>
      %swap3A_575 = vector.shape_cast %add3A_571 : vector<16xi32> to vector<16xi32>
      tpu.vector_store %arg15[%swap3A_572], %swap3A_575 {strides = array<i32>} : memref<64xi32, #tpu.memory_space<vmem>>, vector<16xi32>,
      %get3A_576 = arith.index_cast %add3A_539 : i32 to index
      %get3A_577 = arith.constant 112 : index
      %get3A_578 = tpu.vector_load %arg7[%get3A_576, %get3A_577] {strides = array<i32>} : memref<40x128xi32, #tpu.memory_space<vmem>>, vector<1x16xi32>,
      %get3A_579 = vector.shape_cast %get3A_578 : vector<1x16xi32> to vector<16xi32>
      %add3A_580 = arith.constant 0 : i32
      %add3A_581 = vector.broadcast %add3A_580 : i32 to vector<16xi32>
      %add3A_582 = arith.addi %get3A_579, %add3A_581 : vector<16xi32>
      %swap3A_583 = arith.constant 48 : index
      %swap3A_584 = tpu.vector_load %arg15[%swap3A_583] {strides = array<i32>} : memref<64xi32, #tpu.memory_space<vmem>>, vector<16xi32>,
      %swap3A_585 = vector.shape_cast %swap3A_584 : vector<16xi32> to vector<16xi32>
      %swap3A_586 = vector.shape_cast %add3A_582 : vector<16xi32> to vector<16xi32>
      tpu.vector_store %arg15[%swap3A_583], %swap3A_586 {strides = array<i32>} : memref<64xi32, #tpu.memory_space<vmem>>, vector<16xi32>,
      %dma_start3A_587 = arith.constant 0 : i32
      %dma_start3A_588 = arith.constant 0 : i32
      %dma_start3A_589 = tpu.memref_slice %arg20[%dma_start3A_587, %dma_start3A_588] : memref<10240x128xf32, #tpu.memory_space<vmem_shared>> -> memref<10240x128xf32, #tpu.memory_space<vmem_shared>>
      tpu.enqueue_indirect_dma source(%arg19 : memref<64x128xf32, #tpu.memory_space<vmem>>) target(%dma_start3A_589 : memref<10240x128xf32, #tpu.memory_space<vmem_shared>>) offsets(%arg15 : memref<64xi32, #tpu.memory_space<vmem>>) semaphore(%arg28 : memref<!tpu.dma_semaphore, #tpu.memory_space<semaphore_mem>>) {add = true}
      %mul3A_590 = arith.constant 2 : i32
      %mul3A_591 = arith.muli %mul3A_590, %scan3A_327 : i32
      %add3A_592 = arith.constant 3 : i32
      %add3A_593 = arith.addi %mul3A_591, %add3A_592 : i32
      %add3A_594 = arith.constant 3 : i32
      %add3A_595 = arith.addi %add3A_535, %add3A_594 : i32
      %lt3A_596 = arith.constant 80 : i32
      %lt3A_597 = arith.cmpi slt, %add3A_595, %lt3A_596 : i32
      %convert_element_type3A_598 = arith.extui %lt3A_597 : i1 to i32
      %cond3A_599 = arith.constant 0 : i32
      %cond3A_600 = arith.cmpi ne, %convert_element_type3A_598, %cond3A_599 : i32
      scf.if %cond3A_600 {
        %add3A_601 = arith.constant 3 : i32
        %add3A_602 = arith.addi %add3A_535, %add3A_601 : i32
        %ge3A = arith.constant 4 : i32
        %ge3A_603 = arith.cmpi sge, %add3A_602, %ge3A : i32
        %convert_element_type3A_604 = arith.extui %ge3A_603 : i1 to i32
        %cond3A_605 = arith.constant 0 : i32
        %cond3A_606 = arith.cmpi ne, %convert_element_type3A_604, %cond3A_605 : i32
        scf.if %cond3A_606 {
          %dma_wait3A_650 = arith.constant 0 : i32
          %dma_wait3A_651 = arith.constant 0 : i32
          %dma_wait3A_652 = tpu.memref_slice %arg20[%dma_wait3A_650, %dma_wait3A_651] : memref<10240x128xf32, #tpu.memory_space<vmem_shared>> -> memref<10240x128xf32, #tpu.memory_space<vmem_shared>>
          tpu.wait_indirect_dma semaphore(%arg27 : memref<!tpu.dma_semaphore, #tpu.memory_space<semaphore_mem>>) src(%arg18 : memref<64x128xf32, #tpu.memory_space<vmem>>) dst(%dma_wait3A_652 : memref<10240x128xf32, #tpu.memory_space<vmem_shared>>)
        } else {
        }
        %get3A_607 = arith.index_cast %add3A_593 : i32 to index
        %get3A_608 = arith.constant 0 : index
        %get3A_609 = tpu.vector_load %arg6[%get3A_607, %get3A_608] {strides = array<i32>} : memref<40x128xi32, #tpu.memory_space<vmem>>, vector<1x16xi32>,
        %get3A_610 = vector.shape_cast %get3A_609 : vector<1x16xi32> to vector<16xi32>
        %add3A_611 = vector.broadcast %mul3A_3 : i32 to vector<16xi32>
        %add3A_612 = arith.addi %get3A_610, %add3A_611 : vector<16xi32>
        %swap3A_613 = arith.constant 0 : index
        %swap3A_614 = tpu.vector_load %arg10[%swap3A_613] {strides = array<i32>} : memref<64xi32, #tpu.memory_space<vmem>>, vector<16xi32>,
        %swap3A_615 = vector.shape_cast %swap3A_614 : vector<16xi32> to vector<16xi32>
        %swap3A_616 = vector.shape_cast %add3A_612 : vector<16xi32> to vector<16xi32>
        tpu.vector_store %arg10[%swap3A_613], %swap3A_616 {strides = array<i32>} : memref<64xi32, #tpu.memory_space<vmem>>, vector<16xi32>,
        %get3A_617 = arith.index_cast %add3A_593 : i32 to index
        %get3A_618 = arith.constant 16 : index
        %get3A_619 = tpu.vector_load %arg6[%get3A_617, %get3A_618] {strides = array<i32>} : memref<40x128xi32, #tpu.memory_space<vmem>>, vector<1x16xi32>,
        %get3A_620 = vector.shape_cast %get3A_619 : vector<1x16xi32> to vector<16xi32>
        %add3A_621 = vector.broadcast %mul3A_3 : i32 to vector<16xi32>
        %add3A_622 = arith.addi %get3A_620, %add3A_621 : vector<16xi32>
        %swap3A_623 = arith.constant 16 : index
        %swap3A_624 = tpu.vector_load %arg10[%swap3A_623] {strides = array<i32>} : memref<64xi32, #tpu.memory_space<vmem>>, vector<16xi32>,
        %swap3A_625 = vector.shape_cast %swap3A_624 : vector<16xi32> to vector<16xi32>
        %swap3A_626 = vector.shape_cast %add3A_622 : vector<16xi32> to vector<16xi32>
        tpu.vector_store %arg10[%swap3A_623], %swap3A_626 {strides = array<i32>} : memref<64xi32, #tpu.memory_space<vmem>>, vector<16xi32>,
        %get3A_627 = arith.index_cast %add3A_593 : i32 to index
        %get3A_628 = arith.constant 32 : index
        %get3A_629 = tpu.vector_load %arg6[%get3A_627, %get3A_628] {strides = array<i32>} : memref<40x128xi32, #tpu.memory_space<vmem>>, vector<1x16xi32>,
        %get3A_630 = vector.shape_cast %get3A_629 : vector<1x16xi32> to vector<16xi32>
        %add3A_631 = vector.broadcast %mul3A_3 : i32 to vector<16xi32>
        %add3A_632 = arith.addi %get3A_630, %add3A_631 : vector<16xi32>
        %swap3A_633 = arith.constant 32 : index
        %swap3A_634 = tpu.vector_load %arg10[%swap3A_633] {strides = array<i32>} : memref<64xi32, #tpu.memory_space<vmem>>, vector<16xi32>,
        %swap3A_635 = vector.shape_cast %swap3A_634 : vector<16xi32> to vector<16xi32>
        %swap3A_636 = vector.shape_cast %add3A_632 : vector<16xi32> to vector<16xi32>
        tpu.vector_store %arg10[%swap3A_633], %swap3A_636 {strides = array<i32>} : memref<64xi32, #tpu.memory_space<vmem>>, vector<16xi32>,
        %get3A_637 = arith.index_cast %add3A_593 : i32 to index
        %get3A_638 = arith.constant 48 : index
        %get3A_639 = tpu.vector_load %arg6[%get3A_637, %get3A_638] {strides = array<i32>} : memref<40x128xi32, #tpu.memory_space<vmem>>, vector<1x16xi32>,
        %get3A_640 = vector.shape_cast %get3A_639 : vector<1x16xi32> to vector<16xi32>
        %add3A_641 = vector.broadcast %mul3A_3 : i32 to vector<16xi32>
        %add3A_642 = arith.addi %get3A_640, %add3A_641 : vector<16xi32>
        %swap3A_643 = arith.constant 48 : index
        %swap3A_644 = tpu.vector_load %arg10[%swap3A_643] {strides = array<i32>} : memref<64xi32, #tpu.memory_space<vmem>>, vector<16xi32>,
        %swap3A_645 = vector.shape_cast %swap3A_644 : vector<16xi32> to vector<16xi32>
        %swap3A_646 = vector.shape_cast %add3A_642 : vector<16xi32> to vector<16xi32>
        tpu.vector_store %arg10[%swap3A_643], %swap3A_646 {strides = array<i32>} : memref<64xi32, #tpu.memory_space<vmem>>, vector<16xi32>,
        %dma_start3A_647 = arith.constant 0 : i32
        %dma_start3A_648 = arith.constant 0 : i32
        %dma_start3A_649 = tpu.memref_slice %arg2[%dma_start3A_647, %dma_start3A_648] : memref<20480x128xf32, #tpu.memory_space<hbm>> -> memref<20480x128xf32, #tpu.memory_space<hbm>>
        tpu.enqueue_indirect_dma source(%dma_start3A_649 : memref<20480x128xf32, #tpu.memory_space<hbm>>) target(%arg18 : memref<64x128xf32, #tpu.memory_space<vmem>>) offsets(%arg10 : memref<64xi32, #tpu.memory_space<vmem>>) semaphore(%arg23 : memref<!tpu.dma_semaphore, #tpu.memory_space<semaphore_mem>>)
      } else {
      }
    }
    %scan3A_313 = arith.constant 20 : i32
    %dma_wait3A_314 = arith.constant 0 : i32
    %dma_wait3A_315 = arith.constant 0 : i32
    %dma_wait3A_316 = tpu.memref_slice %arg20[%dma_wait3A_314, %dma_wait3A_315] : memref<10240x128xf32, #tpu.memory_space<vmem_shared>> -> memref<10240x128xf32, #tpu.memory_space<vmem_shared>>
    tpu.wait_indirect_dma semaphore(%arg25 : memref<!tpu.dma_semaphore, #tpu.memory_space<semaphore_mem>>) src(%arg16 : memref<64x128xf32, #tpu.memory_space<vmem>>) dst(%dma_wait3A_316 : memref<10240x128xf32, #tpu.memory_space<vmem_shared>>)
    %dma_wait3A_317 = arith.constant 0 : i32
    %dma_wait3A_318 = arith.constant 0 : i32
    %dma_wait3A_319 = tpu.memref_slice %arg20[%dma_wait3A_317, %dma_wait3A_318] : memref<10240x128xf32, #tpu.memory_space<vmem_shared>> -> memref<10240x128xf32, #tpu.memory_space<vmem_shared>>
    tpu.wait_indirect_dma semaphore(%arg26 : memref<!tpu.dma_semaphore, #tpu.memory_space<semaphore_mem>>) src(%arg17 : memref<64x128xf32, #tpu.memory_space<vmem>>) dst(%dma_wait3A_319 : memref<10240x128xf32, #tpu.memory_space<vmem_shared>>)
    %dma_wait3A_320 = arith.constant 0 : i32
    %dma_wait3A_321 = arith.constant 0 : i32
    %dma_wait3A_322 = tpu.memref_slice %arg20[%dma_wait3A_320, %dma_wait3A_321] : memref<10240x128xf32, #tpu.memory_space<vmem_shared>> -> memref<10240x128xf32, #tpu.memory_space<vmem_shared>>
    tpu.wait_indirect_dma semaphore(%arg27 : memref<!tpu.dma_semaphore, #tpu.memory_space<semaphore_mem>>) src(%arg18 : memref<64x128xf32, #tpu.memory_space<vmem>>) dst(%dma_wait3A_322 : memref<10240x128xf32, #tpu.memory_space<vmem_shared>>)
    %dma_wait3A_323 = arith.constant 0 : i32
    %dma_wait3A_324 = arith.constant 0 : i32
    %dma_wait3A_325 = tpu.memref_slice %arg20[%dma_wait3A_323, %dma_wait3A_324] : memref<10240x128xf32, #tpu.memory_space<vmem_shared>> -> memref<10240x128xf32, #tpu.memory_space<vmem_shared>>
    tpu.wait_indirect_dma semaphore(%arg28 : memref<!tpu.dma_semaphore, #tpu.memory_space<semaphore_mem>>) src(%arg19 : memref<64x128xf32, #tpu.memory_space<vmem>>) dst(%dma_wait3A_325 : memref<10240x128xf32, #tpu.memory_space<vmem_shared>>)
    %barrier3A_326 = arith.constant 0 : index
    tpu.barrier barrier_id(%barrier3A_326)
    "tpu.region"() ({
      %run_scoped3A = tpu.sem_alloc : memref<!tpu.dma_semaphore, #tpu.memory_space<semaphore_mem>>
      %dma_start3A_327 = arith.constant 0 : i32
      %dma_start3A_328 = tpu.memref_slice %arg5[%add3A_1, %mul3A_0, %dma_start3A_327] : memref<2x10240x128xf32, #tpu.memory_space<hbm>> -> memref<1x640x128xf32, #tpu.memory_space<hbm>>
      %dma_start3A_329 = tpu.memref_squeeze %dma_start3A_328 : memref<1x640x128xf32, #tpu.memory_space<hbm>> -> memref<640x128xf32, #tpu.memory_space<hbm>>
      %dma_start3A_330 = arith.constant 0 : i32
      %dma_start3A_331 = tpu.memref_slice %arg20[%mul3A_0, %dma_start3A_330] : memref<10240x128xf32, #tpu.memory_space<vmem_shared>> -> memref<640x128xf32, #tpu.memory_space<vmem_shared>>
      tpu.enqueue_dma source(%dma_start3A_331 : memref<640x128xf32, #tpu.memory_space<vmem_shared>>) target(%dma_start3A_329 : memref<640x128xf32, #tpu.memory_space<hbm>>) target_semaphore(%run_scoped3A : memref<!tpu.dma_semaphore, #tpu.memory_space<semaphore_mem>>)
      %dma_wait3A_332 = arith.constant 0 : i32
      %dma_wait3A_333 = tpu.memref_slice %arg5[%add3A_1, %mul3A_0, %dma_wait3A_332] : memref<2x10240x128xf32, #tpu.memory_space<hbm>> -> memref<1x640x128xf32, #tpu.memory_space<hbm>>
      %dma_wait3A_334 = tpu.memref_squeeze %dma_wait3A_333 : memref<1x640x128xf32, #tpu.memory_space<hbm>> -> memref<640x128xf32, #tpu.memory_space<hbm>>
      %dma_wait3A_335 = arith.constant 0 : i32
      %dma_wait3A_336 = tpu.memref_slice %arg20[%mul3A_0, %dma_wait3A_335] : memref<10240x128xf32, #tpu.memory_space<vmem_shared>> -> memref<640x128xf32, #tpu.memory_space<vmem_shared>>
      tpu.wait_dma2 semaphore(%run_scoped3A : memref<!tpu.dma_semaphore, #tpu.memory_space<semaphore_mem>>) src(%dma_wait3A_336 : memref<640x128xf32, #tpu.memory_space<vmem_shared>>) dst(%dma_wait3A_334 : memref<640x128xf32, #tpu.memory_space<hbm>>)
      tpu.yield
    }) : () -> ()
    return
  }
}

module attributes {stable_mosaic.version = 14 : i64} {
  func.func @_prep_body(%arg0: i32, %arg1: memref<2x1024x128xf32, #tpu.memory_space<vmem>>, %arg2: memref<1024x256xf32, #tpu.memory_space<vmem>>, %arg3: memref<2x1024x128xf32, #tpu.memory_space<vmem>>, %arg4: memref<1024x1xf32, #tpu.memory_space<vmem>>) attributes {dimension_semantics = [#tpu.dimension_semantics<arbitrary>], iteration_bounds = array<i64: 10>, scalar_prefetch = 0 : i64, scratch_operands = 0 : i64, tpu.core_type = #tpu.core_type<tc>, window_params = [{transform_indices = @transform_0, window_bounds = array<i64: 2, 1024, 128>}, {transform_indices = @transform_1, window_bounds = array<i64: 1024, 256>}, {transform_indices = @transform_2, window_bounds = array<i64: 2, 1024, 128>}, {transform_indices = @transform_3, window_bounds = array<i64: 1024, 1>}]} {
    %get3A = arith.constant 0 : index
    %get3A_0 = arith.constant 0 : index
    %get3A_1 = arith.constant 0 : index
    %get3A_2 = vector.load %arg1[%get3A, %get3A_0, %get3A_1] : memref<2x1024x128xf32, #tpu.memory_space<vmem>>, vector<1x1024x1xf32>
    %get3A_3 = vector.shape_cast %get3A_2 : vector<1x1024x1xf32> to vector<1024x1xf32>
    %add3A = arith.constant 1.000000e+00 : f32
    %add3A_4 = vector.broadcast %add3A : f32 to vector<1024x1xf32>
    %add3A_5 = arith.addf %add3A_4, %get3A_3 : vector<1024x1xf32>
    %get3A_6 = arith.constant 1 : index
    %get3A_7 = arith.constant 0 : index
    %get3A_8 = arith.constant 0 : index
    %get3A_9 = vector.load %arg1[%get3A_6, %get3A_7, %get3A_8] : memref<2x1024x128xf32, #tpu.memory_space<vmem>>, vector<1x1024x1xf32>
    %get3A_10 = vector.shape_cast %get3A_9 : vector<1x1024x1xf32> to vector<1024x1xf32>
    %add3A_11 = arith.addf %add3A_5, %get3A_10 : vector<1024x1xf32>
    %rsqrt3A = math.rsqrt %add3A_11 : vector<1024x1xf32>
    %swap3A = arith.constant 0 : index
    %swap3A_12 = arith.constant 0 : index
    %swap3A_13 = vector.load %arg4[%swap3A, %swap3A_12] : memref<1024x1xf32, #tpu.memory_space<vmem>>, vector<1024x1xf32>
    tpu.vector_store %arg4[%swap3A, %swap3A_12], %rsqrt3A {strides = array<i32>} : memref<1024x1xf32, #tpu.memory_space<vmem>>, vector<1024x1xf32>,
    %get3A_14 = arith.constant 0 : index
    %get3A_15 = arith.constant 0 : index
    %get3A_16 = vector.load %arg2[%get3A_14, %get3A_15] : memref<1024x256xf32, #tpu.memory_space<vmem>>, vector<1024x256xf32>
    %mul3A = vector.broadcast %rsqrt3A : vector<1024x1xf32> to vector<1024x256xf32>
    %mul3A_17 = arith.mulf %mul3A, %get3A_16 : vector<1024x256xf32>
    %slice3A = vector.extract_strided_slice %mul3A_17 {offsets = [0, 0], sizes = [1024, 128], strides = [1, 1]} : vector<1024x256xf32> to vector<1024x128xf32>
    %swap3A_18 = arith.constant 0 : index
    %swap3A_19 = arith.constant 0 : index
    %swap3A_20 = arith.constant 0 : index
    %swap3A_21 = vector.load %arg3[%swap3A_18, %swap3A_19, %swap3A_20] : memref<2x1024x128xf32, #tpu.memory_space<vmem>>, vector<1x1024x128xf32>
    %swap3A_22 = vector.shape_cast %swap3A_21 : vector<1x1024x128xf32> to vector<1024x128xf32>
    %swap3A_23 = vector.shape_cast %slice3A : vector<1024x128xf32> to vector<1x1024x128xf32>
    tpu.vector_store %arg3[%swap3A_18, %swap3A_19, %swap3A_20], %swap3A_23 {strides = array<i32>} : memref<2x1024x128xf32, #tpu.memory_space<vmem>>, vector<1x1024x128xf32>,
    %slice3A_24 = vector.extract_strided_slice %mul3A_17 {offsets = [0, 128], sizes = [1024, 128], strides = [1, 1]} : vector<1024x256xf32> to vector<1024x128xf32>
    %swap3A_25 = arith.constant 1 : index
    %swap3A_26 = arith.constant 0 : index
    %swap3A_27 = arith.constant 0 : index
    %swap3A_28 = vector.load %arg3[%swap3A_25, %swap3A_26, %swap3A_27] : memref<2x1024x128xf32, #tpu.memory_space<vmem>>, vector<1x1024x128xf32>
    %swap3A_29 = vector.shape_cast %swap3A_28 : vector<1x1024x128xf32> to vector<1024x128xf32>
    %swap3A_30 = vector.shape_cast %slice3A_24 : vector<1024x128xf32> to vector<1x1024x128xf32>
    tpu.vector_store %arg3[%swap3A_25, %swap3A_26, %swap3A_27], %swap3A_30 {strides = array<i32>} : memref<2x1024x128xf32, #tpu.memory_space<vmem>>, vector<1x1024x128xf32>,
    return
  }
  func.func @transform_0(%arg0: i32) -> (i32, i32, i32) {
    %c0_i32 = arith.constant 0 : i32
    %c0_i32_0 = arith.constant 0 : i32
    %c0_i32_1 = arith.constant 0 : i32
    return %c0_i32, %arg0, %c0_i32_0 : i32, i32, i32
  }
  func.func @transform_1(%arg0: i32) -> (i32, i32) {
    %c0_i32 = arith.constant 0 : i32
    %c0_i32_0 = arith.constant 0 : i32
    return %arg0, %c0_i32 : i32, i32
  }
  func.func @transform_2(%arg0: i32) -> (i32, i32, i32) {
    %c0_i32 = arith.constant 0 : i32
    %c0_i32_0 = arith.constant 0 : i32
    %c0_i32_1 = arith.constant 0 : i32
    return %c0_i32, %arg0, %c0_i32_0 : i32, i32, i32
  }
  func.func @transform_3(%arg0: i32) -> (i32, i32) {
    %c0_i32 = arith.constant 0 : i32
    %c0_i32_0 = arith.constant 0 : i32
    return %arg0, %c0_i32 : i32, i32
  }
}

module attributes {stable_mosaic.version = 14 : i64} {
  func.func @_wts_body(%arg0: memref<512x256xf32, #tpu.memory_space<vmem>>, %arg1: memref<512x256xf32, #tpu.memory_space<vmem>>, %arg2: memref<256x128xf32, #tpu.memory_space<vmem>>, %arg3: memref<256x16xf32, #tpu.memory_space<vmem>>, %arg4: memref<1x256xf32, #tpu.memory_space<vmem>>, %arg5: memref<1x256xf32, #tpu.memory_space<vmem>>, %arg6: memref<512x128xf32, #tpu.memory_space<vmem>>, %arg7: memref<512x128xf32, #tpu.memory_space<vmem>>, %arg8: memref<512x16xf32, #tpu.memory_space<vmem>>, %arg9: memref<512x16xf32, #tpu.memory_space<vmem>>, %arg10: memref<1x128xf32, #tpu.memory_space<vmem>>, %arg11: memref<1x128xf32, #tpu.memory_space<vmem>>, %arg12: memref<1x16xf32, #tpu.memory_space<vmem>>, %arg13: memref<1x16xf32, #tpu.memory_space<vmem>>) attributes {dimension_semantics = [], scalar_prefetch = 0 : i64, scratch_operands = 0 : i64, tpu.core_type = #tpu.core_type<tc>} {
    %get3A = arith.constant 0 : index
    %get3A_0 = arith.constant 0 : index
    %get3A_1 = vector.load %arg0[%get3A, %get3A_0] : memref<512x256xf32, #tpu.memory_space<vmem>>, vector<512x256xf32>
    %get3A_2 = arith.constant 0 : index
    %get3A_3 = arith.constant 0 : index
    %get3A_4 = vector.load %arg2[%get3A_2, %get3A_3] : memref<256x128xf32, #tpu.memory_space<vmem>>, vector<256x128xf32>
    %dot_general3A = arith.constant dense<0.000000e+00> : vector<512x128xf32>
    %dot_general3A_5 = tpu.matmul %get3A_1, %get3A_4, %dot_general3A {dimension_numbers = #tpu.dot_dimension_numbers<[1], [0], [0], [1], [0, 0, 1, 1], [], []>, transpose_lhs_hint = false} : vector<512x256xf32>, vector<256x128xf32>, vector<512x128xf32> -> vector<512x128xf32>
    %swap3A = arith.constant 0 : index
    %swap3A_6 = arith.constant 0 : index
    %swap3A_7 = vector.load %arg6[%swap3A, %swap3A_6] : memref<512x128xf32, #tpu.memory_space<vmem>>, vector<512x128xf32>
    tpu.vector_store %arg6[%swap3A, %swap3A_6], %dot_general3A_5 {strides = array<i32>} : memref<512x128xf32, #tpu.memory_space<vmem>>, vector<512x128xf32>,
    %get3A_8 = arith.constant 0 : index
    %get3A_9 = arith.constant 0 : index
    %get3A_10 = vector.load %arg1[%get3A_8, %get3A_9] : memref<512x256xf32, #tpu.memory_space<vmem>>, vector<512x256xf32>
    %get3A_11 = arith.constant 0 : index
    %get3A_12 = arith.constant 0 : index
    %get3A_13 = vector.load %arg2[%get3A_11, %get3A_12] : memref<256x128xf32, #tpu.memory_space<vmem>>, vector<256x128xf32>
    %dot_general3A_14 = arith.constant dense<0.000000e+00> : vector<512x128xf32>
    %dot_general3A_15 = tpu.matmul %get3A_10, %get3A_13, %dot_general3A_14 {dimension_numbers = #tpu.dot_dimension_numbers<[1], [0], [0], [1], [0, 0, 1, 1], [], []>, transpose_lhs_hint = false} : vector<512x256xf32>, vector<256x128xf32>, vector<512x128xf32> -> vector<512x128xf32>
    %swap3A_16 = arith.constant 0 : index
    %swap3A_17 = arith.constant 0 : index
    %swap3A_18 = vector.load %arg7[%swap3A_16, %swap3A_17] : memref<512x128xf32, #tpu.memory_space<vmem>>, vector<512x128xf32>
    tpu.vector_store %arg7[%swap3A_16, %swap3A_17], %dot_general3A_15 {strides = array<i32>} : memref<512x128xf32, #tpu.memory_space<vmem>>, vector<512x128xf32>,
    %get3A_19 = arith.constant 0 : index
    %get3A_20 = arith.constant 0 : index
    %get3A_21 = vector.load %arg0[%get3A_19, %get3A_20] : memref<512x256xf32, #tpu.memory_space<vmem>>, vector<512x256xf32>
    %get3A_22 = arith.constant 0 : index
    %get3A_23 = arith.constant 0 : index
    %get3A_24 = vector.load %arg3[%get3A_22, %get3A_23] : memref<256x16xf32, #tpu.memory_space<vmem>>, vector<256x16xf32>
    %dot_general3A_25 = arith.constant dense<0.000000e+00> : vector<512x16xf32>
    %dot_general3A_26 = tpu.matmul %get3A_21, %get3A_24, %dot_general3A_25 {dimension_numbers = #tpu.dot_dimension_numbers<[1], [0], [0], [1], [0, 0, 1, 1], [], []>, transpose_lhs_hint = false} : vector<512x256xf32>, vector<256x16xf32>, vector<512x16xf32> -> vector<512x16xf32>
    %swap3A_27 = arith.constant 0 : index
    %swap3A_28 = arith.constant 0 : index
    %swap3A_29 = vector.load %arg8[%swap3A_27, %swap3A_28] : memref<512x16xf32, #tpu.memory_space<vmem>>, vector<512x16xf32>
    tpu.vector_store %arg8[%swap3A_27, %swap3A_28], %dot_general3A_26 {strides = array<i32>} : memref<512x16xf32, #tpu.memory_space<vmem>>, vector<512x16xf32>,
    %get3A_30 = arith.constant 0 : index
    %get3A_31 = arith.constant 0 : index
    %get3A_32 = vector.load %arg1[%get3A_30, %get3A_31] : memref<512x256xf32, #tpu.memory_space<vmem>>, vector<512x256xf32>
    %get3A_33 = arith.constant 0 : index
    %get3A_34 = arith.constant 0 : index
    %get3A_35 = vector.load %arg3[%get3A_33, %get3A_34] : memref<256x16xf32, #tpu.memory_space<vmem>>, vector<256x16xf32>
    %dot_general3A_36 = arith.constant dense<0.000000e+00> : vector<512x16xf32>
    %dot_general3A_37 = tpu.matmul %get3A_32, %get3A_35, %dot_general3A_36 {dimension_numbers = #tpu.dot_dimension_numbers<[1], [0], [0], [1], [0, 0, 1, 1], [], []>, transpose_lhs_hint = false} : vector<512x256xf32>, vector<256x16xf32>, vector<512x16xf32> -> vector<512x16xf32>
    %swap3A_38 = arith.constant 0 : index
    %swap3A_39 = arith.constant 0 : index
    %swap3A_40 = vector.load %arg9[%swap3A_38, %swap3A_39] : memref<512x16xf32, #tpu.memory_space<vmem>>, vector<512x16xf32>
    tpu.vector_store %arg9[%swap3A_38, %swap3A_39], %dot_general3A_37 {strides = array<i32>} : memref<512x16xf32, #tpu.memory_space<vmem>>, vector<512x16xf32>,
    %get3A_41 = arith.constant 0 : index
    %get3A_42 = arith.constant 0 : index
    %get3A_43 = vector.load %arg4[%get3A_41, %get3A_42] : memref<1x256xf32, #tpu.memory_space<vmem>>, vector<1x256xf32>
    %get3A_44 = arith.constant 0 : index
    %get3A_45 = arith.constant 0 : index
    %get3A_46 = vector.load %arg2[%get3A_44, %get3A_45] : memref<256x128xf32, #tpu.memory_space<vmem>>, vector<256x128xf32>
    %dot_general3A_47 = arith.constant dense<0.000000e+00> : vector<1x128xf32>
    %dot_general3A_48 = tpu.matmul %get3A_43, %get3A_46, %dot_general3A_47 {dimension_numbers = #tpu.dot_dimension_numbers<[1], [0], [0], [1], [0, 0, 1, 1], [], []>, transpose_lhs_hint = false} : vector<1x256xf32>, vector<256x128xf32>, vector<1x128xf32> -> vector<1x128xf32>
    %swap3A_49 = arith.constant 0 : index
    %swap3A_50 = arith.constant 0 : index
    %swap3A_51 = vector.load %arg10[%swap3A_49, %swap3A_50] : memref<1x128xf32, #tpu.memory_space<vmem>>, vector<1x128xf32>
    tpu.vector_store %arg10[%swap3A_49, %swap3A_50], %dot_general3A_48 {strides = array<i32>} : memref<1x128xf32, #tpu.memory_space<vmem>>, vector<1x128xf32>,
    %get3A_52 = arith.constant 0 : index
    %get3A_53 = arith.constant 0 : index
    %get3A_54 = vector.load %arg5[%get3A_52, %get3A_53] : memref<1x256xf32, #tpu.memory_space<vmem>>, vector<1x256xf32>
    %get3A_55 = arith.constant 0 : index
    %get3A_56 = arith.constant 0 : index
    %get3A_57 = vector.load %arg2[%get3A_55, %get3A_56] : memref<256x128xf32, #tpu.memory_space<vmem>>, vector<256x128xf32>
    %dot_general3A_58 = arith.constant dense<0.000000e+00> : vector<1x128xf32>
    %dot_general3A_59 = tpu.matmul %get3A_54, %get3A_57, %dot_general3A_58 {dimension_numbers = #tpu.dot_dimension_numbers<[1], [0], [0], [1], [0, 0, 1, 1], [], []>, transpose_lhs_hint = false} : vector<1x256xf32>, vector<256x128xf32>, vector<1x128xf32> -> vector<1x128xf32>
    %swap3A_60 = arith.constant 0 : index
    %swap3A_61 = arith.constant 0 : index
    %swap3A_62 = vector.load %arg11[%swap3A_60, %swap3A_61] : memref<1x128xf32, #tpu.memory_space<vmem>>, vector<1x128xf32>
    tpu.vector_store %arg11[%swap3A_60, %swap3A_61], %dot_general3A_59 {strides = array<i32>} : memref<1x128xf32, #tpu.memory_space<vmem>>, vector<1x128xf32>,
    %get3A_63 = arith.constant 0 : index
    %get3A_64 = arith.constant 0 : index
    %get3A_65 = vector.load %arg4[%get3A_63, %get3A_64] : memref<1x256xf32, #tpu.memory_space<vmem>>, vector<1x256xf32>
    %get3A_66 = arith.constant 0 : index
    %get3A_67 = arith.constant 0 : index
    %get3A_68 = vector.load %arg3[%get3A_66, %get3A_67] : memref<256x16xf32, #tpu.memory_space<vmem>>, vector<256x16xf32>
    %dot_general3A_69 = arith.constant dense<0.000000e+00> : vector<1x16xf32>
    %dot_general3A_70 = tpu.matmul %get3A_65, %get3A_68, %dot_general3A_69 {dimension_numbers = #tpu.dot_dimension_numbers<[1], [0], [0], [1], [0, 0, 1, 1], [], []>, transpose_lhs_hint = false} : vector<1x256xf32>, vector<256x16xf32>, vector<1x16xf32> -> vector<1x16xf32>
    %swap3A_71 = arith.constant 0 : index
    %swap3A_72 = arith.constant 0 : index
    %swap3A_73 = vector.load %arg12[%swap3A_71, %swap3A_72] : memref<1x16xf32, #tpu.memory_space<vmem>>, vector<1x16xf32>
    tpu.vector_store %arg12[%swap3A_71, %swap3A_72], %dot_general3A_70 {strides = array<i32>} : memref<1x16xf32, #tpu.memory_space<vmem>>, vector<1x16xf32>,
    %get3A_74 = arith.constant 0 : index
    %get3A_75 = arith.constant 0 : index
    %get3A_76 = vector.load %arg5[%get3A_74, %get3A_75] : memref<1x256xf32, #tpu.memory_space<vmem>>, vector<1x256xf32>
    %get3A_77 = arith.constant 0 : index
    %get3A_78 = arith.constant 0 : index
    %get3A_79 = vector.load %arg3[%get3A_77, %get3A_78] : memref<256x16xf32, #tpu.memory_space<vmem>>, vector<256x16xf32>
    %dot_general3A_80 = arith.constant dense<0.000000e+00> : vector<1x16xf32>
    %dot_general3A_81 = tpu.matmul %get3A_76, %get3A_79, %dot_general3A_80 {dimension_numbers = #tpu.dot_dimension_numbers<[1], [0], [0], [1], [0, 0, 1, 1], [], []>, transpose_lhs_hint = false} : vector<1x256xf32>, vector<256x16xf32>, vector<1x16xf32> -> vector<1x16xf32>
    %swap3A_82 = arith.constant 0 : index
    %swap3A_83 = arith.constant 0 : index
    %swap3A_84 = vector.load %arg13[%swap3A_82, %swap3A_83] : memref<1x16xf32, #tpu.memory_space<vmem>>, vector<1x16xf32>
    tpu.vector_store %arg13[%swap3A_82, %swap3A_83], %dot_general3A_81 {strides = array<i32>} : memref<1x16xf32, #tpu.memory_space<vmem>>, vector<1x16xf32>,
    return
  }
}

module attributes {stable_mosaic.version = 14 : i64} {
  func.func @_mid_body(%arg0: i32, %arg1: memref<2x1024x128xf32, #tpu.memory_space<vmem>>, %arg2: memref<1024x1xf32, #tpu.memory_space<vmem>>, %arg3: memref<256x512xf32, #tpu.memory_space<vmem>>, %arg4: memref<1x512xf32, #tpu.memory_space<vmem>>, %arg5: memref<256x512xf32, #tpu.memory_space<vmem>>, %arg6: memref<1x512xf32, #tpu.memory_space<vmem>>, %arg7: memref<512x128xf32, #tpu.memory_space<vmem>>, %arg8: memref<512x128xf32, #tpu.memory_space<vmem>>, %arg9: memref<512x16xf32, #tpu.memory_space<vmem>>, %arg10: memref<512x16xf32, #tpu.memory_space<vmem>>, %arg11: memref<4x1024x128xf32, #tpu.memory_space<vmem>>) attributes {dimension_semantics = [#tpu.dimension_semantics<arbitrary>], iteration_bounds = array<i64: 10>, scalar_prefetch = 0 : i64, scratch_operands = 0 : i64, tpu.core_type = #tpu.core_type<tc>, window_params = [{transform_indices = @transform_0, window_bounds = array<i64: 2, 1024, 128>}, {transform_indices = @transform_1, window_bounds = array<i64: 1024, 1>}, {pipeline_mode = #tpu.pipeline_mode<synchronous>, transform_indices = @transform_2, window_bounds = array<i64: 256, 512>}, {pipeline_mode = #tpu.pipeline_mode<synchronous>, transform_indices = @transform_3, window_bounds = array<i64: 1, 512>}, {pipeline_mode = #tpu.pipeline_mode<synchronous>, transform_indices = @transform_4, window_bounds = array<i64: 256, 512>}, {pipeline_mode = #tpu.pipeline_mode<synchronous>, transform_indices = @transform_5, window_bounds = array<i64: 1, 512>}, {pipeline_mode = #tpu.pipeline_mode<synchronous>, transform_indices = @transform_6, window_bounds = array<i64: 512, 128>}, {pipeline_mode = #tpu.pipeline_mode<synchronous>, transform_indices = @transform_7, window_bounds = array<i64: 512, 128>}, {pipeline_mode = #tpu.pipeline_mode<synchronous>, transform_indices = @transform_8, window_bounds = array<i64: 512, 16>}, {pipeline_mode = #tpu.pipeline_mode<synchronous>, transform_indices = @transform_9, window_bounds = array<i64: 512, 16>}, {transform_indices = @transform_10, window_bounds = array<i64: 4, 1024, 128>}]} {
    %get3A = arith.constant 0 : index
    %get3A_0 = arith.constant 0 : index
    %get3A_1 = vector.load %arg2[%get3A, %get3A_0] : memref<1024x1xf32, #tpu.memory_space<vmem>>, vector<1024x1xf32>
    %get3A_2 = arith.constant 0 : index
    %get3A_3 = arith.constant 0 : index
    %get3A_4 = arith.constant 0 : index
    %get3A_5 = vector.load %arg1[%get3A_2, %get3A_3, %get3A_4] : memref<2x1024x128xf32, #tpu.memory_space<vmem>>, vector<1x1024x128xf32>
    %get3A_6 = vector.shape_cast %get3A_5 : vector<1x1024x128xf32> to vector<1024x128xf32>
    %get3A_7 = arith.constant 1 : index
    %get3A_8 = arith.constant 0 : index
    %get3A_9 = arith.constant 0 : index
    %get3A_10 = vector.load %arg1[%get3A_7, %get3A_8, %get3A_9] : memref<2x1024x128xf32, #tpu.memory_space<vmem>>, vector<1x1024x128xf32>
    %get3A_11 = vector.shape_cast %get3A_10 : vector<1x1024x128xf32> to vector<1024x128xf32>
    %concatenate3A = tpu.concatenate %get3A_6, %get3A_11 in 1 : vector<1024x128xf32>, vector<1024x128xf32> -> vector<1024x256xf32>
    %mul3A = vector.broadcast %get3A_1 : vector<1024x1xf32> to vector<1024x256xf32>
    %mul3A_12 = arith.mulf %mul3A, %concatenate3A : vector<1024x256xf32>
    %get3A_13 = arith.constant 0 : index
    %get3A_14 = arith.constant 0 : index
    %get3A_15 = vector.load %arg3[%get3A_13, %get3A_14] : memref<256x512xf32, #tpu.memory_space<vmem>>, vector<256x512xf32>
    %dot_general3A = arith.constant dense<0.000000e+00> : vector<1024x512xf32>
    %dot_general3A_16 = tpu.matmul %mul3A_12, %get3A_15, %dot_general3A {dimension_numbers = #tpu.dot_dimension_numbers<[1], [0], [0], [1], [0, 0, 1, 1], [], []>, transpose_lhs_hint = false} : vector<1024x256xf32>, vector<256x512xf32>, vector<1024x512xf32> -> vector<1024x512xf32>
    %get3A_17 = arith.constant 0 : index
    %get3A_18 = arith.constant 0 : index
    %get3A_19 = vector.load %arg4[%get3A_17, %get3A_18] : memref<1x512xf32, #tpu.memory_space<vmem>>, vector<1x512xf32>
    %add3A = vector.broadcast %get3A_19 : vector<1x512xf32> to vector<1024x512xf32>
    %add3A_20 = arith.addf %dot_general3A_16, %add3A : vector<1024x512xf32>
    %max3A = arith.constant 0.000000e+00 : f32
    %max3A_21 = vector.broadcast %max3A : f32 to vector<1024x512xf32>
    %max3A_22 = arith.maximumf %add3A_20, %max3A_21 : vector<1024x512xf32>
    %get3A_23 = arith.constant 0 : index
    %get3A_24 = arith.constant 0 : index
    %get3A_25 = vector.load %arg5[%get3A_23, %get3A_24] : memref<256x512xf32, #tpu.memory_space<vmem>>, vector<256x512xf32>
    %dot_general3A_26 = arith.constant dense<0.000000e+00> : vector<1024x512xf32>
    %dot_general3A_27 = tpu.matmul %mul3A_12, %get3A_25, %dot_general3A_26 {dimension_numbers = #tpu.dot_dimension_numbers<[1], [0], [0], [1], [0, 0, 1, 1], [], []>, transpose_lhs_hint = false} : vector<1024x256xf32>, vector<256x512xf32>, vector<1024x512xf32> -> vector<1024x512xf32>
    %get3A_28 = arith.constant 0 : index
    %get3A_29 = arith.constant 0 : index
    %get3A_30 = vector.load %arg6[%get3A_28, %get3A_29] : memref<1x512xf32, #tpu.memory_space<vmem>>, vector<1x512xf32>
    %add3A_31 = vector.broadcast %get3A_30 : vector<1x512xf32> to vector<1024x512xf32>
    %add3A_32 = arith.addf %dot_general3A_27, %add3A_31 : vector<1024x512xf32>
    %max3A_33 = arith.constant 0.000000e+00 : f32
    %max3A_34 = vector.broadcast %max3A_33 : f32 to vector<1024x512xf32>
    %max3A_35 = arith.maximumf %add3A_32, %max3A_34 : vector<1024x512xf32>
    %get3A_36 = arith.constant 0 : index
    %get3A_37 = arith.constant 0 : index
    %get3A_38 = vector.load %arg7[%get3A_36, %get3A_37] : memref<512x128xf32, #tpu.memory_space<vmem>>, vector<512x128xf32>
    %dot_general3A_39 = arith.constant dense<0.000000e+00> : vector<1024x128xf32>
    %dot_general3A_40 = tpu.matmul %max3A_22, %get3A_38, %dot_general3A_39 {dimension_numbers = #tpu.dot_dimension_numbers<[1], [0], [0], [1], [0, 0, 1, 1], [], []>, transpose_lhs_hint = false} : vector<1024x512xf32>, vector<512x128xf32>, vector<1024x128xf32> -> vector<1024x128xf32>
    %mul3A_41 = vector.broadcast %get3A_1 : vector<1024x1xf32> to vector<1024x128xf32>
    %mul3A_42 = arith.mulf %mul3A_41, %dot_general3A_40 : vector<1024x128xf32>
    %swap3A = arith.constant 0 : index
    %swap3A_43 = arith.constant 0 : index
    %swap3A_44 = arith.constant 0 : index
    %swap3A_45 = vector.load %arg11[%swap3A, %swap3A_43, %swap3A_44] : memref<4x1024x128xf32, #tpu.memory_space<vmem>>, vector<1x1024x128xf32>
    %swap3A_46 = vector.shape_cast %swap3A_45 : vector<1x1024x128xf32> to vector<1024x128xf32>
    %swap3A_47 = vector.shape_cast %mul3A_42 : vector<1024x128xf32> to vector<1x1024x128xf32>
    tpu.vector_store %arg11[%swap3A, %swap3A_43, %swap3A_44], %swap3A_47 {strides = array<i32>} : memref<4x1024x128xf32, #tpu.memory_space<vmem>>, vector<1x1024x128xf32>,
    %get3A_48 = arith.constant 0 : index
    %get3A_49 = arith.constant 0 : index
    %get3A_50 = vector.load %arg8[%get3A_48, %get3A_49] : memref<512x128xf32, #tpu.memory_space<vmem>>, vector<512x128xf32>
    %dot_general3A_51 = arith.constant dense<0.000000e+00> : vector<1024x128xf32>
    %dot_general3A_52 = tpu.matmul %max3A_35, %get3A_50, %dot_general3A_51 {dimension_numbers = #tpu.dot_dimension_numbers<[1], [0], [0], [1], [0, 0, 1, 1], [], []>, transpose_lhs_hint = false} : vector<1024x512xf32>, vector<512x128xf32>, vector<1024x128xf32> -> vector<1024x128xf32>
    %mul3A_53 = vector.broadcast %get3A_1 : vector<1024x1xf32> to vector<1024x128xf32>
    %mul3A_54 = arith.mulf %mul3A_53, %dot_general3A_52 : vector<1024x128xf32>
    %swap3A_55 = arith.constant 1 : index
    %swap3A_56 = arith.constant 0 : index
    %swap3A_57 = arith.constant 0 : index
    %swap3A_58 = vector.load %arg11[%swap3A_55, %swap3A_56, %swap3A_57] : memref<4x1024x128xf32, #tpu.memory_space<vmem>>, vector<1x1024x128xf32>
    %swap3A_59 = vector.shape_cast %swap3A_58 : vector<1x1024x128xf32> to vector<1024x128xf32>
    %swap3A_60 = vector.shape_cast %mul3A_54 : vector<1024x128xf32> to vector<1x1024x128xf32>
    tpu.vector_store %arg11[%swap3A_55, %swap3A_56, %swap3A_57], %swap3A_60 {strides = array<i32>} : memref<4x1024x128xf32, #tpu.memory_space<vmem>>, vector<1x1024x128xf32>,
    %get3A_61 = arith.constant 0 : index
    %get3A_62 = arith.constant 0 : index
    %get3A_63 = vector.load %arg9[%get3A_61, %get3A_62] : memref<512x16xf32, #tpu.memory_space<vmem>>, vector<512x16xf32>
    %dot_general3A_64 = arith.constant dense<0.000000e+00> : vector<1024x16xf32>
    %dot_general3A_65 = tpu.matmul %max3A_22, %get3A_63, %dot_general3A_64 {dimension_numbers = #tpu.dot_dimension_numbers<[1], [0], [0], [1], [0, 0, 1, 1], [], []>, transpose_lhs_hint = false} : vector<1024x512xf32>, vector<512x16xf32>, vector<1024x16xf32> -> vector<1024x16xf32>
    %mul3A_66 = vector.broadcast %get3A_1 : vector<1024x1xf32> to vector<1024x16xf32>
    %mul3A_67 = arith.mulf %mul3A_66, %dot_general3A_65 : vector<1024x16xf32>
    %get3A_68 = arith.constant 0 : index
    %get3A_69 = arith.constant 0 : index
    %get3A_70 = vector.load %arg10[%get3A_68, %get3A_69] : memref<512x16xf32, #tpu.memory_space<vmem>>, vector<512x16xf32>
    %dot_general3A_71 = arith.constant dense<0.000000e+00> : vector<1024x16xf32>
    %dot_general3A_72 = tpu.matmul %max3A_35, %get3A_70, %dot_general3A_71 {dimension_numbers = #tpu.dot_dimension_numbers<[1], [0], [0], [1], [0, 0, 1, 1], [], []>, transpose_lhs_hint = false} : vector<1024x512xf32>, vector<512x16xf32>, vector<1024x16xf32> -> vector<1024x16xf32>
    %mul3A_73 = vector.broadcast %get3A_1 : vector<1024x1xf32> to vector<1024x16xf32>
    %mul3A_74 = arith.mulf %mul3A_73, %dot_general3A_72 : vector<1024x16xf32>
    %broadcast_in_dim3A = arith.constant 0.000000e+00 : f32
    %broadcast_in_dim3A_75 = vector.broadcast %broadcast_in_dim3A : f32 to vector<1024x96xf32>
    %concatenate3A_76 = tpu.concatenate %mul3A_67, %mul3A_74, %broadcast_in_dim3A_75 in 1 : vector<1024x16xf32>, vector<1024x16xf32>, vector<1024x96xf32> -> vector<1024x128xf32>
    %swap3A_77 = arith.constant 2 : index
    %swap3A_78 = arith.constant 0 : index
    %swap3A_79 = arith.constant 0 : index
    %swap3A_80 = vector.load %arg11[%swap3A_77, %swap3A_78, %swap3A_79] : memref<4x1024x128xf32, #tpu.memory_space<vmem>>, vector<1x1024x128xf32>
    %swap3A_81 = vector.shape_cast %swap3A_80 : vector<1x1024x128xf32> to vector<1024x128xf32>
    %swap3A_82 = vector.shape_cast %concatenate3A_76 : vector<1024x128xf32> to vector<1x1024x128xf32>
    tpu.vector_store %arg11[%swap3A_77, %swap3A_78, %swap3A_79], %swap3A_82 {strides = array<i32>} : memref<4x1024x128xf32, #tpu.memory_space<vmem>>, vector<1x1024x128xf32>,
    %swap3A_83 = arith.constant 3 : index
    %swap3A_84 = arith.constant 0 : index
    %swap3A_85 = arith.constant 0 : index
    %swap3A_86 = vector.load %arg11[%swap3A_83, %swap3A_84, %swap3A_85] : memref<4x1024x128xf32, #tpu.memory_space<vmem>>, vector<1x1024x128xf32>
    %swap3A_87 = vector.shape_cast %swap3A_86 : vector<1x1024x128xf32> to vector<1024x128xf32>
    %swap3A_88 = vector.shape_cast %concatenate3A_76 : vector<1024x128xf32> to vector<1x1024x128xf32>
    tpu.vector_store %arg11[%swap3A_83, %swap3A_84, %swap3A_85], %swap3A_88 {strides = array<i32>} : memref<4x1024x128xf32, #tpu.memory_space<vmem>>, vector<1x1024x128xf32>,
    return
  }
  func.func @transform_0(%arg0: i32) -> (i32, i32, i32) {
    %c0_i32 = arith.constant 0 : i32
    %c0_i32_0 = arith.constant 0 : i32
    %c0_i32_1 = arith.constant 0 : i32
    return %c0_i32, %arg0, %c0_i32_0 : i32, i32, i32
  }
  func.func @transform_1(%arg0: i32) -> (i32, i32) {
    %c0_i32 = arith.constant 0 : i32
    %c0_i32_0 = arith.constant 0 : i32
    return %arg0, %c0_i32 : i32, i32
  }
  func.func @transform_2(%arg0: i32) -> (i32, i32) {
    %c0_i32 = arith.constant 0 : i32
    %c0_i32_0 = arith.constant 0 : i32
    %c0_i32_1 = arith.constant 0 : i32
    return %c0_i32, %c0_i32_0 : i32, i32
  }
  func.func @transform_3(%arg0: i32) -> (i32, i32) {
    %c0_i32 = arith.constant 0 : i32
    %c0_i32_0 = arith.constant 0 : i32
    %c0_i32_1 = arith.constant 0 : i32
    return %c0_i32, %c0_i32_0 : i32, i32
  }
  func.func @transform_4(%arg0: i32) -> (i32, i32) {
    %c0_i32 = arith.constant 0 : i32
    %c0_i32_0 = arith.constant 0 : i32
    %c0_i32_1 = arith.constant 0 : i32
    return %c0_i32, %c0_i32_0 : i32, i32
  }
  func.func @transform_5(%arg0: i32) -> (i32, i32) {
    %c0_i32 = arith.constant 0 : i32
    %c0_i32_0 = arith.constant 0 : i32
    %c0_i32_1 = arith.constant 0 : i32
    return %c0_i32, %c0_i32_0 : i32, i32
  }
  func.func @transform_6(%arg0: i32) -> (i32, i32) {
    %c0_i32 = arith.constant 0 : i32
    %c0_i32_0 = arith.constant 0 : i32
    %c0_i32_1 = arith.constant 0 : i32
    return %c0_i32, %c0_i32_0 : i32, i32
  }
  func.func @transform_7(%arg0: i32) -> (i32, i32) {
    %c0_i32 = arith.constant 0 : i32
    %c0_i32_0 = arith.constant 0 : i32
    %c0_i32_1 = arith.constant 0 : i32
    return %c0_i32, %c0_i32_0 : i32, i32
  }
  func.func @transform_8(%arg0: i32) -> (i32, i32) {
    %c0_i32 = arith.constant 0 : i32
    %c0_i32_0 = arith.constant 0 : i32
    %c0_i32_1 = arith.constant 0 : i32
    return %c0_i32, %c0_i32_0 : i32, i32
  }
  func.func @transform_9(%arg0: i32) -> (i32, i32) {
    %c0_i32 = arith.constant 0 : i32
    %c0_i32_0 = arith.constant 0 : i32
    %c0_i32_1 = arith.constant 0 : i32
    return %c0_i32, %c0_i32_0 : i32, i32
  }
  func.func @transform_10(%arg0: i32) -> (i32, i32, i32) {
    %c0_i32 = arith.constant 0 : i32
    %c0_i32_0 = arith.constant 0 : i32
    %c0_i32_1 = arith.constant 0 : i32
    return %c0_i32, %arg0, %c0_i32_0 : i32, i32, i32
  }
}

module attributes {stable_mosaic.version = 14 : i64} {
  func.func @_fin_body(%arg0: i32, %arg1: memref<4x1024x128xf32, #tpu.memory_space<vmem>>, %arg2: memref<1024x1xf32, #tpu.memory_space<vmem>>, %arg3: memref<1x128xf32, #tpu.memory_space<vmem>>, %arg4: memref<1x128xf32, #tpu.memory_space<vmem>>, %arg5: memref<1x16xf32, #tpu.memory_space<vmem>>, %arg6: memref<1x16xf32, #tpu.memory_space<vmem>>, %arg7: memref<128x1xf32, #tpu.memory_space<vmem>>, %arg8: memref<1x16xf32, #tpu.memory_space<vmem>>, %arg9: memref<1024x16xf32, #tpu.memory_space<vmem>>) attributes {dimension_semantics = [#tpu.dimension_semantics<arbitrary>], iteration_bounds = array<i64: 10>, scalar_prefetch = 0 : i64, scratch_operands = 0 : i64, tpu.core_type = #tpu.core_type<tc>, window_params = [{transform_indices = @transform_0, window_bounds = array<i64: 4, 1024, 128>}, {transform_indices = @transform_1, window_bounds = array<i64: 1024, 1>}, {pipeline_mode = #tpu.pipeline_mode<synchronous>, transform_indices = @transform_2, window_bounds = array<i64: 1, 128>}, {pipeline_mode = #tpu.pipeline_mode<synchronous>, transform_indices = @transform_3, window_bounds = array<i64: 1, 128>}, {pipeline_mode = #tpu.pipeline_mode<synchronous>, transform_indices = @transform_4, window_bounds = array<i64: 1, 16>}, {pipeline_mode = #tpu.pipeline_mode<synchronous>, transform_indices = @transform_5, window_bounds = array<i64: 1, 16>}, {pipeline_mode = #tpu.pipeline_mode<synchronous>, transform_indices = @transform_6, window_bounds = array<i64: 128, 1>}, {pipeline_mode = #tpu.pipeline_mode<synchronous>, transform_indices = @transform_7, window_bounds = array<i64: 1, 16>}, {transform_indices = @transform_8, window_bounds = array<i64: 1024, 16>}]} {
    %get3A = arith.constant 0 : index
    %get3A_0 = arith.constant 0 : index
    %get3A_1 = vector.load %arg2[%get3A, %get3A_0] : memref<1024x1xf32, #tpu.memory_space<vmem>>, vector<1024x1xf32>
    %get3A_2 = arith.constant 0 : index
    %get3A_3 = arith.constant 0 : index
    %get3A_4 = arith.constant 0 : index
    %get3A_5 = vector.load %arg1[%get3A_2, %get3A_3, %get3A_4] : memref<4x1024x128xf32, #tpu.memory_space<vmem>>, vector<1x1024x128xf32>
    %get3A_6 = vector.shape_cast %get3A_5 : vector<1x1024x128xf32> to vector<1024x128xf32>
    %mul3A = vector.broadcast %get3A_1 : vector<1024x1xf32> to vector<1024x128xf32>
    %mul3A_7 = arith.mulf %mul3A, %get3A_6 : vector<1024x128xf32>
    %get3A_8 = arith.constant 0 : index
    %get3A_9 = arith.constant 0 : index
    %get3A_10 = vector.load %arg3[%get3A_8, %get3A_9] : memref<1x128xf32, #tpu.memory_space<vmem>>, vector<1x128xf32>
    %add3A = vector.broadcast %get3A_10 : vector<1x128xf32> to vector<1024x128xf32>
    %add3A_11 = arith.addf %mul3A_7, %add3A : vector<1024x128xf32>
    %get3A_12 = arith.constant 1 : index
    %get3A_13 = arith.constant 0 : index
    %get3A_14 = arith.constant 0 : index
    %get3A_15 = vector.load %arg1[%get3A_12, %get3A_13, %get3A_14] : memref<4x1024x128xf32, #tpu.memory_space<vmem>>, vector<1x1024x128xf32>
    %get3A_16 = vector.shape_cast %get3A_15 : vector<1x1024x128xf32> to vector<1024x128xf32>
    %mul3A_17 = vector.broadcast %get3A_1 : vector<1024x1xf32> to vector<1024x128xf32>
    %mul3A_18 = arith.mulf %mul3A_17, %get3A_16 : vector<1024x128xf32>
    %get3A_19 = arith.constant 0 : index
    %get3A_20 = arith.constant 0 : index
    %get3A_21 = vector.load %arg4[%get3A_19, %get3A_20] : memref<1x128xf32, #tpu.memory_space<vmem>>, vector<1x128xf32>
    %add3A_22 = vector.broadcast %get3A_21 : vector<1x128xf32> to vector<1024x128xf32>
    %add3A_23 = arith.addf %mul3A_18, %add3A_22 : vector<1024x128xf32>
    %tanh3A = math.tanh %add3A_11 : vector<1024x128xf32>
    %get3A_24 = arith.constant 0 : index
    %get3A_25 = arith.constant 0 : index
    %get3A_26 = vector.load %arg7[%get3A_24, %get3A_25] : memref<128x1xf32, #tpu.memory_space<vmem>>, vector<128x1xf32>
    %dot_general3A = arith.constant dense<0.000000e+00> : vector<1024x1xf32>
    %dot_general3A_27 = tpu.matmul %tanh3A, %get3A_26, %dot_general3A {dimension_numbers = #tpu.dot_dimension_numbers<[1], [0], [0], [1], [0, 0, 1, 1], [], []>, transpose_lhs_hint = false} : vector<1024x128xf32>, vector<128x1xf32>, vector<1024x1xf32> -> vector<1024x1xf32>
    %tanh3A_28 = math.tanh %add3A_23 : vector<1024x128xf32>
    %get3A_29 = arith.constant 0 : index
    %get3A_30 = arith.constant 0 : index
    %get3A_31 = vector.load %arg7[%get3A_29, %get3A_30] : memref<128x1xf32, #tpu.memory_space<vmem>>, vector<128x1xf32>
    %dot_general3A_32 = arith.constant dense<0.000000e+00> : vector<1024x1xf32>
    %dot_general3A_33 = tpu.matmul %tanh3A_28, %get3A_31, %dot_general3A_32 {dimension_numbers = #tpu.dot_dimension_numbers<[1], [0], [0], [1], [0, 0, 1, 1], [], []>, transpose_lhs_hint = false} : vector<1024x128xf32>, vector<128x1xf32>, vector<1024x1xf32> -> vector<1024x1xf32>
    %get3A_34 = arith.constant 2 : index
    %get3A_35 = arith.constant 0 : index
    %get3A_36 = arith.constant 0 : index
    %get3A_37 = vector.load %arg1[%get3A_34, %get3A_35, %get3A_36] : memref<4x1024x128xf32, #tpu.memory_space<vmem>>, vector<1x1024x128xf32>
    %get3A_38 = vector.shape_cast %get3A_37 : vector<1x1024x128xf32> to vector<1024x128xf32>
    %get3A_39 = arith.constant 3 : index
    %get3A_40 = arith.constant 0 : index
    %get3A_41 = arith.constant 0 : index
    %get3A_42 = vector.load %arg1[%get3A_39, %get3A_40, %get3A_41] : memref<4x1024x128xf32, #tpu.memory_space<vmem>>, vector<1x1024x128xf32>
    %get3A_43 = vector.shape_cast %get3A_42 : vector<1x1024x128xf32> to vector<1024x128xf32>
    %add3A_44 = arith.addf %get3A_38, %get3A_43 : vector<1024x128xf32>
    %mul3A_45 = vector.broadcast %get3A_1 : vector<1024x1xf32> to vector<1024x128xf32>
    %mul3A_46 = arith.mulf %mul3A_45, %add3A_44 : vector<1024x128xf32>
    %slice3A = vector.extract_strided_slice %mul3A_46 {offsets = [0, 0], sizes = [1024, 16], strides = [1, 1]} : vector<1024x128xf32> to vector<1024x16xf32>
    %get3A_47 = arith.constant 0 : index
    %get3A_48 = arith.constant 0 : index
    %get3A_49 = vector.load %arg5[%get3A_47, %get3A_48] : memref<1x16xf32, #tpu.memory_space<vmem>>, vector<1x16xf32>
    %add3A_50 = vector.broadcast %get3A_49 : vector<1x16xf32> to vector<1024x16xf32>
    %add3A_51 = arith.addf %slice3A, %add3A_50 : vector<1024x16xf32>
    %slice3A_52 = vector.extract_strided_slice %mul3A_46 {offsets = [0, 16], sizes = [1024, 16], strides = [1, 1]} : vector<1024x128xf32> to vector<1024x16xf32>
    %get3A_53 = arith.constant 0 : index
    %get3A_54 = arith.constant 0 : index
    %get3A_55 = vector.load %arg6[%get3A_53, %get3A_54] : memref<1x16xf32, #tpu.memory_space<vmem>>, vector<1x16xf32>
    %add3A_56 = vector.broadcast %get3A_55 : vector<1x16xf32> to vector<1024x16xf32>
    %add3A_57 = arith.addf %slice3A_52, %add3A_56 : vector<1024x16xf32>
    %max3A = arith.maximumf %dot_general3A_27, %dot_general3A_33 : vector<1024x1xf32>
    %sub3A = arith.subf %dot_general3A_27, %max3A : vector<1024x1xf32>
    %exp3A = math.exp %sub3A : vector<1024x1xf32>
    %sub3A_58 = arith.subf %dot_general3A_33, %max3A : vector<1024x1xf32>
    %exp3A_59 = math.exp %sub3A_58 : vector<1024x1xf32>
    %mul3A_60 = vector.broadcast %exp3A : vector<1024x1xf32> to vector<1024x16xf32>
    %mul3A_61 = arith.mulf %mul3A_60, %add3A_51 : vector<1024x16xf32>
    %mul3A_62 = vector.broadcast %exp3A_59 : vector<1024x1xf32> to vector<1024x16xf32>
    %mul3A_63 = arith.mulf %mul3A_62, %add3A_57 : vector<1024x16xf32>
    %add3A_64 = arith.addf %mul3A_61, %mul3A_63 : vector<1024x16xf32>
    %add3A_65 = arith.addf %exp3A, %exp3A_59 : vector<1024x1xf32>
    %div3A = vector.broadcast %add3A_65 : vector<1024x1xf32> to vector<1024x16xf32>
    %div3A_66 = arith.divf %add3A_64, %div3A : vector<1024x16xf32>
    %get3A_67 = arith.constant 0 : index
    %get3A_68 = arith.constant 0 : index
    %get3A_69 = vector.load %arg8[%get3A_67, %get3A_68] : memref<1x16xf32, #tpu.memory_space<vmem>>, vector<1x16xf32>
    %add3A_70 = vector.broadcast %get3A_69 : vector<1x16xf32> to vector<1024x16xf32>
    %add3A_71 = arith.addf %div3A_66, %add3A_70 : vector<1024x16xf32>
    %swap3A = arith.constant 0 : index
    %swap3A_72 = arith.constant 0 : index
    %swap3A_73 = vector.load %arg9[%swap3A, %swap3A_72] : memref<1024x16xf32, #tpu.memory_space<vmem>>, vector<1024x16xf32>
    tpu.vector_store %arg9[%swap3A, %swap3A_72], %add3A_71 {strides = array<i32>} : memref<1024x16xf32, #tpu.memory_space<vmem>>, vector<1024x16xf32>,
    return
  }
  func.func @transform_0(%arg0: i32) -> (i32, i32, i32) {
    %c0_i32 = arith.constant 0 : i32
    %c0_i32_0 = arith.constant 0 : i32
    %c0_i32_1 = arith.constant 0 : i32
    return %c0_i32, %arg0, %c0_i32_0 : i32, i32, i32
  }
  func.func @transform_1(%arg0: i32) -> (i32, i32) {
    %c0_i32 = arith.constant 0 : i32
    %c0_i32_0 = arith.constant 0 : i32
    return %arg0, %c0_i32 : i32, i32
  }
  func.func @transform_2(%arg0: i32) -> (i32, i32) {
    %c0_i32 = arith.constant 0 : i32
    %c0_i32_0 = arith.constant 0 : i32
    %c0_i32_1 = arith.constant 0 : i32
    return %c0_i32, %c0_i32_0 : i32, i32
  }
  func.func @transform_3(%arg0: i32) -> (i32, i32) {
    %c0_i32 = arith.constant 0 : i32
    %c0_i32_0 = arith.constant 0 : i32
    %c0_i32_1 = arith.constant 0 : i32
    return %c0_i32, %c0_i32_0 : i32, i32
  }
  func.func @transform_4(%arg0: i32) -> (i32, i32) {
    %c0_i32 = arith.constant 0 : i32
    %c0_i32_0 = arith.constant 0 : i32
    %c0_i32_1 = arith.constant 0 : i32
    return %c0_i32, %c0_i32_0 : i32, i32
  }
  func.func @transform_5(%arg0: i32) -> (i32, i32) {
    %c0_i32 = arith.constant 0 : i32
    %c0_i32_0 = arith.constant 0 : i32
    %c0_i32_1 = arith.constant 0 : i32
    return %c0_i32, %c0_i32_0 : i32, i32
  }
  func.func @transform_6(%arg0: i32) -> (i32, i32) {
    %c0_i32 = arith.constant 0 : i32
    %c0_i32_0 = arith.constant 0 : i32
    %c0_i32_1 = arith.constant 0 : i32
    return %c0_i32, %c0_i32_0 : i32, i32
  }
  func.func @transform_7(%arg0: i32) -> (i32, i32) {
    %c0_i32 = arith.constant 0 : i32
    %c0_i32_0 = arith.constant 0 : i32
    %c0_i32_1 = arith.constant 0 : i32
    return %c0_i32, %c0_i32_0 : i32, i32
  }
  func.func @transform_8(%arg0: i32) -> (i32, i32) {
    %c0_i32 = arith.constant 0 : i32
    %c0_i32_0 = arith.constant 0 : i32
    return %arg0, %c0_i32 : i32, i32
  }
}

</mosaic_0001>

<sc_bundles>
// kernel: kernel.12.cloned.1.call-start
scs
__scs_entry_jumppad:
0x0: {  	(pc) =	sbr.rel $0x88, $3  }
0x1: {  	(tag) =	ssettag $0x0;
	lr =	simm.s32 $0x1  }
0x2: {  	[smem:$0x3F93] =	sst lr;
	_ =	strace $0xD0000000  }
0x3: {  	_ = 	snop  }
0x4: {  	_ = 	snop  }
0x5: {  	_ = 	snop  }
0x6: {  	_ = 	snop  }
0x7: {  	_ = 	snop  }
__scs_overlays_trampoline_lowered:
0x8: {  	[smem:$0x3FA2] =	sst s0  }
0x9: {  	[smem:$0x3FA3] =	sst s1  }
0xa: {  	[smem:$0x3FA4] =	sst s2  }
0xb: {  	[smem:$0x3FA5] =	sst s3  }
0xc: {  	[smem:$0x3FA6] =	sst s4  }
0xd: {  	[smem:$0x3FA7] =	sst s5  }
0xe: {  	[smem:$0x3FA8] =	sst s6  }
0xf: {  	[smem:$0x3FA9] =	sst s7  }
0x10: {  	[smem:$0x3FAA] =	sst s8  }
0x11: {  	[smem:$0x3FAB] =	sst s9;
	s0 =	simm.s32 @!p0 $0x0  }
0x12: {  	s1 =	sld [smem:$0x3F91];
	s0 =	simm.s32 @p0 $0x1  }
0x13: {  	[smem:$0x3FAC] =	sst s0;
	s0 =	simm.s32 @!p1 $0x0  }
0x14: {  	s2 =	sld [smem:$0x3F90];
	s0 =	simm.s32 @p1 $0x1  }
0x15: {  	[smem:$0x3FAD] =	sst s0;
	s0 =	simm.s32 @!p2 $0x0  }
0x16: {  	s3 =	sld [smem:$0x3FDB];
	s0 =	simm.s32 @p2 $0x1  }
0x17: {  	s4 =	simm.s32 $0x1BF5;
	[smem:$0x3FAF] =	sst s0  }
0x18: {  	s0 =	sld [smem:$0x3F92];
	_ =	swait.ge [sflag:s4], $0x0  }
0x19: {  	s7 =	sld [smem:$0x3F93]  }
0x1a: {  	s8 =	sadd.s32 $0xFFFFE003, lr  }
0x1b: {  	s9 =	sadd.s32 $0xFFFFFEF7, lr;
	s5 =	simm.s32 $0xFFFFFFFF;
	p2 =	slt.u32 s8, $0xFFFFF086  }
0x1c: {  	p1 =	slt.u32 s9, $0xF7A;
	s5 =	simm.s32 @!p2 $0x0  }
0x1d: {  	s5 =	simm.s32 @p1 $0x1;
	p0 =	seq.s32 s7, s2  }
0x1e: {  	s7 =	smul.u32 @!p0 $0xF7A, s2;
	p2 =	seq.s32 @!p0 s5, $0x0  }
0x1f: {  	s9 =	smul.u32 $0xF7A, s1;
	s8 =	simm.s32 @!p0 $0x1BF5;
	p2 =	por !p2, p0  }
0x20: {  	[sflag:s8] =	ssyncset.s32 @!p0 $0xFFFFF086;
	s6 =	sadd.s32 @!p0 s3, s7;
	s7 =	simm.s32 @!p0 $0x108  }
0x21: {  	s3 =	sadd.s32 s3, s9;
	s6 =	sadd.s32 @!p0 $0x88, s6;
	s7 =	simm.s32 @p2 $0x1082  }
0x22: {  	[simem:s7], [sflag:s8] =	dma.local @!p0 [hbm:s6], $0xF7A  }
0x23: {  	s9 =	sor.u32 $0xD0000000, s2;
	s6 =	simm.s32 $0x108;
	_ =	swait.ge @!p0 [sflag:s8], $0x0  }
0x24: {  	s3 =	sadd.s32 $0x88, s3;
	s6 =	simm.s32 @!p1 $0x1082;
	[sflag:s4] =	ssyncset.s32 $0xFFFFF086  }
0x25: {  	[simem:s6], [sflag:s4] =	dma.local [hbm:s3], $0xF7A  }
0x26: {  	[smem:$0x3F93] =	sst s1;
	(tag) =	ssettag s2;
	_ =	strace s9  }
0x27: {  	s1 =	sld [smem:$0x3FA3]  }
0x28: {  	s2 =	sld [smem:$0x3FA4]  }
0x29: {  	s4 =	sld [smem:$0x3FA6]  }
0x2a: {  	p0 =	seq.s32 s5, $0x0;
	s5 =	sld [smem:$0x3FA7]  }
0x2b: {  	s6 =	sld [smem:$0x3FA8]  }
0x2c: {  	s7 =	sld [smem:$0x3FA9]  }
0x2d: {  	s3 =	simm.s32 $0x108;
	s8 =	sld [smem:$0x3FAA]  }
0x2e: {  	s3 =	simm.s32 @!p0 $0x1082;
	s9 =	sld [smem:$0x3FAB]  }
0x2f: {  	lr =	sadd.s32 s0, s3;
	s0 =	sld [smem:$0x3FA2]  }
0x30: {  	s3 =	sld [smem:$0x3FA5]  }
0x31: {  	[smem:$0x3FAE] =	sst s10  }
0x32: {  	s10 =	sld [smem:$0x3FAC];
	_ =	sdelay $0x3  }
0x33: {  	p0 =	seq.s32 s10, $0x1;
	s10 =	sld [smem:$0x3FAE];
	_ =	sdelay $0x3  }
0x34: {  	[smem:$0x3FAE] =	sst s10  }
0x35: {  	s10 =	sld [smem:$0x3FAD];
	_ =	sdelay $0x3  }
0x36: {  	p1 =	seq.s32 s10, $0x1;
	s10 =	sld [smem:$0x3FAE];
	_ =	sdelay $0x3  }
0x37: {  	[smem:$0x3FAE] =	sst s10  }
0x38: {  	s10 =	sld [smem:$0x3FAF]  }
0x39: {  	_ = 	snop;
	(pc) =	sbr.ind lr, $3  }
0x3a: {  	_ = 	snop  }
0x3b: {  	_ = 	snop  }
0x3c: {  	p2 =	seq.s32 s10, $0x1;
	s10 =	sld [smem:$0x3FAE]  }
0x3d: {  	_ =	shalt  }
0x3e: {  	_ =	shalt  }
0x3f: {  	_ =	shalt  }
0x40: {  	_ =	shalt  }
0x41: {  	_ =	shalt  }
0x42: {  	_ =	shalt  }
0x43: {  	_ =	shalt  }
0x44: {  	_ =	shalt  }
0x45: {  	_ =	shalt  }
0x46: {  	_ =	shalt  }
0x47: {  	_ =	shalt  }
0x48: {  	_ =	shalt  }
0x49: {  	_ =	shalt  }
0x4a: {  	_ =	shalt  }
0x4b: {  	_ =	shalt  }
0x4c: {  	_ =	shalt  }
0x4d: {  	_ =	shalt  }
0x4e: {  	_ =	shalt  }
0x4f: {  	_ =	shalt  }
0x50: {  	_ =	shalt  }
0x51: {  	_ =	shalt  }
0x52: {  	_ =	shalt  }
0x53: {  	_ =	shalt  }
0x54: {  	_ =	shalt  }
0x55: {  	_ =	shalt  }
0x56: {  	_ =	shalt  }
0x57: {  	_ =	shalt  }
0x58: {  	_ =	shalt  }
0x59: {  	_ =	shalt  }
0x5a: {  	_ =	shalt  }
0x5b: {  	_ =	shalt  }
0x5c: {  	_ =	shalt  }
0x5d: {  	_ =	shalt  }
0x5e: {  	_ =	shalt  }
0x5f: {  	_ =	shalt  }
0x60: {  	_ =	shalt  }
0x61: {  	_ =	shalt  }
0x62: {  	_ =	shalt  }
0x63: {  	_ =	shalt  }
0x64: {  	_ =	shalt  }
0x65: {  	_ =	shalt  }
0x66: {  	_ =	shalt  }
0x67: {  	_ =	shalt  }
0x68: {  	_ =	shalt  }
0x69: {  	_ =	shalt  }
0x6a: {  	_ =	shalt  }
0x6b: {  	_ =	shalt  }
0x6c: {  	_ =	shalt  }
0x6d: {  	_ =	shalt  }
0x6e: {  	_ =	shalt  }
0x6f: {  	_ =	shalt  }
0x70: {  	_ =	shalt  }
0x71: {  	_ =	shalt  }
0x72: {  	_ =	shalt  }
0x73: {  	_ =	shalt  }
0x74: {  	_ =	shalt  }
0x75: {  	_ =	shalt  }
0x76: {  	_ =	shalt  }
0x77: {  	_ =	shalt  }
0x78: {  	_ =	shalt  }
0x79: {  	_ =	shalt  }
0x7a: {  	_ =	shalt  }
0x7b: {  	_ =	shalt  }
0x7c: {  	_ =	shalt  }
0x7d: {  	_ =	shalt  }
0x7e: {  	_ =	shalt  }
0x7f: {  	_ =	shalt  }
0x80: {  	_ =	shalt  }
0x81: {  	_ =	shalt  }
0x82: {  	_ =	shalt  }
0x83: {  	_ =	shalt  }
0x84: {  	_ =	shalt  }
0x85: {  	_ =	shalt  }
0x86: {  	_ =	shalt  }
0x87: {  	_ =	shalt  }
.Lfunc_end0:
.L_simem_size_0:
called_computation.1_lowered:
.L_overlay_start_0:
0x88: {  	s2 =	sld [smem:$0x3FD9]  }
0x89: {  	s3 =	sld [smem:$0x3FFE];
	_ =	sdelay $0x1  }
0x8a: {  	s1 =	srdreg.scid  }
0x8b: {  	s0 =	sand.u32 $0x1, s1  }
0x8c: {  	s16 =	sshll.u32 s0, $0xA;
	s2 =	sadd.s32 s3, s2  }
0x8d: {  	s2 =	sadd.s32 s2, s16  }
0x8e: {  	[smem:$0x3FBA] =	sst s2  }
0x8f: {  	_ = 	snop  }
0x90: {  	(tm) =	ssettm $0x1  }
0x91: {  	s17 =	sld [smem:$0x3FFB];
	_ =	sdelay $0x3  }
0x92: {  	_ =	strace s17  }
0x93: {  	s2 =	sld [smem:$0x3FFC];
	_ =	sdelay $0x3  }
0x94: {  	_ =	strace s2  }
0x95: {  	s2 =	sld [smem:$0x3FFD];
	_ =	sdelay $0x3  }
0x96: {  	_ =	strace s2  }
0x97: {  	_ =	strace $0x8FFFFFFF  }
0x98: {  	s18 =	sld [smem:$0x3FDB];
	_ =	sdelay $0x1  }
0x99: {  	s19 =	simm.s32 $_scs_section_size  }
0x9a: {  	s4 =	simm.s32 $_size__tile_overlayer_lowered;
	s5 =	simm.s32 $_tile_overlayer_lowered  }
0x9b: {  	s22 =	simm.s32 $0x1BFF;
	s21 =	sshll.u32 s5, $0x1;
	s2 =	sadd.s32 s19, s18  }
0x9c: {  	s6 =	simm.s32 $0x0;
	s20 =	sshll.u32 s4, $0x1;
	s4 =	sadd.s32 s21, s2  }
0x9d: {  	[timem:s6], [sflag:s22] =	dma.local [hbm:s4], s20  }
0x9e: {  	_ =	swait.ge [sflag:s22], s20  }
0x9f: {  	s3 =	ssub.s32 $0x0, s20;
	[sflag:s22] =	ssyncset.done $0x0  }
0xa0: {  	[sflag:s22] =	ssyncadd.s32 s3;
	_ =	sdelay $0x1  }
0xa1: {  	s23 =	simm.s32 $0x1B8B  }
0xa2: {  	_ =	swait.ge [sflag:s23], $0x1  }
0xa3: {  	[sflag:s23] =	ssyncset.done $0x0  }
0xa4: {  	s25 =	simm.s32 $0x1B8E;
	s24 =	sld [smem:$0x3FFE];
	[sflag:s23] =	ssyncadd.s32 $0xFFFFFFFF  }
0xa5: {  	s26 =	simm.s32 $execute0_lowered;
	[smem:$0x3FD2] =	sst s25  }
0xa6: {  	s4 =	sshll.u32 s26, $0x1;
	_ =	strace $0x80000049;
	[dreg:$0x1] =	wrdreg $0xFFFFFFFF  }
0xa7: {  	s28 =	simm.s32 $_size_execute0_lowered;
	s2 =	sadd.s32 s2, s4;
	[dreg:$0x0] =	wrdreg $0x0  }
0xa8: {  	s4 =	sshll.u32 s28, $0x1;
	[dreg:$0x2] =	wrdreg s2  }
0xa9: {  	[dreg:$0x3] =	wrdreg s4  }
0xaa: {  	[dreg:$0x4] =	wrdreg $0xC0  }
0xab: {  	_ =	task [dreg:s6], $0x5FFFF  }
0xac: {  	[dreg:$0x1] =	wrdreg $0xFFFFFFFF  }
0xad: {  	[dreg:$0x0] =	wrdreg $0x60  }
0xae: {  	[dreg:$0x2] =	wrdreg s24  }
0xaf: {  	[dreg:$0x3] =	wrdreg $0xAC000  }
0xb0: {  	[dreg:$0x4] =	wrdreg $0x9  }
0xb1: {  	_ =	task.clear_ibuf [dreg:s6], $0x5FFFF;
	_ =	strace $0x90000049  }
0xb2: {  	s29 =	simm.s32 $0x9;
	_ =	strace $0x8000004B  }
0xb3: {  	_ =	swait.ge [sflag:s29], $0x1  }
0xb4: {  	[sflag:s29] =	ssyncadd.s32 $0xFFFFFFFF  }
0xb5: {  	_ =	strace $0x9000004B  }
0xb6: {  	_ =	sfence  }
0xb7: {  	s30 =	sld [smem:$0x0];
	_ =	sdelay $0x2  }
0xb8: {  	s31 =	sshll.u32 s1, $0xD;
	s1 =	sshrl.u32 s1, $0x2  }
0xb9: {  	s3 =	sand.u32 $0x4000, s31;
	s1 =	sadd.s32 s1, s30  }
0xba: {  	s0 =	sor.u32 s3, s0;
	s1 =	sshll.u32 s1, $0x11  }
0xbb: {  	s0 =	sor.u32 s1, s0  }
0xbc: {  	s0 =	sadd.s32 $0x8F2B, s0  }
0xbd: {  	[sflag:s0] =	ssyncadd.remote.s32 $0x1  }
0xbe: {  	_ =	sfence.sel $0xFFFF  }
0xbf: {  	[dreg:$0x0] =	wrdreg $0xFFFFFFFF;
	(pc) =	sbr.abs _section_cstart, $3  }
0xc0: {  	[dreg:$0x1] =	wrdreg $0xFFFFFFFF  }
0xc1: {  	_ =	task.clear_ibuf [dreg:s6], $0x2FFFF;
	_ =	strace $0x9FFFFFFF  }
0xc2: {  	(tm) =	ssettm $0x7FFFFFFF  }
0xc3: {  	_ =	shalt  }
tec
execute0_lowered:
.L_overlay_start_1:
0x0: {  	(tag) =	ssettag $0x1  }
0x1: {  	s0 =	rddreg [dreg:$0x0]  }
0x2: {  	s1 =	rddreg [dreg:$0x1];
	s11 =	stileid.u32  }
0x3: {  	s3 =	simm.s32 $0x0;
	s2 =	srdreg.scid;
	s5 =	smul.u32 $0x14000, s11  }
0x4: {  	s14 =	simm.s32 $0x9;
	s28 =	simm.s32 $0x2;
	s17 =	smul.u32 $0x50000, s11  }
0x5: {  	s29 =	simm.s32 $0x2A80;
	s30 =	simm.s32 $0x3;
	s9 =	smul.u32 $0x280, s11  }
0x6: {  	s31 =	simm.s32 $0x2B00;
	s15 =	simm.s32 $0x0;
	s20 =	smul.u32 $0x2800, s11  }
0x7: {  	[smem:$0x7FF] =	sst s3;
	s2 =	sand.u32 $0x1, s2;
	s21 =	smul.u32 $0x500, s11  }
0x8: {  	s4 =	sadd.s32 $0x35200, s0;
	s7 =	sadd.s32 $0x3200, s0;
	s16 =	smul.u32 $0x140000, s2  }
0x9: {  	s10 =	sadd.s32 $0x8200, s0;
	s8 =	smul.u32 $0x2800, s2;
	s2 =	ssub.s32 $0x2, s2  }
0xa: {  	s22 =	sshll.u32 s11, $0x6;
	_ =	strace $0x8000004A;
	s6 =	sshrl.u32 s2, $0x1  }
0xb: {  	s18 =	sshrl.u32 s17, $0x2;
	s23 =	sshrl.u32 s20, $0x3;
	s24 =	sadd.s32 s7, s21  }
0xc: {  	s20 =	simm.s32 $0x4C00;
	s3 =	sadd.s32 s5, s16;
	s2 =	ssub.s32 s2, s6  }
0xd: {  	s19 =	sadd.s32 s9, s8;
	s6 =	sor.u32 $0x1C09, s22;
	[dreg:$0x4] =	wrdreg s24  }
0xe: {  	s25 =	sadd.s32 $0x280, s23;
	s9 =	sadd.s32 s10, s21;
	s16 =	simm.s32 $0x40  }
0xf: {  	s21 =	simm.s32 $0x2900;
	s22 =	simm.s32 $0x6C00;
	s23 =	simm.s32 $0x1  }
0x10: {  	s24 =	simm.s32 $0x2A00;
	v0 =	vmov s8;
	s8 =	simm.s32 $0x8;
	s3 =	sshrl.u32 s3, $0x3  }
0x11: {  	s5 =	sshll.u32 s19, $0x4;
	[dreg:$0x5] =	wrdreg s9;
	s7 =	sadd.s32 s7, s25  }
0x12: {  	s26 =	smax.u32 s2, $0x1;
	s2 =	simm.s32 $0x2B80;
	s0 =	sadd.s32 s3, s0  }
0x13: {  	s3 =	sadd.s32 s18, s1;
	s5 =	sadd.s32 s4, s5;
	[dreg:$0x6] =	wrdreg s7  }
.Ltmp0:
0x14: {  	[dreg:$0x9] =	wrdreg s26;
	s18 =	simm.s32 $0x2C00;
	(pc) =	sbr.rel .LBB2_1-.Ltmp0, $4  }
0x15: {  	s26 =	simm.s32 $0x8C00;
	s7 =	simm.s32 $0x7;
	[dreg:$0x3] =	wrdreg s5  }
0x16: {  	s5 =	sadd.s32 s10, s25;
	s0 =	sadd.s32 $0x85200, s0;
	s13 =	sshrl.u32 s3, $0x3  }
0x17: {  	s25 =	simm.s32 $0x2980;
	s3 =	simm.s32 $0x5;
	[dreg:$0x7] =	wrdreg s5  }
0x18: {  	[dreg:$0x8] =	wrdreg s0;
	s0 =	simm.s32 $0x4;
	s5 =	simm.s32 $0x6  }
.LBB2_7:
0x19: {  	_ =	swait.ge [sflag:s3], $0x2000  }
0x1a: {  	[sflag:s3] =	ssyncset.done $0x0  }
0x1b: {  	[sflag:s3] =	ssyncadd.s32 $0xFFFFE000  }
0x1c: {  	_ =	swait.ge [sflag:s5], $0x2000  }
0x1d: {  	[sflag:s5] =	ssyncset.done $0x0  }
0x1e: {  	[sflag:s5] =	ssyncadd.s32 $0xFFFFE000  }
0x1f: {  	_ =	swait.ge [sflag:s7], $0x2000  }
0x20: {  	[sflag:s7] =	ssyncset.done $0x0  }
0x21: {  	[sflag:s7] =	ssyncadd.s32 $0xFFFFE000  }
0x22: {  	_ =	swait.ge [sflag:s8], $0x2000  }
0x23: {  	[sflag:s8] =	ssyncset.done $0x0  }
0x24: {  	[sflag:s8] =	ssyncadd.s32 $0xFFFFE000  }
0x25: {  	[bflag:$0x0] =	sbarrier.arrive $0xFFFF  }
0x26: {  	s9 =	rddreg [dreg:$0x8]  }
0x27: {  	[hbm:s9], [sflag:s6] =	dma.local [spmem:s13], $0x2800  }
0x28: {  	_ =	swait.ge [sflag:s14], $0x2800  }
0x29: {  	s15 =	sadd.s32 $0x1, s15;
	s19 =	rddreg [dreg:$0x9]  }
0x2a: {  	p0 =	sne.s32 s15, s19  }
.Ltmp1:
0x2b: {  	_ = 	snop;
	(pc) =	sbr.rel @!p0 .LBB2_8-.Ltmp1, $3  }
0x2c: {  	_ =	sdelay $0x1  }
0x2d: {  	[sflag:s14] =	ssyncset.done $0x0  }
0x2e: {  	[sflag:s14] =	ssyncadd.s32 $0xFFFFD800  }
.LBB2_1:
0x2f: {  	s9 =	rddreg [dreg:$0x3]  }
0x30: {  	[spmem:s13], [sflag:s6] =	dma.local [hbm:s9], $0x2800  }
0x31: {  	_ =	swait.ge [sflag:s14], $0x2800  }
0x32: {  	[sflag:s14] =	ssyncset.done $0x0  }
0x33: {  	[sflag:s14] =	ssyncadd.s32 $0xFFFFD800  }
0x34: {  	[bflag:$0x0] =	sbarrier.arrive $0xFFFF  }
0x35: {  	s19 =	simm.s32 $0x0;
	s10 =	rddreg [dreg:$0x4]  }
0x36: {  	[tilespmem:s19], [sflag:$0x9] =	stream.linear.gather [hbm4b:s10+s19], $0x1400, $0x38;
	[tilespmem:$0x1EC00] =	vst v63  }
0x37: {  	_ =	swait.ge [sflag:s14], $0x1400  }
0x38: {  	[sflag:s14] =	ssyncset.done $0x0  }
0x39: {  	s11 =	simm.s32 $0x1400;
	s12 =	rddreg [dreg:$0x5];
	[sflag:s14] =	ssyncadd.s32 $0xFFFFEC00  }
0x3a: {  	[tilespmem:s11], [sflag:$0x9] =	stream.linear.gather [hbm4b:s12+s19], $0x1400, $0x38;
	[tilespmem:$0x1EC00] =	vst v63  }
0x3b: {  	_ =	swait.ge [sflag:s14], $0x1400  }
0x3c: {  	[sflag:s14] =	ssyncset.done $0x0  }
0x3d: {  	[sflag:s14] =	ssyncadd.s32 $0xFFFFEC00  }
0x3e: {  	v1 =	vld [tilespmem:$0x0]  }
0x3f: {  	v2 =	vld [tilespmem:$0x10]  }
0x40: {  	v3 =	vld [tilespmem:$0x20]  }
0x41: {  	v4 =	vld [tilespmem:$0x30];
	_ =	sdelay $0x1  }
0x42: {  	v1 =	vadd.s32 v0, v1  }
0x43: {  	[tilespmem:$0x2800] =	vst v1;
	v1 =	vadd.s32 v0, v2  }
0x44: {  	[tilespmem:$0x2810] =	vst v1;
	v1 =	vadd.s32 v0, v3  }
0x45: {  	[tilespmem:$0x2820] =	vst v1;
	v1 =	vadd.s32 v0, v4  }
0x46: {  	s17 =	simm.s32 $0x2800;
	[tilespmem:$0x2830] =	vst v1  }
0x47: {  	[tilespmem:s18], [sflag:$0x1] =	stream.indirect.gather [hbm4b:s4+s16], $0x80, s17, s16, $0xb8;
	[tilespmem:$0x1EC00] =	vst v63  }
0x48: {  	v1 =	vld [tilespmem:$0x40]  }
0x49: {  	v2 =	vld [tilespmem:$0x50]  }
0x4a: {  	v3 =	vld [tilespmem:$0x60]  }
0x4b: {  	v62 =	vld [tilespmem:$0x70];
	_ =	sdelay $0x1  }
0x4c: {  	v1 =	vadd.s32 v0, v1  }
0x4d: {  	[tilespmem:$0x2880] =	vst v1;
	v1 =	vadd.s32 v0, v2  }
0x4e: {  	[tilespmem:$0x2890] =	vst v1;
	v1 =	vadd.s32 v0, v3  }
0x4f: {  	[tilespmem:$0x28A0] =	vst v1;
	v1 =	vadd.s32 v0, v62  }
0x50: {  	s19 =	simm.s32 $0x2880;
	[tilespmem:$0x28B0] =	vst v1  }
0x51: {  	[tilespmem:s20], [sflag:$0x2] =	stream.indirect.gather [hbm4b:s4+s16], $0x80, s19, s16, $0xb8;
	[tilespmem:$0x1EC00] =	vst v63  }
0x52: {  	v1 =	vld [tilespmem:$0x80]  }
0x53: {  	v2 =	vld [tilespmem:$0x90]  }
0x54: {  	v3 =	vld [tilespmem:$0xA0]  }
0x55: {  	v63 =	vld [tilespmem:$0xB0];
	_ =	sdelay $0x1  }
0x56: {  	v1 =	vadd.s32 v0, v1  }
0x57: {  	[tilespmem:$0x2900] =	vst v1;
	v1 =	vadd.s32 v0, v2  }
0x58: {  	[tilespmem:$0x2910] =	vst v1;
	v1 =	vadd.s32 v0, v3  }
0x59: {  	[tilespmem:$0x2920] =	vst v1;
	v1 =	vadd.s32 v0, v63  }
0x5a: {  	s9 =	simm.s32 $0x0;
	[tilespmem:$0x2930] =	vst v1  }
0x5b: {  	[tilespmem:s22], [sflag:$0x3] =	stream.indirect.gather [hbm4b:s4+s16], $0x80, s21, s16, $0xb8;
	[tilespmem:$0x1EC00] =	vst v63  }
.LBB2_2:
0x5c: {  	_ =	swait.ge [sflag:s23], $0x2000  }
0x5d: {  	[sflag:s23] =	ssyncset.done $0x0  }
0x5e: {  	s10 =	sshra.s32 s9, $0x2;
	[sflag:s23] =	ssyncadd.s32 $0xFFFFE000  }
0x5f: {  	v1 =	vld [tilespmem:s10+$0x1400];
	_ =	sdelay $0x4  }
0x60: {  	[tilespmem:$0x2A00] =	vst v1  }
0x61: {  	v1 =	vld [tilespmem:s10+$0x1410];
	_ =	sdelay $0x4  }
0x62: {  	[tilespmem:$0x2A10] =	vst v1  }
0x63: {  	v1 =	vld [tilespmem:s10+$0x1420];
	_ =	sdelay $0x4  }
0x64: {  	[tilespmem:$0x2A20] =	vst v1  }
0x65: {  	v1 =	vld [tilespmem:s10+$0x1430];
	_ =	sdelay $0x3  }
0x66: {  	p0 =	seq.s32 s9, $0x0  }
0x67: {  	s17 =	simm.s32 @!p0 $0x8;
	[tilespmem:$0x2A30] =	vst v1  }
0x68: {  	[spmem:s1] =	stream.indirect.scatter.add.f32 [tilespmem:s18], [sflag:$0x5], $0x80, s24, s16, $0xb8;
	[tilespmem:$0x1EC00] =	vst v63  }
0x69: {  	_ =	swait.ge @!p0 [sflag:s17], $0x2000  }
0x6a: {  	[sflag:s17] =	ssyncset.done @!p0 $0x0  }
0x6b: {  	[sflag:s17] =	ssyncadd.s32 @!p0 $0xFFFFE000  }
0x6c: {  	v1 =	vld [tilespmem:s10+$0xC0];
	_ =	sdelay $0x4  }
0x6d: {  	v1 =	vadd.s32 v0, v1  }
0x6e: {  	[tilespmem:$0x2980] =	vst v1  }
0x6f: {  	v1 =	vld [tilespmem:s10+$0xD0];
	_ =	sdelay $0x4  }
0x70: {  	v1 =	vadd.s32 v0, v1  }
0x71: {  	[tilespmem:$0x2990] =	vst v1  }
0x72: {  	v1 =	vld [tilespmem:s10+$0xE0];
	_ =	sdelay $0x4  }
0x73: {  	v1 =	vadd.s32 v0, v1  }
0x74: {  	[tilespmem:$0x29A0] =	vst v1  }
0x75: {  	v1 =	vld [tilespmem:s10+$0xF0];
	_ =	sdelay $0x4  }
0x76: {  	v1 =	vadd.s32 v0, v1  }
0x77: {  	[tilespmem:$0x29B0] =	vst v1  }
0x78: {  	[tilespmem:s26], [sflag:$0x4] =	stream.indirect.gather [hbm4b:s4+s16], $0x80, s25, s16, $0xb8;
	[tilespmem:$0x1EC00] =	vst v63  }
0x79: {  	_ =	swait.ge [sflag:s28], $0x2000  }
0x7a: {  	[sflag:s28] =	ssyncset.done $0x0  }
0x7b: {  	[sflag:s28] =	ssyncadd.s32 $0xFFFFE000  }
0x7c: {  	v1 =	vld [tilespmem:s10+$0x1440];
	_ =	sdelay $0x4  }
0x7d: {  	[tilespmem:$0x2A80] =	vst v1  }
0x7e: {  	v1 =	vld [tilespmem:s10+$0x1450];
	_ =	sdelay $0x4  }
0x7f: {  	[tilespmem:$0x2A90] =	vst v1  }
0x80: {  	v1 =	vld [tilespmem:s10+$0x1460];
	_ =	sdelay $0x4  }
0x81: {  	[tilespmem:$0x2AA0] =	vst v1  }
0x82: {  	v1 =	vld [tilespmem:s10+$0x1470];
	_ =	sdelay $0x3  }
0x83: {  	p0 =	seq.s32 s9, $0x4C00  }
0x84: {  	s17 =	simm.s32 @!p0 $0x5;
	[tilespmem:$0x2AB0] =	vst v1  }
0x85: {  	[spmem:s1] =	stream.indirect.scatter.add.f32 [tilespmem:s20], [sflag:$0x6], $0x80, s29, s16, $0xb8;
	[tilespmem:$0x1EC00] =	vst v63  }
0x86: {  	_ =	swait.ge @!p0 [sflag:s17], $0x2000  }
0x87: {  	[sflag:s17] =	ssyncset.done @!p0 $0x0  }
0x88: {  	[sflag:s17] =	ssyncadd.s32 @!p0 $0xFFFFE000;
	s17 =	sshra.s32 @!p0 s9, $0x2  }
0x89: {  	v1 =	vld @!p0 [tilespmem:s17+$0x100];
	_ =	sdelay $0x4  }
0x8a: {  	v1 =	vadd.s32 @!p0 v0, v1  }
0x8b: {  	[tilespmem:$0x2800] =	vst @!p0 v1  }
0x8c: {  	v1 =	vld @!p0 [tilespmem:s17+$0x110];
	_ =	sdelay $0x4  }
0x8d: {  	v1 =	vadd.s32 @!p0 v0, v1  }
0x8e: {  	[tilespmem:$0x2810] =	vst @!p0 v1  }
0x8f: {  	v1 =	vld @!p0 [tilespmem:s17+$0x120];
	_ =	sdelay $0x4  }
0x90: {  	v1 =	vadd.s32 @!p0 v0, v1  }
0x91: {  	[tilespmem:$0x2820] =	vst @!p0 v1  }
0x92: {  	v1 =	vld @!p0 [tilespmem:s17+$0x130];
	_ =	sdelay $0x4  }
0x93: {  	v1 =	vadd.s32 @!p0 v0, v1  }
0x94: {  	s11 =	simm.s32 @!p0 $0x40;
	s12 =	simm.s32 @!p0 $0x2800;
	s19 =	simm.s32 @!p0 $0x2C00;
	[tilespmem:$0x2830] =	vst @!p0 v1  }
0x95: {  	[tilespmem:s19], [sflag:$0x1] =	stream.indirect.gather @!p0 [hbm4b:s4+s11], $0x80, s12, s11, $0xb8;
	[tilespmem:$0x1EC00] =	vst v63  }
0x96: {  	_ =	swait.ge [sflag:s30], $0x2000  }
0x97: {  	[sflag:s30] =	ssyncset.done $0x0  }
0x98: {  	[sflag:s30] =	ssyncadd.s32 $0xFFFFE000  }
0x99: {  	v1 =	vld [tilespmem:s10+$0x1480];
	_ =	sdelay $0x4  }
0x9a: {  	[tilespmem:$0x2B00] =	vst v1  }
0x9b: {  	v1 =	vld [tilespmem:s10+$0x1490];
	_ =	sdelay $0x4  }
0x9c: {  	[tilespmem:$0x2B10] =	vst v1  }
0x9d: {  	v1 =	vld [tilespmem:s10+$0x14A0];
	_ =	sdelay $0x4  }
0x9e: {  	[tilespmem:$0x2B20] =	vst v1  }
0x9f: {  	v1 =	vld [tilespmem:s10+$0x14B0];
	_ =	sdelay $0x4  }
0xa0: {  	s12 =	simm.s32 @!p0 $0x6;
	[tilespmem:$0x2B30] =	vst v1  }
0xa1: {  	[spmem:s1] =	stream.indirect.scatter.add.f32 [tilespmem:s22], [sflag:$0x7], $0x80, s31, s16, $0xb8;
	[tilespmem:$0x1EC00] =	vst v63  }
0xa2: {  	_ =	swait.ge @!p0 [sflag:s12], $0x2000  }
0xa3: {  	[sflag:s12] =	ssyncset.done @!p0 $0x0  }
0xa4: {  	[sflag:s12] =	ssyncadd.s32 @!p0 $0xFFFFE000  }
0xa5: {  	v1 =	vld @!p0 [tilespmem:s17+$0x140];
	_ =	sdelay $0x4  }
0xa6: {  	v1 =	vadd.s32 @!p0 v0, v1  }
0xa7: {  	[tilespmem:$0x2880] =	vst @!p0 v1  }
0xa8: {  	v1 =	vld @!p0 [tilespmem:s17+$0x150];
	_ =	sdelay $0x4  }
0xa9: {  	v1 =	vadd.s32 @!p0 v0, v1  }
0xaa: {  	[tilespmem:$0x2890] =	vst @!p0 v1  }
0xab: {  	v1 =	vld @!p0 [tilespmem:s17+$0x160];
	_ =	sdelay $0x4  }
0xac: {  	v1 =	vadd.s32 @!p0 v0, v1  }
0xad: {  	[tilespmem:$0x28A0] =	vst @!p0 v1  }
0xae: {  	v1 =	vld @!p0 [tilespmem:s17+$0x170];
	_ =	sdelay $0x4  }
0xaf: {  	v1 =	vadd.s32 @!p0 v0, v1  }
0xb0: {  	s12 =	simm.s32 @!p0 $0x2880;
	s17 =	simm.s32 @!p0 $0x4C00;
	[tilespmem:$0x28B0] =	vst @!p0 v1  }
0xb1: {  	[tilespmem:s17], [sflag:$0x2] =	stream.indirect.gather @!p0 [hbm4b:s4+s11], $0x80, s12, s11, $0xb8;
	[tilespmem:$0x1EC00] =	vst v63  }
0xb2: {  	_ =	swait.ge [sflag:s0], $0x2000  }
0xb3: {  	[sflag:s0] =	ssyncset.done $0x0  }
0xb4: {  	[sflag:s0] =	ssyncadd.s32 $0xFFFFE000  }
0xb5: {  	v1 =	vld [tilespmem:s10+$0x14C0];
	_ =	sdelay $0x4  }
0xb6: {  	[tilespmem:$0x2B80] =	vst v1  }
0xb7: {  	v1 =	vld [tilespmem:s10+$0x14D0];
	_ =	sdelay $0x4  }
0xb8: {  	[tilespmem:$0x2B90] =	vst v1  }
0xb9: {  	v1 =	vld [tilespmem:s10+$0x14E0];
	_ =	sdelay $0x4  }
0xba: {  	[tilespmem:$0x2BA0] =	vst v1  }
0xbb: {  	v1 =	vld [tilespmem:s10+$0x14F0];
	_ =	sdelay $0x1  }
.Ltmp2:
0xbc: {  	_ = 	snop;
	(pc) =	sbr.rel @p0 .LBB2_4-.Ltmp2, $3  }
0xbd: {  	_ =	sdelay $0x1  }
0xbe: {  	[tilespmem:$0x2BB0] =	vst v1  }
0xbf: {  	[spmem:s1] =	stream.indirect.scatter.add.f32 [tilespmem:s26], [sflag:$0x8], $0x80, s2, s16, $0xb8;
	[tilespmem:$0x1EC00] =	vst v63  }
0xc0: {  	_ =	swait.ge [sflag:s7], $0x2000  }
0xc1: {  	[sflag:s7] =	ssyncset.done $0x0  }
0xc2: {  	[sflag:s7] =	ssyncadd.s32 $0xFFFFE000  }
0xc3: {  	v1 =	vld [tilespmem:s10+$0x180];
	_ =	sdelay $0x4  }
0xc4: {  	v1 =	vadd.s32 v0, v1  }
0xc5: {  	[tilespmem:$0x2900] =	vst v1  }
0xc6: {  	v1 =	vld [tilespmem:s10+$0x190];
	_ =	sdelay $0x4  }
0xc7: {  	v1 =	vadd.s32 v0, v1  }
0xc8: {  	[tilespmem:$0x2910] =	vst v1  }
0xc9: {  	v1 =	vld [tilespmem:s10+$0x1A0];
	_ =	sdelay $0x4  }
0xca: {  	v1 =	vadd.s32 v0, v1  }
0xcb: {  	[tilespmem:$0x2920] =	vst v1  }
0xcc: {  	v1 =	vld [tilespmem:s10+$0x1B0];
	_ =	sdelay $0x2  }
.Ltmp3:
0xcd: {  	_ = 	snop;
	(pc) =	sbr.rel .LBB2_2-.Ltmp3, $4  }
0xce: {  	_ = 	snop  }
0xcf: {  	v1 =	vadd.s32 v0, v1  }
0xd0: {  	s9 =	sadd.s32 $0x400, s9;
	[tilespmem:$0x2930] =	vst v1  }
0xd1: {  	[tilespmem:s22], [sflag:$0x3] =	stream.indirect.gather [hbm4b:s4+s16], $0x80, s21, s16, $0xb8;
	[tilespmem:$0x1EC00] =	vst v63  }
.LBB2_4:
0xd2: {  	_ =	swait.ge [sflag:s3], $0x2000  }
0xd3: {  	[sflag:s3] =	ssyncset.done $0x0  }
0xd4: {  	[sflag:s3] =	ssyncadd.s32 $0xFFFFE000  }
0xd5: {  	_ =	swait.ge [sflag:s5], $0x2000  }
0xd6: {  	[sflag:s5] =	ssyncset.done $0x0  }
0xd7: {  	[sflag:s5] =	ssyncadd.s32 $0xFFFFE000  }
0xd8: {  	_ =	swait.ge [sflag:s7], $0x2000  }
0xd9: {  	[sflag:s7] =	ssyncset.done $0x0  }
0xda: {  	[sflag:s7] =	ssyncadd.s32 $0xFFFFE000  }
0xdb: {  	_ =	swait.ge [sflag:s8], $0x2000  }
0xdc: {  	[sflag:s8] =	ssyncset.done $0x0  }
0xdd: {  	s9 =	simm.s32 $0x0;
	s10 =	rddreg [dreg:$0x6];
	[sflag:s8] =	ssyncadd.s32 $0xFFFFE000  }
0xde: {  	[tilespmem:s9], [sflag:$0x9] =	stream.linear.gather [hbm4b:s10+s9], $0x1400, $0x38;
	[tilespmem:$0x1EC00] =	vst v63  }
0xdf: {  	_ =	swait.ge [sflag:s14], $0x1400  }
0xe0: {  	[sflag:s14] =	ssyncset.done $0x0  }
0xe1: {  	s11 =	simm.s32 $0x1400;
	s12 =	rddreg [dreg:$0x7];
	[sflag:s14] =	ssyncadd.s32 $0xFFFFEC00  }
0xe2: {  	[tilespmem:s11], [sflag:$0x9] =	stream.linear.gather [hbm4b:s12+s9], $0x1400, $0x38;
	[tilespmem:$0x1EC00] =	vst v63  }
0xe3: {  	_ =	swait.ge [sflag:s14], $0x1400  }
0xe4: {  	[sflag:s14] =	ssyncset.done $0x0  }
0xe5: {  	[sflag:s14] =	ssyncadd.s32 $0xFFFFEC00  }
0xe6: {  	v1 =	vld [tilespmem:$0x0]  }
0xe7: {  	v2 =	vld [tilespmem:$0x10]  }
0xe8: {  	v3 =	vld [tilespmem:$0x20]  }
0xe9: {  	v4 =	vld [tilespmem:$0x30];
	_ =	sdelay $0x1  }
0xea: {  	v1 =	vadd.s32 v0, v1  }
0xeb: {  	[tilespmem:$0x2800] =	vst v1;
	v1 =	vadd.s32 v0, v2  }
0xec: {  	[tilespmem:$0x2810] =	vst v1;
	v1 =	vadd.s32 v0, v3  }
0xed: {  	[tilespmem:$0x2820] =	vst v1;
	v1 =	vadd.s32 v0, v4  }
0xee: {  	s17 =	simm.s32 $0x2800;
	[tilespmem:$0x2830] =	vst v1  }
0xef: {  	[tilespmem:s18], [sflag:$0x1] =	stream.indirect.gather [hbm4b:s4+s16], $0x80, s17, s16, $0xb8;
	[tilespmem:$0x1EC00] =	vst v63  }
0xf0: {  	v1 =	vld [tilespmem:$0x40]  }
0xf1: {  	v2 =	vld [tilespmem:$0x50]  }
0xf2: {  	v3 =	vld [tilespmem:$0x60]  }
0xf3: {  	v62 =	vld [tilespmem:$0x70];
	_ =	sdelay $0x1  }
0xf4: {  	v1 =	vadd.s32 v0, v1  }
0xf5: {  	[tilespmem:$0x2880] =	vst v1;
	v1 =	vadd.s32 v0, v2  }
0xf6: {  	[tilespmem:$0x2890] =	vst v1;
	v1 =	vadd.s32 v0, v3  }
0xf7: {  	[tilespmem:$0x28A0] =	vst v1;
	v1 =	vadd.s32 v0, v62  }
0xf8: {  	s19 =	simm.s32 $0x2880;
	[tilespmem:$0x28B0] =	vst v1  }
0xf9: {  	[tilespmem:s20], [sflag:$0x2] =	stream.indirect.gather [hbm4b:s4+s16], $0x80, s19, s16, $0xb8;
	[tilespmem:$0x1EC00] =	vst v63  }
0xfa: {  	v1 =	vld [tilespmem:$0x80]  }
0xfb: {  	v2 =	vld [tilespmem:$0x90]  }
0xfc: {  	v3 =	vld [tilespmem:$0xA0]  }
0xfd: {  	v63 =	vld [tilespmem:$0xB0];
	_ =	sdelay $0x1  }
0xfe: {  	v1 =	vadd.s32 v0, v1  }
0xff: {  	[tilespmem:$0x2900] =	vst v1;
	v1 =	vadd.s32 v0, v2  }
0x100: {  	[tilespmem:$0x2910] =	vst v1;
	v1 =	vadd.s32 v0, v3  }
0x101: {  	[tilespmem:$0x2920] =	vst v1;
	v1 =	vadd.s32 v0, v63  }
0x102: {  	[tilespmem:$0x2930] =	vst v1  }
0x103: {  	[tilespmem:s22], [sflag:$0x3] =	stream.indirect.gather [hbm4b:s4+s16], $0x80, s21, s16, $0xb8;
	[tilespmem:$0x1EC00] =	vst v63  }
.LBB2_5:
0x104: {  	_ =	swait.ge [sflag:s23], $0x2000  }
0x105: {  	[sflag:s23] =	ssyncset.done $0x0  }
0x106: {  	s10 =	sshra.s32 s9, $0x2;
	[sflag:s23] =	ssyncadd.s32 $0xFFFFE000  }
0x107: {  	v1 =	vld [tilespmem:s10+$0x1400];
	_ =	sdelay $0x4  }
0x108: {  	[tilespmem:$0x2A00] =	vst v1  }
0x109: {  	v1 =	vld [tilespmem:s10+$0x1410];
	_ =	sdelay $0x4  }
0x10a: {  	[tilespmem:$0x2A10] =	vst v1  }
0x10b: {  	v1 =	vld [tilespmem:s10+$0x1420];
	_ =	sdelay $0x4  }
0x10c: {  	[tilespmem:$0x2A20] =	vst v1  }
0x10d: {  	v1 =	vld [tilespmem:s10+$0x1430];
	_ =	sdelay $0x3  }
0x10e: {  	p0 =	seq.s32 s9, $0x0  }
0x10f: {  	s11 =	simm.s32 @!p0 $0x8;
	[tilespmem:$0x2A30] =	vst v1  }
0x110: {  	[spmem:s1] =	stream.indirect.scatter.add.f32 [tilespmem:s18], [sflag:$0x5], $0x80, s24, s16, $0xb8;
	[tilespmem:$0x1EC00] =	vst v63  }
0x111: {  	_ =	swait.ge @!p0 [sflag:s11], $0x2000  }
0x112: {  	[sflag:s11] =	ssyncset.done @!p0 $0x0  }
0x113: {  	[sflag:s11] =	ssyncadd.s32 @!p0 $0xFFFFE000  }
0x114: {  	v1 =	vld [tilespmem:s10+$0xC0];
	_ =	sdelay $0x4  }
0x115: {  	v1 =	vadd.s32 v0, v1  }
0x116: {  	[tilespmem:$0x2980] =	vst v1  }
0x117: {  	v1 =	vld [tilespmem:s10+$0xD0];
	_ =	sdelay $0x4  }
0x118: {  	v1 =	vadd.s32 v0, v1  }
0x119: {  	[tilespmem:$0x2990] =	vst v1  }
0x11a: {  	v1 =	vld [tilespmem:s10+$0xE0];
	_ =	sdelay $0x4  }
0x11b: {  	v1 =	vadd.s32 v0, v1  }
0x11c: {  	[tilespmem:$0x29A0] =	vst v1  }
0x11d: {  	v1 =	vld [tilespmem:s10+$0xF0];
	_ =	sdelay $0x4  }
0x11e: {  	v1 =	vadd.s32 v0, v1  }
0x11f: {  	[tilespmem:$0x29B0] =	vst v1  }
0x120: {  	[tilespmem:s26], [sflag:$0x4] =	stream.indirect.gather [hbm4b:s4+s16], $0x80, s25, s16, $0xb8;
	[tilespmem:$0x1EC00] =	vst v63  }
0x121: {  	_ =	swait.ge [sflag:s28], $0x2000  }
0x122: {  	[sflag:s28] =	ssyncset.done $0x0  }
0x123: {  	[sflag:s28] =	ssyncadd.s32 $0xFFFFE000  }
0x124: {  	v1 =	vld [tilespmem:s10+$0x1440];
	_ =	sdelay $0x4  }
0x125: {  	[tilespmem:$0x2A80] =	vst v1  }
0x126: {  	v1 =	vld [tilespmem:s10+$0x1450];
	_ =	sdelay $0x4  }
0x127: {  	[tilespmem:$0x2A90] =	vst v1  }
0x128: {  	v1 =	vld [tilespmem:s10+$0x1460];
	_ =	sdelay $0x4  }
0x129: {  	[tilespmem:$0x2AA0] =	vst v1  }
0x12a: {  	v1 =	vld [tilespmem:s10+$0x1470];
	_ =	sdelay $0x3  }
0x12b: {  	p0 =	seq.s32 s9, $0x4C00  }
0x12c: {  	s11 =	simm.s32 @!p0 $0x5;
	[tilespmem:$0x2AB0] =	vst v1  }
0x12d: {  	[spmem:s1] =	stream.indirect.scatter.add.f32 [tilespmem:s20], [sflag:$0x6], $0x80, s29, s16, $0xb8;
	[tilespmem:$0x1EC00] =	vst v63  }
0x12e: {  	_ =	swait.ge @!p0 [sflag:s11], $0x2000  }
0x12f: {  	[sflag:s11] =	ssyncset.done @!p0 $0x0  }
0x130: {  	[sflag:s11] =	ssyncadd.s32 @!p0 $0xFFFFE000;
	s11 =	sshra.s32 @!p0 s9, $0x2  }
0x131: {  	v1 =	vld @!p0 [tilespmem:s11+$0x100];
	_ =	sdelay $0x4  }
0x132: {  	v1 =	vadd.s32 @!p0 v0, v1  }
0x133: {  	[tilespmem:$0x2800] =	vst @!p0 v1  }
0x134: {  	v1 =	vld @!p0 [tilespmem:s11+$0x110];
	_ =	sdelay $0x4  }
0x135: {  	v1 =	vadd.s32 @!p0 v0, v1  }
0x136: {  	[tilespmem:$0x2810] =	vst @!p0 v1  }
0x137: {  	v1 =	vld @!p0 [tilespmem:s11+$0x120];
	_ =	sdelay $0x4  }
0x138: {  	v1 =	vadd.s32 @!p0 v0, v1  }
0x139: {  	[tilespmem:$0x2820] =	vst @!p0 v1  }
0x13a: {  	v1 =	vld @!p0 [tilespmem:s11+$0x130];
	_ =	sdelay $0x4  }
0x13b: {  	v1 =	vadd.s32 @!p0 v0, v1  }
0x13c: {  	s12 =	simm.s32 @!p0 $0x40;
	s17 =	simm.s32 @!p0 $0x2800;
	s19 =	simm.s32 @!p0 $0x2C00;
	[tilespmem:$0x2830] =	vst @!p0 v1  }
0x13d: {  	[tilespmem:s19], [sflag:$0x1] =	stream.indirect.gather @!p0 [hbm4b:s4+s12], $0x80, s17, s12, $0xb8;
	[tilespmem:$0x1EC00] =	vst v63  }
0x13e: {  	_ =	swait.ge [sflag:s30], $0x2000  }
0x13f: {  	[sflag:s30] =	ssyncset.done $0x0  }
0x140: {  	[sflag:s30] =	ssyncadd.s32 $0xFFFFE000  }
0x141: {  	v1 =	vld [tilespmem:s10+$0x1480];
	_ =	sdelay $0x4  }
0x142: {  	[tilespmem:$0x2B00] =	vst v1  }
0x143: {  	v1 =	vld [tilespmem:s10+$0x1490];
	_ =	sdelay $0x4  }
0x144: {  	[tilespmem:$0x2B10] =	vst v1  }
0x145: {  	v1 =	vld [tilespmem:s10+$0x14A0];
	_ =	sdelay $0x4  }
0x146: {  	[tilespmem:$0x2B20] =	vst v1  }
0x147: {  	v1 =	vld [tilespmem:s10+$0x14B0];
	_ =	sdelay $0x4  }
0x148: {  	s17 =	simm.s32 @!p0 $0x6;
	[tilespmem:$0x2B30] =	vst v1  }
0x149: {  	[spmem:s1] =	stream.indirect.scatter.add.f32 [tilespmem:s22], [sflag:$0x7], $0x80, s31, s16, $0xb8;
	[tilespmem:$0x1EC00] =	vst v63  }
0x14a: {  	_ =	swait.ge @!p0 [sflag:s17], $0x2000  }
0x14b: {  	[sflag:s17] =	ssyncset.done @!p0 $0x0  }
0x14c: {  	[sflag:s17] =	ssyncadd.s32 @!p0 $0xFFFFE000  }
0x14d: {  	v1 =	vld @!p0 [tilespmem:s11+$0x140];
	_ =	sdelay $0x4  }
0x14e: {  	v1 =	vadd.s32 @!p0 v0, v1  }
0x14f: {  	[tilespmem:$0x2880] =	vst @!p0 v1  }
0x150: {  	v1 =	vld @!p0 [tilespmem:s11+$0x150];
	_ =	sdelay $0x4  }
0x151: {  	v1 =	vadd.s32 @!p0 v0, v1  }
0x152: {  	[tilespmem:$0x2890] =	vst @!p0 v1  }
0x153: {  	v1 =	vld @!p0 [tilespmem:s11+$0x160];
	_ =	sdelay $0x4  }
0x154: {  	v1 =	vadd.s32 @!p0 v0, v1  }
0x155: {  	[tilespmem:$0x28A0] =	vst @!p0 v1  }
0x156: {  	v1 =	vld @!p0 [tilespmem:s11+$0x170];
	_ =	sdelay $0x4  }
0x157: {  	v1 =	vadd.s32 @!p0 v0, v1  }
0x158: {  	s17 =	simm.s32 @!p0 $0x4C00;
	s11 =	simm.s32 @!p0 $0x2880;
	[tilespmem:$0x28B0] =	vst @!p0 v1  }
0x159: {  	[tilespmem:s17], [sflag:$0x2] =	stream.indirect.gather @!p0 [hbm4b:s4+s12], $0x80, s11, s12, $0xb8;
	[tilespmem:$0x1EC00] =	vst v63  }
0x15a: {  	_ =	swait.ge [sflag:s0], $0x2000  }
0x15b: {  	[sflag:s0] =	ssyncset.done $0x0  }
0x15c: {  	[sflag:s0] =	ssyncadd.s32 $0xFFFFE000  }
0x15d: {  	v1 =	vld [tilespmem:s10+$0x14C0];
	_ =	sdelay $0x4  }
0x15e: {  	[tilespmem:$0x2B80] =	vst v1  }
0x15f: {  	v1 =	vld [tilespmem:s10+$0x14D0];
	_ =	sdelay $0x4  }
0x160: {  	[tilespmem:$0x2B90] =	vst v1  }
0x161: {  	v1 =	vld [tilespmem:s10+$0x14E0];
	_ =	sdelay $0x4  }
0x162: {  	[tilespmem:$0x2BA0] =	vst v1  }
0x163: {  	v1 =	vld [tilespmem:s10+$0x14F0];
	_ =	sdelay $0x1  }
.Ltmp4:
0x164: {  	_ = 	snop;
	(pc) =	sbr.rel @p0 .LBB2_7-.Ltmp4, $3  }
0x165: {  	_ =	sdelay $0x1  }
0x166: {  	[tilespmem:$0x2BB0] =	vst v1  }
0x167: {  	[spmem:s1] =	stream.indirect.scatter.add.f32 [tilespmem:s26], [sflag:$0x8], $0x80, s2, s16, $0xb8;
	[tilespmem:$0x1EC00] =	vst v63  }
0x168: {  	_ =	swait.ge [sflag:s7], $0x2000  }
0x169: {  	[sflag:s7] =	ssyncset.done $0x0  }
0x16a: {  	[sflag:s7] =	ssyncadd.s32 $0xFFFFE000  }
0x16b: {  	v1 =	vld [tilespmem:s10+$0x180];
	_ =	sdelay $0x4  }
0x16c: {  	v1 =	vadd.s32 v0, v1  }
0x16d: {  	[tilespmem:$0x2900] =	vst v1  }
0x16e: {  	v1 =	vld [tilespmem:s10+$0x190];
	_ =	sdelay $0x4  }
0x16f: {  	v1 =	vadd.s32 v0, v1  }
0x170: {  	[tilespmem:$0x2910] =	vst v1  }
0x171: {  	v1 =	vld [tilespmem:s10+$0x1A0];
	_ =	sdelay $0x4  }
0x172: {  	v1 =	vadd.s32 v0, v1  }
0x173: {  	[tilespmem:$0x2920] =	vst v1  }
0x174: {  	v1 =	vld [tilespmem:s10+$0x1B0];
	_ =	sdelay $0x2  }
.Ltmp5:
0x175: {  	_ = 	snop;
	(pc) =	sbr.rel .LBB2_5-.Ltmp5, $4  }
0x176: {  	_ = 	snop  }
0x177: {  	v1 =	vadd.s32 v0, v1  }
0x178: {  	s9 =	sadd.s32 $0x400, s9;
	[tilespmem:$0x2930] =	vst v1  }
0x179: {  	[tilespmem:s22], [sflag:$0x3] =	stream.indirect.gather [hbm4b:s4+s16], $0x80, s21, s16, $0xb8;
	[tilespmem:$0x1EC00] =	vst v63  }
.LBB2_8:
0x17a: {  	_ =	sfence.sel $0x180000  }
0x17b: {  	[bflag:$0x0] =	sbarrier.arrive $0xFFFF  }
0x17c: {  	_ =	strace $0x9000004A  }
0x17d: {  	s0 =	stileid.u32;
	[bflag:$0x2] =	sbarrier.arrive $0xFFFF  }
0x17e: {  	p0 =	sne.s32 s0, $0x0;
	s0 =	rddreg [dreg:$0x2]  }
0x17f: {  	s0 =	sadd.s32 @!p0 $0x100000, s0  }
0x180: {  	[sflag:s0] =	ssyncadd.tile.s32 @!p0 $0x1;
	_ =	shalt  }
.Lfunc_end2:
_tile_overlayer_lowered:
.L_overlay_start_2:
0x181: {  	(tag) =	ssettag $0x2  }
0x182: {  	s0 =	rddreg [dreg:$0x0];
	s2 =	stileid.u32  }
0x183: {  	s1 =	rddreg [dreg:$0x1];
	p0 =	sne.s32 s2, $0x0  }
0x184: {  	s3 =	rddreg [dreg:$0x2];
	[bflag:$0x3] =	sbarrier.arrive $0xFFFF;
	s2 =	simm.s32 @!p0 $0x1C09  }
0x185: {  	[timem:s3], [sflag:s2] =	dma.local @!p0 [hbm:s0], s1  }
0x186: {  	s0 =	simm.s32 @!p0 $0x9  }
0x187: {  	_ =	swait.ge @!p0 [sflag:s0], s1  }
0x188: {  	s1 =	ssub.s32 @!p0 $0x0, s1;
	[sflag:s0] =	ssyncset.done @!p0 $0x0  }
0x189: {  	[sflag:s0] =	ssyncadd.s32 @!p0 s1  }
0x18a: {  	[bflag:$0x3] =	sbarrier.arrive $0xFFFF  }
0x18b: {  	_ =	shalt  }

// kernel: kernel.15.cloned.1.call-start
scs
__scs_entry_jumppad:
0x0: {  	(pc) =	sbr.rel $0x88, $3  }
0x1: {  	(tag) =	ssettag $0x0;
	lr =	simm.s32 $0x1  }
0x2: {  	[smem:$0x3F93] =	sst lr;
	_ =	strace $0xD0000000  }
0x3: {  	_ = 	snop  }
0x4: {  	_ = 	snop  }
0x5: {  	_ = 	snop  }
0x6: {  	_ = 	snop  }
0x7: {  	_ = 	snop  }
__scs_overlays_trampoline_lowered:
0x8: {  	[smem:$0x3FA2] =	sst s0  }
0x9: {  	[smem:$0x3FA3] =	sst s1  }
0xa: {  	[smem:$0x3FA4] =	sst s2  }
0xb: {  	[smem:$0x3FA5] =	sst s3  }
0xc: {  	[smem:$0x3FA6] =	sst s4  }
0xd: {  	[smem:$0x3FA7] =	sst s5  }
0xe: {  	[smem:$0x3FA8] =	sst s6  }
0xf: {  	[smem:$0x3FA9] =	sst s7  }
0x10: {  	[smem:$0x3FAA] =	sst s8  }
0x11: {  	[smem:$0x3FAB] =	sst s9;
	s0 =	simm.s32 @!p0 $0x0  }
0x12: {  	s1 =	sld [smem:$0x3F91];
	s0 =	simm.s32 @p0 $0x1  }
0x13: {  	[smem:$0x3FAC] =	sst s0;
	s0 =	simm.s32 @!p1 $0x0  }
0x14: {  	s2 =	sld [smem:$0x3F90];
	s0 =	simm.s32 @p1 $0x1  }
0x15: {  	[smem:$0x3FAD] =	sst s0;
	s0 =	simm.s32 @!p2 $0x0  }
0x16: {  	s3 =	sld [smem:$0x3FDB];
	s0 =	simm.s32 @p2 $0x1  }
0x17: {  	s4 =	simm.s32 $0x1BF5;
	[smem:$0x3FAF] =	sst s0  }
0x18: {  	s0 =	sld [smem:$0x3F92];
	_ =	swait.ge [sflag:s4], $0x0  }
0x19: {  	s7 =	sld [smem:$0x3F93]  }
0x1a: {  	s8 =	sadd.s32 $0xFFFFE003, lr  }
0x1b: {  	s9 =	sadd.s32 $0xFFFFFEF7, lr;
	s5 =	simm.s32 $0xFFFFFFFF;
	p2 =	slt.u32 s8, $0xFFFFF086  }
0x1c: {  	p1 =	slt.u32 s9, $0xF7A;
	s5 =	simm.s32 @!p2 $0x0  }
0x1d: {  	s5 =	simm.s32 @p1 $0x1;
	p0 =	seq.s32 s7, s2  }
0x1e: {  	s7 =	smul.u32 @!p0 $0xF7A, s2;
	p2 =	seq.s32 @!p0 s5, $0x0  }
0x1f: {  	s9 =	smul.u32 $0xF7A, s1;
	s8 =	simm.s32 @!p0 $0x1BF5;
	p2 =	por !p2, p0  }
0x20: {  	[sflag:s8] =	ssyncset.s32 @!p0 $0xFFFFF086;
	s6 =	sadd.s32 @!p0 s3, s7;
	s7 =	simm.s32 @!p0 $0x108  }
0x21: {  	s3 =	sadd.s32 s3, s9;
	s6 =	sadd.s32 @!p0 $0x88, s6;
	s7 =	simm.s32 @p2 $0x1082  }
0x22: {  	[simem:s7], [sflag:s8] =	dma.local @!p0 [hbm:s6], $0xF7A  }
0x23: {  	s9 =	sor.u32 $0xD0000000, s2;
	s6 =	simm.s32 $0x108;
	_ =	swait.ge @!p0 [sflag:s8], $0x0  }
0x24: {  	s3 =	sadd.s32 $0x88, s3;
	s6 =	simm.s32 @!p1 $0x1082;
	[sflag:s4] =	ssyncset.s32 $0xFFFFF086  }
0x25: {  	[simem:s6], [sflag:s4] =	dma.local [hbm:s3], $0xF7A  }
0x26: {  	[smem:$0x3F93] =	sst s1;
	(tag) =	ssettag s2;
	_ =	strace s9  }
0x27: {  	s1 =	sld [smem:$0x3FA3]  }
0x28: {  	s2 =	sld [smem:$0x3FA4]  }
0x29: {  	s4 =	sld [smem:$0x3FA6]  }
0x2a: {  	p0 =	seq.s32 s5, $0x0;
	s5 =	sld [smem:$0x3FA7]  }
0x2b: {  	s6 =	sld [smem:$0x3FA8]  }
0x2c: {  	s7 =	sld [smem:$0x3FA9]  }
0x2d: {  	s3 =	simm.s32 $0x108;
	s8 =	sld [smem:$0x3FAA]  }
0x2e: {  	s3 =	simm.s32 @!p0 $0x1082;
	s9 =	sld [smem:$0x3FAB]  }
0x2f: {  	lr =	sadd.s32 s0, s3;
	s0 =	sld [smem:$0x3FA2]  }
0x30: {  	s3 =	sld [smem:$0x3FA5]  }
0x31: {  	[smem:$0x3FAE] =	sst s10  }
0x32: {  	s10 =	sld [smem:$0x3FAC];
	_ =	sdelay $0x3  }
0x33: {  	p0 =	seq.s32 s10, $0x1;
	s10 =	sld [smem:$0x3FAE];
	_ =	sdelay $0x3  }
0x34: {  	[smem:$0x3FAE] =	sst s10  }
0x35: {  	s10 =	sld [smem:$0x3FAD];
	_ =	sdelay $0x3  }
0x36: {  	p1 =	seq.s32 s10, $0x1;
	s10 =	sld [smem:$0x3FAE];
	_ =	sdelay $0x3  }
0x37: {  	[smem:$0x3FAE] =	sst s10  }
0x38: {  	s10 =	sld [smem:$0x3FAF]  }
0x39: {  	_ = 	snop;
	(pc) =	sbr.ind lr, $3  }
0x3a: {  	_ = 	snop  }
0x3b: {  	_ = 	snop  }
0x3c: {  	p2 =	seq.s32 s10, $0x1;
	s10 =	sld [smem:$0x3FAE]  }
0x3d: {  	_ =	shalt  }
0x3e: {  	_ =	shalt  }
0x3f: {  	_ =	shalt  }
0x40: {  	_ =	shalt  }
0x41: {  	_ =	shalt  }
0x42: {  	_ =	shalt  }
0x43: {  	_ =	shalt  }
0x44: {  	_ =	shalt  }
0x45: {  	_ =	shalt  }
0x46: {  	_ =	shalt  }
0x47: {  	_ =	shalt  }
0x48: {  	_ =	shalt  }
0x49: {  	_ =	shalt  }
0x4a: {  	_ =	shalt  }
0x4b: {  	_ =	shalt  }
0x4c: {  	_ =	shalt  }
0x4d: {  	_ =	shalt  }
0x4e: {  	_ =	shalt  }
0x4f: {  	_ =	shalt  }
0x50: {  	_ =	shalt  }
0x51: {  	_ =	shalt  }
0x52: {  	_ =	shalt  }
0x53: {  	_ =	shalt  }
0x54: {  	_ =	shalt  }
0x55: {  	_ =	shalt  }
0x56: {  	_ =	shalt  }
0x57: {  	_ =	shalt  }
0x58: {  	_ =	shalt  }
0x59: {  	_ =	shalt  }
0x5a: {  	_ =	shalt  }
0x5b: {  	_ =	shalt  }
0x5c: {  	_ =	shalt  }
0x5d: {  	_ =	shalt  }
0x5e: {  	_ =	shalt  }
0x5f: {  	_ =	shalt  }
0x60: {  	_ =	shalt  }
0x61: {  	_ =	shalt  }
0x62: {  	_ =	shalt  }
0x63: {  	_ =	shalt  }
0x64: {  	_ =	shalt  }
0x65: {  	_ =	shalt  }
0x66: {  	_ =	shalt  }
0x67: {  	_ =	shalt  }
0x68: {  	_ =	shalt  }
0x69: {  	_ =	shalt  }
0x6a: {  	_ =	shalt  }
0x6b: {  	_ =	shalt  }
0x6c: {  	_ =	shalt  }
0x6d: {  	_ =	shalt  }
0x6e: {  	_ =	shalt  }
0x6f: {  	_ =	shalt  }
0x70: {  	_ =	shalt  }
0x71: {  	_ =	shalt  }
0x72: {  	_ =	shalt  }
0x73: {  	_ =	shalt  }
0x74: {  	_ =	shalt  }
0x75: {  	_ =	shalt  }
0x76: {  	_ =	shalt  }
0x77: {  	_ =	shalt  }
0x78: {  	_ =	shalt  }
0x79: {  	_ =	shalt  }
0x7a: {  	_ =	shalt  }
0x7b: {  	_ =	shalt  }
0x7c: {  	_ =	shalt  }
0x7d: {  	_ =	shalt  }
0x7e: {  	_ =	shalt  }
0x7f: {  	_ =	shalt  }
0x80: {  	_ =	shalt  }
0x81: {  	_ =	shalt  }
0x82: {  	_ =	shalt  }
0x83: {  	_ =	shalt  }
0x84: {  	_ =	shalt  }
0x85: {  	_ =	shalt  }
0x86: {  	_ =	shalt  }
0x87: {  	_ =	shalt  }
.Lfunc_end0:
.L_simem_size_0:
called_computation.2_lowered:
.L_overlay_start_0:
0x88: {  	s2 =	sld [smem:$0x3FD9]  }
0x89: {  	s3 =	sld [smem:$0x3FFE];
	_ =	sdelay $0x1  }
0x8a: {  	s1 =	srdreg.scid  }
0x8b: {  	s0 =	sand.u32 $0x1, s1  }
0x8c: {  	s16 =	sshll.u32 s0, $0xA;
	s2 =	sadd.s32 s3, s2  }
0x8d: {  	s2 =	sadd.s32 s2, s16  }
0x8e: {  	[smem:$0x3FBA] =	sst s2  }
0x8f: {  	_ = 	snop  }
0x90: {  	(tm) =	ssettm $0x1  }
0x91: {  	s17 =	sld [smem:$0x3FFB];
	_ =	sdelay $0x3  }
0x92: {  	_ =	strace s17  }
0x93: {  	s2 =	sld [smem:$0x3FFC];
	_ =	sdelay $0x3  }
0x94: {  	_ =	strace s2  }
0x95: {  	s2 =	sld [smem:$0x3FFD];
	_ =	sdelay $0x3  }
0x96: {  	_ =	strace s2  }
0x97: {  	_ =	strace $0x8FFFFFFF  }
0x98: {  	s18 =	sld [smem:$0x3FDB];
	_ =	sdelay $0x1  }
0x99: {  	s19 =	simm.s32 $_scs_section_size  }
0x9a: {  	s4 =	simm.s32 $_size__tile_overlayer_lowered;
	s5 =	simm.s32 $_tile_overlayer_lowered  }
0x9b: {  	s22 =	simm.s32 $0x1BFF;
	s21 =	sshll.u32 s5, $0x1;
	s2 =	sadd.s32 s19, s18  }
0x9c: {  	s6 =	simm.s32 $0x0;
	s20 =	sshll.u32 s4, $0x1;
	s4 =	sadd.s32 s21, s2  }
0x9d: {  	[timem:s6], [sflag:s22] =	dma.local [hbm:s4], s20  }
0x9e: {  	_ =	swait.ge [sflag:s22], s20  }
0x9f: {  	s3 =	ssub.s32 $0x0, s20;
	[sflag:s22] =	ssyncset.done $0x0  }
0xa0: {  	[sflag:s22] =	ssyncadd.s32 s3;
	_ =	sdelay $0x1  }
0xa1: {  	s23 =	simm.s32 $0x1B8B  }
0xa2: {  	_ =	swait.ge [sflag:s23], $0x1  }
0xa3: {  	[sflag:s23] =	ssyncset.done $0x0  }
0xa4: {  	s25 =	simm.s32 $0x1B8E;
	s24 =	sld [smem:$0x3FFE];
	[sflag:s23] =	ssyncadd.s32 $0xFFFFFFFF  }
0xa5: {  	s26 =	simm.s32 $execute0_lowered;
	[smem:$0x3FD2] =	sst s25  }
0xa6: {  	s4 =	sshll.u32 s26, $0x1;
	_ =	strace $0x8000004C;
	[dreg:$0x1] =	wrdreg $0xFFFFFFFF  }
0xa7: {  	s28 =	simm.s32 $_size_execute0_lowered;
	s2 =	sadd.s32 s2, s4;
	[dreg:$0x0] =	wrdreg $0x0  }
0xa8: {  	s4 =	sshll.u32 s28, $0x1;
	[dreg:$0x2] =	wrdreg s2  }
0xa9: {  	[dreg:$0x3] =	wrdreg s4  }
0xaa: {  	[dreg:$0x4] =	wrdreg $0xC0  }
0xab: {  	_ =	task [dreg:s6], $0x5FFFF  }
0xac: {  	[dreg:$0x1] =	wrdreg $0xFFFFFFFF  }
0xad: {  	[dreg:$0x0] =	wrdreg $0x60  }
0xae: {  	[dreg:$0x2] =	wrdreg s24  }
0xaf: {  	[dreg:$0x3] =	wrdreg $0xAC000  }
0xb0: {  	[dreg:$0x4] =	wrdreg $0x9  }
0xb1: {  	_ =	task.clear_ibuf [dreg:s6], $0x5FFFF;
	_ =	strace $0x9000004C  }
0xb2: {  	s29 =	simm.s32 $0x9;
	_ =	strace $0x8000004E  }
0xb3: {  	_ =	swait.ge [sflag:s29], $0x1  }
0xb4: {  	[sflag:s29] =	ssyncadd.s32 $0xFFFFFFFF  }
0xb5: {  	_ =	strace $0x9000004E  }
0xb6: {  	_ =	sfence  }
0xb7: {  	s30 =	sld [smem:$0x0];
	_ =	sdelay $0x2  }
0xb8: {  	s31 =	sshll.u32 s1, $0xD;
	s1 =	sshrl.u32 s1, $0x2  }
0xb9: {  	s3 =	sand.u32 $0x4000, s31;
	s1 =	sadd.s32 s1, s30  }
0xba: {  	s0 =	sor.u32 s3, s0;
	s1 =	sshll.u32 s1, $0x11  }
0xbb: {  	s0 =	sor.u32 s1, s0  }
0xbc: {  	s0 =	sadd.s32 $0x8F2B, s0  }
0xbd: {  	[sflag:s0] =	ssyncadd.remote.s32 $0x1  }
0xbe: {  	_ =	sfence.sel $0xFFFF  }
0xbf: {  	[dreg:$0x0] =	wrdreg $0xFFFFFFFF;
	(pc) =	sbr.abs _section_cstart, $3  }
0xc0: {  	[dreg:$0x1] =	wrdreg $0xFFFFFFFF  }
0xc1: {  	_ =	task.clear_ibuf [dreg:s6], $0x2FFFF;
	_ =	strace $0x9FFFFFFF  }
0xc2: {  	(tm) =	ssettm $0x7FFFFFFF  }
0xc3: {  	_ =	shalt  }
tec
execute0_lowered:
.L_overlay_start_1:
0x0: {  	(tag) =	ssettag $0x1  }
0x1: {  	s0 =	rddreg [dreg:$0x0]  }
0x2: {  	s2 =	rddreg [dreg:$0x1];
	s1 =	simm.s32 $0x0;
	s16 =	stileid.u32  }
0x3: {  	s21 =	srdreg.scid;
	s28 =	simm.s32 $0x1;
	s3 =	smul.u32 $0x14000, s16  }
0x4: {  	s29 =	simm.s32 $0x2A00;
	s30 =	simm.s32 $0x2980;
	s7 =	smul.u32 $0x280, s16  }
0x5: {  	s31 =	simm.s32 $0x8C00;
	[smem:$0x7FF] =	sst s1;
	s12 =	smul.u32 $0x50000, s16  }
0x6: {  	s1 =	sand.u32 $0x1, s21;
	s4 =	sadd.s32 $0x35200, s0;
	s14 =	smul.u32 $0x2800, s16  }
0x7: {  	s5 =	sadd.s32 $0x3200, s0;
	s6 =	sadd.s32 $0x8200, s0;
	s23 =	smul.u32 $0x500, s16  }
0x8: {  	s22 =	sshll.u32 s16, $0x6;
	_ =	strace $0x8000004D;
	s11 =	smul.u32 $0x2800, s1  }
0x9: {  	s10 =	ssub.s32 $0x2, s1;
	s25 =	smul.u32 $0x140000, s1;
	s18 =	sor.u32 $0x2, s1  }
0xa: {  	s20 =	sshll.u32 s1, $0x4;
	p0 =	seq.s32 s1, $0x1;
	s8 =	sshrl.u32 s3, $0x3  }
0xb: {  	s13 =	sshrl.u32 s10, $0x1;
	s12 =	sshrl.u32 s12, $0x2;
	s24 =	sshrl.u32 s14, $0x3  }
0xc: {  	s15 =	sadd.s32 s5, s23;
	s19 =	smul.u32 $0x2800, s18;
	s21 =	sor.u32 s16, s20  }
0xd: {  	s20 =	simm.s32 $0x40;
	s14 =	simm.s32 $0x0;
	s9 =	sadd.s32 s8, s0  }
0xe: {  	s0 =	sadd.s32 $0xD5200, s0;
	s7 =	sadd.s32 s7, s11;
	s10 =	ssub.s32 s10, s13  }
0xf: {  	s12 =	sadd.s32 s12, s2;
	s13 =	sadd.s32 $0x280, s24;
	[dreg:$0x5] =	wrdreg s15  }
0x10: {  	s17 =	sadd.s32 s3, s25;
	s24 =	smul.u32 $0x280, s21;
	v0 =	vmov s11;
	s11 =	simm.s32 $0x7  }
0x11: {  	s7 =	sshll.u32 s7, $0x4;
	[dreg:$0x3] =	wrdreg s12;
	s12 =	sadd.s32 s6, s23  }
0x12: {  	s26 =	sadd.s32 s5, s13;
	s15 =	sadd.s32 s6, s13;
	s23 =	sadd.s32 s4, s8  }
0x13: {  	s1 =	sadd.s32 $0xD200, s9;
	s8 =	simm.s32 $0x2B80;
	[dreg:$0x6] =	wrdreg s12  }
0x14: {  	s9 =	simm.s32 $0x5;
	s7 =	sadd.s32 s4, s7;
	[dreg:$0x7] =	wrdreg s26  }
0x15: {  	[dreg:$0x8] =	wrdreg s15;
	s12 =	sshrl.u32 s17, $0x3;
	s5 =	sadd.s32 s5, s24  }
0x16: {  	s25 =	sadd.s32 s6, s24;
	s26 =	smax.u32 s10, $0x1;
	[dreg:$0x4] =	wrdreg s7  }
0x17: {  	s24 =	simm.s32 $0x4C00;
	s6 =	simm.s32 $0x4;
	[dreg:$0xb] =	wrdreg s5  }
0x18: {  	s10 =	simm.s32 $0x6;
	s7 =	sor.u32 $0x1C09, s22;
	[dreg:$0xc] =	wrdreg s25  }
0x19: {  	s12 =	sadd.s32 s0, s12;
	s22 =	smul.u32 $0x140000, s18;
	[dreg:$0xe] =	wrdreg s26  }
0x1a: {  	s18 =	simm.s32 $0x9;
	s25 =	simm.s32 $0x2900;
	s26 =	simm.s32 $0x6C00  }
.Ltmp0:
0x1b: {  	[dreg:$0x9] =	wrdreg s12;
	s12 =	sadd.s32 $0x50000, s23;
	(pc) =	sbr.rel .LBB2_1-.Ltmp0, $4  }
0x1c: {  	s5 =	simm.s32 $0x2B00;
	s3 =	sadd.s32 s3, s22;
	s12 =	smov.u32 @p0 s1  }
0x1d: {  	s22 =	simm.s32 $0x2C00;
	s1 =	simm.s32 $0x2A80;
	s3 =	sshrl.u32 s3, $0x3  }
0x1e: {  	[dreg:$0xa] =	wrdreg s12;
	s12 =	simm.s32 $0x8;
	s0 =	sadd.s32 s0, s3  }
0x1f: {  	v1 =	vmov s19;
	s3 =	simm.s32 $0x3;
	[dreg:$0xd] =	wrdreg s0;
	s0 =	simm.s32 $0x2  }
.LBB2_10:
0x20: {  	_ =	swait.ge [sflag:s9], $0x2000  }
0x21: {  	[sflag:s9] =	ssyncset.done $0x0  }
0x22: {  	[sflag:s9] =	ssyncadd.s32 $0xFFFFE000  }
0x23: {  	_ =	swait.ge [sflag:s10], $0x2000  }
0x24: {  	[sflag:s10] =	ssyncset.done $0x0  }
0x25: {  	[sflag:s10] =	ssyncadd.s32 $0xFFFFE000  }
0x26: {  	_ =	swait.ge [sflag:s11], $0x2000  }
0x27: {  	[sflag:s11] =	ssyncset.done $0x0  }
0x28: {  	[sflag:s11] =	ssyncadd.s32 $0xFFFFE000  }
0x29: {  	_ =	swait.ge [sflag:s12], $0x2000  }
0x2a: {  	[sflag:s12] =	ssyncset.done $0x0  }
0x2b: {  	[sflag:s12] =	ssyncadd.s32 $0xFFFFE000  }
0x2c: {  	[bflag:$0x0] =	sbarrier.arrive $0xFFFF  }
0x2d: {  	s13 =	rddreg [dreg:$0xd]  }
0x2e: {  	[hbm:s13], [sflag:s7] =	dma.local [spmem:s15], $0x2800  }
0x2f: {  	_ =	swait.ge [sflag:s18], $0x2800  }
0x30: {  	s14 =	sadd.s32 $0x1, s14;
	s23 =	rddreg [dreg:$0xe]  }
0x31: {  	p0 =	sne.s32 s14, s23  }
.Ltmp1:
0x32: {  	_ = 	snop;
	(pc) =	sbr.rel @!p0 .LBB2_11-.Ltmp1, $3  }
0x33: {  	_ =	sdelay $0x1  }
0x34: {  	[sflag:s18] =	ssyncset.done $0x0  }
0x35: {  	[sflag:s18] =	ssyncadd.s32 $0xFFFFD800  }
.LBB2_1:
0x36: {  	s13 =	rddreg [dreg:$0x3]  }
0x37: {  	s21 =	rddreg [dreg:$0x4];
	s15 =	sshrl.u32 s13, $0x3  }
0x38: {  	[spmem:s15], [sflag:s7] =	dma.local [hbm:s21], $0x2800  }
0x39: {  	_ =	swait.ge [sflag:s18], $0x2800  }
0x3a: {  	[sflag:s18] =	ssyncset.done $0x0  }
0x3b: {  	[sflag:s18] =	ssyncadd.s32 $0xFFFFD800  }
0x3c: {  	[bflag:$0x0] =	sbarrier.arrive $0xFFFF  }
0x3d: {  	s23 =	simm.s32 $0x0;
	s16 =	rddreg [dreg:$0x5]  }
0x3e: {  	[tilespmem:s23], [sflag:$0x9] =	stream.linear.gather [hbm4b:s16+s23], $0x1400, $0x38;
	[tilespmem:$0x1EC00] =	vst v63  }
0x3f: {  	_ =	swait.ge [sflag:s18], $0x1400  }
0x40: {  	[sflag:s18] =	ssyncset.done $0x0  }
0x41: {  	s17 =	simm.s32 $0x1400;
	s19 =	rddreg [dreg:$0x6];
	[sflag:s18] =	ssyncadd.s32 $0xFFFFEC00  }
0x42: {  	[tilespmem:s17], [sflag:$0x9] =	stream.linear.gather [hbm4b:s19+s23], $0x1400, $0x38;
	[tilespmem:$0x1EC00] =	vst v63  }
0x43: {  	_ =	swait.ge [sflag:s18], $0x1400  }
0x44: {  	[sflag:s18] =	ssyncset.done $0x0  }
0x45: {  	[sflag:s18] =	ssyncadd.s32 $0xFFFFEC00  }
0x46: {  	v2 =	vld [tilespmem:$0x0]  }
0x47: {  	v3 =	vld [tilespmem:$0x10]  }
0x48: {  	v4 =	vld [tilespmem:$0x20]  }
0x49: {  	v5 =	vld [tilespmem:$0x30];
	_ =	sdelay $0x1  }
0x4a: {  	v2 =	vadd.s32 v0, v2  }
0x4b: {  	[tilespmem:$0x2800] =	vst v2;
	v2 =	vadd.s32 v0, v3  }
0x4c: {  	[tilespmem:$0x2810] =	vst v2;
	v2 =	vadd.s32 v0, v4  }
0x4d: {  	[tilespmem:$0x2820] =	vst v2;
	v2 =	vadd.s32 v0, v5  }
0x4e: {  	s21 =	simm.s32 $0x2800;
	[tilespmem:$0x2830] =	vst v2  }
0x4f: {  	[tilespmem:s22], [sflag:$0x1] =	stream.indirect.gather [hbm4b:s4+s20], $0x80, s21, s20, $0xb8;
	[tilespmem:$0x1EC00] =	vst v63  }
0x50: {  	v2 =	vld [tilespmem:$0x40]  }
0x51: {  	v3 =	vld [tilespmem:$0x50]  }
0x52: {  	v60 =	vld [tilespmem:$0x60]  }
0x53: {  	v61 =	vld [tilespmem:$0x70];
	_ =	sdelay $0x1  }
0x54: {  	v2 =	vadd.s32 v0, v2  }
0x55: {  	[tilespmem:$0x2880] =	vst v2;
	v2 =	vadd.s32 v0, v3  }
0x56: {  	[tilespmem:$0x2890] =	vst v2;
	v2 =	vadd.s32 v0, v60  }
0x57: {  	[tilespmem:$0x28A0] =	vst v2;
	v2 =	vadd.s32 v0, v61  }
0x58: {  	s23 =	simm.s32 $0x2880;
	[tilespmem:$0x28B0] =	vst v2  }
0x59: {  	[tilespmem:s24], [sflag:$0x2] =	stream.indirect.gather [hbm4b:s4+s20], $0x80, s23, s20, $0xb8;
	[tilespmem:$0x1EC00] =	vst v63  }
0x5a: {  	v2 =	vld [tilespmem:$0x80]  }
0x5b: {  	v3 =	vld [tilespmem:$0x90]  }
0x5c: {  	v62 =	vld [tilespmem:$0xA0]  }
0x5d: {  	v63 =	vld [tilespmem:$0xB0];
	_ =	sdelay $0x1  }
0x5e: {  	v2 =	vadd.s32 v0, v2  }
0x5f: {  	[tilespmem:$0x2900] =	vst v2;
	v2 =	vadd.s32 v0, v3  }
0x60: {  	[tilespmem:$0x2910] =	vst v2;
	v2 =	vadd.s32 v0, v62  }
0x61: {  	[tilespmem:$0x2920] =	vst v2;
	v2 =	vadd.s32 v0, v63  }
0x62: {  	s16 =	simm.s32 $0x0;
	[tilespmem:$0x2930] =	vst v2  }
0x63: {  	[tilespmem:s26], [sflag:$0x3] =	stream.indirect.gather [hbm4b:s4+s20], $0x80, s25, s20, $0xb8;
	[tilespmem:$0x1EC00] =	vst v63  }
.LBB2_2:
0x64: {  	_ =	swait.ge [sflag:s28], $0x2000  }
0x65: {  	[sflag:s28] =	ssyncset.done $0x0  }
0x66: {  	s17 =	sshra.s32 s16, $0x2;
	[sflag:s28] =	ssyncadd.s32 $0xFFFFE000  }
0x67: {  	v2 =	vld [tilespmem:s17+$0x1400];
	_ =	sdelay $0x4  }
0x68: {  	[tilespmem:$0x2A00] =	vst v2  }
0x69: {  	v2 =	vld [tilespmem:s17+$0x1410];
	_ =	sdelay $0x4  }
0x6a: {  	[tilespmem:$0x2A10] =	vst v2  }
0x6b: {  	v2 =	vld [tilespmem:s17+$0x1420];
	_ =	sdelay $0x4  }
0x6c: {  	[tilespmem:$0x2A20] =	vst v2  }
0x6d: {  	v2 =	vld [tilespmem:s17+$0x1430];
	_ =	sdelay $0x3  }
0x6e: {  	p0 =	seq.s32 s16, $0x0  }
0x6f: {  	s13 =	simm.s32 @!p0 $0x8;
	[tilespmem:$0x2A30] =	vst v2  }
0x70: {  	[spmem:s2] =	stream.indirect.scatter.add.f32 [tilespmem:s22], [sflag:$0x5], $0x80, s29, s20, $0xb8;
	[tilespmem:$0x1EC00] =	vst v63  }
0x71: {  	_ =	swait.ge @!p0 [sflag:s13], $0x2000  }
0x72: {  	[sflag:s13] =	ssyncset.done @!p0 $0x0  }
0x73: {  	[sflag:s13] =	ssyncadd.s32 @!p0 $0xFFFFE000  }
0x74: {  	v2 =	vld [tilespmem:s17+$0xC0];
	_ =	sdelay $0x4  }
0x75: {  	v2 =	vadd.s32 v0, v2  }
0x76: {  	[tilespmem:$0x2980] =	vst v2  }
0x77: {  	v2 =	vld [tilespmem:s17+$0xD0];
	_ =	sdelay $0x4  }
0x78: {  	v2 =	vadd.s32 v0, v2  }
0x79: {  	[tilespmem:$0x2990] =	vst v2  }
0x7a: {  	v2 =	vld [tilespmem:s17+$0xE0];
	_ =	sdelay $0x4  }
0x7b: {  	v2 =	vadd.s32 v0, v2  }
0x7c: {  	[tilespmem:$0x29A0] =	vst v2  }
0x7d: {  	v2 =	vld [tilespmem:s17+$0xF0];
	_ =	sdelay $0x4  }
0x7e: {  	v2 =	vadd.s32 v0, v2  }
0x7f: {  	[tilespmem:$0x29B0] =	vst v2  }
0x80: {  	[tilespmem:s31], [sflag:$0x4] =	stream.indirect.gather [hbm4b:s4+s20], $0x80, s30, s20, $0xb8;
	[tilespmem:$0x1EC00] =	vst v63  }
0x81: {  	_ =	swait.ge [sflag:s0], $0x2000  }
0x82: {  	[sflag:s0] =	ssyncset.done $0x0  }
0x83: {  	[sflag:s0] =	ssyncadd.s32 $0xFFFFE000  }
0x84: {  	v2 =	vld [tilespmem:s17+$0x1440];
	_ =	sdelay $0x4  }
0x85: {  	[tilespmem:$0x2A80] =	vst v2  }
0x86: {  	v2 =	vld [tilespmem:s17+$0x1450];
	_ =	sdelay $0x4  }
0x87: {  	[tilespmem:$0x2A90] =	vst v2  }
0x88: {  	v2 =	vld [tilespmem:s17+$0x1460];
	_ =	sdelay $0x4  }
0x89: {  	[tilespmem:$0x2AA0] =	vst v2  }
0x8a: {  	v2 =	vld [tilespmem:s17+$0x1470];
	_ =	sdelay $0x3  }
0x8b: {  	p0 =	seq.s32 s16, $0x4C00  }
0x8c: {  	s13 =	simm.s32 @!p0 $0x5;
	[tilespmem:$0x2AB0] =	vst v2  }
0x8d: {  	[spmem:s2] =	stream.indirect.scatter.add.f32 [tilespmem:s24], [sflag:$0x6], $0x80, s1, s20, $0xb8;
	[tilespmem:$0x1EC00] =	vst v63  }
0x8e: {  	_ =	swait.ge @!p0 [sflag:s13], $0x2000  }
0x8f: {  	[sflag:s13] =	ssyncset.done @!p0 $0x0  }
0x90: {  	[sflag:s13] =	ssyncadd.s32 @!p0 $0xFFFFE000;
	s13 =	sshra.s32 @!p0 s16, $0x2  }
0x91: {  	v2 =	vld @!p0 [tilespmem:s13+$0x100];
	_ =	sdelay $0x4  }
0x92: {  	v2 =	vadd.s32 @!p0 v0, v2  }
0x93: {  	[tilespmem:$0x2800] =	vst @!p0 v2  }
0x94: {  	v2 =	vld @!p0 [tilespmem:s13+$0x110];
	_ =	sdelay $0x4  }
0x95: {  	v2 =	vadd.s32 @!p0 v0, v2  }
0x96: {  	[tilespmem:$0x2810] =	vst @!p0 v2  }
0x97: {  	v2 =	vld @!p0 [tilespmem:s13+$0x120];
	_ =	sdelay $0x4  }
0x98: {  	v2 =	vadd.s32 @!p0 v0, v2  }
0x99: {  	[tilespmem:$0x2820] =	vst @!p0 v2  }
0x9a: {  	v2 =	vld @!p0 [tilespmem:s13+$0x130];
	_ =	sdelay $0x4  }
0x9b: {  	v2 =	vadd.s32 @!p0 v0, v2  }
0x9c: {  	s19 =	simm.s32 @!p0 $0x40;
	s21 =	simm.s32 @!p0 $0x2800;
	s23 =	simm.s32 @!p0 $0x2C00;
	[tilespmem:$0x2830] =	vst @!p0 v2  }
0x9d: {  	[tilespmem:s23], [sflag:$0x1] =	stream.indirect.gather @!p0 [hbm4b:s4+s19], $0x80, s21, s19, $0xb8;
	[tilespmem:$0x1EC00] =	vst v63  }
0x9e: {  	_ =	swait.ge [sflag:s3], $0x2000  }
0x9f: {  	[sflag:s3] =	ssyncset.done $0x0  }
0xa0: {  	[sflag:s3] =	ssyncadd.s32 $0xFFFFE000  }
0xa1: {  	v2 =	vld [tilespmem:s17+$0x1480];
	_ =	sdelay $0x4  }
0xa2: {  	[tilespmem:$0x2B00] =	vst v2  }
0xa3: {  	v2 =	vld [tilespmem:s17+$0x1490];
	_ =	sdelay $0x4  }
0xa4: {  	[tilespmem:$0x2B10] =	vst v2  }
0xa5: {  	v2 =	vld [tilespmem:s17+$0x14A0];
	_ =	sdelay $0x4  }
0xa6: {  	[tilespmem:$0x2B20] =	vst v2  }
0xa7: {  	v2 =	vld [tilespmem:s17+$0x14B0];
	_ =	sdelay $0x4  }
0xa8: {  	s21 =	simm.s32 @!p0 $0x6;
	[tilespmem:$0x2B30] =	vst v2  }
0xa9: {  	[spmem:s2] =	stream.indirect.scatter.add.f32 [tilespmem:s26], [sflag:$0x7], $0x80, s5, s20, $0xb8;
	[tilespmem:$0x1EC00] =	vst v63  }
0xaa: {  	_ =	swait.ge @!p0 [sflag:s21], $0x2000  }
0xab: {  	[sflag:s21] =	ssyncset.done @!p0 $0x0  }
0xac: {  	[sflag:s21] =	ssyncadd.s32 @!p0 $0xFFFFE000  }
0xad: {  	v2 =	vld @!p0 [tilespmem:s13+$0x140];
	_ =	sdelay $0x4  }
0xae: {  	v2 =	vadd.s32 @!p0 v0, v2  }
0xaf: {  	[tilespmem:$0x2880] =	vst @!p0 v2  }
0xb0: {  	v2 =	vld @!p0 [tilespmem:s13+$0x150];
	_ =	sdelay $0x4  }
0xb1: {  	v2 =	vadd.s32 @!p0 v0, v2  }
0xb2: {  	[tilespmem:$0x2890] =	vst @!p0 v2  }
0xb3: {  	v2 =	vld @!p0 [tilespmem:s13+$0x160];
	_ =	sdelay $0x4  }
0xb4: {  	v2 =	vadd.s32 @!p0 v0, v2  }
0xb5: {  	[tilespmem:$0x28A0] =	vst @!p0 v2  }
0xb6: {  	v2 =	vld @!p0 [tilespmem:s13+$0x170];
	_ =	sdelay $0x4  }
0xb7: {  	v2 =	vadd.s32 @!p0 v0, v2  }
0xb8: {  	s21 =	simm.s32 @!p0 $0x4C00;
	s13 =	simm.s32 @!p0 $0x2880;
	[tilespmem:$0x28B0] =	vst @!p0 v2  }
0xb9: {  	[tilespmem:s21], [sflag:$0x2] =	stream.indirect.gather @!p0 [hbm4b:s4+s19], $0x80, s13, s19, $0xb8;
	[tilespmem:$0x1EC00] =	vst v63  }
0xba: {  	_ =	swait.ge [sflag:s6], $0x2000  }
0xbb: {  	[sflag:s6] =	ssyncset.done $0x0  }
0xbc: {  	[sflag:s6] =	ssyncadd.s32 $0xFFFFE000  }
0xbd: {  	v2 =	vld [tilespmem:s17+$0x14C0];
	_ =	sdelay $0x4  }
0xbe: {  	[tilespmem:$0x2B80] =	vst v2  }
0xbf: {  	v2 =	vld [tilespmem:s17+$0x14D0];
	_ =	sdelay $0x4  }
0xc0: {  	[tilespmem:$0x2B90] =	vst v2  }
0xc1: {  	v2 =	vld [tilespmem:s17+$0x14E0];
	_ =	sdelay $0x4  }
0xc2: {  	[tilespmem:$0x2BA0] =	vst v2  }
0xc3: {  	v2 =	vld [tilespmem:s17+$0x14F0];
	_ =	sdelay $0x1  }
.Ltmp2:
0xc4: {  	_ = 	snop;
	(pc) =	sbr.rel @p0 .LBB2_4-.Ltmp2, $3  }
0xc5: {  	_ =	sdelay $0x1  }
0xc6: {  	[tilespmem:$0x2BB0] =	vst v2  }
0xc7: {  	[spmem:s2] =	stream.indirect.scatter.add.f32 [tilespmem:s31], [sflag:$0x8], $0x80, s8, s20, $0xb8;
	[tilespmem:$0x1EC00] =	vst v63  }
0xc8: {  	_ =	swait.ge [sflag:s11], $0x2000  }
0xc9: {  	[sflag:s11] =	ssyncset.done $0x0  }
0xca: {  	[sflag:s11] =	ssyncadd.s32 $0xFFFFE000  }
0xcb: {  	v2 =	vld [tilespmem:s17+$0x180];
	_ =	sdelay $0x4  }
0xcc: {  	v2 =	vadd.s32 v0, v2  }
0xcd: {  	[tilespmem:$0x2900] =	vst v2  }
0xce: {  	v2 =	vld [tilespmem:s17+$0x190];
	_ =	sdelay $0x4  }
0xcf: {  	v2 =	vadd.s32 v0, v2  }
0xd0: {  	[tilespmem:$0x2910] =	vst v2  }
0xd1: {  	v2 =	vld [tilespmem:s17+$0x1A0];
	_ =	sdelay $0x4  }
0xd2: {  	v2 =	vadd.s32 v0, v2  }
0xd3: {  	[tilespmem:$0x2920] =	vst v2  }
0xd4: {  	v2 =	vld [tilespmem:s17+$0x1B0];
	_ =	sdelay $0x2  }
.Ltmp3:
0xd5: {  	_ = 	snop;
	(pc) =	sbr.rel .LBB2_2-.Ltmp3, $4  }
0xd6: {  	_ = 	snop  }
0xd7: {  	v2 =	vadd.s32 v0, v2  }
0xd8: {  	s16 =	sadd.s32 $0x400, s16;
	[tilespmem:$0x2930] =	vst v2  }
0xd9: {  	[tilespmem:s26], [sflag:$0x3] =	stream.indirect.gather [hbm4b:s4+s20], $0x80, s25, s20, $0xb8;
	[tilespmem:$0x1EC00] =	vst v63  }
.LBB2_4:
0xda: {  	_ =	swait.ge [sflag:s9], $0x2000  }
0xdb: {  	[sflag:s9] =	ssyncset.done $0x0  }
0xdc: {  	[sflag:s9] =	ssyncadd.s32 $0xFFFFE000  }
0xdd: {  	_ =	swait.ge [sflag:s10], $0x2000  }
0xde: {  	[sflag:s10] =	ssyncset.done $0x0  }
0xdf: {  	[sflag:s10] =	ssyncadd.s32 $0xFFFFE000  }
0xe0: {  	_ =	swait.ge [sflag:s11], $0x2000  }
0xe1: {  	[sflag:s11] =	ssyncset.done $0x0  }
0xe2: {  	[sflag:s11] =	ssyncadd.s32 $0xFFFFE000  }
0xe3: {  	_ =	swait.ge [sflag:s12], $0x2000  }
0xe4: {  	[sflag:s12] =	ssyncset.done $0x0  }
0xe5: {  	s16 =	simm.s32 $0x0;
	s13 =	rddreg [dreg:$0x7];
	[sflag:s12] =	ssyncadd.s32 $0xFFFFE000  }
0xe6: {  	[tilespmem:s16], [sflag:$0x9] =	stream.linear.gather [hbm4b:s13+s16], $0x1400, $0x38;
	[tilespmem:$0x1EC00] =	vst v63  }
0xe7: {  	_ =	swait.ge [sflag:s18], $0x1400  }
0xe8: {  	[sflag:s18] =	ssyncset.done $0x0  }
0xe9: {  	s17 =	simm.s32 $0x1400;
	s19 =	rddreg [dreg:$0x8];
	[sflag:s18] =	ssyncadd.s32 $0xFFFFEC00  }
0xea: {  	[tilespmem:s17], [sflag:$0x9] =	stream.linear.gather [hbm4b:s19+s16], $0x1400, $0x38;
	[tilespmem:$0x1EC00] =	vst v63  }
0xeb: {  	_ =	swait.ge [sflag:s18], $0x1400  }
0xec: {  	[sflag:s18] =	ssyncset.done $0x0  }
0xed: {  	[sflag:s18] =	ssyncadd.s32 $0xFFFFEC00  }
0xee: {  	v2 =	vld [tilespmem:$0x0]  }
0xef: {  	v3 =	vld [tilespmem:$0x10]  }
0xf0: {  	v4 =	vld [tilespmem:$0x20]  }
0xf1: {  	v5 =	vld [tilespmem:$0x30];
	_ =	sdelay $0x1  }
0xf2: {  	v2 =	vadd.s32 v0, v2  }
0xf3: {  	[tilespmem:$0x2800] =	vst v2;
	v2 =	vadd.s32 v0, v3  }
0xf4: {  	[tilespmem:$0x2810] =	vst v2;
	v2 =	vadd.s32 v0, v4  }
0xf5: {  	[tilespmem:$0x2820] =	vst v2;
	v2 =	vadd.s32 v0, v5  }
0xf6: {  	s21 =	simm.s32 $0x2800;
	[tilespmem:$0x2830] =	vst v2  }
0xf7: {  	[tilespmem:s22], [sflag:$0x1] =	stream.indirect.gather [hbm4b:s4+s20], $0x80, s21, s20, $0xb8;
	[tilespmem:$0x1EC00] =	vst v63  }
0xf8: {  	v2 =	vld [tilespmem:$0x40]  }
0xf9: {  	v3 =	vld [tilespmem:$0x50]  }
0xfa: {  	v60 =	vld [tilespmem:$0x60]  }
0xfb: {  	v61 =	vld [tilespmem:$0x70];
	_ =	sdelay $0x1  }
0xfc: {  	v2 =	vadd.s32 v0, v2  }
0xfd: {  	[tilespmem:$0x2880] =	vst v2;
	v2 =	vadd.s32 v0, v3  }
0xfe: {  	[tilespmem:$0x2890] =	vst v2;
	v2 =	vadd.s32 v0, v60  }
0xff: {  	[tilespmem:$0x28A0] =	vst v2;
	v2 =	vadd.s32 v0, v61  }
0x100: {  	s23 =	simm.s32 $0x2880;
	[tilespmem:$0x28B0] =	vst v2  }
0x101: {  	[tilespmem:s24], [sflag:$0x2] =	stream.indirect.gather [hbm4b:s4+s20], $0x80, s23, s20, $0xb8;
	[tilespmem:$0x1EC00] =	vst v63  }
0x102: {  	v2 =	vld [tilespmem:$0x80]  }
0x103: {  	v3 =	vld [tilespmem:$0x90]  }
0x104: {  	v62 =	vld [tilespmem:$0xA0]  }
0x105: {  	v63 =	vld [tilespmem:$0xB0];
	_ =	sdelay $0x1  }
0x106: {  	v2 =	vadd.s32 v0, v2  }
0x107: {  	[tilespmem:$0x2900] =	vst v2;
	v2 =	vadd.s32 v0, v3  }
0x108: {  	[tilespmem:$0x2910] =	vst v2;
	v2 =	vadd.s32 v0, v62  }
0x109: {  	[tilespmem:$0x2920] =	vst v2;
	v2 =	vadd.s32 v0, v63  }
0x10a: {  	[tilespmem:$0x2930] =	vst v2  }
0x10b: {  	[tilespmem:s26], [sflag:$0x3] =	stream.indirect.gather [hbm4b:s4+s20], $0x80, s25, s20, $0xb8;
	[tilespmem:$0x1EC00] =	vst v63  }
.LBB2_5:
0x10c: {  	_ =	swait.ge [sflag:s28], $0x2000  }
0x10d: {  	[sflag:s28] =	ssyncset.done $0x0  }
0x10e: {  	s17 =	sshra.s32 s16, $0x2;
	[sflag:s28] =	ssyncadd.s32 $0xFFFFE000  }
0x10f: {  	v2 =	vld [tilespmem:s17+$0x1400];
	_ =	sdelay $0x4  }
0x110: {  	[tilespmem:$0x2A00] =	vst v2  }
0x111: {  	v2 =	vld [tilespmem:s17+$0x1410];
	_ =	sdelay $0x4  }
0x112: {  	[tilespmem:$0x2A10] =	vst v2  }
0x113: {  	v2 =	vld [tilespmem:s17+$0x1420];
	_ =	sdelay $0x4  }
0x114: {  	[tilespmem:$0x2A20] =	vst v2  }
0x115: {  	v2 =	vld [tilespmem:s17+$0x1430];
	_ =	sdelay $0x3  }
0x116: {  	p0 =	seq.s32 s16, $0x0  }
0x117: {  	s13 =	simm.s32 @!p0 $0x8;
	[tilespmem:$0x2A30] =	vst v2  }
0x118: {  	[spmem:s2] =	stream.indirect.scatter.add.f32 [tilespmem:s22], [sflag:$0x5], $0x80, s29, s20, $0xb8;
	[tilespmem:$0x1EC00] =	vst v63  }
0x119: {  	_ =	swait.ge @!p0 [sflag:s13], $0x2000  }
0x11a: {  	[sflag:s13] =	ssyncset.done @!p0 $0x0  }
0x11b: {  	[sflag:s13] =	ssyncadd.s32 @!p0 $0xFFFFE000  }
0x11c: {  	v2 =	vld [tilespmem:s17+$0xC0];
	_ =	sdelay $0x4  }
0x11d: {  	v2 =	vadd.s32 v0, v2  }
0x11e: {  	[tilespmem:$0x2980] =	vst v2  }
0x11f: {  	v2 =	vld [tilespmem:s17+$0xD0];
	_ =	sdelay $0x4  }
0x120: {  	v2 =	vadd.s32 v0, v2  }
0x121: {  	[tilespmem:$0x2990] =	vst v2  }
0x122: {  	v2 =	vld [tilespmem:s17+$0xE0];
	_ =	sdelay $0x4  }
0x123: {  	v2 =	vadd.s32 v0, v2  }
0x124: {  	[tilespmem:$0x29A0] =	vst v2  }
0x125: {  	v2 =	vld [tilespmem:s17+$0xF0];
	_ =	sdelay $0x4  }
0x126: {  	v2 =	vadd.s32 v0, v2  }
0x127: {  	[tilespmem:$0x29B0] =	vst v2  }
0x128: {  	[tilespmem:s31], [sflag:$0x4] =	stream.indirect.gather [hbm4b:s4+s20], $0x80, s30, s20, $0xb8;
	[tilespmem:$0x1EC00] =	vst v63  }
0x129: {  	_ =	swait.ge [sflag:s0], $0x2000  }
0x12a: {  	[sflag:s0] =	ssyncset.done $0x0  }
0x12b: {  	[sflag:s0] =	ssyncadd.s32 $0xFFFFE000  }
0x12c: {  	v2 =	vld [tilespmem:s17+$0x1440];
	_ =	sdelay $0x4  }
0x12d: {  	[tilespmem:$0x2A80] =	vst v2  }
0x12e: {  	v2 =	vld [tilespmem:s17+$0x1450];
	_ =	sdelay $0x4  }
0x12f: {  	[tilespmem:$0x2A90] =	vst v2  }
0x130: {  	v2 =	vld [tilespmem:s17+$0x1460];
	_ =	sdelay $0x4  }
0x131: {  	[tilespmem:$0x2AA0] =	vst v2  }
0x132: {  	v2 =	vld [tilespmem:s17+$0x1470];
	_ =	sdelay $0x3  }
0x133: {  	p0 =	seq.s32 s16, $0x4C00  }
0x134: {  	s13 =	simm.s32 @!p0 $0x5;
	[tilespmem:$0x2AB0] =	vst v2  }
0x135: {  	[spmem:s2] =	stream.indirect.scatter.add.f32 [tilespmem:s24], [sflag:$0x6], $0x80, s1, s20, $0xb8;
	[tilespmem:$0x1EC00] =	vst v63  }
0x136: {  	_ =	swait.ge @!p0 [sflag:s13], $0x2000  }
0x137: {  	[sflag:s13] =	ssyncset.done @!p0 $0x0  }
0x138: {  	[sflag:s13] =	ssyncadd.s32 @!p0 $0xFFFFE000;
	s13 =	sshra.s32 @!p0 s16, $0x2  }
0x139: {  	v2 =	vld @!p0 [tilespmem:s13+$0x100];
	_ =	sdelay $0x4  }
0x13a: {  	v2 =	vadd.s32 @!p0 v0, v2  }
0x13b: {  	[tilespmem:$0x2800] =	vst @!p0 v2  }
0x13c: {  	v2 =	vld @!p0 [tilespmem:s13+$0x110];
	_ =	sdelay $0x4  }
0x13d: {  	v2 =	vadd.s32 @!p0 v0, v2  }
0x13e: {  	[tilespmem:$0x2810] =	vst @!p0 v2  }
0x13f: {  	v2 =	vld @!p0 [tilespmem:s13+$0x120];
	_ =	sdelay $0x4  }
0x140: {  	v2 =	vadd.s32 @!p0 v0, v2  }
0x141: {  	[tilespmem:$0x2820] =	vst @!p0 v2  }
0x142: {  	v2 =	vld @!p0 [tilespmem:s13+$0x130];
	_ =	sdelay $0x4  }
0x143: {  	v2 =	vadd.s32 @!p0 v0, v2  }
0x144: {  	s19 =	simm.s32 @!p0 $0x40;
	s21 =	simm.s32 @!p0 $0x2800;
	s23 =	simm.s32 @!p0 $0x2C00;
	[tilespmem:$0x2830] =	vst @!p0 v2  }
0x145: {  	[tilespmem:s23], [sflag:$0x1] =	stream.indirect.gather @!p0 [hbm4b:s4+s19], $0x80, s21, s19, $0xb8;
	[tilespmem:$0x1EC00] =	vst v63  }
0x146: {  	_ =	swait.ge [sflag:s3], $0x2000  }
0x147: {  	[sflag:s3] =	ssyncset.done $0x0  }
0x148: {  	[sflag:s3] =	ssyncadd.s32 $0xFFFFE000  }
0x149: {  	v2 =	vld [tilespmem:s17+$0x1480];
	_ =	sdelay $0x4  }
0x14a: {  	[tilespmem:$0x2B00] =	vst v2  }
0x14b: {  	v2 =	vld [tilespmem:s17+$0x1490];
	_ =	sdelay $0x4  }
0x14c: {  	[tilespmem:$0x2B10] =	vst v2  }
0x14d: {  	v2 =	vld [tilespmem:s17+$0x14A0];
	_ =	sdelay $0x4  }
0x14e: {  	[tilespmem:$0x2B20] =	vst v2  }
0x14f: {  	v2 =	vld [tilespmem:s17+$0x14B0];
	_ =	sdelay $0x4  }
0x150: {  	s21 =	simm.s32 @!p0 $0x6;
	[tilespmem:$0x2B30] =	vst v2  }
0x151: {  	[spmem:s2] =	stream.indirect.scatter.add.f32 [tilespmem:s26], [sflag:$0x7], $0x80, s5, s20, $0xb8;
	[tilespmem:$0x1EC00] =	vst v63  }
0x152: {  	_ =	swait.ge @!p0 [sflag:s21], $0x2000  }
0x153: {  	[sflag:s21] =	ssyncset.done @!p0 $0x0  }
0x154: {  	[sflag:s21] =	ssyncadd.s32 @!p0 $0xFFFFE000  }
0x155: {  	v2 =	vld @!p0 [tilespmem:s13+$0x140];
	_ =	sdelay $0x4  }
0x156: {  	v2 =	vadd.s32 @!p0 v0, v2  }
0x157: {  	[tilespmem:$0x2880] =	vst @!p0 v2  }
0x158: {  	v2 =	vld @!p0 [tilespmem:s13+$0x150];
	_ =	sdelay $0x4  }
0x159: {  	v2 =	vadd.s32 @!p0 v0, v2  }
0x15a: {  	[tilespmem:$0x2890] =	vst @!p0 v2  }
0x15b: {  	v2 =	vld @!p0 [tilespmem:s13+$0x160];
	_ =	sdelay $0x4  }
0x15c: {  	v2 =	vadd.s32 @!p0 v0, v2  }
0x15d: {  	[tilespmem:$0x28A0] =	vst @!p0 v2  }
0x15e: {  	v2 =	vld @!p0 [tilespmem:s13+$0x170];
	_ =	sdelay $0x4  }
0x15f: {  	v2 =	vadd.s32 @!p0 v0, v2  }
0x160: {  	s21 =	simm.s32 @!p0 $0x4C00;
	s13 =	simm.s32 @!p0 $0x2880;
	[tilespmem:$0x28B0] =	vst @!p0 v2  }
0x161: {  	[tilespmem:s21], [sflag:$0x2] =	stream.indirect.gather @!p0 [hbm4b:s4+s19], $0x80, s13, s19, $0xb8;
	[tilespmem:$0x1EC00] =	vst v63  }
0x162: {  	_ =	swait.ge [sflag:s6], $0x2000  }
0x163: {  	[sflag:s6] =	ssyncset.done $0x0  }
0x164: {  	[sflag:s6] =	ssyncadd.s32 $0xFFFFE000  }
0x165: {  	v2 =	vld [tilespmem:s17+$0x14C0];
	_ =	sdelay $0x4  }
0x166: {  	[tilespmem:$0x2B80] =	vst v2  }
0x167: {  	v2 =	vld [tilespmem:s17+$0x14D0];
	_ =	sdelay $0x4  }
0x168: {  	[tilespmem:$0x2B90] =	vst v2  }
0x169: {  	v2 =	vld [tilespmem:s17+$0x14E0];
	_ =	sdelay $0x4  }
0x16a: {  	[tilespmem:$0x2BA0] =	vst v2  }
0x16b: {  	v2 =	vld [tilespmem:s17+$0x14F0];
	_ =	sdelay $0x1  }
.Ltmp4:
0x16c: {  	_ = 	snop;
	(pc) =	sbr.rel @p0 .LBB2_7-.Ltmp4, $3  }
0x16d: {  	_ =	sdelay $0x1  }
0x16e: {  	[tilespmem:$0x2BB0] =	vst v2  }
0x16f: {  	[spmem:s2] =	stream.indirect.scatter.add.f32 [tilespmem:s31], [sflag:$0x8], $0x80, s8, s20, $0xb8;
	[tilespmem:$0x1EC00] =	vst v63  }
0x170: {  	_ =	swait.ge [sflag:s11], $0x2000  }
0x171: {  	[sflag:s11] =	ssyncset.done $0x0  }
0x172: {  	[sflag:s11] =	ssyncadd.s32 $0xFFFFE000  }
0x173: {  	v2 =	vld [tilespmem:s17+$0x180];
	_ =	sdelay $0x4  }
0x174: {  	v2 =	vadd.s32 v0, v2  }
0x175: {  	[tilespmem:$0x2900] =	vst v2  }
0x176: {  	v2 =	vld [tilespmem:s17+$0x190];
	_ =	sdelay $0x4  }
0x177: {  	v2 =	vadd.s32 v0, v2  }
0x178: {  	[tilespmem:$0x2910] =	vst v2  }
0x179: {  	v2 =	vld [tilespmem:s17+$0x1A0];
	_ =	sdelay $0x4  }
0x17a: {  	v2 =	vadd.s32 v0, v2  }
0x17b: {  	[tilespmem:$0x2920] =	vst v2  }
0x17c: {  	v2 =	vld [tilespmem:s17+$0x1B0];
	_ =	sdelay $0x2  }
.Ltmp5:
0x17d: {  	_ = 	snop;
	(pc) =	sbr.rel .LBB2_5-.Ltmp5, $4  }
0x17e: {  	_ = 	snop  }
0x17f: {  	v2 =	vadd.s32 v0, v2  }
0x180: {  	s16 =	sadd.s32 $0x400, s16;
	[tilespmem:$0x2930] =	vst v2  }
0x181: {  	[tilespmem:s26], [sflag:$0x3] =	stream.indirect.gather [hbm4b:s4+s20], $0x80, s25, s20, $0xb8;
	[tilespmem:$0x1EC00] =	vst v63  }
.LBB2_7:
0x182: {  	_ =	swait.ge [sflag:s9], $0x2000  }
0x183: {  	[sflag:s9] =	ssyncset.done $0x0  }
0x184: {  	[sflag:s9] =	ssyncadd.s32 $0xFFFFE000  }
0x185: {  	_ =	swait.ge [sflag:s10], $0x2000  }
0x186: {  	[sflag:s10] =	ssyncset.done $0x0  }
0x187: {  	[sflag:s10] =	ssyncadd.s32 $0xFFFFE000  }
0x188: {  	_ =	swait.ge [sflag:s11], $0x2000  }
0x189: {  	[sflag:s11] =	ssyncset.done $0x0  }
0x18a: {  	[sflag:s11] =	ssyncadd.s32 $0xFFFFE000  }
0x18b: {  	_ =	swait.ge [sflag:s12], $0x2000  }
0x18c: {  	[sflag:s12] =	ssyncset.done $0x0  }
0x18d: {  	[sflag:s12] =	ssyncadd.s32 $0xFFFFE000  }
0x18e: {  	[bflag:$0x0] =	sbarrier.arrive $0xFFFF  }
0x18f: {  	s13 =	rddreg [dreg:$0x9]  }
0x190: {  	[hbm:s13], [sflag:s7] =	dma.local [spmem:s15], $0x2800  }
0x191: {  	_ =	swait.ge [sflag:s18], $0x2800  }
0x192: {  	[sflag:s18] =	ssyncset.done $0x0  }
0x193: {  	s16 =	rddreg [dreg:$0xa];
	[sflag:s18] =	ssyncadd.s32 $0xFFFFD800  }
0x194: {  	[spmem:s15], [sflag:s7] =	dma.local [hbm:s16], $0x2800  }
0x195: {  	_ =	swait.ge [sflag:s18], $0x2800  }
0x196: {  	[sflag:s18] =	ssyncset.done $0x0  }
0x197: {  	[sflag:s18] =	ssyncadd.s32 $0xFFFFD800  }
0x198: {  	[bflag:$0x0] =	sbarrier.arrive $0xFFFF  }
0x199: {  	s16 =	simm.s32 $0x0;
	s17 =	rddreg [dreg:$0xb]  }
0x19a: {  	[tilespmem:s16], [sflag:$0x9] =	stream.linear.gather [hbm4b:s17+s16], $0x1400, $0x38;
	[tilespmem:$0x1EC00] =	vst v63  }
0x19b: {  	_ =	swait.ge [sflag:s18], $0x1400  }
0x19c: {  	[sflag:s18] =	ssyncset.done $0x0  }
0x19d: {  	s17 =	simm.s32 $0x1400;
	s19 =	rddreg [dreg:$0xc];
	[sflag:s18] =	ssyncadd.s32 $0xFFFFEC00  }
0x19e: {  	[tilespmem:s17], [sflag:$0x9] =	stream.linear.gather [hbm4b:s19+s16], $0x1400, $0x38;
	[tilespmem:$0x1EC00] =	vst v63  }
0x19f: {  	_ =	swait.ge [sflag:s18], $0x1400  }
0x1a0: {  	[sflag:s18] =	ssyncset.done $0x0  }
0x1a1: {  	[sflag:s18] =	ssyncadd.s32 $0xFFFFEC00  }
0x1a2: {  	v2 =	vld [tilespmem:$0x0]  }
0x1a3: {  	v3 =	vld [tilespmem:$0x10]  }
0x1a4: {  	v4 =	vld [tilespmem:$0x20]  }
0x1a5: {  	v5 =	vld [tilespmem:$0x30];
	_ =	sdelay $0x1  }
0x1a6: {  	v2 =	vadd.s32 v1, v2  }
0x1a7: {  	[tilespmem:$0x2800] =	vst v2;
	v2 =	vadd.s32 v1, v3  }
0x1a8: {  	[tilespmem:$0x2810] =	vst v2;
	v2 =	vadd.s32 v1, v4  }
0x1a9: {  	[tilespmem:$0x2820] =	vst v2;
	v2 =	vadd.s32 v1, v5  }
0x1aa: {  	s21 =	simm.s32 $0x2800;
	[tilespmem:$0x2830] =	vst v2  }
0x1ab: {  	[tilespmem:s22], [sflag:$0x1] =	stream.indirect.gather [hbm4b:s4+s20], $0x80, s21, s20, $0xb8;
	[tilespmem:$0x1EC00] =	vst v63  }
0x1ac: {  	v2 =	vld [tilespmem:$0x40]  }
0x1ad: {  	v3 =	vld [tilespmem:$0x50]  }
0x1ae: {  	v60 =	vld [tilespmem:$0x60]  }
0x1af: {  	v61 =	vld [tilespmem:$0x70];
	_ =	sdelay $0x1  }
0x1b0: {  	v2 =	vadd.s32 v1, v2  }
0x1b1: {  	[tilespmem:$0x2880] =	vst v2;
	v2 =	vadd.s32 v1, v3  }
0x1b2: {  	[tilespmem:$0x2890] =	vst v2;
	v2 =	vadd.s32 v1, v60  }
0x1b3: {  	[tilespmem:$0x28A0] =	vst v2;
	v2 =	vadd.s32 v1, v61  }
0x1b4: {  	s23 =	simm.s32 $0x2880;
	[tilespmem:$0x28B0] =	vst v2  }
0x1b5: {  	[tilespmem:s24], [sflag:$0x2] =	stream.indirect.gather [hbm4b:s4+s20], $0x80, s23, s20, $0xb8;
	[tilespmem:$0x1EC00] =	vst v63  }
0x1b6: {  	v2 =	vld [tilespmem:$0x80]  }
0x1b7: {  	v3 =	vld [tilespmem:$0x90]  }
0x1b8: {  	v62 =	vld [tilespmem:$0xA0]  }
0x1b9: {  	v63 =	vld [tilespmem:$0xB0];
	_ =	sdelay $0x1  }
0x1ba: {  	v2 =	vadd.s32 v1, v2  }
0x1bb: {  	[tilespmem:$0x2900] =	vst v2;
	v2 =	vadd.s32 v1, v3  }
0x1bc: {  	[tilespmem:$0x2910] =	vst v2;
	v2 =	vadd.s32 v1, v62  }
0x1bd: {  	[tilespmem:$0x2920] =	vst v2;
	v2 =	vadd.s32 v1, v63  }
0x1be: {  	[tilespmem:$0x2930] =	vst v2  }
0x1bf: {  	[tilespmem:s26], [sflag:$0x3] =	stream.indirect.gather [hbm4b:s4+s20], $0x80, s25, s20, $0xb8;
	[tilespmem:$0x1EC00] =	vst v63  }
.LBB2_8:
0x1c0: {  	_ =	swait.ge [sflag:s28], $0x2000  }
0x1c1: {  	[sflag:s28] =	ssyncset.done $0x0  }
0x1c2: {  	s17 =	sshra.s32 s16, $0x2;
	[sflag:s28] =	ssyncadd.s32 $0xFFFFE000  }
0x1c3: {  	v2 =	vld [tilespmem:s17+$0x1400];
	_ =	sdelay $0x4  }
0x1c4: {  	[tilespmem:$0x2A00] =	vst v2  }
0x1c5: {  	v2 =	vld [tilespmem:s17+$0x1410];
	_ =	sdelay $0x4  }
0x1c6: {  	[tilespmem:$0x2A10] =	vst v2  }
0x1c7: {  	v2 =	vld [tilespmem:s17+$0x1420];
	_ =	sdelay $0x4  }
0x1c8: {  	[tilespmem:$0x2A20] =	vst v2  }
0x1c9: {  	v2 =	vld [tilespmem:s17+$0x1430];
	_ =	sdelay $0x3  }
0x1ca: {  	p0 =	seq.s32 s16, $0x0  }
0x1cb: {  	s13 =	simm.s32 @!p0 $0x8;
	[tilespmem:$0x2A30] =	vst v2  }
0x1cc: {  	[spmem:s2] =	stream.indirect.scatter.add.f32 [tilespmem:s22], [sflag:$0x5], $0x80, s29, s20, $0xb8;
	[tilespmem:$0x1EC00] =	vst v63  }
0x1cd: {  	_ =	swait.ge @!p0 [sflag:s13], $0x2000  }
0x1ce: {  	[sflag:s13] =	ssyncset.done @!p0 $0x0  }
0x1cf: {  	[sflag:s13] =	ssyncadd.s32 @!p0 $0xFFFFE000  }
0x1d0: {  	v2 =	vld [tilespmem:s17+$0xC0];
	_ =	sdelay $0x4  }
0x1d1: {  	v2 =	vadd.s32 v1, v2  }
0x1d2: {  	[tilespmem:$0x2980] =	vst v2  }
0x1d3: {  	v2 =	vld [tilespmem:s17+$0xD0];
	_ =	sdelay $0x4  }
0x1d4: {  	v2 =	vadd.s32 v1, v2  }
0x1d5: {  	[tilespmem:$0x2990] =	vst v2  }
0x1d6: {  	v2 =	vld [tilespmem:s17+$0xE0];
	_ =	sdelay $0x4  }
0x1d7: {  	v2 =	vadd.s32 v1, v2  }
0x1d8: {  	[tilespmem:$0x29A0] =	vst v2  }
0x1d9: {  	v2 =	vld [tilespmem:s17+$0xF0];
	_ =	sdelay $0x4  }
0x1da: {  	v2 =	vadd.s32 v1, v2  }
0x1db: {  	[tilespmem:$0x29B0] =	vst v2  }
0x1dc: {  	[tilespmem:s31], [sflag:$0x4] =	stream.indirect.gather [hbm4b:s4+s20], $0x80, s30, s20, $0xb8;
	[tilespmem:$0x1EC00] =	vst v63  }
0x1dd: {  	_ =	swait.ge [sflag:s0], $0x2000  }
0x1de: {  	[sflag:s0] =	ssyncset.done $0x0  }
0x1df: {  	[sflag:s0] =	ssyncadd.s32 $0xFFFFE000  }
0x1e0: {  	v2 =	vld [tilespmem:s17+$0x1440];
	_ =	sdelay $0x4  }
0x1e1: {  	[tilespmem:$0x2A80] =	vst v2  }
0x1e2: {  	v2 =	vld [tilespmem:s17+$0x1450];
	_ =	sdelay $0x4  }
0x1e3: {  	[tilespmem:$0x2A90] =	vst v2  }
0x1e4: {  	v2 =	vld [tilespmem:s17+$0x1460];
	_ =	sdelay $0x4  }
0x1e5: {  	[tilespmem:$0x2AA0] =	vst v2  }
0x1e6: {  	v2 =	vld [tilespmem:s17+$0x1470];
	_ =	sdelay $0x3  }
0x1e7: {  	p0 =	seq.s32 s16, $0x4C00  }
0x1e8: {  	s13 =	simm.s32 @!p0 $0x5;
	[tilespmem:$0x2AB0] =	vst v2  }
0x1e9: {  	[spmem:s2] =	stream.indirect.scatter.add.f32 [tilespmem:s24], [sflag:$0x6], $0x80, s1, s20, $0xb8;
	[tilespmem:$0x1EC00] =	vst v63  }
0x1ea: {  	_ =	swait.ge @!p0 [sflag:s13], $0x2000  }
0x1eb: {  	[sflag:s13] =	ssyncset.done @!p0 $0x0  }
0x1ec: {  	[sflag:s13] =	ssyncadd.s32 @!p0 $0xFFFFE000;
	s13 =	sshra.s32 @!p0 s16, $0x2  }
0x1ed: {  	v2 =	vld @!p0 [tilespmem:s13+$0x100];
	_ =	sdelay $0x4  }
0x1ee: {  	v2 =	vadd.s32 @!p0 v1, v2  }
0x1ef: {  	[tilespmem:$0x2800] =	vst @!p0 v2  }
0x1f0: {  	v2 =	vld @!p0 [tilespmem:s13+$0x110];
	_ =	sdelay $0x4  }
0x1f1: {  	v2 =	vadd.s32 @!p0 v1, v2  }
0x1f2: {  	[tilespmem:$0x2810] =	vst @!p0 v2  }
0x1f3: {  	v2 =	vld @!p0 [tilespmem:s13+$0x120];
	_ =	sdelay $0x4  }
0x1f4: {  	v2 =	vadd.s32 @!p0 v1, v2  }
0x1f5: {  	[tilespmem:$0x2820] =	vst @!p0 v2  }
0x1f6: {  	v2 =	vld @!p0 [tilespmem:s13+$0x130];
	_ =	sdelay $0x4  }
0x1f7: {  	v2 =	vadd.s32 @!p0 v1, v2  }
0x1f8: {  	s19 =	simm.s32 @!p0 $0x40;
	s21 =	simm.s32 @!p0 $0x2800;
	s23 =	simm.s32 @!p0 $0x2C00;
	[tilespmem:$0x2830] =	vst @!p0 v2  }
0x1f9: {  	[tilespmem:s23], [sflag:$0x1] =	stream.indirect.gather @!p0 [hbm4b:s4+s19], $0x80, s21, s19, $0xb8;
	[tilespmem:$0x1EC00] =	vst v63  }
0x1fa: {  	_ =	swait.ge [sflag:s3], $0x2000  }
0x1fb: {  	[sflag:s3] =	ssyncset.done $0x0  }
0x1fc: {  	[sflag:s3] =	ssyncadd.s32 $0xFFFFE000  }
0x1fd: {  	v2 =	vld [tilespmem:s17+$0x1480];
	_ =	sdelay $0x4  }
0x1fe: {  	[tilespmem:$0x2B00] =	vst v2  }
0x1ff: {  	v2 =	vld [tilespmem:s17+$0x1490];
	_ =	sdelay $0x4  }
0x200: {  	[tilespmem:$0x2B10] =	vst v2  }
0x201: {  	v2 =	vld [tilespmem:s17+$0x14A0];
	_ =	sdelay $0x4  }
0x202: {  	[tilespmem:$0x2B20] =	vst v2  }
0x203: {  	v2 =	vld [tilespmem:s17+$0x14B0];
	_ =	sdelay $0x4  }
0x204: {  	s21 =	simm.s32 @!p0 $0x6;
	[tilespmem:$0x2B30] =	vst v2  }
0x205: {  	[spmem:s2] =	stream.indirect.scatter.add.f32 [tilespmem:s26], [sflag:$0x7], $0x80, s5, s20, $0xb8;
	[tilespmem:$0x1EC00] =	vst v63  }
0x206: {  	_ =	swait.ge @!p0 [sflag:s21], $0x2000  }
0x207: {  	[sflag:s21] =	ssyncset.done @!p0 $0x0  }
0x208: {  	[sflag:s21] =	ssyncadd.s32 @!p0 $0xFFFFE000  }
0x209: {  	v2 =	vld @!p0 [tilespmem:s13+$0x140];
	_ =	sdelay $0x4  }
0x20a: {  	v2 =	vadd.s32 @!p0 v1, v2  }
0x20b: {  	[tilespmem:$0x2880] =	vst @!p0 v2  }
0x20c: {  	v2 =	vld @!p0 [tilespmem:s13+$0x150];
	_ =	sdelay $0x4  }
0x20d: {  	v2 =	vadd.s32 @!p0 v1, v2  }
0x20e: {  	[tilespmem:$0x2890] =	vst @!p0 v2  }
0x20f: {  	v2 =	vld @!p0 [tilespmem:s13+$0x160];
	_ =	sdelay $0x4  }
0x210: {  	v2 =	vadd.s32 @!p0 v1, v2  }
0x211: {  	[tilespmem:$0x28A0] =	vst @!p0 v2  }
0x212: {  	v2 =	vld @!p0 [tilespmem:s13+$0x170];
	_ =	sdelay $0x4  }
0x213: {  	v2 =	vadd.s32 @!p0 v1, v2  }
0x214: {  	s21 =	simm.s32 @!p0 $0x4C00;
	s13 =	simm.s32 @!p0 $0x2880;
	[tilespmem:$0x28B0] =	vst @!p0 v2  }
0x215: {  	[tilespmem:s21], [sflag:$0x2] =	stream.indirect.gather @!p0 [hbm4b:s4+s19], $0x80, s13, s19, $0xb8;
	[tilespmem:$0x1EC00] =	vst v63  }
0x216: {  	_ =	swait.ge [sflag:s6], $0x2000  }
0x217: {  	[sflag:s6] =	ssyncset.done $0x0  }
0x218: {  	[sflag:s6] =	ssyncadd.s32 $0xFFFFE000  }
0x219: {  	v2 =	vld [tilespmem:s17+$0x14C0];
	_ =	sdelay $0x4  }
0x21a: {  	[tilespmem:$0x2B80] =	vst v2  }
0x21b: {  	v2 =	vld [tilespmem:s17+$0x14D0];
	_ =	sdelay $0x4  }
0x21c: {  	[tilespmem:$0x2B90] =	vst v2  }
0x21d: {  	v2 =	vld [tilespmem:s17+$0x14E0];
	_ =	sdelay $0x4  }
0x21e: {  	[tilespmem:$0x2BA0] =	vst v2  }
0x21f: {  	v2 =	vld [tilespmem:s17+$0x14F0];
	_ =	sdelay $0x1  }
.Ltmp6:
0x220: {  	_ = 	snop;
	(pc) =	sbr.rel @p0 .LBB2_10-.Ltmp6, $3  }
0x221: {  	_ =	sdelay $0x1  }
0x222: {  	[tilespmem:$0x2BB0] =	vst v2  }
0x223: {  	[spmem:s2] =	stream.indirect.scatter.add.f32 [tilespmem:s31], [sflag:$0x8], $0x80, s8, s20, $0xb8;
	[tilespmem:$0x1EC00] =	vst v63  }
0x224: {  	_ =	swait.ge [sflag:s11], $0x2000  }
0x225: {  	[sflag:s11] =	ssyncset.done $0x0  }
0x226: {  	[sflag:s11] =	ssyncadd.s32 $0xFFFFE000  }
0x227: {  	v2 =	vld [tilespmem:s17+$0x180];
	_ =	sdelay $0x4  }
0x228: {  	v2 =	vadd.s32 v1, v2  }
0x229: {  	[tilespmem:$0x2900] =	vst v2  }
0x22a: {  	v2 =	vld [tilespmem:s17+$0x190];
	_ =	sdelay $0x4  }
0x22b: {  	v2 =	vadd.s32 v1, v2  }
0x22c: {  	[tilespmem:$0x2910] =	vst v2  }
0x22d: {  	v2 =	vld [tilespmem:s17+$0x1A0];
	_ =	sdelay $0x4  }
0x22e: {  	v2 =	vadd.s32 v1, v2  }
0x22f: {  	[tilespmem:$0x2920] =	vst v2  }
0x230: {  	v2 =	vld [tilespmem:s17+$0x1B0];
	_ =	sdelay $0x2  }
.Ltmp7:
0x231: {  	_ = 	snop;
	(pc) =	sbr.rel .LBB2_8-.Ltmp7, $4  }
0x232: {  	_ = 	snop  }
0x233: {  	v2 =	vadd.s32 v1, v2  }
0x234: {  	s16 =	sadd.s32 $0x400, s16;
	[tilespmem:$0x2930] =	vst v2  }
0x235: {  	[tilespmem:s26], [sflag:$0x3] =	stream.indirect.gather [hbm4b:s4+s20], $0x80, s25, s20, $0xb8;
	[tilespmem:$0x1EC00] =	vst v63  }
.LBB2_11:
0x236: {  	_ =	sfence.sel $0x180000  }
0x237: {  	[bflag:$0x0] =	sbarrier.arrive $0xFFFF  }
0x238: {  	_ =	strace $0x9000004D  }
0x239: {  	s0 =	stileid.u32;
	[bflag:$0x2] =	sbarrier.arrive $0xFFFF  }
0x23a: {  	p0 =	sne.s32 s0, $0x0;
	s0 =	rddreg [dreg:$0x2]  }
0x23b: {  	s0 =	sadd.s32 @!p0 $0x100000, s0  }
0x23c: {  	[sflag:s0] =	ssyncadd.tile.s32 @!p0 $0x1;
	_ =	shalt  }
.Lfunc_end2:
_tile_overlayer_lowered:
.L_overlay_start_2:
0x23d: {  	(tag) =	ssettag $0x2  }
0x23e: {  	s0 =	rddreg [dreg:$0x0];
	s2 =	stileid.u32  }
0x23f: {  	s1 =	rddreg [dreg:$0x1];
	p0 =	sne.s32 s2, $0x0  }
0x240: {  	s3 =	rddreg [dreg:$0x2];
	[bflag:$0x3] =	sbarrier.arrive $0xFFFF;
	s2 =	simm.s32 @!p0 $0x1C09  }
0x241: {  	[timem:s3], [sflag:s2] =	dma.local @!p0 [hbm:s0], s1  }
0x242: {  	s0 =	simm.s32 @!p0 $0x9  }
0x243: {  	_ =	swait.ge @!p0 [sflag:s0], s1  }
0x244: {  	s1 =	ssub.s32 @!p0 $0x0, s1;
	[sflag:s0] =	ssyncset.done @!p0 $0x0  }
0x245: {  	[sflag:s0] =	ssyncadd.s32 @!p0 s1  }
0x246: {  	[bflag:$0x3] =	sbarrier.arrive $0xFFFF  }
0x247: {  	_ =	shalt  }

// kernel: kernel.9.cloned.1.call-start
scs
__scs_entry_jumppad:
0x0: {  	(pc) =	sbr.rel $0x88, $3  }
0x1: {  	(tag) =	ssettag $0x0;
	lr =	simm.s32 $0x1  }
0x2: {  	[smem:$0x3F93] =	sst lr;
	_ =	strace $0xD0000000  }
0x3: {  	_ = 	snop  }
0x4: {  	_ = 	snop  }
0x5: {  	_ = 	snop  }
0x6: {  	_ = 	snop  }
0x7: {  	_ = 	snop  }
__scs_overlays_trampoline_lowered:
0x8: {  	[smem:$0x3FA2] =	sst s0  }
0x9: {  	[smem:$0x3FA3] =	sst s1  }
0xa: {  	[smem:$0x3FA4] =	sst s2  }
0xb: {  	[smem:$0x3FA5] =	sst s3  }
0xc: {  	[smem:$0x3FA6] =	sst s4  }
0xd: {  	[smem:$0x3FA7] =	sst s5  }
0xe: {  	[smem:$0x3FA8] =	sst s6  }
0xf: {  	[smem:$0x3FA9] =	sst s7  }
0x10: {  	[smem:$0x3FAA] =	sst s8  }
0x11: {  	[smem:$0x3FAB] =	sst s9;
	s0 =	simm.s32 @!p0 $0x0  }
0x12: {  	s1 =	sld [smem:$0x3F91];
	s0 =	simm.s32 @p0 $0x1  }
0x13: {  	[smem:$0x3FAC] =	sst s0;
	s0 =	simm.s32 @!p1 $0x0  }
0x14: {  	s2 =	sld [smem:$0x3F90];
	s0 =	simm.s32 @p1 $0x1  }
0x15: {  	[smem:$0x3FAD] =	sst s0;
	s0 =	simm.s32 @!p2 $0x0  }
0x16: {  	s3 =	sld [smem:$0x3FDB];
	s0 =	simm.s32 @p2 $0x1  }
0x17: {  	s4 =	simm.s32 $0x1BF5;
	[smem:$0x3FAF] =	sst s0  }
0x18: {  	s0 =	sld [smem:$0x3F92];
	_ =	swait.ge [sflag:s4], $0x0  }
0x19: {  	s7 =	sld [smem:$0x3F93]  }
0x1a: {  	s8 =	sadd.s32 $0xFFFFE003, lr  }
0x1b: {  	s9 =	sadd.s32 $0xFFFFFEF7, lr;
	s5 =	simm.s32 $0xFFFFFFFF;
	p2 =	slt.u32 s8, $0xFFFFF086  }
0x1c: {  	p1 =	slt.u32 s9, $0xF7A;
	s5 =	simm.s32 @!p2 $0x0  }
0x1d: {  	s5 =	simm.s32 @p1 $0x1;
	p0 =	seq.s32 s7, s2  }
0x1e: {  	s7 =	smul.u32 @!p0 $0xF7A, s2;
	p2 =	seq.s32 @!p0 s5, $0x0  }
0x1f: {  	s9 =	smul.u32 $0xF7A, s1;
	s8 =	simm.s32 @!p0 $0x1BF5;
	p2 =	por !p2, p0  }
0x20: {  	[sflag:s8] =	ssyncset.s32 @!p0 $0xFFFFF086;
	s6 =	sadd.s32 @!p0 s3, s7;
	s7 =	simm.s32 @!p0 $0x108  }
0x21: {  	s3 =	sadd.s32 s3, s9;
	s6 =	sadd.s32 @!p0 $0x88, s6;
	s7 =	simm.s32 @p2 $0x1082  }
0x22: {  	[simem:s7], [sflag:s8] =	dma.local @!p0 [hbm:s6], $0xF7A  }
0x23: {  	s9 =	sor.u32 $0xD0000000, s2;
	s6 =	simm.s32 $0x108;
	_ =	swait.ge @!p0 [sflag:s8], $0x0  }
0x24: {  	s3 =	sadd.s32 $0x88, s3;
	s6 =	simm.s32 @!p1 $0x1082;
	[sflag:s4] =	ssyncset.s32 $0xFFFFF086  }
0x25: {  	[simem:s6], [sflag:s4] =	dma.local [hbm:s3], $0xF7A  }
0x26: {  	[smem:$0x3F93] =	sst s1;
	(tag) =	ssettag s2;
	_ =	strace s9  }
0x27: {  	s1 =	sld [smem:$0x3FA3]  }
0x28: {  	s2 =	sld [smem:$0x3FA4]  }
0x29: {  	s4 =	sld [smem:$0x3FA6]  }
0x2a: {  	p0 =	seq.s32 s5, $0x0;
	s5 =	sld [smem:$0x3FA7]  }
0x2b: {  	s6 =	sld [smem:$0x3FA8]  }
0x2c: {  	s7 =	sld [smem:$0x3FA9]  }
0x2d: {  	s3 =	simm.s32 $0x108;
	s8 =	sld [smem:$0x3FAA]  }
0x2e: {  	s3 =	simm.s32 @!p0 $0x1082;
	s9 =	sld [smem:$0x3FAB]  }
0x2f: {  	lr =	sadd.s32 s0, s3;
	s0 =	sld [smem:$0x3FA2]  }
0x30: {  	s3 =	sld [smem:$0x3FA5]  }
0x31: {  	[smem:$0x3FAE] =	sst s10  }
0x32: {  	s10 =	sld [smem:$0x3FAC];
	_ =	sdelay $0x3  }
0x33: {  	p0 =	seq.s32 s10, $0x1;
	s10 =	sld [smem:$0x3FAE];
	_ =	sdelay $0x3  }
0x34: {  	[smem:$0x3FAE] =	sst s10  }
0x35: {  	s10 =	sld [smem:$0x3FAD];
	_ =	sdelay $0x3  }
0x36: {  	p1 =	seq.s32 s10, $0x1;
	s10 =	sld [smem:$0x3FAE];
	_ =	sdelay $0x3  }
0x37: {  	[smem:$0x3FAE] =	sst s10  }
0x38: {  	s10 =	sld [smem:$0x3FAF]  }
0x39: {  	_ = 	snop;
	(pc) =	sbr.ind lr, $3  }
0x3a: {  	_ = 	snop  }
0x3b: {  	_ = 	snop  }
0x3c: {  	p2 =	seq.s32 s10, $0x1;
	s10 =	sld [smem:$0x3FAE]  }
0x3d: {  	_ =	shalt  }
0x3e: {  	_ =	shalt  }
0x3f: {  	_ =	shalt  }
0x40: {  	_ =	shalt  }
0x41: {  	_ =	shalt  }
0x42: {  	_ =	shalt  }
0x43: {  	_ =	shalt  }
0x44: {  	_ =	shalt  }
0x45: {  	_ =	shalt  }
0x46: {  	_ =	shalt  }
0x47: {  	_ =	shalt  }
0x48: {  	_ =	shalt  }
0x49: {  	_ =	shalt  }
0x4a: {  	_ =	shalt  }
0x4b: {  	_ =	shalt  }
0x4c: {  	_ =	shalt  }
0x4d: {  	_ =	shalt  }
0x4e: {  	_ =	shalt  }
0x4f: {  	_ =	shalt  }
0x50: {  	_ =	shalt  }
0x51: {  	_ =	shalt  }
0x52: {  	_ =	shalt  }
0x53: {  	_ =	shalt  }
0x54: {  	_ =	shalt  }
0x55: {  	_ =	shalt  }
0x56: {  	_ =	shalt  }
0x57: {  	_ =	shalt  }
0x58: {  	_ =	shalt  }
0x59: {  	_ =	shalt  }
0x5a: {  	_ =	shalt  }
0x5b: {  	_ =	shalt  }
0x5c: {  	_ =	shalt  }
0x5d: {  	_ =	shalt  }
0x5e: {  	_ =	shalt  }
0x5f: {  	_ =	shalt  }
0x60: {  	_ =	shalt  }
0x61: {  	_ =	shalt  }
0x62: {  	_ =	shalt  }
0x63: {  	_ =	shalt  }
0x64: {  	_ =	shalt  }
0x65: {  	_ =	shalt  }
0x66: {  	_ =	shalt  }
0x67: {  	_ =	shalt  }
0x68: {  	_ =	shalt  }
0x69: {  	_ =	shalt  }
0x6a: {  	_ =	shalt  }
0x6b: {  	_ =	shalt  }
0x6c: {  	_ =	shalt  }
0x6d: {  	_ =	shalt  }
0x6e: {  	_ =	shalt  }
0x6f: {  	_ =	shalt  }
0x70: {  	_ =	shalt  }
0x71: {  	_ =	shalt  }
0x72: {  	_ =	shalt  }
0x73: {  	_ =	shalt  }
0x74: {  	_ =	shalt  }
0x75: {  	_ =	shalt  }
0x76: {  	_ =	shalt  }
0x77: {  	_ =	shalt  }
0x78: {  	_ =	shalt  }
0x79: {  	_ =	shalt  }
0x7a: {  	_ =	shalt  }
0x7b: {  	_ =	shalt  }
0x7c: {  	_ =	shalt  }
0x7d: {  	_ =	shalt  }
0x7e: {  	_ =	shalt  }
0x7f: {  	_ =	shalt  }
0x80: {  	_ =	shalt  }
0x81: {  	_ =	shalt  }
0x82: {  	_ =	shalt  }
0x83: {  	_ =	shalt  }
0x84: {  	_ =	shalt  }
0x85: {  	_ =	shalt  }
0x86: {  	_ =	shalt  }
0x87: {  	_ =	shalt  }
.Lfunc_end0:
.L_simem_size_0:
called_computation_lowered:
.L_overlay_start_0:
0x88: {  	s2 =	sld [smem:$0x3FD9]  }
0x89: {  	s3 =	sld [smem:$0x3FFE];
	_ =	sdelay $0x1  }
0x8a: {  	s1 =	srdreg.scid  }
0x8b: {  	s0 =	sand.u32 $0x1, s1  }
0x8c: {  	s17 =	sshll.u32 s0, $0xA;
	s2 =	sadd.s32 s3, s2  }
0x8d: {  	s2 =	sadd.s32 s2, s17  }
0x8e: {  	[smem:$0x3FBA] =	sst s2  }
0x8f: {  	_ = 	snop  }
0x90: {  	s2 =	sld [smem:$0x3FD0];
	(tm) =	ssettm $0x1  }
0x91: {  	s18 =	sld [smem:$0x3FFB];
	_ =	sdelay $0x3  }
0x92: {  	_ =	strace s18  }
0x93: {  	s3 =	sld [smem:$0x3FFC];
	_ =	sdelay $0x3  }
0x94: {  	_ =	strace s3  }
0x95: {  	s3 =	sld [smem:$0x3FFD];
	_ =	sdelay $0x3  }
0x96: {  	_ =	strace s3  }
0x97: {  	_ =	strace $0x8FFFFFFF  }
0x98: {  	s19 =	sld [smem:$0x3FDB];
	_ =	sdelay $0x1  }
0x99: {  	s4 =	simm.s32 $_scs_section_size  }
0x9a: {  	s5 =	simm.s32 $_size__tile_overlayer_lowered;
	s6 =	simm.s32 $_tile_overlayer_lowered  }
0x9b: {  	s22 =	simm.s32 $0x1BFF;
	s21 =	sshll.u32 s6, $0x1;
	s3 =	sadd.s32 s4, s19  }
0x9c: {  	s7 =	simm.s32 $0x0;
	s20 =	sshll.u32 s5, $0x1;
	s5 =	sadd.s32 s21, s3  }
0x9d: {  	[timem:s7], [sflag:s22] =	dma.local [hbm:s5], s20  }
0x9e: {  	_ =	swait.ge [sflag:s22], s20  }
0x9f: {  	s4 =	ssub.s32 $0x0, s20;
	[sflag:s22] =	ssyncset.done $0x0  }
0xa0: {  	[sflag:s22] =	ssyncadd.s32 s4;
	_ =	sdelay $0x1  }
0xa1: {  	s23 =	simm.s32 $0x1B8B  }
0xa2: {  	_ =	swait.ge [sflag:s23], $0x1  }
0xa3: {  	[sflag:s23] =	ssyncset.done $0x0  }
0xa4: {  	s25 =	simm.s32 $0x1B8E;
	s24 =	sld [smem:$0x3FFE];
	[sflag:s23] =	ssyncadd.s32 $0xFFFFFFFF  }
0xa5: {  	s26 =	simm.s32 $execute0_lowered;
	[smem:$0x3FD2] =	sst s25  }
0xa6: {  	s5 =	sshll.u32 s26, $0x1;
	_ =	strace $0x80000046;
	[dreg:$0x1] =	wrdreg $0xFFFFFFFF  }
0xa7: {  	s28 =	simm.s32 $_size_execute0_lowered;
	s3 =	sadd.s32 s3, s5;
	[dreg:$0x0] =	wrdreg $0x0  }
0xa8: {  	s5 =	sshll.u32 s28, $0x1;
	[dreg:$0x2] =	wrdreg s3  }
0xa9: {  	[dreg:$0x3] =	wrdreg s5  }
0xaa: {  	[dreg:$0x4] =	wrdreg $0xC0  }
0xab: {  	_ =	task [dreg:s7], $0x5FFFF  }
0xac: {  	[dreg:$0x1] =	wrdreg $0xFFFFFFFF  }
0xad: {  	[dreg:$0x0] =	wrdreg $0x60  }
0xae: {  	[dreg:$0x2] =	wrdreg s24  }
0xaf: {  	[dreg:$0x3] =	wrdreg s2  }
0xb0: {  	[dreg:$0x4] =	wrdreg $0x54000  }
0xb1: {  	[dreg:$0x5] =	wrdreg $0x9  }
0xb2: {  	_ =	task.clear_ibuf [dreg:s7], $0x6FFFF;
	_ =	strace $0x90000046  }
0xb3: {  	s29 =	simm.s32 $0x9;
	_ =	strace $0x80000048  }
0xb4: {  	_ =	swait.ge [sflag:s29], $0x1  }
0xb5: {  	[sflag:s29] =	ssyncadd.s32 $0xFFFFFFFF  }
0xb6: {  	_ =	strace $0x90000048  }
0xb7: {  	_ =	sfence  }
0xb8: {  	s30 =	sld [smem:$0x0];
	_ =	sdelay $0x2  }
0xb9: {  	s31 =	sshll.u32 s1, $0xD;
	s1 =	sshrl.u32 s1, $0x2  }
0xba: {  	s3 =	sand.u32 $0x4000, s31;
	s1 =	sadd.s32 s1, s30  }
0xbb: {  	s0 =	sor.u32 s3, s0;
	s1 =	sshll.u32 s1, $0x11  }
0xbc: {  	s0 =	sor.u32 s1, s0  }
0xbd: {  	s0 =	sadd.s32 $0x8F2B, s0  }
0xbe: {  	[sflag:s0] =	ssyncadd.remote.s32 $0x1  }
0xbf: {  	_ =	sfence.sel $0xFFFF  }
0xc0: {  	[dreg:$0x0] =	wrdreg $0xFFFFFFFF;
	(pc) =	sbr.abs _section_cstart, $3  }
0xc1: {  	[dreg:$0x1] =	wrdreg $0xFFFFFFFF  }
0xc2: {  	_ =	task.clear_ibuf [dreg:s7], $0x2FFFF;
	_ =	strace $0x9FFFFFFF  }
0xc3: {  	(tm) =	ssettm $0x7FFFFFFF  }
tec
execute0_lowered:
.L_overlay_start_1:
0x0: {  	(tag) =	ssettag $0x1  }
0x1: {  	s0 =	srdreg.scid  }
0x2: {  	s1 =	rddreg [dreg:$0x0];
	s9 =	stileid.u32  }
0x3: {  	s3 =	rddreg [dreg:$0x2];
	s4 =	simm.s32 $0x0;
	s11 =	simm.s32 $0x2  }
0x4: {  	s12 =	simm.s32 $0x1400;
	s13 =	simm.s32 $0x80;
	s15 =	simm.s32 $0xB80  }
0x5: {  	s16 =	simm.s32 $0xC00;
	s17 =	simm.s32 $0xC80;
	s18 =	simm.s32 $0xD00  }
0x6: {  	s19 =	simm.s32 $0xD80;
	s20 =	simm.s32 $0xE00;
	s21 =	simm.s32 $0xE80  }
0x7: {  	s22 =	simm.s32 $0xF00;
	s23 =	simm.s32 $0xF80;
	s28 =	simm.s32 $0x1180  }
0x8: {  	s29 =	simm.s32 $0x1200;
	s30 =	simm.s32 $0x1280;
	s31 =	simm.s32 $0x1300  }
0x9: {  	s0 =	sand.u32 $0x1, s0;
	s5 =	smul.u32 $0x14000, s9;
	[smem:$0x7FF] =	sst s4  }
0xa: {  	s24 =	smul.u32 $0x50000, s9;
	s26 =	sshll.u32 s9, $0x6;
	s2 =	sshll.u32 s0, $0x4  }
0xb: {  	s6 =	smul.u32 $0x140000, s0;
	_ =	strace $0x80000047;
	s0 =	ssub.s32 $0x2, s0  }
0xc: {  	s2 =	sor.u32 s9, s2;
	s7 =	sshrl.u32 s5, $0x3;
	s8 =	sshrl.u32 s0, $0x1  }
0xd: {  	s25 =	sshrl.u32 s24, $0x2;
	s24 =	simm.s32 $0x1000;
	s2 =	smul.u32 $0x280, s2  }
0xe: {  	s5 =	sadd.s32 s5, s6;
	s7 =	sadd.s32 s7, s1;
	s0 =	ssub.s32 s0, s8  }
0xf: {  	s10 =	sadd.s32 s25, s3;
	s6 =	sor.u32 $0x1C02, s26;
	s25 =	simm.s32 $0x1080  }
0x10: {  	s26 =	simm.s32 $0x1100;
	s5 =	sshrl.u32 s5, $0x3;
	s9 =	smax.u32 s0, $0x1  }
0x11: {  	s10 =	sshrl.u32 s10, $0x3;
	s0 =	simm.s32 $0x1;
	s2 =	sadd.s32 s2, s1  }
0x12: {  	s1 =	sadd.s32 s5, s1;
	s5 =	sadd.s32 $0xD200, s7;
	s7 =	sadd.s32 $0x8200, s2  }
0x13: {  	s8 =	sadd.s32 $0x35200, s1;
	s1 =	simm.s32 $0x1380;
	s2 =	simm.s32 $0x0  }
.LBB2_1:
0x14: {  	[spmem:s10], [sflag:s6] =	dma.local [hbm:s5], $0x2800  }
0x15: {  	_ =	swait.ge [sflag:s11], $0x2800  }
0x16: {  	[sflag:s11] =	ssyncset.done $0x0  }
0x17: {  	[sflag:s11] =	ssyncadd.s32 $0xFFFFD800  }
0x18: {  	s14 =	rddreg [dreg:$0x1]  }
0x19: {  	[tilespmem:s12], [sflag:$0x2] =	stream.linear.gather [hbm4b:s14+s4], $0x4000, $0x38;
	[tilespmem:$0x19400] =	vst v63  }
0x1a: {  	_ =	swait.ge [sflag:s11], $0x4000  }
0x1b: {  	[sflag:s11] =	ssyncset.done $0x0  }
0x1c: {  	[sflag:s11] =	ssyncadd.s32 $0xFFFFC000  }
0x1d: {  	[tilespmem:s4], [sflag:$0x2] =	stream.linear.gather [hbm4b:s7+s4], $0x1400, $0x38;
	[tilespmem:$0x19400] =	vst v63  }
0x1e: {  	_ =	swait.ge [sflag:s11], $0x1400  }
0x1f: {  	[sflag:s11] =	ssyncset.done $0x0  }
0x20: {  	[sflag:s11] =	ssyncadd.s32 $0xFFFFEC00  }
0x21: {  	[bflag:$0x0] =	sbarrier.arrive $0xFFFF  }
0x22: {  	[spmem:s3] =	stream.indirect.scatter.add.f32 [tilespmem:s12], [sflag:$0x1], $0x80, s4, s13, $0xb8;
	[tilespmem:$0x19400] =	vst v63  }
0x23: {  	_ = 	snop  }
0x24: {  	[spmem:s3] =	stream.indirect.scatter.add.f32 [tilespmem:s12], [sflag:$0x1], $0x80, s13, s13, $0xb8;
	[tilespmem:$0x19400] =	vst v63  }
0x25: {  	s14 =	simm.s32 $0x100  }
0x26: {  	[spmem:s3] =	stream.indirect.scatter.add.f32 [tilespmem:s12], [sflag:$0x1], $0x80, s14, s13, $0xb8;
	[tilespmem:$0x19400] =	vst v63  }
0x27: {  	s14 =	simm.s32 $0x180  }
0x28: {  	[spmem:s3] =	stream.indirect.scatter.add.f32 [tilespmem:s12], [sflag:$0x1], $0x80, s14, s13, $0xb8;
	[tilespmem:$0x19400] =	vst v63  }
0x29: {  	s14 =	simm.s32 $0x200  }
0x2a: {  	[spmem:s3] =	stream.indirect.scatter.add.f32 [tilespmem:s12], [sflag:$0x1], $0x80, s14, s13, $0xb8;
	[tilespmem:$0x19400] =	vst v63  }
0x2b: {  	s14 =	simm.s32 $0x280  }
0x2c: {  	[spmem:s3] =	stream.indirect.scatter.add.f32 [tilespmem:s12], [sflag:$0x1], $0x80, s14, s13, $0xb8;
	[tilespmem:$0x19400] =	vst v63  }
0x2d: {  	s14 =	simm.s32 $0x300  }
0x2e: {  	[spmem:s3] =	stream.indirect.scatter.add.f32 [tilespmem:s12], [sflag:$0x1], $0x80, s14, s13, $0xb8;
	[tilespmem:$0x19400] =	vst v63  }
0x2f: {  	s14 =	simm.s32 $0x380  }
0x30: {  	[spmem:s3] =	stream.indirect.scatter.add.f32 [tilespmem:s12], [sflag:$0x1], $0x80, s14, s13, $0xb8;
	[tilespmem:$0x19400] =	vst v63  }
0x31: {  	s14 =	simm.s32 $0x400  }
0x32: {  	[spmem:s3] =	stream.indirect.scatter.add.f32 [tilespmem:s12], [sflag:$0x1], $0x80, s14, s13, $0xb8;
	[tilespmem:$0x19400] =	vst v63  }
0x33: {  	s14 =	simm.s32 $0x480  }
0x34: {  	[spmem:s3] =	stream.indirect.scatter.add.f32 [tilespmem:s12], [sflag:$0x1], $0x80, s14, s13, $0xb8;
	[tilespmem:$0x19400] =	vst v63  }
0x35: {  	s14 =	simm.s32 $0x500  }
0x36: {  	[spmem:s3] =	stream.indirect.scatter.add.f32 [tilespmem:s12], [sflag:$0x1], $0x80, s14, s13, $0xb8;
	[tilespmem:$0x19400] =	vst v63  }
0x37: {  	s14 =	simm.s32 $0x580  }
0x38: {  	[spmem:s3] =	stream.indirect.scatter.add.f32 [tilespmem:s12], [sflag:$0x1], $0x80, s14, s13, $0xb8;
	[tilespmem:$0x19400] =	vst v63  }
0x39: {  	s14 =	simm.s32 $0x600  }
0x3a: {  	[spmem:s3] =	stream.indirect.scatter.add.f32 [tilespmem:s12], [sflag:$0x1], $0x80, s14, s13, $0xb8;
	[tilespmem:$0x19400] =	vst v63  }
0x3b: {  	s14 =	simm.s32 $0x680  }
0x3c: {  	[spmem:s3] =	stream.indirect.scatter.add.f32 [tilespmem:s12], [sflag:$0x1], $0x80, s14, s13, $0xb8;
	[tilespmem:$0x19400] =	vst v63  }
0x3d: {  	s14 =	simm.s32 $0x700  }
0x3e: {  	[spmem:s3] =	stream.indirect.scatter.add.f32 [tilespmem:s12], [sflag:$0x1], $0x80, s14, s13, $0xb8;
	[tilespmem:$0x19400] =	vst v63  }
0x3f: {  	s14 =	simm.s32 $0x780  }
0x40: {  	[spmem:s3] =	stream.indirect.scatter.add.f32 [tilespmem:s12], [sflag:$0x1], $0x80, s14, s13, $0xb8;
	[tilespmem:$0x19400] =	vst v63  }
0x41: {  	s14 =	simm.s32 $0x800  }
0x42: {  	[spmem:s3] =	stream.indirect.scatter.add.f32 [tilespmem:s12], [sflag:$0x1], $0x80, s14, s13, $0xb8;
	[tilespmem:$0x19400] =	vst v63  }
0x43: {  	s14 =	simm.s32 $0x880  }
0x44: {  	[spmem:s3] =	stream.indirect.scatter.add.f32 [tilespmem:s12], [sflag:$0x1], $0x80, s14, s13, $0xb8;
	[tilespmem:$0x19400] =	vst v63  }
0x45: {  	s14 =	simm.s32 $0x900  }
0x46: {  	[spmem:s3] =	stream.indirect.scatter.add.f32 [tilespmem:s12], [sflag:$0x1], $0x80, s14, s13, $0xb8;
	[tilespmem:$0x19400] =	vst v63  }
0x47: {  	s14 =	simm.s32 $0x980  }
0x48: {  	[spmem:s3] =	stream.indirect.scatter.add.f32 [tilespmem:s12], [sflag:$0x1], $0x80, s14, s13, $0xb8;
	[tilespmem:$0x19400] =	vst v63  }
0x49: {  	s14 =	simm.s32 $0xA00  }
0x4a: {  	[spmem:s3] =	stream.indirect.scatter.add.f32 [tilespmem:s12], [sflag:$0x1], $0x80, s14, s13, $0xb8;
	[tilespmem:$0x19400] =	vst v63  }
0x4b: {  	s14 =	simm.s32 $0xA80  }
0x4c: {  	[spmem:s3] =	stream.indirect.scatter.add.f32 [tilespmem:s12], [sflag:$0x1], $0x80, s14, s13, $0xb8;
	[tilespmem:$0x19400] =	vst v63  }
0x4d: {  	s14 =	simm.s32 $0xB00  }
0x4e: {  	[spmem:s3] =	stream.indirect.scatter.add.f32 [tilespmem:s12], [sflag:$0x1], $0x80, s14, s13, $0xb8;
	[tilespmem:$0x19400] =	vst v63  }
0x4f: {  	_ = 	snop  }
0x50: {  	[spmem:s3] =	stream.indirect.scatter.add.f32 [tilespmem:s12], [sflag:$0x1], $0x80, s15, s13, $0xb8;
	[tilespmem:$0x19400] =	vst v63  }
0x51: {  	_ = 	snop  }
0x52: {  	[spmem:s3] =	stream.indirect.scatter.add.f32 [tilespmem:s12], [sflag:$0x1], $0x80, s16, s13, $0xb8;
	[tilespmem:$0x19400] =	vst v63  }
0x53: {  	_ = 	snop  }
0x54: {  	[spmem:s3] =	stream.indirect.scatter.add.f32 [tilespmem:s12], [sflag:$0x1], $0x80, s17, s13, $0xb8;
	[tilespmem:$0x19400] =	vst v63  }
0x55: {  	_ = 	snop  }
0x56: {  	[spmem:s3] =	stream.indirect.scatter.add.f32 [tilespmem:s12], [sflag:$0x1], $0x80, s18, s13, $0xb8;
	[tilespmem:$0x19400] =	vst v63  }
0x57: {  	_ = 	snop  }
0x58: {  	[spmem:s3] =	stream.indirect.scatter.add.f32 [tilespmem:s12], [sflag:$0x1], $0x80, s19, s13, $0xb8;
	[tilespmem:$0x19400] =	vst v63  }
0x59: {  	_ = 	snop  }
0x5a: {  	[spmem:s3] =	stream.indirect.scatter.add.f32 [tilespmem:s12], [sflag:$0x1], $0x80, s20, s13, $0xb8;
	[tilespmem:$0x19400] =	vst v63  }
0x5b: {  	_ = 	snop  }
0x5c: {  	[spmem:s3] =	stream.indirect.scatter.add.f32 [tilespmem:s12], [sflag:$0x1], $0x80, s21, s13, $0xb8;
	[tilespmem:$0x19400] =	vst v63  }
0x5d: {  	_ = 	snop  }
0x5e: {  	[spmem:s3] =	stream.indirect.scatter.add.f32 [tilespmem:s12], [sflag:$0x1], $0x80, s22, s13, $0xb8;
	[tilespmem:$0x19400] =	vst v63  }
0x5f: {  	_ = 	snop  }
0x60: {  	[spmem:s3] =	stream.indirect.scatter.add.f32 [tilespmem:s12], [sflag:$0x1], $0x80, s23, s13, $0xb8;
	[tilespmem:$0x19400] =	vst v63  }
0x61: {  	_ = 	snop  }
0x62: {  	[spmem:s3] =	stream.indirect.scatter.add.f32 [tilespmem:s12], [sflag:$0x1], $0x80, s24, s13, $0xb8;
	[tilespmem:$0x19400] =	vst v63  }
0x63: {  	_ = 	snop  }
0x64: {  	[spmem:s3] =	stream.indirect.scatter.add.f32 [tilespmem:s12], [sflag:$0x1], $0x80, s25, s13, $0xb8;
	[tilespmem:$0x19400] =	vst v63  }
0x65: {  	_ = 	snop  }
0x66: {  	[spmem:s3] =	stream.indirect.scatter.add.f32 [tilespmem:s12], [sflag:$0x1], $0x80, s26, s13, $0xb8;
	[tilespmem:$0x19400] =	vst v63  }
0x67: {  	_ = 	snop  }
0x68: {  	[spmem:s3] =	stream.indirect.scatter.add.f32 [tilespmem:s12], [sflag:$0x1], $0x80, s28, s13, $0xb8;
	[tilespmem:$0x19400] =	vst v63  }
0x69: {  	_ = 	snop  }
0x6a: {  	[spmem:s3] =	stream.indirect.scatter.add.f32 [tilespmem:s12], [sflag:$0x1], $0x80, s29, s13, $0xb8;
	[tilespmem:$0x19400] =	vst v63  }
0x6b: {  	_ = 	snop  }
0x6c: {  	[spmem:s3] =	stream.indirect.scatter.add.f32 [tilespmem:s12], [sflag:$0x1], $0x80, s30, s13, $0xb8;
	[tilespmem:$0x19400] =	vst v63  }
0x6d: {  	_ = 	snop  }
0x6e: {  	[spmem:s3] =	stream.indirect.scatter.add.f32 [tilespmem:s12], [sflag:$0x1], $0x80, s31, s13, $0xb8;
	[tilespmem:$0x19400] =	vst v63  }
0x6f: {  	_ = 	snop  }
0x70: {  	[spmem:s3] =	stream.indirect.scatter.add.f32 [tilespmem:s12], [sflag:$0x1], $0x80, s1, s13, $0xb8;
	[tilespmem:$0x19400] =	vst v63  }
0x71: {  	_ =	swait.ge [sflag:s0], $0x4000  }
0x72: {  	s14 =	simm.s32 $0x27;
	[sflag:s0] =	ssyncset.done $0x0  }
.LBB2_2:
0x73: {  	p0 =	sne.s32 s14, $0x1;
	s14 =	sadd.s32 $0xFFFFFFFF, s14;
	[sflag:s0] =	ssyncadd.s32 $0xFFFFC000  }
.Ltmp0:
0x74: {  	(pc) =	sbr.rel @p0 .LBB2_2-.Ltmp0, $3  }
0x75: {  	_ =	sdelay $0x1  }
0x76: {  	_ =	swait.ge [sflag:s0], $0x4000  }
0x77: {  	[sflag:s0] =	ssyncset.done $0x0  }
0x78: {  	s2 =	sadd.s32 $0x1, s2  }
0x79: {  	[sflag:s0] =	ssyncadd.s32 $0xFFFFC000;
	p0 =	sne.s32 s2, s9  }
.Ltmp1:
0x7a: {  	[bflag:$0x0] =	sbarrier.arrive $0xFFFF;
	(pc) =	sbr.rel @p0 .LBB2_1-.Ltmp1, $4  }
0x7b: {  	[hbm:s8], [sflag:s6] =	dma.local [spmem:s10], $0x2800  }
0x7c: {  	_ =	swait.ge [sflag:s11], $0x2800  }
0x7d: {  	[sflag:s11] =	ssyncset.done $0x0  }
0x7e: {  	[sflag:s11] =	ssyncadd.s32 $0xFFFFD800  }
0x7f: {  	_ =	sfence.sel $0x180000  }
0x80: {  	[bflag:$0x0] =	sbarrier.arrive $0xFFFF  }
0x81: {  	_ =	strace $0x90000047  }
0x82: {  	s0 =	stileid.u32;
	[bflag:$0x2] =	sbarrier.arrive $0xFFFF  }
0x83: {  	p0 =	sne.s32 s0, $0x0;
	s0 =	rddreg [dreg:$0x3]  }
0x84: {  	s0 =	sadd.s32 @!p0 $0x100000, s0  }
0x85: {  	[sflag:s0] =	ssyncadd.tile.s32 @!p0 $0x1;
	_ =	shalt  }
.Lfunc_end2:
_tile_overlayer_lowered:
.L_overlay_start_2:
0x86: {  	(tag) =	ssettag $0x2  }
0x87: {  	s0 =	rddreg [dreg:$0x0];
	s2 =	stileid.u32  }
0x88: {  	s1 =	rddreg [dreg:$0x1];
	p0 =	sne.s32 s2, $0x0  }
0x89: {  	s3 =	rddreg [dreg:$0x2];
	[bflag:$0x3] =	sbarrier.arrive $0xFFFF;
	s2 =	simm.s32 @!p0 $0x1C02  }
0x8a: {  	[timem:s3], [sflag:s2] =	dma.local @!p0 [hbm:s0], s1  }
0x8b: {  	s0 =	simm.s32 @!p0 $0x2  }
0x8c: {  	_ =	swait.ge @!p0 [sflag:s0], s1  }
0x8d: {  	s1 =	ssub.s32 @!p0 $0x0, s1;
	[sflag:s0] =	ssyncset.done @!p0 $0x0  }
0x8e: {  	[sflag:s0] =	ssyncadd.s32 @!p0 s1  }
0x8f: {  	[bflag:$0x3] =	sbarrier.arrive $0xFFFF  }
0x90: {  	_ =	shalt  }

</sc_bundles>
